<compile_context>
chip_gen: v7x
topology: tpu7x:2x2x1
jax: 0.10.2.dev20260603
libtpu: 0.0.44.dev20260713+nightly
codegen_flags: <defaults>
</compile_context>

<pallas_src>
import functools

import jax
import jax.numpy as jnp
from jax import lax
from jax.experimental import pallas as pl
from jax.experimental.pallas import tpu as pltpu
from jax.experimental.pallas import tpu_sc as plsc

N_ROWS = 320000
N_FEAT = 128
N_SEG = 10000

NC = 2
NS = 16
NW = NC * NS

ROWS_PER_W = N_ROWS // NW
CHUNK = 80
N_CHUNKS = ROWS_PER_W // CHUNK

SEG_PER_W = 320
SEG_LAST_OWN = N_SEG - (NW - 1) * SEG_PER_W
SEG_BUF = SEG_PER_W

_mesh = plsc.VectorSubcoreMesh(core_axis_name="c", subcore_axis_name="s")


@functools.partial(
    pl.kernel,
    out_type=[
        jax.ShapeDtypeStruct((NC, N_SEG, N_FEAT), jnp.float32),
        jax.ShapeDtypeStruct((N_SEG,), jnp.float32),
        jax.ShapeDtypeStruct((N_SEG,), jnp.float32),
    ],
    mesh=_mesh,
    scratch_types=[
        [pltpu.VMEM((CHUNK, N_FEAT), jnp.float32) for _ in range(3)],
        [pltpu.VMEM((CHUNK,), jnp.int32) for _ in range(3)],
        [pltpu.SemaphoreType.DMA for _ in range(3)],
        pltpu.VMEM((CHUNK, N_FEAT), jnp.float32),
        pltpu.VMEM((640,), jnp.float32),
        pltpu.VMEM((CHUNK,), jnp.float32),
        pltpu.VMEM_SHARED((N_SEG, N_FEAT), jnp.float32),
        pltpu.VMEM_SHARED((N_SEG,), jnp.float32),
    ],
)
def _phase_a(x_hbm, ids_hbm, psums_hbm, pc0_hbm, pc1_hbm,
             rows, idx, lsem, zeros_v, zeros1d, ones_v, sums_sh, counts_sh):
    cid = lax.axis_index("c")
    sid = lax.axis_index("s")
    wid = sid * NC + cid

    def _start_load(chunk, b):
        base = wid * ROWS_PER_W + chunk * CHUNK
        pltpu.async_copy(x_hbm.at[pl.ds(base, CHUNK)], rows[b], lsem[b])
        pltpu.async_copy(ids_hbm.at[pl.ds(base, CHUNK)], idx[b], lsem[b])

    def _wait_load(chunk, b):
        base = wid * ROWS_PER_W + chunk * CHUNK
        pltpu.make_async_copy(x_hbm.at[pl.ds(base, CHUNK)], rows[b], lsem[b]).wait()
        pltpu.make_async_copy(ids_hbm.at[pl.ds(base, CHUNK)], idx[b], lsem[b]).wait()

    _start_load(0, 0)
    _start_load(1, 1)

    zvec = jnp.zeros((16,), jnp.float32)

    def _fill_zrow(r, _):
        for j in range(N_FEAT // 16):
            zeros_v[r, pl.ds(j * 16, 16)] = zvec
        return _
    lax.fori_loop(0, CHUNK, _fill_zrow, None)

    def _fill_z1d(i, _):
        zeros1d[pl.ds(i * 16, 16)] = zvec
        return _
    lax.fori_loop(0, 640 // 16, _fill_z1d, None)

    for i in range(CHUNK // 16):
        ones_v[pl.ds(i * 16, 16)] = jnp.ones((16,), jnp.float32)

    def _zero_chunk(j, _):
        c = sid + j * NS

        @pl.when(c < N_CHUNKS)
        def _():
            pltpu.sync_copy(zeros_v, sums_sh.at[pl.ds(c * CHUNK, CHUNK)])
        return _
    lax.fori_loop(0, (N_CHUNKS + NS - 1) // NS, _zero_chunk, None)

    CSTRIPE = 632

    @pl.when(sid < NS - 1)
    def _():
        pltpu.sync_copy(zeros1d.at[pl.ds(0, CSTRIPE)],
                        counts_sh.at[pl.ds(sid * CSTRIPE, CSTRIPE)])

    @pl.when(sid == NS - 1)
    def _():
        rem = N_SEG - (NS - 1) * CSTRIPE
        pltpu.sync_copy(zeros1d.at[pl.ds(0, rem)],
                        counts_sh.at[pl.ds((NS - 1) * CSTRIPE, rem)])

    plsc.subcore_barrier()

    def _chunk(i, _):
        for b in range(3):
            @pl.when(i % 3 == b)
            def _():
                _wait_load(i, b)

                @pl.when(i + 2 < N_CHUNKS)
                def _():
                    _start_load(i + 2, (b + 2) % 3)

                pltpu.sync_copy(rows[b], sums_sh.at[idx[b]], add=True)
                pltpu.sync_copy(ones_v, counts_sh.at[idx[b]], add=True)
        return _
    lax.fori_loop(0, N_CHUNKS, _chunk, None)

    plsc.subcore_barrier()

    SSTRIPE = 624

    @pl.when(sid < NS - 1)
    def _():
        pltpu.sync_copy(sums_sh.at[pl.ds(sid * SSTRIPE, SSTRIPE)],
                        psums_hbm.at[cid, pl.ds(sid * SSTRIPE, SSTRIPE)])

    @pl.when(sid == NS - 1)
    def _():
        srem = N_SEG - (NS - 1) * SSTRIPE
        pltpu.sync_copy(sums_sh.at[pl.ds((NS - 1) * SSTRIPE, srem)],
                        psums_hbm.at[cid, pl.ds((NS - 1) * SSTRIPE, srem)])

    @pl.when(jnp.logical_and(sid == 0, cid == 0))
    def _():
        pltpu.sync_copy(counts_sh, pc0_hbm)

    @pl.when(jnp.logical_and(sid == 0, cid == 1))
    def _():
        pltpu.sync_copy(counts_sh, pc1_hbm)


@functools.partial(
    pl.kernel,
    out_type=jax.ShapeDtypeStruct((N_SEG, N_FEAT), jnp.float32),
    mesh=_mesh,
    scratch_types=[
        pltpu.VMEM((SEG_BUF, N_FEAT), jnp.float32),
        pltpu.VMEM((SEG_BUF, N_FEAT), jnp.float32),
        pltpu.VMEM((SEG_BUF,), jnp.float32),
        pltpu.VMEM((SEG_BUF,), jnp.float32),
        pltpu.SemaphoreType.DMA,
    ],
)
def _phase_b(psums_hbm, pc0_hbm, pc1_hbm, out_hbm, s0, s1, c0, c1, bsem):
    cid = lax.axis_index("c")
    sid = lax.axis_index("s")
    wid = sid * NC + cid
    own = wid * SEG_PER_W
    is_last = wid == NW - 1
    base = jnp.where(is_last, N_SEG - SEG_BUF, own)
    off = jnp.where(is_last, SEG_BUF - SEG_LAST_OWN, 0)

    cp0 = pltpu.async_copy(psums_hbm.at[0, pl.ds(base, SEG_BUF)], s0, bsem)
    cp1 = pltpu.async_copy(psums_hbm.at[1, pl.ds(base, SEG_BUF)], s1, bsem)
    cp2 = pltpu.async_copy(pc0_hbm.at[pl.ds(base, SEG_BUF)], c0, bsem)
    cp3 = pltpu.async_copy(pc1_hbm.at[pl.ds(base, SEG_BUF)], c1, bsem)
    cp0.wait(); cp1.wait(); cp2.wait(); cp3.wait()

    def _group(g, _):
        cnt = c0[pl.ds(g * 16, 16)] + c1[pl.ds(g * 16, 16)]
        r = 1.0 / jnp.maximum(cnt, 1.0)
        for k in range(16):
            rk = r[k]
            row = g * 16 + k
            for j in range(N_FEAT // 16):
                a = s0[row, pl.ds(j * 16, 16)]
                b = s1[row, pl.ds(j * 16, 16)]
                s0[row, pl.ds(j * 16, 16)] = (a + b) * rk
        return _
    lax.fori_loop(0, SEG_BUF // 16, _group, None)

    @pl.when(jnp.logical_not(is_last))
    def _():
        pltpu.sync_copy(s0.at[pl.ds(0, SEG_PER_W)],
                        out_hbm.at[pl.ds(own, SEG_PER_W)])

    @pl.when(is_last)
    def _():
        pltpu.sync_copy(s0.at[pl.ds(SEG_BUF - SEG_LAST_OWN, SEG_LAST_OWN)],
                        out_hbm.at[pl.ds(own, SEG_LAST_OWN)])


def kernel(x, molecule_idx):
    ids = molecule_idx.astype(jnp.int32)
    psums, pc0, pc1 = _phase_a(x, ids)
    return _phase_b(psums, pc0, pc1)

# --- scband reference (transcript-rebuilt; emitter-appended) ---
"""Pipeline reference for scband-mean-pooling-34394098106851 (READ-ONLY COPY).

The authoritative reference and input builder live on the scoring server;
editing this copy changes nothing except your own understanding.
"""

import jax, jax.numpy as jnp
import numpy as np

NUM_SEGMENTS = 10000

def setup_inputs(seed: int = 0) -> dict:
    key = jax.random.key(seed)
    k1, k2 = jax.random.split(key)
    x = jax.random.normal(k1, (320000, 128), dtype=jnp.float32)
    molecule_idx = jnp.sort(jax.random.randint(k2, (320000,), 0, NUM_SEGMENTS, dtype=jnp.int64))
    return {"x": x, "molecule_idx": molecule_idx}

def reference(x, molecule_idx):
    # global_mean_pool: segment-wise mean of node features per molecule
    sums = jax.ops.segment_sum(x, molecule_idx, num_segments=NUM_SEGMENTS)
    counts = jax.ops.segment_sum(jnp.ones((x.shape[0],), dtype=x.dtype), molecule_idx, num_segments=NUM_SEGMENTS)
    counts = jnp.clip(counts, 1.0, None)
    return sums / counts[:, None]

if __name__ == "__main__":
    import jax
    _d = setup_inputs()
    print(jax.jit(kernel)(*tuple(_d.values())))

</pallas_src>

<mosaic_0001>
#map = affine_map<(d0, d1) -> (0, 0)>
#map1 = affine_map<(d0, d1) -> (0)>
#map2 = affine_map<(d0, d1) -> (0, 0, 0)>
module attributes {stable_mosaic.version = 14 : i64} {
  func.func @_phase_a(%arg0: i32, %arg1: i32, %arg2: memref<320000x128xf32, #tpu.memory_space<hbm>>, %arg3: memref<320000xi32, #tpu.memory_space<hbm>>, %arg4: memref<2x10000x128xf32, #tpu.memory_space<hbm>>, %arg5: memref<10000xf32, #tpu.memory_space<hbm>>, %arg6: memref<10000xf32, #tpu.memory_space<hbm>>, %arg7: memref<80x128xf32, #tpu.memory_space<vmem>>, %arg8: memref<80x128xf32, #tpu.memory_space<vmem>>, %arg9: memref<80x128xf32, #tpu.memory_space<vmem>>, %arg10: memref<80xi32, #tpu.memory_space<vmem>>, %arg11: memref<80xi32, #tpu.memory_space<vmem>>, %arg12: memref<80xi32, #tpu.memory_space<vmem>>, %arg13: memref<!tpu.dma_semaphore, #tpu.memory_space<semaphore_mem>>, %arg14: memref<!tpu.dma_semaphore, #tpu.memory_space<semaphore_mem>>, %arg15: memref<!tpu.dma_semaphore, #tpu.memory_space<semaphore_mem>>, %arg16: memref<80x128xf32, #tpu.memory_space<vmem>>, %arg17: memref<640xf32, #tpu.memory_space<vmem>>, %arg18: memref<80xf32, #tpu.memory_space<vmem>>, %arg19: memref<10000x128xf32, #tpu.memory_space<vmem_shared>>, %arg20: memref<10000xf32, #tpu.memory_space<vmem_shared>>) attributes {dimension_semantics = [#tpu.dimension_semantics<core_parallel>, #tpu.dimension_semantics<subcore_parallel>], iteration_bounds = array<i64: 2, 16>, scalar_prefetch = 0 : i64, scratch_operands = 14 : i64, tpu.core_type = #tpu.core_type<sc_vector_subcore>, window_params = [{transform_indices = #map}, {transform_indices = #map1}, {transform_indices = #map2}, {transform_indices = #map1}, {transform_indices = #map1}]} {
    %mul3A = arith.constant 2 : i32
    %mul3A_0 = arith.muli %arg1, %mul3A : i32
    %add3A = arith.addi %mul3A_0, %arg0 : i32
    %mul3A_1 = arith.constant 10000 : i32
    %mul3A_2 = arith.muli %add3A, %mul3A_1 : i32
    %add3A_3 = arith.constant 0 : i32
    %add3A_4 = arith.addi %mul3A_2, %add3A_3 : i32
    %dma_start3A = arith.constant 0 : i32
    %dma_start3A_5 = tpu.memref_slice %arg2[%add3A_4, %dma_start3A] : memref<320000x128xf32, #tpu.memory_space<hbm>> -> memref<80x128xf32, #tpu.memory_space<hbm>>
    %dma_start3A_6 = arith.constant 0 : i32
    %dma_start3A_7 = tpu.memref_slice %arg2[%add3A_4, %dma_start3A_6] : memref<320000x128xf32, #tpu.memory_space<hbm>> -> memref<80x128xf32, #tpu.memory_space<hbm>>
    tpu.enqueue_dma source(%dma_start3A_7 : memref<80x128xf32, #tpu.memory_space<hbm>>) target(%arg7 : memref<80x128xf32, #tpu.memory_space<vmem>>) target_semaphore(%arg13 : memref<!tpu.dma_semaphore, #tpu.memory_space<semaphore_mem>>)
    %dma_start3A_8 = tpu.memref_slice %arg3[%add3A_4] : memref<320000xi32, #tpu.memory_space<hbm>> -> memref<80xi32, #tpu.memory_space<hbm>>
    %dma_start3A_9 = tpu.memref_slice %arg3[%add3A_4] : memref<320000xi32, #tpu.memory_space<hbm>> -> memref<80xi32, #tpu.memory_space<hbm>>
    tpu.enqueue_dma source(%dma_start3A_9 : memref<80xi32, #tpu.memory_space<hbm>>) target(%arg10 : memref<80xi32, #tpu.memory_space<vmem>>) target_semaphore(%arg13 : memref<!tpu.dma_semaphore, #tpu.memory_space<semaphore_mem>>)
    %mul3A_10 = arith.constant 10000 : i32
    %mul3A_11 = arith.muli %add3A, %mul3A_10 : i32
    %add3A_12 = arith.constant 80 : i32
    %add3A_13 = arith.addi %mul3A_11, %add3A_12 : i32
    %dma_start3A_14 = arith.constant 0 : i32
    %dma_start3A_15 = tpu.memref_slice %arg2[%add3A_13, %dma_start3A_14] : memref<320000x128xf32, #tpu.memory_space<hbm>> -> memref<80x128xf32, #tpu.memory_space<hbm>>
    %dma_start3A_16 = arith.constant 0 : i32
    %dma_start3A_17 = tpu.memref_slice %arg2[%add3A_13, %dma_start3A_16] : memref<320000x128xf32, #tpu.memory_space<hbm>> -> memref<80x128xf32, #tpu.memory_space<hbm>>
    tpu.enqueue_dma source(%dma_start3A_17 : memref<80x128xf32, #tpu.memory_space<hbm>>) target(%arg8 : memref<80x128xf32, #tpu.memory_space<vmem>>) target_semaphore(%arg14 : memref<!tpu.dma_semaphore, #tpu.memory_space<semaphore_mem>>)
    %dma_start3A_18 = tpu.memref_slice %arg3[%add3A_13] : memref<320000xi32, #tpu.memory_space<hbm>> -> memref<80xi32, #tpu.memory_space<hbm>>
    %dma_start3A_19 = tpu.memref_slice %arg3[%add3A_13] : memref<320000xi32, #tpu.memory_space<hbm>> -> memref<80xi32, #tpu.memory_space<hbm>>
    tpu.enqueue_dma source(%dma_start3A_19 : memref<80xi32, #tpu.memory_space<hbm>>) target(%arg11 : memref<80xi32, #tpu.memory_space<vmem>>) target_semaphore(%arg14 : memref<!tpu.dma_semaphore, #tpu.memory_space<semaphore_mem>>)
    %broadcast_in_dim3A = arith.constant 0.000000e+00 : f32
    %broadcast_in_dim3A_20 = vector.broadcast %broadcast_in_dim3A : f32 to vector<16xf32>
    %scan3A = arith.constant 0 : i32
    %scan3A_21 = arith.constant 80 : i32
    %scan3A_22 = arith.addi %scan3A, %scan3A_21 : i32
    %scan3A_23 = arith.constant 1 : i32
    scf.for %scan3A_101 = %scan3A to %scan3A_22 step %scan3A_23  : i32 {
      %swap3A_102 = arith.index_cast %scan3A_101 : i32 to index
      %swap3A_103 = arith.constant 0 : index
      %swap3A_104 = tpu.vector_load %arg16[%swap3A_102, %swap3A_103] {strides = array<i32>} : memref<80x128xf32, #tpu.memory_space<vmem>>, vector<1x16xf32>,
      %swap3A_105 = vector.shape_cast %swap3A_104 : vector<1x16xf32> to vector<16xf32>
      %swap3A_106 = vector.shape_cast %broadcast_in_dim3A_20 : vector<16xf32> to vector<1x16xf32>
      tpu.vector_store %arg16[%swap3A_102, %swap3A_103], %swap3A_106 {strides = array<i32>} : memref<80x128xf32, #tpu.memory_space<vmem>>, vector<1x16xf32>,
      %swap3A_107 = arith.index_cast %scan3A_101 : i32 to index
      %swap3A_108 = arith.constant 16 : index
      %swap3A_109 = tpu.vector_load %arg16[%swap3A_107, %swap3A_108] {strides = array<i32>} : memref<80x128xf32, #tpu.memory_space<vmem>>, vector<1x16xf32>,
      %swap3A_110 = vector.shape_cast %swap3A_109 : vector<1x16xf32> to vector<16xf32>
      %swap3A_111 = vector.shape_cast %broadcast_in_dim3A_20 : vector<16xf32> to vector<1x16xf32>
      tpu.vector_store %arg16[%swap3A_107, %swap3A_108], %swap3A_111 {strides = array<i32>} : memref<80x128xf32, #tpu.memory_space<vmem>>, vector<1x16xf32>,
      %swap3A_112 = arith.index_cast %scan3A_101 : i32 to index
      %swap3A_113 = arith.constant 32 : index
      %swap3A_114 = tpu.vector_load %arg16[%swap3A_112, %swap3A_113] {strides = array<i32>} : memref<80x128xf32, #tpu.memory_space<vmem>>, vector<1x16xf32>,
      %swap3A_115 = vector.shape_cast %swap3A_114 : vector<1x16xf32> to vector<16xf32>
      %swap3A_116 = vector.shape_cast %broadcast_in_dim3A_20 : vector<16xf32> to vector<1x16xf32>
      tpu.vector_store %arg16[%swap3A_112, %swap3A_113], %swap3A_116 {strides = array<i32>} : memref<80x128xf32, #tpu.memory_space<vmem>>, vector<1x16xf32>,
      %swap3A_117 = arith.index_cast %scan3A_101 : i32 to index
      %swap3A_118 = arith.constant 48 : index
      %swap3A_119 = tpu.vector_load %arg16[%swap3A_117, %swap3A_118] {strides = array<i32>} : memref<80x128xf32, #tpu.memory_space<vmem>>, vector<1x16xf32>,
      %swap3A_120 = vector.shape_cast %swap3A_119 : vector<1x16xf32> to vector<16xf32>
      %swap3A_121 = vector.shape_cast %broadcast_in_dim3A_20 : vector<16xf32> to vector<1x16xf32>
      tpu.vector_store %arg16[%swap3A_117, %swap3A_118], %swap3A_121 {strides = array<i32>} : memref<80x128xf32, #tpu.memory_space<vmem>>, vector<1x16xf32>,
      %swap3A_122 = arith.index_cast %scan3A_101 : i32 to index
      %swap3A_123 = arith.constant 64 : index
      %swap3A_124 = tpu.vector_load %arg16[%swap3A_122, %swap3A_123] {strides = array<i32>} : memref<80x128xf32, #tpu.memory_space<vmem>>, vector<1x16xf32>,
      %swap3A_125 = vector.shape_cast %swap3A_124 : vector<1x16xf32> to vector<16xf32>
      %swap3A_126 = vector.shape_cast %broadcast_in_dim3A_20 : vector<16xf32> to vector<1x16xf32>
      tpu.vector_store %arg16[%swap3A_122, %swap3A_123], %swap3A_126 {strides = array<i32>} : memref<80x128xf32, #tpu.memory_space<vmem>>, vector<1x16xf32>,
      %swap3A_127 = arith.index_cast %scan3A_101 : i32 to index
      %swap3A_128 = arith.constant 80 : index
      %swap3A_129 = tpu.vector_load %arg16[%swap3A_127, %swap3A_128] {strides = array<i32>} : memref<80x128xf32, #tpu.memory_space<vmem>>, vector<1x16xf32>,
      %swap3A_130 = vector.shape_cast %swap3A_129 : vector<1x16xf32> to vector<16xf32>
      %swap3A_131 = vector.shape_cast %broadcast_in_dim3A_20 : vector<16xf32> to vector<1x16xf32>
      tpu.vector_store %arg16[%swap3A_127, %swap3A_128], %swap3A_131 {strides = array<i32>} : memref<80x128xf32, #tpu.memory_space<vmem>>, vector<1x16xf32>,
      %swap3A_132 = arith.index_cast %scan3A_101 : i32 to index
      %swap3A_133 = arith.constant 96 : index
      %swap3A_134 = tpu.vector_load %arg16[%swap3A_132, %swap3A_133] {strides = array<i32>} : memref<80x128xf32, #tpu.memory_space<vmem>>, vector<1x16xf32>,
      %swap3A_135 = vector.shape_cast %swap3A_134 : vector<1x16xf32> to vector<16xf32>
      %swap3A_136 = vector.shape_cast %broadcast_in_dim3A_20 : vector<16xf32> to vector<1x16xf32>
      tpu.vector_store %arg16[%swap3A_132, %swap3A_133], %swap3A_136 {strides = array<i32>} : memref<80x128xf32, #tpu.memory_space<vmem>>, vector<1x16xf32>,
      %swap3A_137 = arith.index_cast %scan3A_101 : i32 to index
      %swap3A_138 = arith.constant 112 : index
      %swap3A_139 = tpu.vector_load %arg16[%swap3A_137, %swap3A_138] {strides = array<i32>} : memref<80x128xf32, #tpu.memory_space<vmem>>, vector<1x16xf32>,
      %swap3A_140 = vector.shape_cast %swap3A_139 : vector<1x16xf32> to vector<16xf32>
      %swap3A_141 = vector.shape_cast %broadcast_in_dim3A_20 : vector<16xf32> to vector<1x16xf32>
      tpu.vector_store %arg16[%swap3A_137, %swap3A_138], %swap3A_141 {strides = array<i32>} : memref<80x128xf32, #tpu.memory_space<vmem>>, vector<1x16xf32>,
    }
    %scan3A_24 = arith.constant 80 : i32
    %scan3A_25 = arith.constant 0 : i32
    %scan3A_26 = arith.constant 40 : i32
    %scan3A_27 = arith.addi %scan3A_25, %scan3A_26 : i32
    %scan3A_28 = arith.constant 1 : i32
    scf.for %scan3A_101 = %scan3A_25 to %scan3A_27 step %scan3A_28  : i32 {
      %mul3A_102 = arith.constant 16 : i32
      %mul3A_103 = arith.muli %scan3A_101, %mul3A_102 : i32
      %swap3A_104 = arith.index_cast %mul3A_103 : i32 to index
      %swap3A_105 = tpu.vector_load %arg17[%swap3A_104] {strides = array<i32>} : memref<640xf32, #tpu.memory_space<vmem>>, vector<16xf32>,
      %swap3A_106 = vector.shape_cast %swap3A_105 : vector<16xf32> to vector<16xf32>
      %swap3A_107 = vector.shape_cast %broadcast_in_dim3A_20 : vector<16xf32> to vector<16xf32>
      tpu.vector_store %arg17[%swap3A_104], %swap3A_107 {strides = array<i32>} : memref<640xf32, #tpu.memory_space<vmem>>, vector<16xf32>,
    }
    %scan3A_29 = arith.constant 40 : i32
    %broadcast_in_dim3A_30 = arith.constant 1.000000e+00 : f32
    %broadcast_in_dim3A_31 = vector.broadcast %broadcast_in_dim3A_30 : f32 to vector<16xf32>
    %swap3A = arith.constant 0 : index
    %swap3A_32 = tpu.vector_load %arg18[%swap3A] {strides = array<i32>} : memref<80xf32, #tpu.memory_space<vmem>>, vector<16xf32>,
    %swap3A_33 = vector.shape_cast %swap3A_32 : vector<16xf32> to vector<16xf32>
    %swap3A_34 = vector.shape_cast %broadcast_in_dim3A_31 : vector<16xf32> to vector<16xf32>
    tpu.vector_store %arg18[%swap3A], %swap3A_34 {strides = array<i32>} : memref<80xf32, #tpu.memory_space<vmem>>, vector<16xf32>,
    %broadcast_in_dim3A_35 = arith.constant 1.000000e+00 : f32
    %broadcast_in_dim3A_36 = vector.broadcast %broadcast_in_dim3A_35 : f32 to vector<16xf32>
    %swap3A_37 = arith.constant 16 : index
    %swap3A_38 = tpu.vector_load %arg18[%swap3A_37] {strides = array<i32>} : memref<80xf32, #tpu.memory_space<vmem>>, vector<16xf32>,
    %swap3A_39 = vector.shape_cast %swap3A_38 : vector<16xf32> to vector<16xf32>
    %swap3A_40 = vector.shape_cast %broadcast_in_dim3A_36 : vector<16xf32> to vector<16xf32>
    tpu.vector_store %arg18[%swap3A_37], %swap3A_40 {strides = array<i32>} : memref<80xf32, #tpu.memory_space<vmem>>, vector<16xf32>,
    %broadcast_in_dim3A_41 = arith.constant 1.000000e+00 : f32
    %broadcast_in_dim3A_42 = vector.broadcast %broadcast_in_dim3A_41 : f32 to vector<16xf32>
    %swap3A_43 = arith.constant 32 : index
    %swap3A_44 = tpu.vector_load %arg18[%swap3A_43] {strides = array<i32>} : memref<80xf32, #tpu.memory_space<vmem>>, vector<16xf32>,
    %swap3A_45 = vector.shape_cast %swap3A_44 : vector<16xf32> to vector<16xf32>
    %swap3A_46 = vector.shape_cast %broadcast_in_dim3A_42 : vector<16xf32> to vector<16xf32>
    tpu.vector_store %arg18[%swap3A_43], %swap3A_46 {strides = array<i32>} : memref<80xf32, #tpu.memory_space<vmem>>, vector<16xf32>,
    %broadcast_in_dim3A_47 = arith.constant 1.000000e+00 : f32
    %broadcast_in_dim3A_48 = vector.broadcast %broadcast_in_dim3A_47 : f32 to vector<16xf32>
    %swap3A_49 = arith.constant 48 : index
    %swap3A_50 = tpu.vector_load %arg18[%swap3A_49] {strides = array<i32>} : memref<80xf32, #tpu.memory_space<vmem>>, vector<16xf32>,
    %swap3A_51 = vector.shape_cast %swap3A_50 : vector<16xf32> to vector<16xf32>
    %swap3A_52 = vector.shape_cast %broadcast_in_dim3A_48 : vector<16xf32> to vector<16xf32>
    tpu.vector_store %arg18[%swap3A_49], %swap3A_52 {strides = array<i32>} : memref<80xf32, #tpu.memory_space<vmem>>, vector<16xf32>,
    %broadcast_in_dim3A_53 = arith.constant 1.000000e+00 : f32
    %broadcast_in_dim3A_54 = vector.broadcast %broadcast_in_dim3A_53 : f32 to vector<16xf32>
    %swap3A_55 = arith.constant 64 : index
    %swap3A_56 = tpu.vector_load %arg18[%swap3A_55] {strides = array<i32>} : memref<80xf32, #tpu.memory_space<vmem>>, vector<16xf32>,
    %swap3A_57 = vector.shape_cast %swap3A_56 : vector<16xf32> to vector<16xf32>
    %swap3A_58 = vector.shape_cast %broadcast_in_dim3A_54 : vector<16xf32> to vector<16xf32>
    tpu.vector_store %arg18[%swap3A_55], %swap3A_58 {strides = array<i32>} : memref<80xf32, #tpu.memory_space<vmem>>, vector<16xf32>,
    %scan3A_59 = arith.constant 0 : i32
    %scan3A_60 = arith.constant 8 : i32
    %scan3A_61 = arith.addi %scan3A_59, %scan3A_60 : i32
    %scan3A_62 = arith.constant 1 : i32
    scf.for %scan3A_101 = %scan3A_59 to %scan3A_61 step %scan3A_62  : i32 {
      %mul3A_102 = arith.constant 16 : i32
      %mul3A_103 = arith.muli %scan3A_101, %mul3A_102 : i32
      %add3A_104 = arith.addi %arg1, %mul3A_103 : i32
      %lt3A_105 = arith.constant 125 : i32
      %lt3A_106 = arith.cmpi slt, %add3A_104, %lt3A_105 : i32
      %convert_element_type3A_107 = arith.extui %lt3A_106 : i1 to i32
      %cond3A_108 = arith.constant 0 : i32
      %cond3A_109 = arith.cmpi ne, %convert_element_type3A_107, %cond3A_108 : i32
      scf.if %cond3A_109 {
        %mul3A_110 = arith.constant 80 : i32
        %mul3A_111 = arith.muli %add3A_104, %mul3A_110 : i32
        "tpu.region"() ({
          %run_scoped3A = tpu.sem_alloc : memref<!tpu.dma_semaphore, #tpu.memory_space<semaphore_mem>>
          %dma_start3A_112 = arith.constant 0 : i32
          %dma_start3A_113 = tpu.memref_slice %arg19[%mul3A_111, %dma_start3A_112] : memref<10000x128xf32, #tpu.memory_space<vmem_shared>> -> memref<80x128xf32, #tpu.memory_space<vmem_shared>>
          %dma_start3A_114 = arith.constant 0 : i32
          %dma_start3A_115 = tpu.memref_slice %arg19[%mul3A_111, %dma_start3A_114] : memref<10000x128xf32, #tpu.memory_space<vmem_shared>> -> memref<80x128xf32, #tpu.memory_space<vmem_shared>>
          tpu.enqueue_dma source(%arg16 : memref<80x128xf32, #tpu.memory_space<vmem>>) target(%dma_start3A_115 : memref<80x128xf32, #tpu.memory_space<vmem_shared>>) target_semaphore(%run_scoped3A : memref<!tpu.dma_semaphore, #tpu.memory_space<semaphore_mem>>)
          %dma_wait3A = arith.constant 0 : i32
          %dma_wait3A_116 = tpu.memref_slice %arg19[%mul3A_111, %dma_wait3A] : memref<10000x128xf32, #tpu.memory_space<vmem_shared>> -> memref<80x128xf32, #tpu.memory_space<vmem_shared>>
          %dma_wait3A_117 = arith.constant 0 : i32
          %dma_wait3A_118 = tpu.memref_slice %arg19[%mul3A_111, %dma_wait3A_117] : memref<10000x128xf32, #tpu.memory_space<vmem_shared>> -> memref<80x128xf32, #tpu.memory_space<vmem_shared>>
          tpu.wait_dma2 semaphore(%run_scoped3A : memref<!tpu.dma_semaphore, #tpu.memory_space<semaphore_mem>>) src(%arg16 : memref<80x128xf32, #tpu.memory_space<vmem>>) dst(%dma_wait3A_118 : memref<80x128xf32, #tpu.memory_space<vmem_shared>>)
          tpu.yield
        }) : () -> ()
      } else {
      }
    }
    %scan3A_63 = arith.constant 8 : i32
    %lt3A = arith.constant 15 : i32
    %lt3A_64 = arith.cmpi slt, %arg1, %lt3A : i32
    %convert_element_type3A = arith.extui %lt3A_64 : i1 to i32
    %cond3A = arith.constant 0 : i32
    %cond3A_65 = arith.cmpi ne, %convert_element_type3A, %cond3A : i32
    scf.if %cond3A_65 {
      %mul3A_101 = arith.constant 632 : i32
      %mul3A_102 = arith.muli %arg1, %mul3A_101 : i32
      "tpu.region"() ({
        %run_scoped3A = tpu.sem_alloc : memref<!tpu.dma_semaphore, #tpu.memory_space<semaphore_mem>>
        %dma_start3A_103 = arith.constant 0 : i32
        %dma_start3A_104 = tpu.memref_slice %arg17[%dma_start3A_103] : memref<640xf32, #tpu.memory_space<vmem>> -> memref<632xf32, #tpu.memory_space<vmem>>
        %dma_start3A_105 = tpu.memref_slice %arg20[%mul3A_102] : memref<10000xf32, #tpu.memory_space<vmem_shared>> -> memref<632xf32, #tpu.memory_space<vmem_shared>>
        %dma_start3A_106 = tpu.memref_slice %arg20[%mul3A_102] : memref<10000xf32, #tpu.memory_space<vmem_shared>> -> memref<632xf32, #tpu.memory_space<vmem_shared>>
        %dma_start3A_107 = arith.constant 0 : i32
        %dma_start3A_108 = tpu.memref_slice %arg17[%dma_start3A_107] : memref<640xf32, #tpu.memory_space<vmem>> -> memref<632xf32, #tpu.memory_space<vmem>>
        tpu.enqueue_dma source(%dma_start3A_108 : memref<632xf32, #tpu.memory_space<vmem>>) target(%dma_start3A_106 : memref<632xf32, #tpu.memory_space<vmem_shared>>) target_semaphore(%run_scoped3A : memref<!tpu.dma_semaphore, #tpu.memory_space<semaphore_mem>>)
        %dma_wait3A = arith.constant 0 : i32
        %dma_wait3A_109 = tpu.memref_slice %arg17[%dma_wait3A] : memref<640xf32, #tpu.memory_space<vmem>> -> memref<632xf32, #tpu.memory_space<vmem>>
        %dma_wait3A_110 = tpu.memref_slice %arg20[%mul3A_102] : memref<10000xf32, #tpu.memory_space<vmem_shared>> -> memref<632xf32, #tpu.memory_space<vmem_shared>>
        %dma_wait3A_111 = tpu.memref_slice %arg20[%mul3A_102] : memref<10000xf32, #tpu.memory_space<vmem_shared>> -> memref<632xf32, #tpu.memory_space<vmem_shared>>
        %dma_wait3A_112 = arith.constant 0 : i32
        %dma_wait3A_113 = tpu.memref_slice %arg17[%dma_wait3A_112] : memref<640xf32, #tpu.memory_space<vmem>> -> memref<632xf32, #tpu.memory_space<vmem>>
        tpu.wait_dma2 semaphore(%run_scoped3A : memref<!tpu.dma_semaphore, #tpu.memory_space<semaphore_mem>>) src(%dma_wait3A_113 : memref<632xf32, #tpu.memory_space<vmem>>) dst(%dma_wait3A_111 : memref<632xf32, #tpu.memory_space<vmem_shared>>)
        tpu.yield
      }) : () -> ()
    } else {
    }
    %eq3A = arith.constant 15 : i32
    %eq3A_66 = arith.cmpi eq, %arg1, %eq3A : i32
    %convert_element_type3A_67 = arith.extui %eq3A_66 : i1 to i32
    %cond3A_68 = arith.constant 0 : i32
    %cond3A_69 = arith.cmpi ne, %convert_element_type3A_67, %cond3A_68 : i32
    scf.if %cond3A_69 {
      "tpu.region"() ({
        %run_scoped3A = tpu.sem_alloc : memref<!tpu.dma_semaphore, #tpu.memory_space<semaphore_mem>>
        %dma_start3A_101 = arith.constant 0 : i32
        %dma_start3A_102 = tpu.memref_slice %arg17[%dma_start3A_101] : memref<640xf32, #tpu.memory_space<vmem>> -> memref<520xf32, #tpu.memory_space<vmem>>
        %dma_start3A_103 = arith.constant 9480 : i32
        %dma_start3A_104 = tpu.memref_slice %arg20[%dma_start3A_103] : memref<10000xf32, #tpu.memory_space<vmem_shared>> -> memref<520xf32, #tpu.memory_space<vmem_shared>>
        %dma_start3A_105 = arith.constant 9480 : i32
        %dma_start3A_106 = tpu.memref_slice %arg20[%dma_start3A_105] : memref<10000xf32, #tpu.memory_space<vmem_shared>> -> memref<520xf32, #tpu.memory_space<vmem_shared>>
        %dma_start3A_107 = arith.constant 0 : i32
        %dma_start3A_108 = tpu.memref_slice %arg17[%dma_start3A_107] : memref<640xf32, #tpu.memory_space<vmem>> -> memref<520xf32, #tpu.memory_space<vmem>>
        tpu.enqueue_dma source(%dma_start3A_108 : memref<520xf32, #tpu.memory_space<vmem>>) target(%dma_start3A_106 : memref<520xf32, #tpu.memory_space<vmem_shared>>) target_semaphore(%run_scoped3A : memref<!tpu.dma_semaphore, #tpu.memory_space<semaphore_mem>>)
        %dma_wait3A = arith.constant 0 : i32
        %dma_wait3A_109 = tpu.memref_slice %arg17[%dma_wait3A] : memref<640xf32, #tpu.memory_space<vmem>> -> memref<520xf32, #tpu.memory_space<vmem>>
        %dma_wait3A_110 = arith.constant 9480 : i32
        %dma_wait3A_111 = tpu.memref_slice %arg20[%dma_wait3A_110] : memref<10000xf32, #tpu.memory_space<vmem_shared>> -> memref<520xf32, #tpu.memory_space<vmem_shared>>
        %dma_wait3A_112 = arith.constant 9480 : i32
        %dma_wait3A_113 = tpu.memref_slice %arg20[%dma_wait3A_112] : memref<10000xf32, #tpu.memory_space<vmem_shared>> -> memref<520xf32, #tpu.memory_space<vmem_shared>>
        %dma_wait3A_114 = arith.constant 0 : i32
        %dma_wait3A_115 = tpu.memref_slice %arg17[%dma_wait3A_114] : memref<640xf32, #tpu.memory_space<vmem>> -> memref<520xf32, #tpu.memory_space<vmem>>
        tpu.wait_dma2 semaphore(%run_scoped3A : memref<!tpu.dma_semaphore, #tpu.memory_space<semaphore_mem>>) src(%dma_wait3A_115 : memref<520xf32, #tpu.memory_space<vmem>>) dst(%dma_wait3A_113 : memref<520xf32, #tpu.memory_space<vmem_shared>>)
        tpu.yield
      }) : () -> ()
    } else {
    }
    %barrier3A = arith.constant 0 : index
    tpu.barrier barrier_id(%barrier3A)
    %scan3A_70 = arith.constant 0 : i32
    %scan3A_71 = arith.constant 125 : i32
    %scan3A_72 = arith.addi %scan3A_70, %scan3A_71 : i32
    %scan3A_73 = arith.constant 1 : i32
    scf.for %scan3A_101 = %scan3A_70 to %scan3A_72 step %scan3A_73  : i32 {
      %jit3A = arith.constant 3 : i32
      %eq3A_102 = arith.constant 0 : i32
      %eq3A_103 = arith.cmpi eq, %jit3A, %eq3A_102 : i32
      %jit3A_104 = arith.constant 1 : i32
      %select_n3A = arith.select %eq3A_103, %jit3A_104, %jit3A : i32
      %rem3A = arith.remsi %scan3A_101, %select_n3A : i32
      %ne3A = arith.constant 0 : i32
      %ne3A_105 = arith.cmpi ne, %rem3A, %ne3A : i32
      %lt3A_106 = arith.constant 0 : i32
      %lt3A_107 = arith.cmpi slt, %rem3A, %lt3A_106 : i32
      %lt3A_108 = arith.constant 0 : i32
      %lt3A_109 = arith.cmpi slt, %select_n3A, %lt3A_108 : i32
      %ne3A_110 = arith.xori %lt3A_107, %lt3A_109 : i1
      %and3A_111 = arith.andi %ne3A_110, %ne3A_105 : i1
      %add3A_112 = arith.addi %rem3A, %select_n3A : i32
      %select_n3A_113 = arith.select %and3A_111, %add3A_112, %rem3A : i32
      %eq3A_114 = arith.constant 0 : i32
      %eq3A_115 = arith.cmpi eq, %select_n3A_113, %eq3A_114 : i32
      %convert_element_type3A_116 = arith.extui %eq3A_115 : i1 to i32
      %cond3A_117 = arith.constant 0 : i32
      %cond3A_118 = arith.cmpi ne, %convert_element_type3A_116, %cond3A_117 : i32
      scf.if %cond3A_118 {
        %mul3A_161 = arith.constant 10000 : i32
        %mul3A_162 = arith.muli %add3A, %mul3A_161 : i32
        %mul3A_163 = arith.constant 80 : i32
        %mul3A_164 = arith.muli %scan3A_101, %mul3A_163 : i32
        %add3A_165 = arith.addi %mul3A_162, %mul3A_164 : i32
        %dma_wait3A = arith.constant 0 : i32
        %dma_wait3A_166 = tpu.memref_slice %arg2[%add3A_165, %dma_wait3A] : memref<320000x128xf32, #tpu.memory_space<hbm>> -> memref<80x128xf32, #tpu.memory_space<hbm>>
        %dma_wait3A_167 = arith.constant 0 : i32
        %dma_wait3A_168 = tpu.memref_slice %arg2[%add3A_165, %dma_wait3A_167] : memref<320000x128xf32, #tpu.memory_space<hbm>> -> memref<80x128xf32, #tpu.memory_space<hbm>>
        tpu.wait_dma2 semaphore(%arg13 : memref<!tpu.dma_semaphore, #tpu.memory_space<semaphore_mem>>) src(%dma_wait3A_168 : memref<80x128xf32, #tpu.memory_space<hbm>>) dst(%arg7 : memref<80x128xf32, #tpu.memory_space<vmem>>)
        %dma_wait3A_169 = tpu.memref_slice %arg3[%add3A_165] : memref<320000xi32, #tpu.memory_space<hbm>> -> memref<80xi32, #tpu.memory_space<hbm>>
        %dma_wait3A_170 = tpu.memref_slice %arg3[%add3A_165] : memref<320000xi32, #tpu.memory_space<hbm>> -> memref<80xi32, #tpu.memory_space<hbm>>
        tpu.wait_dma2 semaphore(%arg13 : memref<!tpu.dma_semaphore, #tpu.memory_space<semaphore_mem>>) src(%dma_wait3A_170 : memref<80xi32, #tpu.memory_space<hbm>>) dst(%arg10 : memref<80xi32, #tpu.memory_space<vmem>>)
        %add3A_171 = arith.constant 2 : i32
        %add3A_172 = arith.addi %scan3A_101, %add3A_171 : i32
        %lt3A_173 = arith.constant 125 : i32
        %lt3A_174 = arith.cmpi slt, %add3A_172, %lt3A_173 : i32
        %convert_element_type3A_175 = arith.extui %lt3A_174 : i1 to i32
        %cond3A_176 = arith.constant 0 : i32
        %cond3A_177 = arith.cmpi ne, %convert_element_type3A_175, %cond3A_176 : i32
        scf.if %cond3A_177 {
          %add3A_178 = arith.constant 2 : i32
          %add3A_179 = arith.addi %scan3A_101, %add3A_178 : i32
          %mul3A_180 = arith.constant 10000 : i32
          %mul3A_181 = arith.muli %add3A, %mul3A_180 : i32
          %mul3A_182 = arith.constant 80 : i32
          %mul3A_183 = arith.muli %add3A_179, %mul3A_182 : i32
          %add3A_184 = arith.addi %mul3A_181, %mul3A_183 : i32
          %dma_start3A_185 = arith.constant 0 : i32
          %dma_start3A_186 = tpu.memref_slice %arg2[%add3A_184, %dma_start3A_185] : memref<320000x128xf32, #tpu.memory_space<hbm>> -> memref<80x128xf32, #tpu.memory_space<hbm>>
          %dma_start3A_187 = arith.constant 0 : i32
          %dma_start3A_188 = tpu.memref_slice %arg2[%add3A_184, %dma_start3A_187] : memref<320000x128xf32, #tpu.memory_space<hbm>> -> memref<80x128xf32, #tpu.memory_space<hbm>>
          tpu.enqueue_dma source(%dma_start3A_188 : memref<80x128xf32, #tpu.memory_space<hbm>>) target(%arg9 : memref<80x128xf32, #tpu.memory_space<vmem>>) target_semaphore(%arg15 : memref<!tpu.dma_semaphore, #tpu.memory_space<semaphore_mem>>)
          %dma_start3A_189 = tpu.memref_slice %arg3[%add3A_184] : memref<320000xi32, #tpu.memory_space<hbm>> -> memref<80xi32, #tpu.memory_space<hbm>>
          %dma_start3A_190 = tpu.memref_slice %arg3[%add3A_184] : memref<320000xi32, #tpu.memory_space<hbm>> -> memref<80xi32, #tpu.memory_space<hbm>>
          tpu.enqueue_dma source(%dma_start3A_190 : memref<80xi32, #tpu.memory_space<hbm>>) target(%arg12 : memref<80xi32, #tpu.memory_space<vmem>>) target_semaphore(%arg15 : memref<!tpu.dma_semaphore, #tpu.memory_space<semaphore_mem>>)
        } else {
        }
        "tpu.region"() ({
          %run_scoped3A = tpu.sem_alloc : memref<!tpu.dma_semaphore, #tpu.memory_space<semaphore_mem>>
          %dma_start3A_178 = arith.constant 0 : i32
          %dma_start3A_179 = arith.constant 0 : i32
          %dma_start3A_180 = tpu.memref_slice %arg19[%dma_start3A_178, %dma_start3A_179] : memref<10000x128xf32, #tpu.memory_space<vmem_shared>> -> memref<10000x128xf32, #tpu.memory_space<vmem_shared>>
          tpu.enqueue_indirect_dma source(%arg7 : memref<80x128xf32, #tpu.memory_space<vmem>>) target(%dma_start3A_180 : memref<10000x128xf32, #tpu.memory_space<vmem_shared>>) offsets(%arg10 : memref<80xi32, #tpu.memory_space<vmem>>) semaphore(%run_scoped3A : memref<!tpu.dma_semaphore, #tpu.memory_space<semaphore_mem>>) {add = true}
          %dma_wait3A_181 = arith.constant 0 : i32
          %dma_wait3A_182 = arith.constant 0 : i32
          %dma_wait3A_183 = tpu.memref_slice %arg19[%dma_wait3A_181, %dma_wait3A_182] : memref<10000x128xf32, #tpu.memory_space<vmem_shared>> -> memref<10000x128xf32, #tpu.memory_space<vmem_shared>>
          tpu.wait_indirect_dma semaphore(%run_scoped3A : memref<!tpu.dma_semaphore, #tpu.memory_space<semaphore_mem>>) src(%arg7 : memref<80x128xf32, #tpu.memory_space<vmem>>) dst(%dma_wait3A_183 : memref<10000x128xf32, #tpu.memory_space<vmem_shared>>)
          tpu.yield
        }) : () -> ()
        "tpu.region"() ({
          %run_scoped3A = tpu.sem_alloc : memref<!tpu.dma_semaphore, #tpu.memory_space<semaphore_mem>>
          %dma_start3A_178 = arith.constant 0 : i32
          %dma_start3A_179 = tpu.memref_slice %arg20[%dma_start3A_178] : memref<10000xf32, #tpu.memory_space<vmem_shared>> -> memref<10000xf32, #tpu.memory_space<vmem_shared>>
          tpu.enqueue_indirect_dma source(%arg18 : memref<80xf32, #tpu.memory_space<vmem>>) target(%dma_start3A_179 : memref<10000xf32, #tpu.memory_space<vmem_shared>>) offsets(%arg10 : memref<80xi32, #tpu.memory_space<vmem>>) semaphore(%run_scoped3A : memref<!tpu.dma_semaphore, #tpu.memory_space<semaphore_mem>>) {add = true}
          %dma_wait3A_180 = arith.constant 0 : i32
          %dma_wait3A_181 = tpu.memref_slice %arg20[%dma_wait3A_180] : memref<10000xf32, #tpu.memory_space<vmem_shared>> -> memref<10000xf32, #tpu.memory_space<vmem_shared>>
          tpu.wait_indirect_dma semaphore(%run_scoped3A : memref<!tpu.dma_semaphore, #tpu.memory_space<semaphore_mem>>) src(%arg18 : memref<80xf32, #tpu.memory_space<vmem>>) dst(%dma_wait3A_181 : memref<10000xf32, #tpu.memory_space<vmem_shared>>)
          tpu.yield
        }) : () -> ()
      } else {
      }
      %jit3A_119 = arith.constant 3 : i32
      %eq3A_120 = arith.constant 0 : i32
      %eq3A_121 = arith.cmpi eq, %jit3A_119, %eq3A_120 : i32
      %jit3A_122 = arith.constant 1 : i32
      %select_n3A_123 = arith.select %eq3A_121, %jit3A_122, %jit3A_119 : i32
      %rem3A_124 = arith.remsi %scan3A_101, %select_n3A_123 : i32
      %ne3A_125 = arith.constant 0 : i32
      %ne3A_126 = arith.cmpi ne, %rem3A_124, %ne3A_125 : i32
      %lt3A_127 = arith.constant 0 : i32
      %lt3A_128 = arith.cmpi slt, %rem3A_124, %lt3A_127 : i32
      %lt3A_129 = arith.constant 0 : i32
      %lt3A_130 = arith.cmpi slt, %select_n3A_123, %lt3A_129 : i32
      %ne3A_131 = arith.xori %lt3A_128, %lt3A_130 : i1
      %and3A_132 = arith.andi %ne3A_131, %ne3A_126 : i1
      %add3A_133 = arith.addi %rem3A_124, %select_n3A_123 : i32
      %select_n3A_134 = arith.select %and3A_132, %add3A_133, %rem3A_124 : i32
      %eq3A_135 = arith.constant 1 : i32
      %eq3A_136 = arith.cmpi eq, %select_n3A_134, %eq3A_135 : i32
      %convert_element_type3A_137 = arith.extui %eq3A_136 : i1 to i32
      %cond3A_138 = arith.constant 0 : i32
      %cond3A_139 = arith.cmpi ne, %convert_element_type3A_137, %cond3A_138 : i32
      scf.if %cond3A_139 {
        %mul3A_161 = arith.constant 10000 : i32
        %mul3A_162 = arith.muli %add3A, %mul3A_161 : i32
        %mul3A_163 = arith.constant 80 : i32
        %mul3A_164 = arith.muli %scan3A_101, %mul3A_163 : i32
        %add3A_165 = arith.addi %mul3A_162, %mul3A_164 : i32
        %dma_wait3A = arith.constant 0 : i32
        %dma_wait3A_166 = tpu.memref_slice %arg2[%add3A_165, %dma_wait3A] : memref<320000x128xf32, #tpu.memory_space<hbm>> -> memref<80x128xf32, #tpu.memory_space<hbm>>
        %dma_wait3A_167 = arith.constant 0 : i32
        %dma_wait3A_168 = tpu.memref_slice %arg2[%add3A_165, %dma_wait3A_167] : memref<320000x128xf32, #tpu.memory_space<hbm>> -> memref<80x128xf32, #tpu.memory_space<hbm>>
        tpu.wait_dma2 semaphore(%arg14 : memref<!tpu.dma_semaphore, #tpu.memory_space<semaphore_mem>>) src(%dma_wait3A_168 : memref<80x128xf32, #tpu.memory_space<hbm>>) dst(%arg8 : memref<80x128xf32, #tpu.memory_space<vmem>>)
        %dma_wait3A_169 = tpu.memref_slice %arg3[%add3A_165] : memref<320000xi32, #tpu.memory_space<hbm>> -> memref<80xi32, #tpu.memory_space<hbm>>
        %dma_wait3A_170 = tpu.memref_slice %arg3[%add3A_165] : memref<320000xi32, #tpu.memory_space<hbm>> -> memref<80xi32, #tpu.memory_space<hbm>>
        tpu.wait_dma2 semaphore(%arg14 : memref<!tpu.dma_semaphore, #tpu.memory_space<semaphore_mem>>) src(%dma_wait3A_170 : memref<80xi32, #tpu.memory_space<hbm>>) dst(%arg11 : memref<80xi32, #tpu.memory_space<vmem>>)
        %add3A_171 = arith.constant 2 : i32
        %add3A_172 = arith.addi %scan3A_101, %add3A_171 : i32
        %lt3A_173 = arith.constant 125 : i32
        %lt3A_174 = arith.cmpi slt, %add3A_172, %lt3A_173 : i32
        %convert_element_type3A_175 = arith.extui %lt3A_174 : i1 to i32
        %cond3A_176 = arith.constant 0 : i32
        %cond3A_177 = arith.cmpi ne, %convert_element_type3A_175, %cond3A_176 : i32
        scf.if %cond3A_177 {
          %add3A_178 = arith.constant 2 : i32
          %add3A_179 = arith.addi %scan3A_101, %add3A_178 : i32
          %mul3A_180 = arith.constant 10000 : i32
          %mul3A_181 = arith.muli %add3A, %mul3A_180 : i32
          %mul3A_182 = arith.constant 80 : i32
          %mul3A_183 = arith.muli %add3A_179, %mul3A_182 : i32
          %add3A_184 = arith.addi %mul3A_181, %mul3A_183 : i32
          %dma_start3A_185 = arith.constant 0 : i32
          %dma_start3A_186 = tpu.memref_slice %arg2[%add3A_184, %dma_start3A_185] : memref<320000x128xf32, #tpu.memory_space<hbm>> -> memref<80x128xf32, #tpu.memory_space<hbm>>
          %dma_start3A_187 = arith.constant 0 : i32
          %dma_start3A_188 = tpu.memref_slice %arg2[%add3A_184, %dma_start3A_187] : memref<320000x128xf32, #tpu.memory_space<hbm>> -> memref<80x128xf32, #tpu.memory_space<hbm>>
          tpu.enqueue_dma source(%dma_start3A_188 : memref<80x128xf32, #tpu.memory_space<hbm>>) target(%arg7 : memref<80x128xf32, #tpu.memory_space<vmem>>) target_semaphore(%arg13 : memref<!tpu.dma_semaphore, #tpu.memory_space<semaphore_mem>>)
          %dma_start3A_189 = tpu.memref_slice %arg3[%add3A_184] : memref<320000xi32, #tpu.memory_space<hbm>> -> memref<80xi32, #tpu.memory_space<hbm>>
          %dma_start3A_190 = tpu.memref_slice %arg3[%add3A_184] : memref<320000xi32, #tpu.memory_space<hbm>> -> memref<80xi32, #tpu.memory_space<hbm>>
          tpu.enqueue_dma source(%dma_start3A_190 : memref<80xi32, #tpu.memory_space<hbm>>) target(%arg10 : memref<80xi32, #tpu.memory_space<vmem>>) target_semaphore(%arg13 : memref<!tpu.dma_semaphore, #tpu.memory_space<semaphore_mem>>)
        } else {
        }
        "tpu.region"() ({
          %run_scoped3A = tpu.sem_alloc : memref<!tpu.dma_semaphore, #tpu.memory_space<semaphore_mem>>
          %dma_start3A_178 = arith.constant 0 : i32
          %dma_start3A_179 = arith.constant 0 : i32
          %dma_start3A_180 = tpu.memref_slice %arg19[%dma_start3A_178, %dma_start3A_179] : memref<10000x128xf32, #tpu.memory_space<vmem_shared>> -> memref<10000x128xf32, #tpu.memory_space<vmem_shared>>
          tpu.enqueue_indirect_dma source(%arg8 : memref<80x128xf32, #tpu.memory_space<vmem>>) target(%dma_start3A_180 : memref<10000x128xf32, #tpu.memory_space<vmem_shared>>) offsets(%arg11 : memref<80xi32, #tpu.memory_space<vmem>>) semaphore(%run_scoped3A : memref<!tpu.dma_semaphore, #tpu.memory_space<semaphore_mem>>) {add = true}
          %dma_wait3A_181 = arith.constant 0 : i32
          %dma_wait3A_182 = arith.constant 0 : i32
          %dma_wait3A_183 = tpu.memref_slice %arg19[%dma_wait3A_181, %dma_wait3A_182] : memref<10000x128xf32, #tpu.memory_space<vmem_shared>> -> memref<10000x128xf32, #tpu.memory_space<vmem_shared>>
          tpu.wait_indirect_dma semaphore(%run_scoped3A : memref<!tpu.dma_semaphore, #tpu.memory_space<semaphore_mem>>) src(%arg8 : memref<80x128xf32, #tpu.memory_space<vmem>>) dst(%dma_wait3A_183 : memref<10000x128xf32, #tpu.memory_space<vmem_shared>>)
          tpu.yield
        }) : () -> ()
        "tpu.region"() ({
          %run_scoped3A = tpu.sem_alloc : memref<!tpu.dma_semaphore, #tpu.memory_space<semaphore_mem>>
          %dma_start3A_178 = arith.constant 0 : i32
          %dma_start3A_179 = tpu.memref_slice %arg20[%dma_start3A_178] : memref<10000xf32, #tpu.memory_space<vmem_shared>> -> memref<10000xf32, #tpu.memory_space<vmem_shared>>
          tpu.enqueue_indirect_dma source(%arg18 : memref<80xf32, #tpu.memory_space<vmem>>) target(%dma_start3A_179 : memref<10000xf32, #tpu.memory_space<vmem_shared>>) offsets(%arg11 : memref<80xi32, #tpu.memory_space<vmem>>) semaphore(%run_scoped3A : memref<!tpu.dma_semaphore, #tpu.memory_space<semaphore_mem>>) {add = true}
          %dma_wait3A_180 = arith.constant 0 : i32
          %dma_wait3A_181 = tpu.memref_slice %arg20[%dma_wait3A_180] : memref<10000xf32, #tpu.memory_space<vmem_shared>> -> memref<10000xf32, #tpu.memory_space<vmem_shared>>
          tpu.wait_indirect_dma semaphore(%run_scoped3A : memref<!tpu.dma_semaphore, #tpu.memory_space<semaphore_mem>>) src(%arg18 : memref<80xf32, #tpu.memory_space<vmem>>) dst(%dma_wait3A_181 : memref<10000xf32, #tpu.memory_space<vmem_shared>>)
          tpu.yield
        }) : () -> ()
      } else {
      }
      %jit3A_140 = arith.constant 3 : i32
      %eq3A_141 = arith.constant 0 : i32
      %eq3A_142 = arith.cmpi eq, %jit3A_140, %eq3A_141 : i32
      %jit3A_143 = arith.constant 1 : i32
      %select_n3A_144 = arith.select %eq3A_142, %jit3A_143, %jit3A_140 : i32
      %rem3A_145 = arith.remsi %scan3A_101, %select_n3A_144 : i32
      %ne3A_146 = arith.constant 0 : i32
      %ne3A_147 = arith.cmpi ne, %rem3A_145, %ne3A_146 : i32
      %lt3A_148 = arith.constant 0 : i32
      %lt3A_149 = arith.cmpi slt, %rem3A_145, %lt3A_148 : i32
      %lt3A_150 = arith.constant 0 : i32
      %lt3A_151 = arith.cmpi slt, %select_n3A_144, %lt3A_150 : i32
      %ne3A_152 = arith.xori %lt3A_149, %lt3A_151 : i1
      %and3A_153 = arith.andi %ne3A_152, %ne3A_147 : i1
      %add3A_154 = arith.addi %rem3A_145, %select_n3A_144 : i32
      %select_n3A_155 = arith.select %and3A_153, %add3A_154, %rem3A_145 : i32
      %eq3A_156 = arith.constant 2 : i32
      %eq3A_157 = arith.cmpi eq, %select_n3A_155, %eq3A_156 : i32
      %convert_element_type3A_158 = arith.extui %eq3A_157 : i1 to i32
      %cond3A_159 = arith.constant 0 : i32
      %cond3A_160 = arith.cmpi ne, %convert_element_type3A_158, %cond3A_159 : i32
      scf.if %cond3A_160 {
        %mul3A_161 = arith.constant 10000 : i32
        %mul3A_162 = arith.muli %add3A, %mul3A_161 : i32
        %mul3A_163 = arith.constant 80 : i32
        %mul3A_164 = arith.muli %scan3A_101, %mul3A_163 : i32
        %add3A_165 = arith.addi %mul3A_162, %mul3A_164 : i32
        %dma_wait3A = arith.constant 0 : i32
        %dma_wait3A_166 = tpu.memref_slice %arg2[%add3A_165, %dma_wait3A] : memref<320000x128xf32, #tpu.memory_space<hbm>> -> memref<80x128xf32, #tpu.memory_space<hbm>>
        %dma_wait3A_167 = arith.constant 0 : i32
        %dma_wait3A_168 = tpu.memref_slice %arg2[%add3A_165, %dma_wait3A_167] : memref<320000x128xf32, #tpu.memory_space<hbm>> -> memref<80x128xf32, #tpu.memory_space<hbm>>
        tpu.wait_dma2 semaphore(%arg15 : memref<!tpu.dma_semaphore, #tpu.memory_space<semaphore_mem>>) src(%dma_wait3A_168 : memref<80x128xf32, #tpu.memory_space<hbm>>) dst(%arg9 : memref<80x128xf32, #tpu.memory_space<vmem>>)
        %dma_wait3A_169 = tpu.memref_slice %arg3[%add3A_165] : memref<320000xi32, #tpu.memory_space<hbm>> -> memref<80xi32, #tpu.memory_space<hbm>>
        %dma_wait3A_170 = tpu.memref_slice %arg3[%add3A_165] : memref<320000xi32, #tpu.memory_space<hbm>> -> memref<80xi32, #tpu.memory_space<hbm>>
        tpu.wait_dma2 semaphore(%arg15 : memref<!tpu.dma_semaphore, #tpu.memory_space<semaphore_mem>>) src(%dma_wait3A_170 : memref<80xi32, #tpu.memory_space<hbm>>) dst(%arg12 : memref<80xi32, #tpu.memory_space<vmem>>)
        %add3A_171 = arith.constant 2 : i32
        %add3A_172 = arith.addi %scan3A_101, %add3A_171 : i32
        %lt3A_173 = arith.constant 125 : i32
        %lt3A_174 = arith.cmpi slt, %add3A_172, %lt3A_173 : i32
        %convert_element_type3A_175 = arith.extui %lt3A_174 : i1 to i32
        %cond3A_176 = arith.constant 0 : i32
        %cond3A_177 = arith.cmpi ne, %convert_element_type3A_175, %cond3A_176 : i32
        scf.if %cond3A_177 {
          %add3A_178 = arith.constant 2 : i32
          %add3A_179 = arith.addi %scan3A_101, %add3A_178 : i32
          %mul3A_180 = arith.constant 10000 : i32
          %mul3A_181 = arith.muli %add3A, %mul3A_180 : i32
          %mul3A_182 = arith.constant 80 : i32
          %mul3A_183 = arith.muli %add3A_179, %mul3A_182 : i32
          %add3A_184 = arith.addi %mul3A_181, %mul3A_183 : i32
          %dma_start3A_185 = arith.constant 0 : i32
          %dma_start3A_186 = tpu.memref_slice %arg2[%add3A_184, %dma_start3A_185] : memref<320000x128xf32, #tpu.memory_space<hbm>> -> memref<80x128xf32, #tpu.memory_space<hbm>>
          %dma_start3A_187 = arith.constant 0 : i32
          %dma_start3A_188 = tpu.memref_slice %arg2[%add3A_184, %dma_start3A_187] : memref<320000x128xf32, #tpu.memory_space<hbm>> -> memref<80x128xf32, #tpu.memory_space<hbm>>
          tpu.enqueue_dma source(%dma_start3A_188 : memref<80x128xf32, #tpu.memory_space<hbm>>) target(%arg8 : memref<80x128xf32, #tpu.memory_space<vmem>>) target_semaphore(%arg14 : memref<!tpu.dma_semaphore, #tpu.memory_space<semaphore_mem>>)
          %dma_start3A_189 = tpu.memref_slice %arg3[%add3A_184] : memref<320000xi32, #tpu.memory_space<hbm>> -> memref<80xi32, #tpu.memory_space<hbm>>
          %dma_start3A_190 = tpu.memref_slice %arg3[%add3A_184] : memref<320000xi32, #tpu.memory_space<hbm>> -> memref<80xi32, #tpu.memory_space<hbm>>
          tpu.enqueue_dma source(%dma_start3A_190 : memref<80xi32, #tpu.memory_space<hbm>>) target(%arg11 : memref<80xi32, #tpu.memory_space<vmem>>) target_semaphore(%arg14 : memref<!tpu.dma_semaphore, #tpu.memory_space<semaphore_mem>>)
        } else {
        }
        "tpu.region"() ({
          %run_scoped3A = tpu.sem_alloc : memref<!tpu.dma_semaphore, #tpu.memory_space<semaphore_mem>>
          %dma_start3A_178 = arith.constant 0 : i32
          %dma_start3A_179 = arith.constant 0 : i32
          %dma_start3A_180 = tpu.memref_slice %arg19[%dma_start3A_178, %dma_start3A_179] : memref<10000x128xf32, #tpu.memory_space<vmem_shared>> -> memref<10000x128xf32, #tpu.memory_space<vmem_shared>>
          tpu.enqueue_indirect_dma source(%arg9 : memref<80x128xf32, #tpu.memory_space<vmem>>) target(%dma_start3A_180 : memref<10000x128xf32, #tpu.memory_space<vmem_shared>>) offsets(%arg12 : memref<80xi32, #tpu.memory_space<vmem>>) semaphore(%run_scoped3A : memref<!tpu.dma_semaphore, #tpu.memory_space<semaphore_mem>>) {add = true}
          %dma_wait3A_181 = arith.constant 0 : i32
          %dma_wait3A_182 = arith.constant 0 : i32
          %dma_wait3A_183 = tpu.memref_slice %arg19[%dma_wait3A_181, %dma_wait3A_182] : memref<10000x128xf32, #tpu.memory_space<vmem_shared>> -> memref<10000x128xf32, #tpu.memory_space<vmem_shared>>
          tpu.wait_indirect_dma semaphore(%run_scoped3A : memref<!tpu.dma_semaphore, #tpu.memory_space<semaphore_mem>>) src(%arg9 : memref<80x128xf32, #tpu.memory_space<vmem>>) dst(%dma_wait3A_183 : memref<10000x128xf32, #tpu.memory_space<vmem_shared>>)
          tpu.yield
        }) : () -> ()
        "tpu.region"() ({
          %run_scoped3A = tpu.sem_alloc : memref<!tpu.dma_semaphore, #tpu.memory_space<semaphore_mem>>
          %dma_start3A_178 = arith.constant 0 : i32
          %dma_start3A_179 = tpu.memref_slice %arg20[%dma_start3A_178] : memref<10000xf32, #tpu.memory_space<vmem_shared>> -> memref<10000xf32, #tpu.memory_space<vmem_shared>>
          tpu.enqueue_indirect_dma source(%arg18 : memref<80xf32, #tpu.memory_space<vmem>>) target(%dma_start3A_179 : memref<10000xf32, #tpu.memory_space<vmem_shared>>) offsets(%arg12 : memref<80xi32, #tpu.memory_space<vmem>>) semaphore(%run_scoped3A : memref<!tpu.dma_semaphore, #tpu.memory_space<semaphore_mem>>) {add = true}
          %dma_wait3A_180 = arith.constant 0 : i32
          %dma_wait3A_181 = tpu.memref_slice %arg20[%dma_wait3A_180] : memref<10000xf32, #tpu.memory_space<vmem_shared>> -> memref<10000xf32, #tpu.memory_space<vmem_shared>>
          tpu.wait_indirect_dma semaphore(%run_scoped3A : memref<!tpu.dma_semaphore, #tpu.memory_space<semaphore_mem>>) src(%arg18 : memref<80xf32, #tpu.memory_space<vmem>>) dst(%dma_wait3A_181 : memref<10000xf32, #tpu.memory_space<vmem_shared>>)
          tpu.yield
        }) : () -> ()
      } else {
      }
    }
    %scan3A_74 = arith.constant 125 : i32
    %barrier3A_75 = arith.constant 0 : index
    tpu.barrier barrier_id(%barrier3A_75)
    %lt3A_76 = arith.constant 15 : i32
    %lt3A_77 = arith.cmpi slt, %arg1, %lt3A_76 : i32
    %convert_element_type3A_78 = arith.extui %lt3A_77 : i1 to i32
    %cond3A_79 = arith.constant 0 : i32
    %cond3A_80 = arith.cmpi ne, %convert_element_type3A_78, %cond3A_79 : i32
    scf.if %cond3A_80 {
      %mul3A_101 = arith.constant 624 : i32
      %mul3A_102 = arith.muli %arg1, %mul3A_101 : i32
      %mul3A_103 = arith.constant 624 : i32
      %mul3A_104 = arith.muli %arg1, %mul3A_103 : i32
      "tpu.region"() ({
        %run_scoped3A = tpu.sem_alloc : memref<!tpu.dma_semaphore, #tpu.memory_space<semaphore_mem>>
        %dma_start3A_105 = arith.constant 0 : i32
        %dma_start3A_106 = tpu.memref_slice %arg4[%arg0, %mul3A_104, %dma_start3A_105] : memref<2x10000x128xf32, #tpu.memory_space<hbm>> -> memref<1x624x128xf32, #tpu.memory_space<hbm>>
        %dma_start3A_107 = tpu.memref_squeeze %dma_start3A_106 : memref<1x624x128xf32, #tpu.memory_space<hbm>> -> memref<624x128xf32, #tpu.memory_space<hbm>>
        %dma_start3A_108 = arith.constant 0 : i32
        %dma_start3A_109 = tpu.memref_slice %arg19[%mul3A_102, %dma_start3A_108] : memref<10000x128xf32, #tpu.memory_space<vmem_shared>> -> memref<624x128xf32, #tpu.memory_space<vmem_shared>>
        tpu.enqueue_dma source(%dma_start3A_109 : memref<624x128xf32, #tpu.memory_space<vmem_shared>>) target(%dma_start3A_107 : memref<624x128xf32, #tpu.memory_space<hbm>>) target_semaphore(%run_scoped3A : memref<!tpu.dma_semaphore, #tpu.memory_space<semaphore_mem>>)
        %dma_wait3A = arith.constant 0 : i32
        %dma_wait3A_110 = tpu.memref_slice %arg4[%arg0, %mul3A_104, %dma_wait3A] : memref<2x10000x128xf32, #tpu.memory_space<hbm>> -> memref<1x624x128xf32, #tpu.memory_space<hbm>>
        %dma_wait3A_111 = tpu.memref_squeeze %dma_wait3A_110 : memref<1x624x128xf32, #tpu.memory_space<hbm>> -> memref<624x128xf32, #tpu.memory_space<hbm>>
        %dma_wait3A_112 = arith.constant 0 : i32
        %dma_wait3A_113 = tpu.memref_slice %arg19[%mul3A_102, %dma_wait3A_112] : memref<10000x128xf32, #tpu.memory_space<vmem_shared>> -> memref<624x128xf32, #tpu.memory_space<vmem_shared>>
        tpu.wait_dma2 semaphore(%run_scoped3A : memref<!tpu.dma_semaphore, #tpu.memory_space<semaphore_mem>>) src(%dma_wait3A_113 : memref<624x128xf32, #tpu.memory_space<vmem_shared>>) dst(%dma_wait3A_111 : memref<624x128xf32, #tpu.memory_space<hbm>>)
        tpu.yield
      }) : () -> ()
    } else {
    }
    %eq3A_81 = arith.constant 15 : i32
    %eq3A_82 = arith.cmpi eq, %arg1, %eq3A_81 : i32
    %convert_element_type3A_83 = arith.extui %eq3A_82 : i1 to i32
    %cond3A_84 = arith.constant 0 : i32
    %cond3A_85 = arith.cmpi ne, %convert_element_type3A_83, %cond3A_84 : i32
    scf.if %cond3A_85 {
      "tpu.region"() ({
        %run_scoped3A = tpu.sem_alloc : memref<!tpu.dma_semaphore, #tpu.memory_space<semaphore_mem>>
        %dma_start3A_101 = arith.constant 9360 : i32
        %dma_start3A_102 = arith.constant 0 : i32
        %dma_start3A_103 = tpu.memref_slice %arg4[%arg0, %dma_start3A_101, %dma_start3A_102] : memref<2x10000x128xf32, #tpu.memory_space<hbm>> -> memref<1x640x128xf32, #tpu.memory_space<hbm>>
        %dma_start3A_104 = tpu.memref_squeeze %dma_start3A_103 : memref<1x640x128xf32, #tpu.memory_space<hbm>> -> memref<640x128xf32, #tpu.memory_space<hbm>>
        %dma_start3A_105 = arith.constant 9360 : i32
        %dma_start3A_106 = arith.constant 0 : i32
        %dma_start3A_107 = tpu.memref_slice %arg19[%dma_start3A_105, %dma_start3A_106] : memref<10000x128xf32, #tpu.memory_space<vmem_shared>> -> memref<640x128xf32, #tpu.memory_space<vmem_shared>>
        tpu.enqueue_dma source(%dma_start3A_107 : memref<640x128xf32, #tpu.memory_space<vmem_shared>>) target(%dma_start3A_104 : memref<640x128xf32, #tpu.memory_space<hbm>>) target_semaphore(%run_scoped3A : memref<!tpu.dma_semaphore, #tpu.memory_space<semaphore_mem>>)
        %dma_wait3A = arith.constant 9360 : i32
        %dma_wait3A_108 = arith.constant 0 : i32
        %dma_wait3A_109 = tpu.memref_slice %arg4[%arg0, %dma_wait3A, %dma_wait3A_108] : memref<2x10000x128xf32, #tpu.memory_space<hbm>> -> memref<1x640x128xf32, #tpu.memory_space<hbm>>
        %dma_wait3A_110 = tpu.memref_squeeze %dma_wait3A_109 : memref<1x640x128xf32, #tpu.memory_space<hbm>> -> memref<640x128xf32, #tpu.memory_space<hbm>>
        %dma_wait3A_111 = arith.constant 9360 : i32
        %dma_wait3A_112 = arith.constant 0 : i32
        %dma_wait3A_113 = tpu.memref_slice %arg19[%dma_wait3A_111, %dma_wait3A_112] : memref<10000x128xf32, #tpu.memory_space<vmem_shared>> -> memref<640x128xf32, #tpu.memory_space<vmem_shared>>
        tpu.wait_dma2 semaphore(%run_scoped3A : memref<!tpu.dma_semaphore, #tpu.memory_space<semaphore_mem>>) src(%dma_wait3A_113 : memref<640x128xf32, #tpu.memory_space<vmem_shared>>) dst(%dma_wait3A_110 : memref<640x128xf32, #tpu.memory_space<hbm>>)
        tpu.yield
      }) : () -> ()
    } else {
    }
    %eq3A_86 = arith.constant 0 : i32
    %eq3A_87 = arith.cmpi eq, %arg1, %eq3A_86 : i32
    %eq3A_88 = arith.constant 0 : i32
    %eq3A_89 = arith.cmpi eq, %arg0, %eq3A_88 : i32
    %and3A = arith.andi %eq3A_87, %eq3A_89 : i1
    %convert_element_type3A_90 = arith.extui %and3A : i1 to i32
    %cond3A_91 = arith.constant 0 : i32
    %cond3A_92 = arith.cmpi ne, %convert_element_type3A_90, %cond3A_91 : i32
    scf.if %cond3A_92 {
      "tpu.region"() ({
        %run_scoped3A = tpu.sem_alloc : memref<!tpu.dma_semaphore, #tpu.memory_space<semaphore_mem>>
        tpu.enqueue_dma source(%arg20 : memref<10000xf32, #tpu.memory_space<vmem_shared>>) target(%arg5 : memref<10000xf32, #tpu.memory_space<hbm>>) target_semaphore(%run_scoped3A : memref<!tpu.dma_semaphore, #tpu.memory_space<semaphore_mem>>)
        tpu.wait_dma2 semaphore(%run_scoped3A : memref<!tpu.dma_semaphore, #tpu.memory_space<semaphore_mem>>) src(%arg20 : memref<10000xf32, #tpu.memory_space<vmem_shared>>) dst(%arg5 : memref<10000xf32, #tpu.memory_space<hbm>>)
        tpu.yield
      }) : () -> ()
    } else {
    }
    %eq3A_93 = arith.constant 0 : i32
    %eq3A_94 = arith.cmpi eq, %arg1, %eq3A_93 : i32
    %eq3A_95 = arith.constant 1 : i32
    %eq3A_96 = arith.cmpi eq, %arg0, %eq3A_95 : i32
    %and3A_97 = arith.andi %eq3A_94, %eq3A_96 : i1
    %convert_element_type3A_98 = arith.extui %and3A_97 : i1 to i32
    %cond3A_99 = arith.constant 0 : i32
    %cond3A_100 = arith.cmpi ne, %convert_element_type3A_98, %cond3A_99 : i32
    scf.if %cond3A_100 {
      "tpu.region"() ({
        %run_scoped3A = tpu.sem_alloc : memref<!tpu.dma_semaphore, #tpu.memory_space<semaphore_mem>>
        tpu.enqueue_dma source(%arg20 : memref<10000xf32, #tpu.memory_space<vmem_shared>>) target(%arg6 : memref<10000xf32, #tpu.memory_space<hbm>>) target_semaphore(%run_scoped3A : memref<!tpu.dma_semaphore, #tpu.memory_space<semaphore_mem>>)
        tpu.wait_dma2 semaphore(%run_scoped3A : memref<!tpu.dma_semaphore, #tpu.memory_space<semaphore_mem>>) src(%arg20 : memref<10000xf32, #tpu.memory_space<vmem_shared>>) dst(%arg6 : memref<10000xf32, #tpu.memory_space<hbm>>)
        tpu.yield
      }) : () -> ()
    } else {
    }
    return
  }
}

#map = affine_map<(d0, d1) -> (0, 0, 0)>
#map1 = affine_map<(d0, d1) -> (0)>
#map2 = affine_map<(d0, d1) -> (0, 0)>
module attributes {stable_mosaic.version = 14 : i64} {
  func.func @_phase_b(%arg0: i32, %arg1: i32, %arg2: memref<2x10000x128xf32, #tpu.memory_space<hbm>>, %arg3: memref<10000xf32, #tpu.memory_space<hbm>>, %arg4: memref<10000xf32, #tpu.memory_space<hbm>>, %arg5: memref<10000x128xf32, #tpu.memory_space<hbm>>, %arg6: memref<320x128xf32, #tpu.memory_space<vmem>>, %arg7: memref<320x128xf32, #tpu.memory_space<vmem>>, %arg8: memref<320xf32, #tpu.memory_space<vmem>>, %arg9: memref<320xf32, #tpu.memory_space<vmem>>, %arg10: memref<!tpu.dma_semaphore, #tpu.memory_space<semaphore_mem>>) attributes {dimension_semantics = [#tpu.dimension_semantics<core_parallel>, #tpu.dimension_semantics<subcore_parallel>], iteration_bounds = array<i64: 2, 16>, scalar_prefetch = 0 : i64, scratch_operands = 5 : i64, tpu.core_type = #tpu.core_type<sc_vector_subcore>, window_params = [{transform_indices = #map}, {transform_indices = #map1}, {transform_indices = #map1}, {transform_indices = #map2}]} {
    %mul3A = arith.constant 2 : i32
    %mul3A_0 = arith.muli %arg1, %mul3A : i32
    %add3A = arith.addi %mul3A_0, %arg0 : i32
    %mul3A_1 = arith.constant 320 : i32
    %mul3A_2 = arith.muli %add3A, %mul3A_1 : i32
    %eq3A = arith.constant 31 : i32
    %eq3A_3 = arith.cmpi eq, %add3A, %eq3A : i32
    %jit3A = arith.constant 9680 : i32
    %select_n3A = arith.select %eq3A_3, %jit3A, %mul3A_2 : i32
    %jit3A_4 = arith.constant 240 : i32
    %jit3A_5 = arith.constant 0 : i32
    %select_n3A_6 = arith.select %eq3A_3, %jit3A_4, %jit3A_5 : i32
    %dma_start3A = arith.constant 0 : i32
    %dma_start3A_7 = arith.constant 0 : i32
    %dma_start3A_8 = tpu.memref_slice %arg2[%dma_start3A, %select_n3A, %dma_start3A_7] : memref<2x10000x128xf32, #tpu.memory_space<hbm>> -> memref<1x320x128xf32, #tpu.memory_space<hbm>>
    %dma_start3A_9 = tpu.memref_squeeze %dma_start3A_8 : memref<1x320x128xf32, #tpu.memory_space<hbm>> -> memref<320x128xf32, #tpu.memory_space<hbm>>
    %dma_start3A_10 = arith.constant 0 : i32
    %dma_start3A_11 = tpu.memref_slice %arg2[%dma_start3A, %select_n3A, %dma_start3A_10] : memref<2x10000x128xf32, #tpu.memory_space<hbm>> -> memref<1x320x128xf32, #tpu.memory_space<hbm>>
    %dma_start3A_12 = tpu.memref_squeeze %dma_start3A_11 : memref<1x320x128xf32, #tpu.memory_space<hbm>> -> memref<320x128xf32, #tpu.memory_space<hbm>>
    tpu.enqueue_dma source(%dma_start3A_12 : memref<320x128xf32, #tpu.memory_space<hbm>>) target(%arg6 : memref<320x128xf32, #tpu.memory_space<vmem>>) target_semaphore(%arg10 : memref<!tpu.dma_semaphore, #tpu.memory_space<semaphore_mem>>)
    %dma_start3A_13 = arith.constant 1 : i32
    %dma_start3A_14 = arith.constant 0 : i32
    %dma_start3A_15 = tpu.memref_slice %arg2[%dma_start3A_13, %select_n3A, %dma_start3A_14] : memref<2x10000x128xf32, #tpu.memory_space<hbm>> -> memref<1x320x128xf32, #tpu.memory_space<hbm>>
    %dma_start3A_16 = tpu.memref_squeeze %dma_start3A_15 : memref<1x320x128xf32, #tpu.memory_space<hbm>> -> memref<320x128xf32, #tpu.memory_space<hbm>>
    %dma_start3A_17 = arith.constant 0 : i32
    %dma_start3A_18 = tpu.memref_slice %arg2[%dma_start3A_13, %select_n3A, %dma_start3A_17] : memref<2x10000x128xf32, #tpu.memory_space<hbm>> -> memref<1x320x128xf32, #tpu.memory_space<hbm>>
    %dma_start3A_19 = tpu.memref_squeeze %dma_start3A_18 : memref<1x320x128xf32, #tpu.memory_space<hbm>> -> memref<320x128xf32, #tpu.memory_space<hbm>>
    tpu.enqueue_dma source(%dma_start3A_19 : memref<320x128xf32, #tpu.memory_space<hbm>>) target(%arg7 : memref<320x128xf32, #tpu.memory_space<vmem>>) target_semaphore(%arg10 : memref<!tpu.dma_semaphore, #tpu.memory_space<semaphore_mem>>)
    %dma_start3A_20 = tpu.memref_slice %arg3[%select_n3A] : memref<10000xf32, #tpu.memory_space<hbm>> -> memref<320xf32, #tpu.memory_space<hbm>>
    %dma_start3A_21 = tpu.memref_slice %arg3[%select_n3A] : memref<10000xf32, #tpu.memory_space<hbm>> -> memref<320xf32, #tpu.memory_space<hbm>>
    tpu.enqueue_dma source(%dma_start3A_21 : memref<320xf32, #tpu.memory_space<hbm>>) target(%arg8 : memref<320xf32, #tpu.memory_space<vmem>>) target_semaphore(%arg10 : memref<!tpu.dma_semaphore, #tpu.memory_space<semaphore_mem>>)
    %dma_start3A_22 = tpu.memref_slice %arg4[%select_n3A] : memref<10000xf32, #tpu.memory_space<hbm>> -> memref<320xf32, #tpu.memory_space<hbm>>
    %dma_start3A_23 = tpu.memref_slice %arg4[%select_n3A] : memref<10000xf32, #tpu.memory_space<hbm>> -> memref<320xf32, #tpu.memory_space<hbm>>
    tpu.enqueue_dma source(%dma_start3A_23 : memref<320xf32, #tpu.memory_space<hbm>>) target(%arg9 : memref<320xf32, #tpu.memory_space<vmem>>) target_semaphore(%arg10 : memref<!tpu.dma_semaphore, #tpu.memory_space<semaphore_mem>>)
    %dma_wait3A = arith.constant 0 : i32
    %dma_wait3A_24 = arith.constant 0 : i32
    %dma_wait3A_25 = tpu.memref_slice %arg2[%dma_wait3A, %select_n3A, %dma_wait3A_24] : memref<2x10000x128xf32, #tpu.memory_space<hbm>> -> memref<1x320x128xf32, #tpu.memory_space<hbm>>
    %dma_wait3A_26 = tpu.memref_squeeze %dma_wait3A_25 : memref<1x320x128xf32, #tpu.memory_space<hbm>> -> memref<320x128xf32, #tpu.memory_space<hbm>>
    %dma_wait3A_27 = arith.constant 0 : i32
    %dma_wait3A_28 = tpu.memref_slice %arg2[%dma_wait3A, %select_n3A, %dma_wait3A_27] : memref<2x10000x128xf32, #tpu.memory_space<hbm>> -> memref<1x320x128xf32, #tpu.memory_space<hbm>>
    %dma_wait3A_29 = tpu.memref_squeeze %dma_wait3A_28 : memref<1x320x128xf32, #tpu.memory_space<hbm>> -> memref<320x128xf32, #tpu.memory_space<hbm>>
    tpu.wait_dma2 semaphore(%arg10 : memref<!tpu.dma_semaphore, #tpu.memory_space<semaphore_mem>>) src(%dma_wait3A_29 : memref<320x128xf32, #tpu.memory_space<hbm>>) dst(%arg6 : memref<320x128xf32, #tpu.memory_space<vmem>>)
    %dma_wait3A_30 = arith.constant 1 : i32
    %dma_wait3A_31 = arith.constant 0 : i32
    %dma_wait3A_32 = tpu.memref_slice %arg2[%dma_wait3A_30, %select_n3A, %dma_wait3A_31] : memref<2x10000x128xf32, #tpu.memory_space<hbm>> -> memref<1x320x128xf32, #tpu.memory_space<hbm>>
    %dma_wait3A_33 = tpu.memref_squeeze %dma_wait3A_32 : memref<1x320x128xf32, #tpu.memory_space<hbm>> -> memref<320x128xf32, #tpu.memory_space<hbm>>
    %dma_wait3A_34 = arith.constant 0 : i32
    %dma_wait3A_35 = tpu.memref_slice %arg2[%dma_wait3A_30, %select_n3A, %dma_wait3A_34] : memref<2x10000x128xf32, #tpu.memory_space<hbm>> -> memref<1x320x128xf32, #tpu.memory_space<hbm>>
    %dma_wait3A_36 = tpu.memref_squeeze %dma_wait3A_35 : memref<1x320x128xf32, #tpu.memory_space<hbm>> -> memref<320x128xf32, #tpu.memory_space<hbm>>
    tpu.wait_dma2 semaphore(%arg10 : memref<!tpu.dma_semaphore, #tpu.memory_space<semaphore_mem>>) src(%dma_wait3A_36 : memref<320x128xf32, #tpu.memory_space<hbm>>) dst(%arg7 : memref<320x128xf32, #tpu.memory_space<vmem>>)
    %dma_wait3A_37 = tpu.memref_slice %arg3[%select_n3A] : memref<10000xf32, #tpu.memory_space<hbm>> -> memref<320xf32, #tpu.memory_space<hbm>>
    %dma_wait3A_38 = tpu.memref_slice %arg3[%select_n3A] : memref<10000xf32, #tpu.memory_space<hbm>> -> memref<320xf32, #tpu.memory_space<hbm>>
    tpu.wait_dma2 semaphore(%arg10 : memref<!tpu.dma_semaphore, #tpu.memory_space<semaphore_mem>>) src(%dma_wait3A_38 : memref<320xf32, #tpu.memory_space<hbm>>) dst(%arg8 : memref<320xf32, #tpu.memory_space<vmem>>)
    %dma_wait3A_39 = tpu.memref_slice %arg4[%select_n3A] : memref<10000xf32, #tpu.memory_space<hbm>> -> memref<320xf32, #tpu.memory_space<hbm>>
    %dma_wait3A_40 = tpu.memref_slice %arg4[%select_n3A] : memref<10000xf32, #tpu.memory_space<hbm>> -> memref<320xf32, #tpu.memory_space<hbm>>
    tpu.wait_dma2 semaphore(%arg10 : memref<!tpu.dma_semaphore, #tpu.memory_space<semaphore_mem>>) src(%dma_wait3A_40 : memref<320xf32, #tpu.memory_space<hbm>>) dst(%arg9 : memref<320xf32, #tpu.memory_space<vmem>>)
    %scan3A = arith.constant 0 : i32
    %scan3A_41 = arith.constant 20 : i32
    %scan3A_42 = arith.addi %scan3A, %scan3A_41 : i32
    %scan3A_43 = arith.constant 1 : i32
    scf.for %scan3A_50 = %scan3A to %scan3A_42 step %scan3A_43  : i32 {
      %mul3A_51 = arith.constant 16 : i32
      %mul3A_52 = arith.muli %scan3A_50, %mul3A_51 : i32
      %get3A = arith.index_cast %mul3A_52 : i32 to index
      %get3A_53 = tpu.vector_load %arg8[%get3A] {strides = array<i32>} : memref<320xf32, #tpu.memory_space<vmem>>, vector<16xf32>,
      %get3A_54 = vector.shape_cast %get3A_53 : vector<16xf32> to vector<16xf32>
      %mul3A_55 = arith.constant 16 : i32
      %mul3A_56 = arith.muli %scan3A_50, %mul3A_55 : i32
      %get3A_57 = arith.index_cast %mul3A_56 : i32 to index
      %get3A_58 = tpu.vector_load %arg9[%get3A_57] {strides = array<i32>} : memref<320xf32, #tpu.memory_space<vmem>>, vector<16xf32>,
      %get3A_59 = vector.shape_cast %get3A_58 : vector<16xf32> to vector<16xf32>
      %add3A_60 = arith.addf %get3A_54, %get3A_59 : vector<16xf32>
      %max3A = arith.constant 1.000000e+00 : f32
      %max3A_61 = vector.broadcast %max3A : f32 to vector<16xf32>
      %max3A_62 = arith.maximumf %add3A_60, %max3A_61 : vector<16xf32>
      %div3A = arith.constant 1.000000e+00 : f32
      %div3A_63 = vector.broadcast %div3A : f32 to vector<16xf32>
      %div3A_64 = arith.divf %div3A_63, %max3A_62 : vector<16xf32>
      %slice3A = vector.extract_strided_slice %div3A_64 {offsets = [0], sizes = [1], strides = [1]} : vector<16xf32> to vector<1xf32>
      %squeeze3A = vector.extract %slice3A[0] : f32 from vector<1xf32>
      %mul3A_65 = arith.constant 16 : i32
      %mul3A_66 = arith.muli %scan3A_50, %mul3A_65 : i32
      %add3A_67 = arith.constant 0 : i32
      %add3A_68 = arith.addi %mul3A_66, %add3A_67 : i32
      %get3A_69 = arith.index_cast %add3A_68 : i32 to index
      %get3A_70 = arith.constant 0 : index
      %get3A_71 = tpu.vector_load %arg6[%get3A_69, %get3A_70] {strides = array<i32>} : memref<320x128xf32, #tpu.memory_space<vmem>>, vector<1x16xf32>,
      %get3A_72 = vector.shape_cast %get3A_71 : vector<1x16xf32> to vector<16xf32>
      %get3A_73 = arith.index_cast %add3A_68 : i32 to index
      %get3A_74 = arith.constant 0 : index
      %get3A_75 = tpu.vector_load %arg7[%get3A_73, %get3A_74] {strides = array<i32>} : memref<320x128xf32, #tpu.memory_space<vmem>>, vector<1x16xf32>,
      %get3A_76 = vector.shape_cast %get3A_75 : vector<1x16xf32> to vector<16xf32>
      %add3A_77 = arith.addf %get3A_72, %get3A_76 : vector<16xf32>
      %mul3A_78 = vector.broadcast %squeeze3A : f32 to vector<16xf32>
      %mul3A_79 = arith.mulf %add3A_77, %mul3A_78 : vector<16xf32>
      %swap3A = arith.index_cast %add3A_68 : i32 to index
      %swap3A_80 = arith.constant 0 : index
      %swap3A_81 = tpu.vector_load %arg6[%swap3A, %swap3A_80] {strides = array<i32>} : memref<320x128xf32, #tpu.memory_space<vmem>>, vector<1x16xf32>,
      %swap3A_82 = vector.shape_cast %swap3A_81 : vector<1x16xf32> to vector<16xf32>
      %swap3A_83 = vector.shape_cast %mul3A_79 : vector<16xf32> to vector<1x16xf32>
      tpu.vector_store %arg6[%swap3A, %swap3A_80], %swap3A_83 {strides = array<i32>} : memref<320x128xf32, #tpu.memory_space<vmem>>, vector<1x16xf32>,
      %get3A_84 = arith.index_cast %add3A_68 : i32 to index
      %get3A_85 = arith.constant 16 : index
      %get3A_86 = tpu.vector_load %arg6[%get3A_84, %get3A_85] {strides = array<i32>} : memref<320x128xf32, #tpu.memory_space<vmem>>, vector<1x16xf32>,
      %get3A_87 = vector.shape_cast %get3A_86 : vector<1x16xf32> to vector<16xf32>
      %get3A_88 = arith.index_cast %add3A_68 : i32 to index
      %get3A_89 = arith.constant 16 : index
      %get3A_90 = tpu.vector_load %arg7[%get3A_88, %get3A_89] {strides = array<i32>} : memref<320x128xf32, #tpu.memory_space<vmem>>, vector<1x16xf32>,
      %get3A_91 = vector.shape_cast %get3A_90 : vector<1x16xf32> to vector<16xf32>
      %add3A_92 = arith.addf %get3A_87, %get3A_91 : vector<16xf32>
      %mul3A_93 = vector.broadcast %squeeze3A : f32 to vector<16xf32>
      %mul3A_94 = arith.mulf %add3A_92, %mul3A_93 : vector<16xf32>
      %swap3A_95 = arith.index_cast %add3A_68 : i32 to index
      %swap3A_96 = arith.constant 16 : index
      %swap3A_97 = tpu.vector_load %arg6[%swap3A_95, %swap3A_96] {strides = array<i32>} : memref<320x128xf32, #tpu.memory_space<vmem>>, vector<1x16xf32>,
      %swap3A_98 = vector.shape_cast %swap3A_97 : vector<1x16xf32> to vector<16xf32>
      %swap3A_99 = vector.shape_cast %mul3A_94 : vector<16xf32> to vector<1x16xf32>
      tpu.vector_store %arg6[%swap3A_95, %swap3A_96], %swap3A_99 {strides = array<i32>} : memref<320x128xf32, #tpu.memory_space<vmem>>, vector<1x16xf32>,
      %get3A_100 = arith.index_cast %add3A_68 : i32 to index
      %get3A_101 = arith.constant 32 : index
      %get3A_102 = tpu.vector_load %arg6[%get3A_100, %get3A_101] {strides = array<i32>} : memref<320x128xf32, #tpu.memory_space<vmem>>, vector<1x16xf32>,
      %get3A_103 = vector.shape_cast %get3A_102 : vector<1x16xf32> to vector<16xf32>
      %get3A_104 = arith.index_cast %add3A_68 : i32 to index
      %get3A_105 = arith.constant 32 : index
      %get3A_106 = tpu.vector_load %arg7[%get3A_104, %get3A_105] {strides = array<i32>} : memref<320x128xf32, #tpu.memory_space<vmem>>, vector<1x16xf32>,
      %get3A_107 = vector.shape_cast %get3A_106 : vector<1x16xf32> to vector<16xf32>
      %add3A_108 = arith.addf %get3A_103, %get3A_107 : vector<16xf32>
      %mul3A_109 = vector.broadcast %squeeze3A : f32 to vector<16xf32>
      %mul3A_110 = arith.mulf %add3A_108, %mul3A_109 : vector<16xf32>
      %swap3A_111 = arith.index_cast %add3A_68 : i32 to index
      %swap3A_112 = arith.constant 32 : index
      %swap3A_113 = tpu.vector_load %arg6[%swap3A_111, %swap3A_112] {strides = array<i32>} : memref<320x128xf32, #tpu.memory_space<vmem>>, vector<1x16xf32>,
      %swap3A_114 = vector.shape_cast %swap3A_113 : vector<1x16xf32> to vector<16xf32>
      %swap3A_115 = vector.shape_cast %mul3A_110 : vector<16xf32> to vector<1x16xf32>
      tpu.vector_store %arg6[%swap3A_111, %swap3A_112], %swap3A_115 {strides = array<i32>} : memref<320x128xf32, #tpu.memory_space<vmem>>, vector<1x16xf32>,
      %get3A_116 = arith.index_cast %add3A_68 : i32 to index
      %get3A_117 = arith.constant 48 : index
      %get3A_118 = tpu.vector_load %arg6[%get3A_116, %get3A_117] {strides = array<i32>} : memref<320x128xf32, #tpu.memory_space<vmem>>, vector<1x16xf32>,
      %get3A_119 = vector.shape_cast %get3A_118 : vector<1x16xf32> to vector<16xf32>
      %get3A_120 = arith.index_cast %add3A_68 : i32 to index
      %get3A_121 = arith.constant 48 : index
      %get3A_122 = tpu.vector_load %arg7[%get3A_120, %get3A_121] {strides = array<i32>} : memref<320x128xf32, #tpu.memory_space<vmem>>, vector<1x16xf32>,
      %get3A_123 = vector.shape_cast %get3A_122 : vector<1x16xf32> to vector<16xf32>
      %add3A_124 = arith.addf %get3A_119, %get3A_123 : vector<16xf32>
      %mul3A_125 = vector.broadcast %squeeze3A : f32 to vector<16xf32>
      %mul3A_126 = arith.mulf %add3A_124, %mul3A_125 : vector<16xf32>
      %swap3A_127 = arith.index_cast %add3A_68 : i32 to index
      %swap3A_128 = arith.constant 48 : index
      %swap3A_129 = tpu.vector_load %arg6[%swap3A_127, %swap3A_128] {strides = array<i32>} : memref<320x128xf32, #tpu.memory_space<vmem>>, vector<1x16xf32>,
      %swap3A_130 = vector.shape_cast %swap3A_129 : vector<1x16xf32> to vector<16xf32>
      %swap3A_131 = vector.shape_cast %mul3A_126 : vector<16xf32> to vector<1x16xf32>
      tpu.vector_store %arg6[%swap3A_127, %swap3A_128], %swap3A_131 {strides = array<i32>} : memref<320x128xf32, #tpu.memory_space<vmem>>, vector<1x16xf32>,
      %get3A_132 = arith.index_cast %add3A_68 : i32 to index
      %get3A_133 = arith.constant 64 : index
      %get3A_134 = tpu.vector_load %arg6[%get3A_132, %get3A_133] {strides = array<i32>} : memref<320x128xf32, #tpu.memory_space<vmem>>, vector<1x16xf32>,
      %get3A_135 = vector.shape_cast %get3A_134 : vector<1x16xf32> to vector<16xf32>
      %get3A_136 = arith.index_cast %add3A_68 : i32 to index
      %get3A_137 = arith.constant 64 : index
      %get3A_138 = tpu.vector_load %arg7[%get3A_136, %get3A_137] {strides = array<i32>} : memref<320x128xf32, #tpu.memory_space<vmem>>, vector<1x16xf32>,
      %get3A_139 = vector.shape_cast %get3A_138 : vector<1x16xf32> to vector<16xf32>
      %add3A_140 = arith.addf %get3A_135, %get3A_139 : vector<16xf32>
      %mul3A_141 = vector.broadcast %squeeze3A : f32 to vector<16xf32>
      %mul3A_142 = arith.mulf %add3A_140, %mul3A_141 : vector<16xf32>
      %swap3A_143 = arith.index_cast %add3A_68 : i32 to index
      %swap3A_144 = arith.constant 64 : index
      %swap3A_145 = tpu.vector_load %arg6[%swap3A_143, %swap3A_144] {strides = array<i32>} : memref<320x128xf32, #tpu.memory_space<vmem>>, vector<1x16xf32>,
      %swap3A_146 = vector.shape_cast %swap3A_145 : vector<1x16xf32> to vector<16xf32>
      %swap3A_147 = vector.shape_cast %mul3A_142 : vector<16xf32> to vector<1x16xf32>
      tpu.vector_store %arg6[%swap3A_143, %swap3A_144], %swap3A_147 {strides = array<i32>} : memref<320x128xf32, #tpu.memory_space<vmem>>, vector<1x16xf32>,
      %get3A_148 = arith.index_cast %add3A_68 : i32 to index
      %get3A_149 = arith.constant 80 : index
      %get3A_150 = tpu.vector_load %arg6[%get3A_148, %get3A_149] {strides = array<i32>} : memref<320x128xf32, #tpu.memory_space<vmem>>, vector<1x16xf32>,
      %get3A_151 = vector.shape_cast %get3A_150 : vector<1x16xf32> to vector<16xf32>
      %get3A_152 = arith.index_cast %add3A_68 : i32 to index
      %get3A_153 = arith.constant 80 : index
      %get3A_154 = tpu.vector_load %arg7[%get3A_152, %get3A_153] {strides = array<i32>} : memref<320x128xf32, #tpu.memory_space<vmem>>, vector<1x16xf32>,
      %get3A_155 = vector.shape_cast %get3A_154 : vector<1x16xf32> to vector<16xf32>
      %add3A_156 = arith.addf %get3A_151, %get3A_155 : vector<16xf32>
      %mul3A_157 = vector.broadcast %squeeze3A : f32 to vector<16xf32>
      %mul3A_158 = arith.mulf %add3A_156, %mul3A_157 : vector<16xf32>
      %swap3A_159 = arith.index_cast %add3A_68 : i32 to index
      %swap3A_160 = arith.constant 80 : index
      %swap3A_161 = tpu.vector_load %arg6[%swap3A_159, %swap3A_160] {strides = array<i32>} : memref<320x128xf32, #tpu.memory_space<vmem>>, vector<1x16xf32>,
      %swap3A_162 = vector.shape_cast %swap3A_161 : vector<1x16xf32> to vector<16xf32>
      %swap3A_163 = vector.shape_cast %mul3A_158 : vector<16xf32> to vector<1x16xf32>
      tpu.vector_store %arg6[%swap3A_159, %swap3A_160], %swap3A_163 {strides = array<i32>} : memref<320x128xf32, #tpu.memory_space<vmem>>, vector<1x16xf32>,
      %get3A_164 = arith.index_cast %add3A_68 : i32 to index
      %get3A_165 = arith.constant 96 : index
      %get3A_166 = tpu.vector_load %arg6[%get3A_164, %get3A_165] {strides = array<i32>} : memref<320x128xf32, #tpu.memory_space<vmem>>, vector<1x16xf32>,
      %get3A_167 = vector.shape_cast %get3A_166 : vector<1x16xf32> to vector<16xf32>
      %get3A_168 = arith.index_cast %add3A_68 : i32 to index
      %get3A_169 = arith.constant 96 : index
      %get3A_170 = tpu.vector_load %arg7[%get3A_168, %get3A_169] {strides = array<i32>} : memref<320x128xf32, #tpu.memory_space<vmem>>, vector<1x16xf32>,
      %get3A_171 = vector.shape_cast %get3A_170 : vector<1x16xf32> to vector<16xf32>
      %add3A_172 = arith.addf %get3A_167, %get3A_171 : vector<16xf32>
      %mul3A_173 = vector.broadcast %squeeze3A : f32 to vector<16xf32>
      %mul3A_174 = arith.mulf %add3A_172, %mul3A_173 : vector<16xf32>
      %swap3A_175 = arith.index_cast %add3A_68 : i32 to index
      %swap3A_176 = arith.constant 96 : index
      %swap3A_177 = tpu.vector_load %arg6[%swap3A_175, %swap3A_176] {strides = array<i32>} : memref<320x128xf32, #tpu.memory_space<vmem>>, vector<1x16xf32>,
      %swap3A_178 = vector.shape_cast %swap3A_177 : vector<1x16xf32> to vector<16xf32>
      %swap3A_179 = vector.shape_cast %mul3A_174 : vector<16xf32> to vector<1x16xf32>
      tpu.vector_store %arg6[%swap3A_175, %swap3A_176], %swap3A_179 {strides = array<i32>} : memref<320x128xf32, #tpu.memory_space<vmem>>, vector<1x16xf32>,
      %get3A_180 = arith.index_cast %add3A_68 : i32 to index
      %get3A_181 = arith.constant 112 : index
      %get3A_182 = tpu.vector_load %arg6[%get3A_180, %get3A_181] {strides = array<i32>} : memref<320x128xf32, #tpu.memory_space<vmem>>, vector<1x16xf32>,
      %get3A_183 = vector.shape_cast %get3A_182 : vector<1x16xf32> to vector<16xf32>
      %get3A_184 = arith.index_cast %add3A_68 : i32 to index
      %get3A_185 = arith.constant 112 : index
      %get3A_186 = tpu.vector_load %arg7[%get3A_184, %get3A_185] {strides = array<i32>} : memref<320x128xf32, #tpu.memory_space<vmem>>, vector<1x16xf32>,
      %get3A_187 = vector.shape_cast %get3A_186 : vector<1x16xf32> to vector<16xf32>
      %add3A_188 = arith.addf %get3A_183, %get3A_187 : vector<16xf32>
      %mul3A_189 = vector.broadcast %squeeze3A : f32 to vector<16xf32>
      %mul3A_190 = arith.mulf %add3A_188, %mul3A_189 : vector<16xf32>
      %swap3A_191 = arith.index_cast %add3A_68 : i32 to index
      %swap3A_192 = arith.constant 112 : index
      %swap3A_193 = tpu.vector_load %arg6[%swap3A_191, %swap3A_192] {strides = array<i32>} : memref<320x128xf32, #tpu.memory_space<vmem>>, vector<1x16xf32>,
      %swap3A_194 = vector.shape_cast %swap3A_193 : vector<1x16xf32> to vector<16xf32>
      %swap3A_195 = vector.shape_cast %mul3A_190 : vector<16xf32> to vector<1x16xf32>
      tpu.vector_store %arg6[%swap3A_191, %swap3A_192], %swap3A_195 {strides = array<i32>} : memref<320x128xf32, #tpu.memory_space<vmem>>, vector<1x16xf32>,
      %slice3A_196 = vector.extract_strided_slice %div3A_64 {offsets = [1], sizes = [1], strides = [1]} : vector<16xf32> to vector<1xf32>
      %squeeze3A_197 = vector.extract %slice3A_196[0] : f32 from vector<1xf32>
      %mul3A_198 = arith.constant 16 : i32
      %mul3A_199 = arith.muli %scan3A_50, %mul3A_198 : i32
      %add3A_200 = arith.constant 1 : i32
      %add3A_201 = arith.addi %mul3A_199, %add3A_200 : i32
      %get3A_202 = arith.index_cast %add3A_201 : i32 to index
      %get3A_203 = arith.constant 0 : index
      %get3A_204 = tpu.vector_load %arg6[%get3A_202, %get3A_203] {strides = array<i32>} : memref<320x128xf32, #tpu.memory_space<vmem>>, vector<1x16xf32>,
      %get3A_205 = vector.shape_cast %get3A_204 : vector<1x16xf32> to vector<16xf32>
      %get3A_206 = arith.index_cast %add3A_201 : i32 to index
      %get3A_207 = arith.constant 0 : index
      %get3A_208 = tpu.vector_load %arg7[%get3A_206, %get3A_207] {strides = array<i32>} : memref<320x128xf32, #tpu.memory_space<vmem>>, vector<1x16xf32>,
      %get3A_209 = vector.shape_cast %get3A_208 : vector<1x16xf32> to vector<16xf32>
      %add3A_210 = arith.addf %get3A_205, %get3A_209 : vector<16xf32>
      %mul3A_211 = vector.broadcast %squeeze3A_197 : f32 to vector<16xf32>
      %mul3A_212 = arith.mulf %add3A_210, %mul3A_211 : vector<16xf32>
      %swap3A_213 = arith.index_cast %add3A_201 : i32 to index
      %swap3A_214 = arith.constant 0 : index
      %swap3A_215 = tpu.vector_load %arg6[%swap3A_213, %swap3A_214] {strides = array<i32>} : memref<320x128xf32, #tpu.memory_space<vmem>>, vector<1x16xf32>,
      %swap3A_216 = vector.shape_cast %swap3A_215 : vector<1x16xf32> to vector<16xf32>
      %swap3A_217 = vector.shape_cast %mul3A_212 : vector<16xf32> to vector<1x16xf32>
      tpu.vector_store %arg6[%swap3A_213, %swap3A_214], %swap3A_217 {strides = array<i32>} : memref<320x128xf32, #tpu.memory_space<vmem>>, vector<1x16xf32>,
      %get3A_218 = arith.index_cast %add3A_201 : i32 to index
      %get3A_219 = arith.constant 16 : index
      %get3A_220 = tpu.vector_load %arg6[%get3A_218, %get3A_219] {strides = array<i32>} : memref<320x128xf32, #tpu.memory_space<vmem>>, vector<1x16xf32>,
      %get3A_221 = vector.shape_cast %get3A_220 : vector<1x16xf32> to vector<16xf32>
      %get3A_222 = arith.index_cast %add3A_201 : i32 to index
      %get3A_223 = arith.constant 16 : index
      %get3A_224 = tpu.vector_load %arg7[%get3A_222, %get3A_223] {strides = array<i32>} : memref<320x128xf32, #tpu.memory_space<vmem>>, vector<1x16xf32>,
      %get3A_225 = vector.shape_cast %get3A_224 : vector<1x16xf32> to vector<16xf32>
      %add3A_226 = arith.addf %get3A_221, %get3A_225 : vector<16xf32>
      %mul3A_227 = vector.broadcast %squeeze3A_197 : f32 to vector<16xf32>
      %mul3A_228 = arith.mulf %add3A_226, %mul3A_227 : vector<16xf32>
      %swap3A_229 = arith.index_cast %add3A_201 : i32 to index
      %swap3A_230 = arith.constant 16 : index
      %swap3A_231 = tpu.vector_load %arg6[%swap3A_229, %swap3A_230] {strides = array<i32>} : memref<320x128xf32, #tpu.memory_space<vmem>>, vector<1x16xf32>,
      %swap3A_232 = vector.shape_cast %swap3A_231 : vector<1x16xf32> to vector<16xf32>
      %swap3A_233 = vector.shape_cast %mul3A_228 : vector<16xf32> to vector<1x16xf32>
      tpu.vector_store %arg6[%swap3A_229, %swap3A_230], %swap3A_233 {strides = array<i32>} : memref<320x128xf32, #tpu.memory_space<vmem>>, vector<1x16xf32>,
      %get3A_234 = arith.index_cast %add3A_201 : i32 to index
      %get3A_235 = arith.constant 32 : index
      %get3A_236 = tpu.vector_load %arg6[%get3A_234, %get3A_235] {strides = array<i32>} : memref<320x128xf32, #tpu.memory_space<vmem>>, vector<1x16xf32>,
      %get3A_237 = vector.shape_cast %get3A_236 : vector<1x16xf32> to vector<16xf32>
      %get3A_238 = arith.index_cast %add3A_201 : i32 to index
      %get3A_239 = arith.constant 32 : index
      %get3A_240 = tpu.vector_load %arg7[%get3A_238, %get3A_239] {strides = array<i32>} : memref<320x128xf32, #tpu.memory_space<vmem>>, vector<1x16xf32>,
      %get3A_241 = vector.shape_cast %get3A_240 : vector<1x16xf32> to vector<16xf32>
      %add3A_242 = arith.addf %get3A_237, %get3A_241 : vector<16xf32>
      %mul3A_243 = vector.broadcast %squeeze3A_197 : f32 to vector<16xf32>
      %mul3A_244 = arith.mulf %add3A_242, %mul3A_243 : vector<16xf32>
      %swap3A_245 = arith.index_cast %add3A_201 : i32 to index
      %swap3A_246 = arith.constant 32 : index
      %swap3A_247 = tpu.vector_load %arg6[%swap3A_245, %swap3A_246] {strides = array<i32>} : memref<320x128xf32, #tpu.memory_space<vmem>>, vector<1x16xf32>,
      %swap3A_248 = vector.shape_cast %swap3A_247 : vector<1x16xf32> to vector<16xf32>
      %swap3A_249 = vector.shape_cast %mul3A_244 : vector<16xf32> to vector<1x16xf32>
      tpu.vector_store %arg6[%swap3A_245, %swap3A_246], %swap3A_249 {strides = array<i32>} : memref<320x128xf32, #tpu.memory_space<vmem>>, vector<1x16xf32>,
      %get3A_250 = arith.index_cast %add3A_201 : i32 to index
      %get3A_251 = arith.constant 48 : index
      %get3A_252 = tpu.vector_load %arg6[%get3A_250, %get3A_251] {strides = array<i32>} : memref<320x128xf32, #tpu.memory_space<vmem>>, vector<1x16xf32>,
      %get3A_253 = vector.shape_cast %get3A_252 : vector<1x16xf32> to vector<16xf32>
      %get3A_254 = arith.index_cast %add3A_201 : i32 to index
      %get3A_255 = arith.constant 48 : index
      %get3A_256 = tpu.vector_load %arg7[%get3A_254, %get3A_255] {strides = array<i32>} : memref<320x128xf32, #tpu.memory_space<vmem>>, vector<1x16xf32>,
      %get3A_257 = vector.shape_cast %get3A_256 : vector<1x16xf32> to vector<16xf32>
      %add3A_258 = arith.addf %get3A_253, %get3A_257 : vector<16xf32>
      %mul3A_259 = vector.broadcast %squeeze3A_197 : f32 to vector<16xf32>
      %mul3A_260 = arith.mulf %add3A_258, %mul3A_259 : vector<16xf32>
      %swap3A_261 = arith.index_cast %add3A_201 : i32 to index
      %swap3A_262 = arith.constant 48 : index
      %swap3A_263 = tpu.vector_load %arg6[%swap3A_261, %swap3A_262] {strides = array<i32>} : memref<320x128xf32, #tpu.memory_space<vmem>>, vector<1x16xf32>,
      %swap3A_264 = vector.shape_cast %swap3A_263 : vector<1x16xf32> to vector<16xf32>
      %swap3A_265 = vector.shape_cast %mul3A_260 : vector<16xf32> to vector<1x16xf32>
      tpu.vector_store %arg6[%swap3A_261, %swap3A_262], %swap3A_265 {strides = array<i32>} : memref<320x128xf32, #tpu.memory_space<vmem>>, vector<1x16xf32>,
      %get3A_266 = arith.index_cast %add3A_201 : i32 to index
      %get3A_267 = arith.constant 64 : index
      %get3A_268 = tpu.vector_load %arg6[%get3A_266, %get3A_267] {strides = array<i32>} : memref<320x128xf32, #tpu.memory_space<vmem>>, vector<1x16xf32>,
      %get3A_269 = vector.shape_cast %get3A_268 : vector<1x16xf32> to vector<16xf32>
      %get3A_270 = arith.index_cast %add3A_201 : i32 to index
      %get3A_271 = arith.constant 64 : index
      %get3A_272 = tpu.vector_load %arg7[%get3A_270, %get3A_271] {strides = array<i32>} : memref<320x128xf32, #tpu.memory_space<vmem>>, vector<1x16xf32>,
      %get3A_273 = vector.shape_cast %get3A_272 : vector<1x16xf32> to vector<16xf32>
      %add3A_274 = arith.addf %get3A_269, %get3A_273 : vector<16xf32>
      %mul3A_275 = vector.broadcast %squeeze3A_197 : f32 to vector<16xf32>
      %mul3A_276 = arith.mulf %add3A_274, %mul3A_275 : vector<16xf32>
      %swap3A_277 = arith.index_cast %add3A_201 : i32 to index
      %swap3A_278 = arith.constant 64 : index
      %swap3A_279 = tpu.vector_load %arg6[%swap3A_277, %swap3A_278] {strides = array<i32>} : memref<320x128xf32, #tpu.memory_space<vmem>>, vector<1x16xf32>,
      %swap3A_280 = vector.shape_cast %swap3A_279 : vector<1x16xf32> to vector<16xf32>
      %swap3A_281 = vector.shape_cast %mul3A_276 : vector<16xf32> to vector<1x16xf32>
      tpu.vector_store %arg6[%swap3A_277, %swap3A_278], %swap3A_281 {strides = array<i32>} : memref<320x128xf32, #tpu.memory_space<vmem>>, vector<1x16xf32>,
      %get3A_282 = arith.index_cast %add3A_201 : i32 to index
      %get3A_283 = arith.constant 80 : index
      %get3A_284 = tpu.vector_load %arg6[%get3A_282, %get3A_283] {strides = array<i32>} : memref<320x128xf32, #tpu.memory_space<vmem>>, vector<1x16xf32>,
      %get3A_285 = vector.shape_cast %get3A_284 : vector<1x16xf32> to vector<16xf32>
      %get3A_286 = arith.index_cast %add3A_201 : i32 to index
      %get3A_287 = arith.constant 80 : index
      %get3A_288 = tpu.vector_load %arg7[%get3A_286, %get3A_287] {strides = array<i32>} : memref<320x128xf32, #tpu.memory_space<vmem>>, vector<1x16xf32>,
      %get3A_289 = vector.shape_cast %get3A_288 : vector<1x16xf32> to vector<16xf32>
      %add3A_290 = arith.addf %get3A_285, %get3A_289 : vector<16xf32>
      %mul3A_291 = vector.broadcast %squeeze3A_197 : f32 to vector<16xf32>
      %mul3A_292 = arith.mulf %add3A_290, %mul3A_291 : vector<16xf32>
      %swap3A_293 = arith.index_cast %add3A_201 : i32 to index
      %swap3A_294 = arith.constant 80 : index
      %swap3A_295 = tpu.vector_load %arg6[%swap3A_293, %swap3A_294] {strides = array<i32>} : memref<320x128xf32, #tpu.memory_space<vmem>>, vector<1x16xf32>,
      %swap3A_296 = vector.shape_cast %swap3A_295 : vector<1x16xf32> to vector<16xf32>
      %swap3A_297 = vector.shape_cast %mul3A_292 : vector<16xf32> to vector<1x16xf32>
      tpu.vector_store %arg6[%swap3A_293, %swap3A_294], %swap3A_297 {strides = array<i32>} : memref<320x128xf32, #tpu.memory_space<vmem>>, vector<1x16xf32>,
      %get3A_298 = arith.index_cast %add3A_201 : i32 to index
      %get3A_299 = arith.constant 96 : index
      %get3A_300 = tpu.vector_load %arg6[%get3A_298, %get3A_299] {strides = array<i32>} : memref<320x128xf32, #tpu.memory_space<vmem>>, vector<1x16xf32>,
      %get3A_301 = vector.shape_cast %get3A_300 : vector<1x16xf32> to vector<16xf32>
      %get3A_302 = arith.index_cast %add3A_201 : i32 to index
      %get3A_303 = arith.constant 96 : index
      %get3A_304 = tpu.vector_load %arg7[%get3A_302, %get3A_303] {strides = array<i32>} : memref<320x128xf32, #tpu.memory_space<vmem>>, vector<1x16xf32>,
      %get3A_305 = vector.shape_cast %get3A_304 : vector<1x16xf32> to vector<16xf32>
      %add3A_306 = arith.addf %get3A_301, %get3A_305 : vector<16xf32>
      %mul3A_307 = vector.broadcast %squeeze3A_197 : f32 to vector<16xf32>
      %mul3A_308 = arith.mulf %add3A_306, %mul3A_307 : vector<16xf32>
      %swap3A_309 = arith.index_cast %add3A_201 : i32 to index
      %swap3A_310 = arith.constant 96 : index
      %swap3A_311 = tpu.vector_load %arg6[%swap3A_309, %swap3A_310] {strides = array<i32>} : memref<320x128xf32, #tpu.memory_space<vmem>>, vector<1x16xf32>,
      %swap3A_312 = vector.shape_cast %swap3A_311 : vector<1x16xf32> to vector<16xf32>
      %swap3A_313 = vector.shape_cast %mul3A_308 : vector<16xf32> to vector<1x16xf32>
      tpu.vector_store %arg6[%swap3A_309, %swap3A_310], %swap3A_313 {strides = array<i32>} : memref<320x128xf32, #tpu.memory_space<vmem>>, vector<1x16xf32>,
      %get3A_314 = arith.index_cast %add3A_201 : i32 to index
      %get3A_315 = arith.constant 112 : index
      %get3A_316 = tpu.vector_load %arg6[%get3A_314, %get3A_315] {strides = array<i32>} : memref<320x128xf32, #tpu.memory_space<vmem>>, vector<1x16xf32>,
      %get3A_317 = vector.shape_cast %get3A_316 : vector<1x16xf32> to vector<16xf32>
      %get3A_318 = arith.index_cast %add3A_201 : i32 to index
      %get3A_319 = arith.constant 112 : index
      %get3A_320 = tpu.vector_load %arg7[%get3A_318, %get3A_319] {strides = array<i32>} : memref<320x128xf32, #tpu.memory_space<vmem>>, vector<1x16xf32>,
      %get3A_321 = vector.shape_cast %get3A_320 : vector<1x16xf32> to vector<16xf32>
      %add3A_322 = arith.addf %get3A_317, %get3A_321 : vector<16xf32>
      %mul3A_323 = vector.broadcast %squeeze3A_197 : f32 to vector<16xf32>
      %mul3A_324 = arith.mulf %add3A_322, %mul3A_323 : vector<16xf32>
      %swap3A_325 = arith.index_cast %add3A_201 : i32 to index
      %swap3A_326 = arith.constant 112 : index
      %swap3A_327 = tpu.vector_load %arg6[%swap3A_325, %swap3A_326] {strides = array<i32>} : memref<320x128xf32, #tpu.memory_space<vmem>>, vector<1x16xf32>,
      %swap3A_328 = vector.shape_cast %swap3A_327 : vector<1x16xf32> to vector<16xf32>
      %swap3A_329 = vector.shape_cast %mul3A_324 : vector<16xf32> to vector<1x16xf32>
      tpu.vector_store %arg6[%swap3A_325, %swap3A_326], %swap3A_329 {strides = array<i32>} : memref<320x128xf32, #tpu.memory_space<vmem>>, vector<1x16xf32>,
      %slice3A_330 = vector.extract_strided_slice %div3A_64 {offsets = [2], sizes = [1], strides = [1]} : vector<16xf32> to vector<1xf32>
      %squeeze3A_331 = vector.extract %slice3A_330[0] : f32 from vector<1xf32>
      %mul3A_332 = arith.constant 16 : i32
      %mul3A_333 = arith.muli %scan3A_50, %mul3A_332 : i32
      %add3A_334 = arith.constant 2 : i32
      %add3A_335 = arith.addi %mul3A_333, %add3A_334 : i32
      %get3A_336 = arith.index_cast %add3A_335 : i32 to index
      %get3A_337 = arith.constant 0 : index
      %get3A_338 = tpu.vector_load %arg6[%get3A_336, %get3A_337] {strides = array<i32>} : memref<320x128xf32, #tpu.memory_space<vmem>>, vector<1x16xf32>,
      %get3A_339 = vector.shape_cast %get3A_338 : vector<1x16xf32> to vector<16xf32>
      %get3A_340 = arith.index_cast %add3A_335 : i32 to index
      %get3A_341 = arith.constant 0 : index
      %get3A_342 = tpu.vector_load %arg7[%get3A_340, %get3A_341] {strides = array<i32>} : memref<320x128xf32, #tpu.memory_space<vmem>>, vector<1x16xf32>,
      %get3A_343 = vector.shape_cast %get3A_342 : vector<1x16xf32> to vector<16xf32>
      %add3A_344 = arith.addf %get3A_339, %get3A_343 : vector<16xf32>
      %mul3A_345 = vector.broadcast %squeeze3A_331 : f32 to vector<16xf32>
      %mul3A_346 = arith.mulf %add3A_344, %mul3A_345 : vector<16xf32>
      %swap3A_347 = arith.index_cast %add3A_335 : i32 to index
      %swap3A_348 = arith.constant 0 : index
      %swap3A_349 = tpu.vector_load %arg6[%swap3A_347, %swap3A_348] {strides = array<i32>} : memref<320x128xf32, #tpu.memory_space<vmem>>, vector<1x16xf32>,
      %swap3A_350 = vector.shape_cast %swap3A_349 : vector<1x16xf32> to vector<16xf32>
      %swap3A_351 = vector.shape_cast %mul3A_346 : vector<16xf32> to vector<1x16xf32>
      tpu.vector_store %arg6[%swap3A_347, %swap3A_348], %swap3A_351 {strides = array<i32>} : memref<320x128xf32, #tpu.memory_space<vmem>>, vector<1x16xf32>,
      %get3A_352 = arith.index_cast %add3A_335 : i32 to index
      %get3A_353 = arith.constant 16 : index
      %get3A_354 = tpu.vector_load %arg6[%get3A_352, %get3A_353] {strides = array<i32>} : memref<320x128xf32, #tpu.memory_space<vmem>>, vector<1x16xf32>,
      %get3A_355 = vector.shape_cast %get3A_354 : vector<1x16xf32> to vector<16xf32>
      %get3A_356 = arith.index_cast %add3A_335 : i32 to index
      %get3A_357 = arith.constant 16 : index
      %get3A_358 = tpu.vector_load %arg7[%get3A_356, %get3A_357] {strides = array<i32>} : memref<320x128xf32, #tpu.memory_space<vmem>>, vector<1x16xf32>,
      %get3A_359 = vector.shape_cast %get3A_358 : vector<1x16xf32> to vector<16xf32>
      %add3A_360 = arith.addf %get3A_355, %get3A_359 : vector<16xf32>
      %mul3A_361 = vector.broadcast %squeeze3A_331 : f32 to vector<16xf32>
      %mul3A_362 = arith.mulf %add3A_360, %mul3A_361 : vector<16xf32>
      %swap3A_363 = arith.index_cast %add3A_335 : i32 to index
      %swap3A_364 = arith.constant 16 : index
      %swap3A_365 = tpu.vector_load %arg6[%swap3A_363, %swap3A_364] {strides = array<i32>} : memref<320x128xf32, #tpu.memory_space<vmem>>, vector<1x16xf32>,
      %swap3A_366 = vector.shape_cast %swap3A_365 : vector<1x16xf32> to vector<16xf32>
      %swap3A_367 = vector.shape_cast %mul3A_362 : vector<16xf32> to vector<1x16xf32>
      tpu.vector_store %arg6[%swap3A_363, %swap3A_364], %swap3A_367 {strides = array<i32>} : memref<320x128xf32, #tpu.memory_space<vmem>>, vector<1x16xf32>,
      %get3A_368 = arith.index_cast %add3A_335 : i32 to index
      %get3A_369 = arith.constant 32 : index
      %get3A_370 = tpu.vector_load %arg6[%get3A_368, %get3A_369] {strides = array<i32>} : memref<320x128xf32, #tpu.memory_space<vmem>>, vector<1x16xf32>,
      %get3A_371 = vector.shape_cast %get3A_370 : vector<1x16xf32> to vector<16xf32>
      %get3A_372 = arith.index_cast %add3A_335 : i32 to index
      %get3A_373 = arith.constant 32 : index
      %get3A_374 = tpu.vector_load %arg7[%get3A_372, %get3A_373] {strides = array<i32>} : memref<320x128xf32, #tpu.memory_space<vmem>>, vector<1x16xf32>,
      %get3A_375 = vector.shape_cast %get3A_374 : vector<1x16xf32> to vector<16xf32>
      %add3A_376 = arith.addf %get3A_371, %get3A_375 : vector<16xf32>
      %mul3A_377 = vector.broadcast %squeeze3A_331 : f32 to vector<16xf32>
      %mul3A_378 = arith.mulf %add3A_376, %mul3A_377 : vector<16xf32>
      %swap3A_379 = arith.index_cast %add3A_335 : i32 to index
      %swap3A_380 = arith.constant 32 : index
      %swap3A_381 = tpu.vector_load %arg6[%swap3A_379, %swap3A_380] {strides = array<i32>} : memref<320x128xf32, #tpu.memory_space<vmem>>, vector<1x16xf32>,
      %swap3A_382 = vector.shape_cast %swap3A_381 : vector<1x16xf32> to vector<16xf32>
      %swap3A_383 = vector.shape_cast %mul3A_378 : vector<16xf32> to vector<1x16xf32>
      tpu.vector_store %arg6[%swap3A_379, %swap3A_380], %swap3A_383 {strides = array<i32>} : memref<320x128xf32, #tpu.memory_space<vmem>>, vector<1x16xf32>,
      %get3A_384 = arith.index_cast %add3A_335 : i32 to index
      %get3A_385 = arith.constant 48 : index
      %get3A_386 = tpu.vector_load %arg6[%get3A_384, %get3A_385] {strides = array<i32>} : memref<320x128xf32, #tpu.memory_space<vmem>>, vector<1x16xf32>,
      %get3A_387 = vector.shape_cast %get3A_386 : vector<1x16xf32> to vector<16xf32>
      %get3A_388 = arith.index_cast %add3A_335 : i32 to index
      %get3A_389 = arith.constant 48 : index
      %get3A_390 = tpu.vector_load %arg7[%get3A_388, %get3A_389] {strides = array<i32>} : memref<320x128xf32, #tpu.memory_space<vmem>>, vector<1x16xf32>,
      %get3A_391 = vector.shape_cast %get3A_390 : vector<1x16xf32> to vector<16xf32>
      %add3A_392 = arith.addf %get3A_387, %get3A_391 : vector<16xf32>
      %mul3A_393 = vector.broadcast %squeeze3A_331 : f32 to vector<16xf32>
      %mul3A_394 = arith.mulf %add3A_392, %mul3A_393 : vector<16xf32>
      %swap3A_395 = arith.index_cast %add3A_335 : i32 to index
      %swap3A_396 = arith.constant 48 : index
      %swap3A_397 = tpu.vector_load %arg6[%swap3A_395, %swap3A_396] {strides = array<i32>} : memref<320x128xf32, #tpu.memory_space<vmem>>, vector<1x16xf32>,
      %swap3A_398 = vector.shape_cast %swap3A_397 : vector<1x16xf32> to vector<16xf32>
      %swap3A_399 = vector.shape_cast %mul3A_394 : vector<16xf32> to vector<1x16xf32>
      tpu.vector_store %arg6[%swap3A_395, %swap3A_396], %swap3A_399 {strides = array<i32>} : memref<320x128xf32, #tpu.memory_space<vmem>>, vector<1x16xf32>,
      %get3A_400 = arith.index_cast %add3A_335 : i32 to index
      %get3A_401 = arith.constant 64 : index
      %get3A_402 = tpu.vector_load %arg6[%get3A_400, %get3A_401] {strides = array<i32>} : memref<320x128xf32, #tpu.memory_space<vmem>>, vector<1x16xf32>,
      %get3A_403 = vector.shape_cast %get3A_402 : vector<1x16xf32> to vector<16xf32>
      %get3A_404 = arith.index_cast %add3A_335 : i32 to index
      %get3A_405 = arith.constant 64 : index
      %get3A_406 = tpu.vector_load %arg7[%get3A_404, %get3A_405] {strides = array<i32>} : memref<320x128xf32, #tpu.memory_space<vmem>>, vector<1x16xf32>,
      %get3A_407 = vector.shape_cast %get3A_406 : vector<1x16xf32> to vector<16xf32>
      %add3A_408 = arith.addf %get3A_403, %get3A_407 : vector<16xf32>
      %mul3A_409 = vector.broadcast %squeeze3A_331 : f32 to vector<16xf32>
      %mul3A_410 = arith.mulf %add3A_408, %mul3A_409 : vector<16xf32>
      %swap3A_411 = arith.index_cast %add3A_335 : i32 to index
      %swap3A_412 = arith.constant 64 : index
      %swap3A_413 = tpu.vector_load %arg6[%swap3A_411, %swap3A_412] {strides = array<i32>} : memref<320x128xf32, #tpu.memory_space<vmem>>, vector<1x16xf32>,
      %swap3A_414 = vector.shape_cast %swap3A_413 : vector<1x16xf32> to vector<16xf32>
      %swap3A_415 = vector.shape_cast %mul3A_410 : vector<16xf32> to vector<1x16xf32>
      tpu.vector_store %arg6[%swap3A_411, %swap3A_412], %swap3A_415 {strides = array<i32>} : memref<320x128xf32, #tpu.memory_space<vmem>>, vector<1x16xf32>,
      %get3A_416 = arith.index_cast %add3A_335 : i32 to index
      %get3A_417 = arith.constant 80 : index
      %get3A_418 = tpu.vector_load %arg6[%get3A_416, %get3A_417] {strides = array<i32>} : memref<320x128xf32, #tpu.memory_space<vmem>>, vector<1x16xf32>,
      %get3A_419 = vector.shape_cast %get3A_418 : vector<1x16xf32> to vector<16xf32>
      %get3A_420 = arith.index_cast %add3A_335 : i32 to index
      %get3A_421 = arith.constant 80 : index
      %get3A_422 = tpu.vector_load %arg7[%get3A_420, %get3A_421] {strides = array<i32>} : memref<320x128xf32, #tpu.memory_space<vmem>>, vector<1x16xf32>,
      %get3A_423 = vector.shape_cast %get3A_422 : vector<1x16xf32> to vector<16xf32>
      %add3A_424 = arith.addf %get3A_419, %get3A_423 : vector<16xf32>
      %mul3A_425 = vector.broadcast %squeeze3A_331 : f32 to vector<16xf32>
      %mul3A_426 = arith.mulf %add3A_424, %mul3A_425 : vector<16xf32>
      %swap3A_427 = arith.index_cast %add3A_335 : i32 to index
      %swap3A_428 = arith.constant 80 : index
      %swap3A_429 = tpu.vector_load %arg6[%swap3A_427, %swap3A_428] {strides = array<i32>} : memref<320x128xf32, #tpu.memory_space<vmem>>, vector<1x16xf32>,
      %swap3A_430 = vector.shape_cast %swap3A_429 : vector<1x16xf32> to vector<16xf32>
      %swap3A_431 = vector.shape_cast %mul3A_426 : vector<16xf32> to vector<1x16xf32>
      tpu.vector_store %arg6[%swap3A_427, %swap3A_428], %swap3A_431 {strides = array<i32>} : memref<320x128xf32, #tpu.memory_space<vmem>>, vector<1x16xf32>,
      %get3A_432 = arith.index_cast %add3A_335 : i32 to index
      %get3A_433 = arith.constant 96 : index
      %get3A_434 = tpu.vector_load %arg6[%get3A_432, %get3A_433] {strides = array<i32>} : memref<320x128xf32, #tpu.memory_space<vmem>>, vector<1x16xf32>,
      %get3A_435 = vector.shape_cast %get3A_434 : vector<1x16xf32> to vector<16xf32>
      %get3A_436 = arith.index_cast %add3A_335 : i32 to index
      %get3A_437 = arith.constant 96 : index
      %get3A_438 = tpu.vector_load %arg7[%get3A_436, %get3A_437] {strides = array<i32>} : memref<320x128xf32, #tpu.memory_space<vmem>>, vector<1x16xf32>,
      %get3A_439 = vector.shape_cast %get3A_438 : vector<1x16xf32> to vector<16xf32>
      %add3A_440 = arith.addf %get3A_435, %get3A_439 : vector<16xf32>
      %mul3A_441 = vector.broadcast %squeeze3A_331 : f32 to vector<16xf32>
      %mul3A_442 = arith.mulf %add3A_440, %mul3A_441 : vector<16xf32>
      %swap3A_443 = arith.index_cast %add3A_335 : i32 to index
      %swap3A_444 = arith.constant 96 : index
      %swap3A_445 = tpu.vector_load %arg6[%swap3A_443, %swap3A_444] {strides = array<i32>} : memref<320x128xf32, #tpu.memory_space<vmem>>, vector<1x16xf32>,
      %swap3A_446 = vector.shape_cast %swap3A_445 : vector<1x16xf32> to vector<16xf32>
      %swap3A_447 = vector.shape_cast %mul3A_442 : vector<16xf32> to vector<1x16xf32>
      tpu.vector_store %arg6[%swap3A_443, %swap3A_444], %swap3A_447 {strides = array<i32>} : memref<320x128xf32, #tpu.memory_space<vmem>>, vector<1x16xf32>,
      %get3A_448 = arith.index_cast %add3A_335 : i32 to index
      %get3A_449 = arith.constant 112 : index
      %get3A_450 = tpu.vector_load %arg6[%get3A_448, %get3A_449] {strides = array<i32>} : memref<320x128xf32, #tpu.memory_space<vmem>>, vector<1x16xf32>,
      %get3A_451 = vector.shape_cast %get3A_450 : vector<1x16xf32> to vector<16xf32>
      %get3A_452 = arith.index_cast %add3A_335 : i32 to index
      %get3A_453 = arith.constant 112 : index
      %get3A_454 = tpu.vector_load %arg7[%get3A_452, %get3A_453] {strides = array<i32>} : memref<320x128xf32, #tpu.memory_space<vmem>>, vector<1x16xf32>,
      %get3A_455 = vector.shape_cast %get3A_454 : vector<1x16xf32> to vector<16xf32>
      %add3A_456 = arith.addf %get3A_451, %get3A_455 : vector<16xf32>
      %mul3A_457 = vector.broadcast %squeeze3A_331 : f32 to vector<16xf32>
      %mul3A_458 = arith.mulf %add3A_456, %mul3A_457 : vector<16xf32>
      %swap3A_459 = arith.index_cast %add3A_335 : i32 to index
      %swap3A_460 = arith.constant 112 : index
      %swap3A_461 = tpu.vector_load %arg6[%swap3A_459, %swap3A_460] {strides = array<i32>} : memref<320x128xf32, #tpu.memory_space<vmem>>, vector<1x16xf32>,
      %swap3A_462 = vector.shape_cast %swap3A_461 : vector<1x16xf32> to vector<16xf32>
      %swap3A_463 = vector.shape_cast %mul3A_458 : vector<16xf32> to vector<1x16xf32>
      tpu.vector_store %arg6[%swap3A_459, %swap3A_460], %swap3A_463 {strides = array<i32>} : memref<320x128xf32, #tpu.memory_space<vmem>>, vector<1x16xf32>,
      %slice3A_464 = vector.extract_strided_slice %div3A_64 {offsets = [3], sizes = [1], strides = [1]} : vector<16xf32> to vector<1xf32>
      %squeeze3A_465 = vector.extract %slice3A_464[0] : f32 from vector<1xf32>
      %mul3A_466 = arith.constant 16 : i32
      %mul3A_467 = arith.muli %scan3A_50, %mul3A_466 : i32
      %add3A_468 = arith.constant 3 : i32
      %add3A_469 = arith.addi %mul3A_467, %add3A_468 : i32
      %get3A_470 = arith.index_cast %add3A_469 : i32 to index
      %get3A_471 = arith.constant 0 : index
      %get3A_472 = tpu.vector_load %arg6[%get3A_470, %get3A_471] {strides = array<i32>} : memref<320x128xf32, #tpu.memory_space<vmem>>, vector<1x16xf32>,
      %get3A_473 = vector.shape_cast %get3A_472 : vector<1x16xf32> to vector<16xf32>
      %get3A_474 = arith.index_cast %add3A_469 : i32 to index
      %get3A_475 = arith.constant 0 : index
      %get3A_476 = tpu.vector_load %arg7[%get3A_474, %get3A_475] {strides = array<i32>} : memref<320x128xf32, #tpu.memory_space<vmem>>, vector<1x16xf32>,
      %get3A_477 = vector.shape_cast %get3A_476 : vector<1x16xf32> to vector<16xf32>
      %add3A_478 = arith.addf %get3A_473, %get3A_477 : vector<16xf32>
      %mul3A_479 = vector.broadcast %squeeze3A_465 : f32 to vector<16xf32>
      %mul3A_480 = arith.mulf %add3A_478, %mul3A_479 : vector<16xf32>
      %swap3A_481 = arith.index_cast %add3A_469 : i32 to index
      %swap3A_482 = arith.constant 0 : index
      %swap3A_483 = tpu.vector_load %arg6[%swap3A_481, %swap3A_482] {strides = array<i32>} : memref<320x128xf32, #tpu.memory_space<vmem>>, vector<1x16xf32>,
      %swap3A_484 = vector.shape_cast %swap3A_483 : vector<1x16xf32> to vector<16xf32>
      %swap3A_485 = vector.shape_cast %mul3A_480 : vector<16xf32> to vector<1x16xf32>
      tpu.vector_store %arg6[%swap3A_481, %swap3A_482], %swap3A_485 {strides = array<i32>} : memref<320x128xf32, #tpu.memory_space<vmem>>, vector<1x16xf32>,
      %get3A_486 = arith.index_cast %add3A_469 : i32 to index
      %get3A_487 = arith.constant 16 : index
      %get3A_488 = tpu.vector_load %arg6[%get3A_486, %get3A_487] {strides = array<i32>} : memref<320x128xf32, #tpu.memory_space<vmem>>, vector<1x16xf32>,
      %get3A_489 = vector.shape_cast %get3A_488 : vector<1x16xf32> to vector<16xf32>
      %get3A_490 = arith.index_cast %add3A_469 : i32 to index
      %get3A_491 = arith.constant 16 : index
      %get3A_492 = tpu.vector_load %arg7[%get3A_490, %get3A_491] {strides = array<i32>} : memref<320x128xf32, #tpu.memory_space<vmem>>, vector<1x16xf32>,
      %get3A_493 = vector.shape_cast %get3A_492 : vector<1x16xf32> to vector<16xf32>
      %add3A_494 = arith.addf %get3A_489, %get3A_493 : vector<16xf32>
      %mul3A_495 = vector.broadcast %squeeze3A_465 : f32 to vector<16xf32>
      %mul3A_496 = arith.mulf %add3A_494, %mul3A_495 : vector<16xf32>
      %swap3A_497 = arith.index_cast %add3A_469 : i32 to index
      %swap3A_498 = arith.constant 16 : index
      %swap3A_499 = tpu.vector_load %arg6[%swap3A_497, %swap3A_498] {strides = array<i32>} : memref<320x128xf32, #tpu.memory_space<vmem>>, vector<1x16xf32>,
      %swap3A_500 = vector.shape_cast %swap3A_499 : vector<1x16xf32> to vector<16xf32>
      %swap3A_501 = vector.shape_cast %mul3A_496 : vector<16xf32> to vector<1x16xf32>
      tpu.vector_store %arg6[%swap3A_497, %swap3A_498], %swap3A_501 {strides = array<i32>} : memref<320x128xf32, #tpu.memory_space<vmem>>, vector<1x16xf32>,
      %get3A_502 = arith.index_cast %add3A_469 : i32 to index
      %get3A_503 = arith.constant 32 : index
      %get3A_504 = tpu.vector_load %arg6[%get3A_502, %get3A_503] {strides = array<i32>} : memref<320x128xf32, #tpu.memory_space<vmem>>, vector<1x16xf32>,
      %get3A_505 = vector.shape_cast %get3A_504 : vector<1x16xf32> to vector<16xf32>
      %get3A_506 = arith.index_cast %add3A_469 : i32 to index
      %get3A_507 = arith.constant 32 : index
      %get3A_508 = tpu.vector_load %arg7[%get3A_506, %get3A_507] {strides = array<i32>} : memref<320x128xf32, #tpu.memory_space<vmem>>, vector<1x16xf32>,
      %get3A_509 = vector.shape_cast %get3A_508 : vector<1x16xf32> to vector<16xf32>
      %add3A_510 = arith.addf %get3A_505, %get3A_509 : vector<16xf32>
      %mul3A_511 = vector.broadcast %squeeze3A_465 : f32 to vector<16xf32>
      %mul3A_512 = arith.mulf %add3A_510, %mul3A_511 : vector<16xf32>
      %swap3A_513 = arith.index_cast %add3A_469 : i32 to index
      %swap3A_514 = arith.constant 32 : index
      %swap3A_515 = tpu.vector_load %arg6[%swap3A_513, %swap3A_514] {strides = array<i32>} : memref<320x128xf32, #tpu.memory_space<vmem>>, vector<1x16xf32>,
      %swap3A_516 = vector.shape_cast %swap3A_515 : vector<1x16xf32> to vector<16xf32>
      %swap3A_517 = vector.shape_cast %mul3A_512 : vector<16xf32> to vector<1x16xf32>
      tpu.vector_store %arg6[%swap3A_513, %swap3A_514], %swap3A_517 {strides = array<i32>} : memref<320x128xf32, #tpu.memory_space<vmem>>, vector<1x16xf32>,
      %get3A_518 = arith.index_cast %add3A_469 : i32 to index
      %get3A_519 = arith.constant 48 : index
      %get3A_520 = tpu.vector_load %arg6[%get3A_518, %get3A_519] {strides = array<i32>} : memref<320x128xf32, #tpu.memory_space<vmem>>, vector<1x16xf32>,
      %get3A_521 = vector.shape_cast %get3A_520 : vector<1x16xf32> to vector<16xf32>
      %get3A_522 = arith.index_cast %add3A_469 : i32 to index
      %get3A_523 = arith.constant 48 : index
      %get3A_524 = tpu.vector_load %arg7[%get3A_522, %get3A_523] {strides = array<i32>} : memref<320x128xf32, #tpu.memory_space<vmem>>, vector<1x16xf32>,
      %get3A_525 = vector.shape_cast %get3A_524 : vector<1x16xf32> to vector<16xf32>
      %add3A_526 = arith.addf %get3A_521, %get3A_525 : vector<16xf32>
      %mul3A_527 = vector.broadcast %squeeze3A_465 : f32 to vector<16xf32>
      %mul3A_528 = arith.mulf %add3A_526, %mul3A_527 : vector<16xf32>
      %swap3A_529 = arith.index_cast %add3A_469 : i32 to index
      %swap3A_530 = arith.constant 48 : index
      %swap3A_531 = tpu.vector_load %arg6[%swap3A_529, %swap3A_530] {strides = array<i32>} : memref<320x128xf32, #tpu.memory_space<vmem>>, vector<1x16xf32>,
      %swap3A_532 = vector.shape_cast %swap3A_531 : vector<1x16xf32> to vector<16xf32>
      %swap3A_533 = vector.shape_cast %mul3A_528 : vector<16xf32> to vector<1x16xf32>
      tpu.vector_store %arg6[%swap3A_529, %swap3A_530], %swap3A_533 {strides = array<i32>} : memref<320x128xf32, #tpu.memory_space<vmem>>, vector<1x16xf32>,
      %get3A_534 = arith.index_cast %add3A_469 : i32 to index
      %get3A_535 = arith.constant 64 : index
      %get3A_536 = tpu.vector_load %arg6[%get3A_534, %get3A_535] {strides = array<i32>} : memref<320x128xf32, #tpu.memory_space<vmem>>, vector<1x16xf32>,
      %get3A_537 = vector.shape_cast %get3A_536 : vector<1x16xf32> to vector<16xf32>
      %get3A_538 = arith.index_cast %add3A_469 : i32 to index
      %get3A_539 = arith.constant 64 : index
      %get3A_540 = tpu.vector_load %arg7[%get3A_538, %get3A_539] {strides = array<i32>} : memref<320x128xf32, #tpu.memory_space<vmem>>, vector<1x16xf32>,
      %get3A_541 = vector.shape_cast %get3A_540 : vector<1x16xf32> to vector<16xf32>
      %add3A_542 = arith.addf %get3A_537, %get3A_541 : vector<16xf32>
      %mul3A_543 = vector.broadcast %squeeze3A_465 : f32 to vector<16xf32>
      %mul3A_544 = arith.mulf %add3A_542, %mul3A_543 : vector<16xf32>
      %swap3A_545 = arith.index_cast %add3A_469 : i32 to index
      %swap3A_546 = arith.constant 64 : index
      %swap3A_547 = tpu.vector_load %arg6[%swap3A_545, %swap3A_546] {strides = array<i32>} : memref<320x128xf32, #tpu.memory_space<vmem>>, vector<1x16xf32>,
      %swap3A_548 = vector.shape_cast %swap3A_547 : vector<1x16xf32> to vector<16xf32>
      %swap3A_549 = vector.shape_cast %mul3A_544 : vector<16xf32> to vector<1x16xf32>
      tpu.vector_store %arg6[%swap3A_545, %swap3A_546], %swap3A_549 {strides = array<i32>} : memref<320x128xf32, #tpu.memory_space<vmem>>, vector<1x16xf32>,
      %get3A_550 = arith.index_cast %add3A_469 : i32 to index
      %get3A_551 = arith.constant 80 : index
      %get3A_552 = tpu.vector_load %arg6[%get3A_550, %get3A_551] {strides = array<i32>} : memref<320x128xf32, #tpu.memory_space<vmem>>, vector<1x16xf32>,
      %get3A_553 = vector.shape_cast %get3A_552 : vector<1x16xf32> to vector<16xf32>
      %get3A_554 = arith.index_cast %add3A_469 : i32 to index
      %get3A_555 = arith.constant 80 : index
      %get3A_556 = tpu.vector_load %arg7[%get3A_554, %get3A_555] {strides = array<i32>} : memref<320x128xf32, #tpu.memory_space<vmem>>, vector<1x16xf32>,
      %get3A_557 = vector.shape_cast %get3A_556 : vector<1x16xf32> to vector<16xf32>
      %add3A_558 = arith.addf %get3A_553, %get3A_557 : vector<16xf32>
      %mul3A_559 = vector.broadcast %squeeze3A_465 : f32 to vector<16xf32>
      %mul3A_560 = arith.mulf %add3A_558, %mul3A_559 : vector<16xf32>
      %swap3A_561 = arith.index_cast %add3A_469 : i32 to index
      %swap3A_562 = arith.constant 80 : index
      %swap3A_563 = tpu.vector_load %arg6[%swap3A_561, %swap3A_562] {strides = array<i32>} : memref<320x128xf32, #tpu.memory_space<vmem>>, vector<1x16xf32>,
      %swap3A_564 = vector.shape_cast %swap3A_563 : vector<1x16xf32> to vector<16xf32>
      %swap3A_565 = vector.shape_cast %mul3A_560 : vector<16xf32> to vector<1x16xf32>
      tpu.vector_store %arg6[%swap3A_561, %swap3A_562], %swap3A_565 {strides = array<i32>} : memref<320x128xf32, #tpu.memory_space<vmem>>, vector<1x16xf32>,
      %get3A_566 = arith.index_cast %add3A_469 : i32 to index
      %get3A_567 = arith.constant 96 : index
      %get3A_568 = tpu.vector_load %arg6[%get3A_566, %get3A_567] {strides = array<i32>} : memref<320x128xf32, #tpu.memory_space<vmem>>, vector<1x16xf32>,
      %get3A_569 = vector.shape_cast %get3A_568 : vector<1x16xf32> to vector<16xf32>
      %get3A_570 = arith.index_cast %add3A_469 : i32 to index
      %get3A_571 = arith.constant 96 : index
      %get3A_572 = tpu.vector_load %arg7[%get3A_570, %get3A_571] {strides = array<i32>} : memref<320x128xf32, #tpu.memory_space<vmem>>, vector<1x16xf32>,
      %get3A_573 = vector.shape_cast %get3A_572 : vector<1x16xf32> to vector<16xf32>
      %add3A_574 = arith.addf %get3A_569, %get3A_573 : vector<16xf32>
      %mul3A_575 = vector.broadcast %squeeze3A_465 : f32 to vector<16xf32>
      %mul3A_576 = arith.mulf %add3A_574, %mul3A_575 : vector<16xf32>
      %swap3A_577 = arith.index_cast %add3A_469 : i32 to index
      %swap3A_578 = arith.constant 96 : index
      %swap3A_579 = tpu.vector_load %arg6[%swap3A_577, %swap3A_578] {strides = array<i32>} : memref<320x128xf32, #tpu.memory_space<vmem>>, vector<1x16xf32>,
      %swap3A_580 = vector.shape_cast %swap3A_579 : vector<1x16xf32> to vector<16xf32>
      %swap3A_581 = vector.shape_cast %mul3A_576 : vector<16xf32> to vector<1x16xf32>
      tpu.vector_store %arg6[%swap3A_577, %swap3A_578], %swap3A_581 {strides = array<i32>} : memref<320x128xf32, #tpu.memory_space<vmem>>, vector<1x16xf32>,
      %get3A_582 = arith.index_cast %add3A_469 : i32 to index
      %get3A_583 = arith.constant 112 : index
      %get3A_584 = tpu.vector_load %arg6[%get3A_582, %get3A_583] {strides = array<i32>} : memref<320x128xf32, #tpu.memory_space<vmem>>, vector<1x16xf32>,
      %get3A_585 = vector.shape_cast %get3A_584 : vector<1x16xf32> to vector<16xf32>
      %get3A_586 = arith.index_cast %add3A_469 : i32 to index
      %get3A_587 = arith.constant 112 : index
      %get3A_588 = tpu.vector_load %arg7[%get3A_586, %get3A_587] {strides = array<i32>} : memref<320x128xf32, #tpu.memory_space<vmem>>, vector<1x16xf32>,
      %get3A_589 = vector.shape_cast %get3A_588 : vector<1x16xf32> to vector<16xf32>
      %add3A_590 = arith.addf %get3A_585, %get3A_589 : vector<16xf32>
      %mul3A_591 = vector.broadcast %squeeze3A_465 : f32 to vector<16xf32>
      %mul3A_592 = arith.mulf %add3A_590, %mul3A_591 : vector<16xf32>
      %swap3A_593 = arith.index_cast %add3A_469 : i32 to index
      %swap3A_594 = arith.constant 112 : index
      %swap3A_595 = tpu.vector_load %arg6[%swap3A_593, %swap3A_594] {strides = array<i32>} : memref<320x128xf32, #tpu.memory_space<vmem>>, vector<1x16xf32>,
      %swap3A_596 = vector.shape_cast %swap3A_595 : vector<1x16xf32> to vector<16xf32>
      %swap3A_597 = vector.shape_cast %mul3A_592 : vector<16xf32> to vector<1x16xf32>
      tpu.vector_store %arg6[%swap3A_593, %swap3A_594], %swap3A_597 {strides = array<i32>} : memref<320x128xf32, #tpu.memory_space<vmem>>, vector<1x16xf32>,
      %slice3A_598 = vector.extract_strided_slice %div3A_64 {offsets = [4], sizes = [1], strides = [1]} : vector<16xf32> to vector<1xf32>
      %squeeze3A_599 = vector.extract %slice3A_598[0] : f32 from vector<1xf32>
      %mul3A_600 = arith.constant 16 : i32
      %mul3A_601 = arith.muli %scan3A_50, %mul3A_600 : i32
      %add3A_602 = arith.constant 4 : i32
      %add3A_603 = arith.addi %mul3A_601, %add3A_602 : i32
      %get3A_604 = arith.index_cast %add3A_603 : i32 to index
      %get3A_605 = arith.constant 0 : index
      %get3A_606 = tpu.vector_load %arg6[%get3A_604, %get3A_605] {strides = array<i32>} : memref<320x128xf32, #tpu.memory_space<vmem>>, vector<1x16xf32>,
      %get3A_607 = vector.shape_cast %get3A_606 : vector<1x16xf32> to vector<16xf32>
      %get3A_608 = arith.index_cast %add3A_603 : i32 to index
      %get3A_609 = arith.constant 0 : index
      %get3A_610 = tpu.vector_load %arg7[%get3A_608, %get3A_609] {strides = array<i32>} : memref<320x128xf32, #tpu.memory_space<vmem>>, vector<1x16xf32>,
      %get3A_611 = vector.shape_cast %get3A_610 : vector<1x16xf32> to vector<16xf32>
      %add3A_612 = arith.addf %get3A_607, %get3A_611 : vector<16xf32>
      %mul3A_613 = vector.broadcast %squeeze3A_599 : f32 to vector<16xf32>
      %mul3A_614 = arith.mulf %add3A_612, %mul3A_613 : vector<16xf32>
      %swap3A_615 = arith.index_cast %add3A_603 : i32 to index
      %swap3A_616 = arith.constant 0 : index
      %swap3A_617 = tpu.vector_load %arg6[%swap3A_615, %swap3A_616] {strides = array<i32>} : memref<320x128xf32, #tpu.memory_space<vmem>>, vector<1x16xf32>,
      %swap3A_618 = vector.shape_cast %swap3A_617 : vector<1x16xf32> to vector<16xf32>
      %swap3A_619 = vector.shape_cast %mul3A_614 : vector<16xf32> to vector<1x16xf32>
      tpu.vector_store %arg6[%swap3A_615, %swap3A_616], %swap3A_619 {strides = array<i32>} : memref<320x128xf32, #tpu.memory_space<vmem>>, vector<1x16xf32>,
      %get3A_620 = arith.index_cast %add3A_603 : i32 to index
      %get3A_621 = arith.constant 16 : index
      %get3A_622 = tpu.vector_load %arg6[%get3A_620, %get3A_621] {strides = array<i32>} : memref<320x128xf32, #tpu.memory_space<vmem>>, vector<1x16xf32>,
      %get3A_623 = vector.shape_cast %get3A_622 : vector<1x16xf32> to vector<16xf32>
      %get3A_624 = arith.index_cast %add3A_603 : i32 to index
      %get3A_625 = arith.constant 16 : index
      %get3A_626 = tpu.vector_load %arg7[%get3A_624, %get3A_625] {strides = array<i32>} : memref<320x128xf32, #tpu.memory_space<vmem>>, vector<1x16xf32>,
      %get3A_627 = vector.shape_cast %get3A_626 : vector<1x16xf32> to vector<16xf32>
      %add3A_628 = arith.addf %get3A_623, %get3A_627 : vector<16xf32>
      %mul3A_629 = vector.broadcast %squeeze3A_599 : f32 to vector<16xf32>
      %mul3A_630 = arith.mulf %add3A_628, %mul3A_629 : vector<16xf32>
      %swap3A_631 = arith.index_cast %add3A_603 : i32 to index
      %swap3A_632 = arith.constant 16 : index
      %swap3A_633 = tpu.vector_load %arg6[%swap3A_631, %swap3A_632] {strides = array<i32>} : memref<320x128xf32, #tpu.memory_space<vmem>>, vector<1x16xf32>,
      %swap3A_634 = vector.shape_cast %swap3A_633 : vector<1x16xf32> to vector<16xf32>
      %swap3A_635 = vector.shape_cast %mul3A_630 : vector<16xf32> to vector<1x16xf32>
      tpu.vector_store %arg6[%swap3A_631, %swap3A_632], %swap3A_635 {strides = array<i32>} : memref<320x128xf32, #tpu.memory_space<vmem>>, vector<1x16xf32>,
      %get3A_636 = arith.index_cast %add3A_603 : i32 to index
      %get3A_637 = arith.constant 32 : index
      %get3A_638 = tpu.vector_load %arg6[%get3A_636, %get3A_637] {strides = array<i32>} : memref<320x128xf32, #tpu.memory_space<vmem>>, vector<1x16xf32>,
      %get3A_639 = vector.shape_cast %get3A_638 : vector<1x16xf32> to vector<16xf32>
      %get3A_640 = arith.index_cast %add3A_603 : i32 to index
      %get3A_641 = arith.constant 32 : index
      %get3A_642 = tpu.vector_load %arg7[%get3A_640, %get3A_641] {strides = array<i32>} : memref<320x128xf32, #tpu.memory_space<vmem>>, vector<1x16xf32>,
      %get3A_643 = vector.shape_cast %get3A_642 : vector<1x16xf32> to vector<16xf32>
      %add3A_644 = arith.addf %get3A_639, %get3A_643 : vector<16xf32>
      %mul3A_645 = vector.broadcast %squeeze3A_599 : f32 to vector<16xf32>
      %mul3A_646 = arith.mulf %add3A_644, %mul3A_645 : vector<16xf32>
      %swap3A_647 = arith.index_cast %add3A_603 : i32 to index
      %swap3A_648 = arith.constant 32 : index
      %swap3A_649 = tpu.vector_load %arg6[%swap3A_647, %swap3A_648] {strides = array<i32>} : memref<320x128xf32, #tpu.memory_space<vmem>>, vector<1x16xf32>,
      %swap3A_650 = vector.shape_cast %swap3A_649 : vector<1x16xf32> to vector<16xf32>
      %swap3A_651 = vector.shape_cast %mul3A_646 : vector<16xf32> to vector<1x16xf32>
      tpu.vector_store %arg6[%swap3A_647, %swap3A_648], %swap3A_651 {strides = array<i32>} : memref<320x128xf32, #tpu.memory_space<vmem>>, vector<1x16xf32>,
      %get3A_652 = arith.index_cast %add3A_603 : i32 to index
      %get3A_653 = arith.constant 48 : index
      %get3A_654 = tpu.vector_load %arg6[%get3A_652, %get3A_653] {strides = array<i32>} : memref<320x128xf32, #tpu.memory_space<vmem>>, vector<1x16xf32>,
      %get3A_655 = vector.shape_cast %get3A_654 : vector<1x16xf32> to vector<16xf32>
      %get3A_656 = arith.index_cast %add3A_603 : i32 to index
      %get3A_657 = arith.constant 48 : index
      %get3A_658 = tpu.vector_load %arg7[%get3A_656, %get3A_657] {strides = array<i32>} : memref<320x128xf32, #tpu.memory_space<vmem>>, vector<1x16xf32>,
      %get3A_659 = vector.shape_cast %get3A_658 : vector<1x16xf32> to vector<16xf32>
      %add3A_660 = arith.addf %get3A_655, %get3A_659 : vector<16xf32>
      %mul3A_661 = vector.broadcast %squeeze3A_599 : f32 to vector<16xf32>
      %mul3A_662 = arith.mulf %add3A_660, %mul3A_661 : vector<16xf32>
      %swap3A_663 = arith.index_cast %add3A_603 : i32 to index
      %swap3A_664 = arith.constant 48 : index
      %swap3A_665 = tpu.vector_load %arg6[%swap3A_663, %swap3A_664] {strides = array<i32>} : memref<320x128xf32, #tpu.memory_space<vmem>>, vector<1x16xf32>,
      %swap3A_666 = vector.shape_cast %swap3A_665 : vector<1x16xf32> to vector<16xf32>
      %swap3A_667 = vector.shape_cast %mul3A_662 : vector<16xf32> to vector<1x16xf32>
      tpu.vector_store %arg6[%swap3A_663, %swap3A_664], %swap3A_667 {strides = array<i32>} : memref<320x128xf32, #tpu.memory_space<vmem>>, vector<1x16xf32>,
      %get3A_668 = arith.index_cast %add3A_603 : i32 to index
      %get3A_669 = arith.constant 64 : index
      %get3A_670 = tpu.vector_load %arg6[%get3A_668, %get3A_669] {strides = array<i32>} : memref<320x128xf32, #tpu.memory_space<vmem>>, vector<1x16xf32>,
      %get3A_671 = vector.shape_cast %get3A_670 : vector<1x16xf32> to vector<16xf32>
      %get3A_672 = arith.index_cast %add3A_603 : i32 to index
      %get3A_673 = arith.constant 64 : index
      %get3A_674 = tpu.vector_load %arg7[%get3A_672, %get3A_673] {strides = array<i32>} : memref<320x128xf32, #tpu.memory_space<vmem>>, vector<1x16xf32>,
      %get3A_675 = vector.shape_cast %get3A_674 : vector<1x16xf32> to vector<16xf32>
      %add3A_676 = arith.addf %get3A_671, %get3A_675 : vector<16xf32>
      %mul3A_677 = vector.broadcast %squeeze3A_599 : f32 to vector<16xf32>
      %mul3A_678 = arith.mulf %add3A_676, %mul3A_677 : vector<16xf32>
      %swap3A_679 = arith.index_cast %add3A_603 : i32 to index
      %swap3A_680 = arith.constant 64 : index
      %swap3A_681 = tpu.vector_load %arg6[%swap3A_679, %swap3A_680] {strides = array<i32>} : memref<320x128xf32, #tpu.memory_space<vmem>>, vector<1x16xf32>,
      %swap3A_682 = vector.shape_cast %swap3A_681 : vector<1x16xf32> to vector<16xf32>
      %swap3A_683 = vector.shape_cast %mul3A_678 : vector<16xf32> to vector<1x16xf32>
      tpu.vector_store %arg6[%swap3A_679, %swap3A_680], %swap3A_683 {strides = array<i32>} : memref<320x128xf32, #tpu.memory_space<vmem>>, vector<1x16xf32>,
      %get3A_684 = arith.index_cast %add3A_603 : i32 to index
      %get3A_685 = arith.constant 80 : index
      %get3A_686 = tpu.vector_load %arg6[%get3A_684, %get3A_685] {strides = array<i32>} : memref<320x128xf32, #tpu.memory_space<vmem>>, vector<1x16xf32>,
      %get3A_687 = vector.shape_cast %get3A_686 : vector<1x16xf32> to vector<16xf32>
      %get3A_688 = arith.index_cast %add3A_603 : i32 to index
      %get3A_689 = arith.constant 80 : index
      %get3A_690 = tpu.vector_load %arg7[%get3A_688, %get3A_689] {strides = array<i32>} : memref<320x128xf32, #tpu.memory_space<vmem>>, vector<1x16xf32>,
      %get3A_691 = vector.shape_cast %get3A_690 : vector<1x16xf32> to vector<16xf32>
      %add3A_692 = arith.addf %get3A_687, %get3A_691 : vector<16xf32>
      %mul3A_693 = vector.broadcast %squeeze3A_599 : f32 to vector<16xf32>
      %mul3A_694 = arith.mulf %add3A_692, %mul3A_693 : vector<16xf32>
      %swap3A_695 = arith.index_cast %add3A_603 : i32 to index
      %swap3A_696 = arith.constant 80 : index
      %swap3A_697 = tpu.vector_load %arg6[%swap3A_695, %swap3A_696] {strides = array<i32>} : memref<320x128xf32, #tpu.memory_space<vmem>>, vector<1x16xf32>,
      %swap3A_698 = vector.shape_cast %swap3A_697 : vector<1x16xf32> to vector<16xf32>
      %swap3A_699 = vector.shape_cast %mul3A_694 : vector<16xf32> to vector<1x16xf32>
      tpu.vector_store %arg6[%swap3A_695, %swap3A_696], %swap3A_699 {strides = array<i32>} : memref<320x128xf32, #tpu.memory_space<vmem>>, vector<1x16xf32>,
      %get3A_700 = arith.index_cast %add3A_603 : i32 to index
      %get3A_701 = arith.constant 96 : index
      %get3A_702 = tpu.vector_load %arg6[%get3A_700, %get3A_701] {strides = array<i32>} : memref<320x128xf32, #tpu.memory_space<vmem>>, vector<1x16xf32>,
      %get3A_703 = vector.shape_cast %get3A_702 : vector<1x16xf32> to vector<16xf32>
      %get3A_704 = arith.index_cast %add3A_603 : i32 to index
      %get3A_705 = arith.constant 96 : index
      %get3A_706 = tpu.vector_load %arg7[%get3A_704, %get3A_705] {strides = array<i32>} : memref<320x128xf32, #tpu.memory_space<vmem>>, vector<1x16xf32>,
      %get3A_707 = vector.shape_cast %get3A_706 : vector<1x16xf32> to vector<16xf32>
      %add3A_708 = arith.addf %get3A_703, %get3A_707 : vector<16xf32>
      %mul3A_709 = vector.broadcast %squeeze3A_599 : f32 to vector<16xf32>
      %mul3A_710 = arith.mulf %add3A_708, %mul3A_709 : vector<16xf32>
      %swap3A_711 = arith.index_cast %add3A_603 : i32 to index
      %swap3A_712 = arith.constant 96 : index
      %swap3A_713 = tpu.vector_load %arg6[%swap3A_711, %swap3A_712] {strides = array<i32>} : memref<320x128xf32, #tpu.memory_space<vmem>>, vector<1x16xf32>,
      %swap3A_714 = vector.shape_cast %swap3A_713 : vector<1x16xf32> to vector<16xf32>
      %swap3A_715 = vector.shape_cast %mul3A_710 : vector<16xf32> to vector<1x16xf32>
      tpu.vector_store %arg6[%swap3A_711, %swap3A_712], %swap3A_715 {strides = array<i32>} : memref<320x128xf32, #tpu.memory_space<vmem>>, vector<1x16xf32>,
      %get3A_716 = arith.index_cast %add3A_603 : i32 to index
      %get3A_717 = arith.constant 112 : index
      %get3A_718 = tpu.vector_load %arg6[%get3A_716, %get3A_717] {strides = array<i32>} : memref<320x128xf32, #tpu.memory_space<vmem>>, vector<1x16xf32>,
      %get3A_719 = vector.shape_cast %get3A_718 : vector<1x16xf32> to vector<16xf32>
      %get3A_720 = arith.index_cast %add3A_603 : i32 to index
      %get3A_721 = arith.constant 112 : index
      %get3A_722 = tpu.vector_load %arg7[%get3A_720, %get3A_721] {strides = array<i32>} : memref<320x128xf32, #tpu.memory_space<vmem>>, vector<1x16xf32>,
      %get3A_723 = vector.shape_cast %get3A_722 : vector<1x16xf32> to vector<16xf32>
      %add3A_724 = arith.addf %get3A_719, %get3A_723 : vector<16xf32>
      %mul3A_725 = vector.broadcast %squeeze3A_599 : f32 to vector<16xf32>
      %mul3A_726 = arith.mulf %add3A_724, %mul3A_725 : vector<16xf32>
      %swap3A_727 = arith.index_cast %add3A_603 : i32 to index
      %swap3A_728 = arith.constant 112 : index
      %swap3A_729 = tpu.vector_load %arg6[%swap3A_727, %swap3A_728] {strides = array<i32>} : memref<320x128xf32, #tpu.memory_space<vmem>>, vector<1x16xf32>,
      %swap3A_730 = vector.shape_cast %swap3A_729 : vector<1x16xf32> to vector<16xf32>
      %swap3A_731 = vector.shape_cast %mul3A_726 : vector<16xf32> to vector<1x16xf32>
      tpu.vector_store %arg6[%swap3A_727, %swap3A_728], %swap3A_731 {strides = array<i32>} : memref<320x128xf32, #tpu.memory_space<vmem>>, vector<1x16xf32>,
      %slice3A_732 = vector.extract_strided_slice %div3A_64 {offsets = [5], sizes = [1], strides = [1]} : vector<16xf32> to vector<1xf32>
      %squeeze3A_733 = vector.extract %slice3A_732[0] : f32 from vector<1xf32>
      %mul3A_734 = arith.constant 16 : i32
      %mul3A_735 = arith.muli %scan3A_50, %mul3A_734 : i32
      %add3A_736 = arith.constant 5 : i32
      %add3A_737 = arith.addi %mul3A_735, %add3A_736 : i32
      %get3A_738 = arith.index_cast %add3A_737 : i32 to index
      %get3A_739 = arith.constant 0 : index
      %get3A_740 = tpu.vector_load %arg6[%get3A_738, %get3A_739] {strides = array<i32>} : memref<320x128xf32, #tpu.memory_space<vmem>>, vector<1x16xf32>,
      %get3A_741 = vector.shape_cast %get3A_740 : vector<1x16xf32> to vector<16xf32>
      %get3A_742 = arith.index_cast %add3A_737 : i32 to index
      %get3A_743 = arith.constant 0 : index
      %get3A_744 = tpu.vector_load %arg7[%get3A_742, %get3A_743] {strides = array<i32>} : memref<320x128xf32, #tpu.memory_space<vmem>>, vector<1x16xf32>,
      %get3A_745 = vector.shape_cast %get3A_744 : vector<1x16xf32> to vector<16xf32>
      %add3A_746 = arith.addf %get3A_741, %get3A_745 : vector<16xf32>
      %mul3A_747 = vector.broadcast %squeeze3A_733 : f32 to vector<16xf32>
      %mul3A_748 = arith.mulf %add3A_746, %mul3A_747 : vector<16xf32>
      %swap3A_749 = arith.index_cast %add3A_737 : i32 to index
      %swap3A_750 = arith.constant 0 : index
      %swap3A_751 = tpu.vector_load %arg6[%swap3A_749, %swap3A_750] {strides = array<i32>} : memref<320x128xf32, #tpu.memory_space<vmem>>, vector<1x16xf32>,
      %swap3A_752 = vector.shape_cast %swap3A_751 : vector<1x16xf32> to vector<16xf32>
      %swap3A_753 = vector.shape_cast %mul3A_748 : vector<16xf32> to vector<1x16xf32>
      tpu.vector_store %arg6[%swap3A_749, %swap3A_750], %swap3A_753 {strides = array<i32>} : memref<320x128xf32, #tpu.memory_space<vmem>>, vector<1x16xf32>,
      %get3A_754 = arith.index_cast %add3A_737 : i32 to index
      %get3A_755 = arith.constant 16 : index
      %get3A_756 = tpu.vector_load %arg6[%get3A_754, %get3A_755] {strides = array<i32>} : memref<320x128xf32, #tpu.memory_space<vmem>>, vector<1x16xf32>,
      %get3A_757 = vector.shape_cast %get3A_756 : vector<1x16xf32> to vector<16xf32>
      %get3A_758 = arith.index_cast %add3A_737 : i32 to index
      %get3A_759 = arith.constant 16 : index
      %get3A_760 = tpu.vector_load %arg7[%get3A_758, %get3A_759] {strides = array<i32>} : memref<320x128xf32, #tpu.memory_space<vmem>>, vector<1x16xf32>,
      %get3A_761 = vector.shape_cast %get3A_760 : vector<1x16xf32> to vector<16xf32>
      %add3A_762 = arith.addf %get3A_757, %get3A_761 : vector<16xf32>
      %mul3A_763 = vector.broadcast %squeeze3A_733 : f32 to vector<16xf32>
      %mul3A_764 = arith.mulf %add3A_762, %mul3A_763 : vector<16xf32>
      %swap3A_765 = arith.index_cast %add3A_737 : i32 to index
      %swap3A_766 = arith.constant 16 : index
      %swap3A_767 = tpu.vector_load %arg6[%swap3A_765, %swap3A_766] {strides = array<i32>} : memref<320x128xf32, #tpu.memory_space<vmem>>, vector<1x16xf32>,
      %swap3A_768 = vector.shape_cast %swap3A_767 : vector<1x16xf32> to vector<16xf32>
      %swap3A_769 = vector.shape_cast %mul3A_764 : vector<16xf32> to vector<1x16xf32>
      tpu.vector_store %arg6[%swap3A_765, %swap3A_766], %swap3A_769 {strides = array<i32>} : memref<320x128xf32, #tpu.memory_space<vmem>>, vector<1x16xf32>,
      %get3A_770 = arith.index_cast %add3A_737 : i32 to index
      %get3A_771 = arith.constant 32 : index
      %get3A_772 = tpu.vector_load %arg6[%get3A_770, %get3A_771] {strides = array<i32>} : memref<320x128xf32, #tpu.memory_space<vmem>>, vector<1x16xf32>,
      %get3A_773 = vector.shape_cast %get3A_772 : vector<1x16xf32> to vector<16xf32>
      %get3A_774 = arith.index_cast %add3A_737 : i32 to index
      %get3A_775 = arith.constant 32 : index
      %get3A_776 = tpu.vector_load %arg7[%get3A_774, %get3A_775] {strides = array<i32>} : memref<320x128xf32, #tpu.memory_space<vmem>>, vector<1x16xf32>,
      %get3A_777 = vector.shape_cast %get3A_776 : vector<1x16xf32> to vector<16xf32>
      %add3A_778 = arith.addf %get3A_773, %get3A_777 : vector<16xf32>
      %mul3A_779 = vector.broadcast %squeeze3A_733 : f32 to vector<16xf32>
      %mul3A_780 = arith.mulf %add3A_778, %mul3A_779 : vector<16xf32>
      %swap3A_781 = arith.index_cast %add3A_737 : i32 to index
      %swap3A_782 = arith.constant 32 : index
      %swap3A_783 = tpu.vector_load %arg6[%swap3A_781, %swap3A_782] {strides = array<i32>} : memref<320x128xf32, #tpu.memory_space<vmem>>, vector<1x16xf32>,
      %swap3A_784 = vector.shape_cast %swap3A_783 : vector<1x16xf32> to vector<16xf32>
      %swap3A_785 = vector.shape_cast %mul3A_780 : vector<16xf32> to vector<1x16xf32>
      tpu.vector_store %arg6[%swap3A_781, %swap3A_782], %swap3A_785 {strides = array<i32>} : memref<320x128xf32, #tpu.memory_space<vmem>>, vector<1x16xf32>,
      %get3A_786 = arith.index_cast %add3A_737 : i32 to index
      %get3A_787 = arith.constant 48 : index
      %get3A_788 = tpu.vector_load %arg6[%get3A_786, %get3A_787] {strides = array<i32>} : memref<320x128xf32, #tpu.memory_space<vmem>>, vector<1x16xf32>,
      %get3A_789 = vector.shape_cast %get3A_788 : vector<1x16xf32> to vector<16xf32>
      %get3A_790 = arith.index_cast %add3A_737 : i32 to index
      %get3A_791 = arith.constant 48 : index
      %get3A_792 = tpu.vector_load %arg7[%get3A_790, %get3A_791] {strides = array<i32>} : memref<320x128xf32, #tpu.memory_space<vmem>>, vector<1x16xf32>,
      %get3A_793 = vector.shape_cast %get3A_792 : vector<1x16xf32> to vector<16xf32>
      %add3A_794 = arith.addf %get3A_789, %get3A_793 : vector<16xf32>
      %mul3A_795 = vector.broadcast %squeeze3A_733 : f32 to vector<16xf32>
      %mul3A_796 = arith.mulf %add3A_794, %mul3A_795 : vector<16xf32>
      %swap3A_797 = arith.index_cast %add3A_737 : i32 to index
      %swap3A_798 = arith.constant 48 : index
      %swap3A_799 = tpu.vector_load %arg6[%swap3A_797, %swap3A_798] {strides = array<i32>} : memref<320x128xf32, #tpu.memory_space<vmem>>, vector<1x16xf32>,
      %swap3A_800 = vector.shape_cast %swap3A_799 : vector<1x16xf32> to vector<16xf32>
      %swap3A_801 = vector.shape_cast %mul3A_796 : vector<16xf32> to vector<1x16xf32>
      tpu.vector_store %arg6[%swap3A_797, %swap3A_798], %swap3A_801 {strides = array<i32>} : memref<320x128xf32, #tpu.memory_space<vmem>>, vector<1x16xf32>,
      %get3A_802 = arith.index_cast %add3A_737 : i32 to index
      %get3A_803 = arith.constant 64 : index
      %get3A_804 = tpu.vector_load %arg6[%get3A_802, %get3A_803] {strides = array<i32>} : memref<320x128xf32, #tpu.memory_space<vmem>>, vector<1x16xf32>,
      %get3A_805 = vector.shape_cast %get3A_804 : vector<1x16xf32> to vector<16xf32>
      %get3A_806 = arith.index_cast %add3A_737 : i32 to index
      %get3A_807 = arith.constant 64 : index
      %get3A_808 = tpu.vector_load %arg7[%get3A_806, %get3A_807] {strides = array<i32>} : memref<320x128xf32, #tpu.memory_space<vmem>>, vector<1x16xf32>,
      %get3A_809 = vector.shape_cast %get3A_808 : vector<1x16xf32> to vector<16xf32>
      %add3A_810 = arith.addf %get3A_805, %get3A_809 : vector<16xf32>
      %mul3A_811 = vector.broadcast %squeeze3A_733 : f32 to vector<16xf32>
      %mul3A_812 = arith.mulf %add3A_810, %mul3A_811 : vector<16xf32>
      %swap3A_813 = arith.index_cast %add3A_737 : i32 to index
      %swap3A_814 = arith.constant 64 : index
      %swap3A_815 = tpu.vector_load %arg6[%swap3A_813, %swap3A_814] {strides = array<i32>} : memref<320x128xf32, #tpu.memory_space<vmem>>, vector<1x16xf32>,
      %swap3A_816 = vector.shape_cast %swap3A_815 : vector<1x16xf32> to vector<16xf32>
      %swap3A_817 = vector.shape_cast %mul3A_812 : vector<16xf32> to vector<1x16xf32>
      tpu.vector_store %arg6[%swap3A_813, %swap3A_814], %swap3A_817 {strides = array<i32>} : memref<320x128xf32, #tpu.memory_space<vmem>>, vector<1x16xf32>,
      %get3A_818 = arith.index_cast %add3A_737 : i32 to index
      %get3A_819 = arith.constant 80 : index
      %get3A_820 = tpu.vector_load %arg6[%get3A_818, %get3A_819] {strides = array<i32>} : memref<320x128xf32, #tpu.memory_space<vmem>>, vector<1x16xf32>,
      %get3A_821 = vector.shape_cast %get3A_820 : vector<1x16xf32> to vector<16xf32>
      %get3A_822 = arith.index_cast %add3A_737 : i32 to index
      %get3A_823 = arith.constant 80 : index
      %get3A_824 = tpu.vector_load %arg7[%get3A_822, %get3A_823] {strides = array<i32>} : memref<320x128xf32, #tpu.memory_space<vmem>>, vector<1x16xf32>,
      %get3A_825 = vector.shape_cast %get3A_824 : vector<1x16xf32> to vector<16xf32>
      %add3A_826 = arith.addf %get3A_821, %get3A_825 : vector<16xf32>
      %mul3A_827 = vector.broadcast %squeeze3A_733 : f32 to vector<16xf32>
      %mul3A_828 = arith.mulf %add3A_826, %mul3A_827 : vector<16xf32>
      %swap3A_829 = arith.index_cast %add3A_737 : i32 to index
      %swap3A_830 = arith.constant 80 : index
      %swap3A_831 = tpu.vector_load %arg6[%swap3A_829, %swap3A_830] {strides = array<i32>} : memref<320x128xf32, #tpu.memory_space<vmem>>, vector<1x16xf32>,
      %swap3A_832 = vector.shape_cast %swap3A_831 : vector<1x16xf32> to vector<16xf32>
      %swap3A_833 = vector.shape_cast %mul3A_828 : vector<16xf32> to vector<1x16xf32>
      tpu.vector_store %arg6[%swap3A_829, %swap3A_830], %swap3A_833 {strides = array<i32>} : memref<320x128xf32, #tpu.memory_space<vmem>>, vector<1x16xf32>,
      %get3A_834 = arith.index_cast %add3A_737 : i32 to index
      %get3A_835 = arith.constant 96 : index
      %get3A_836 = tpu.vector_load %arg6[%get3A_834, %get3A_835] {strides = array<i32>} : memref<320x128xf32, #tpu.memory_space<vmem>>, vector<1x16xf32>,
      %get3A_837 = vector.shape_cast %get3A_836 : vector<1x16xf32> to vector<16xf32>
      %get3A_838 = arith.index_cast %add3A_737 : i32 to index
      %get3A_839 = arith.constant 96 : index
      %get3A_840 = tpu.vector_load %arg7[%get3A_838, %get3A_839] {strides = array<i32>} : memref<320x128xf32, #tpu.memory_space<vmem>>, vector<1x16xf32>,
      %get3A_841 = vector.shape_cast %get3A_840 : vector<1x16xf32> to vector<16xf32>
      %add3A_842 = arith.addf %get3A_837, %get3A_841 : vector<16xf32>
      %mul3A_843 = vector.broadcast %squeeze3A_733 : f32 to vector<16xf32>
      %mul3A_844 = arith.mulf %add3A_842, %mul3A_843 : vector<16xf32>
      %swap3A_845 = arith.index_cast %add3A_737 : i32 to index
      %swap3A_846 = arith.constant 96 : index
      %swap3A_847 = tpu.vector_load %arg6[%swap3A_845, %swap3A_846] {strides = array<i32>} : memref<320x128xf32, #tpu.memory_space<vmem>>, vector<1x16xf32>,
      %swap3A_848 = vector.shape_cast %swap3A_847 : vector<1x16xf32> to vector<16xf32>
      %swap3A_849 = vector.shape_cast %mul3A_844 : vector<16xf32> to vector<1x16xf32>
      tpu.vector_store %arg6[%swap3A_845, %swap3A_846], %swap3A_849 {strides = array<i32>} : memref<320x128xf32, #tpu.memory_space<vmem>>, vector<1x16xf32>,
      %get3A_850 = arith.index_cast %add3A_737 : i32 to index
      %get3A_851 = arith.constant 112 : index
      %get3A_852 = tpu.vector_load %arg6[%get3A_850, %get3A_851] {strides = array<i32>} : memref<320x128xf32, #tpu.memory_space<vmem>>, vector<1x16xf32>,
      %get3A_853 = vector.shape_cast %get3A_852 : vector<1x16xf32> to vector<16xf32>
      %get3A_854 = arith.index_cast %add3A_737 : i32 to index
      %get3A_855 = arith.constant 112 : index
      %get3A_856 = tpu.vector_load %arg7[%get3A_854, %get3A_855] {strides = array<i32>} : memref<320x128xf32, #tpu.memory_space<vmem>>, vector<1x16xf32>,
      %get3A_857 = vector.shape_cast %get3A_856 : vector<1x16xf32> to vector<16xf32>
      %add3A_858 = arith.addf %get3A_853, %get3A_857 : vector<16xf32>
      %mul3A_859 = vector.broadcast %squeeze3A_733 : f32 to vector<16xf32>
      %mul3A_860 = arith.mulf %add3A_858, %mul3A_859 : vector<16xf32>
      %swap3A_861 = arith.index_cast %add3A_737 : i32 to index
      %swap3A_862 = arith.constant 112 : index
      %swap3A_863 = tpu.vector_load %arg6[%swap3A_861, %swap3A_862] {strides = array<i32>} : memref<320x128xf32, #tpu.memory_space<vmem>>, vector<1x16xf32>,
      %swap3A_864 = vector.shape_cast %swap3A_863 : vector<1x16xf32> to vector<16xf32>
      %swap3A_865 = vector.shape_cast %mul3A_860 : vector<16xf32> to vector<1x16xf32>
      tpu.vector_store %arg6[%swap3A_861, %swap3A_862], %swap3A_865 {strides = array<i32>} : memref<320x128xf32, #tpu.memory_space<vmem>>, vector<1x16xf32>,
      %slice3A_866 = vector.extract_strided_slice %div3A_64 {offsets = [6], sizes = [1], strides = [1]} : vector<16xf32> to vector<1xf32>
      %squeeze3A_867 = vector.extract %slice3A_866[0] : f32 from vector<1xf32>
      %mul3A_868 = arith.constant 16 : i32
      %mul3A_869 = arith.muli %scan3A_50, %mul3A_868 : i32
      %add3A_870 = arith.constant 6 : i32
      %add3A_871 = arith.addi %mul3A_869, %add3A_870 : i32
      %get3A_872 = arith.index_cast %add3A_871 : i32 to index
      %get3A_873 = arith.constant 0 : index
      %get3A_874 = tpu.vector_load %arg6[%get3A_872, %get3A_873] {strides = array<i32>} : memref<320x128xf32, #tpu.memory_space<vmem>>, vector<1x16xf32>,
      %get3A_875 = vector.shape_cast %get3A_874 : vector<1x16xf32> to vector<16xf32>
      %get3A_876 = arith.index_cast %add3A_871 : i32 to index
      %get3A_877 = arith.constant 0 : index
      %get3A_878 = tpu.vector_load %arg7[%get3A_876, %get3A_877] {strides = array<i32>} : memref<320x128xf32, #tpu.memory_space<vmem>>, vector<1x16xf32>,
      %get3A_879 = vector.shape_cast %get3A_878 : vector<1x16xf32> to vector<16xf32>
      %add3A_880 = arith.addf %get3A_875, %get3A_879 : vector<16xf32>
      %mul3A_881 = vector.broadcast %squeeze3A_867 : f32 to vector<16xf32>
      %mul3A_882 = arith.mulf %add3A_880, %mul3A_881 : vector<16xf32>
      %swap3A_883 = arith.index_cast %add3A_871 : i32 to index
      %swap3A_884 = arith.constant 0 : index
      %swap3A_885 = tpu.vector_load %arg6[%swap3A_883, %swap3A_884] {strides = array<i32>} : memref<320x128xf32, #tpu.memory_space<vmem>>, vector<1x16xf32>,
      %swap3A_886 = vector.shape_cast %swap3A_885 : vector<1x16xf32> to vector<16xf32>
      %swap3A_887 = vector.shape_cast %mul3A_882 : vector<16xf32> to vector<1x16xf32>
      tpu.vector_store %arg6[%swap3A_883, %swap3A_884], %swap3A_887 {strides = array<i32>} : memref<320x128xf32, #tpu.memory_space<vmem>>, vector<1x16xf32>,
      %get3A_888 = arith.index_cast %add3A_871 : i32 to index
      %get3A_889 = arith.constant 16 : index
      %get3A_890 = tpu.vector_load %arg6[%get3A_888, %get3A_889] {strides = array<i32>} : memref<320x128xf32, #tpu.memory_space<vmem>>, vector<1x16xf32>,
      %get3A_891 = vector.shape_cast %get3A_890 : vector<1x16xf32> to vector<16xf32>
      %get3A_892 = arith.index_cast %add3A_871 : i32 to index
      %get3A_893 = arith.constant 16 : index
      %get3A_894 = tpu.vector_load %arg7[%get3A_892, %get3A_893] {strides = array<i32>} : memref<320x128xf32, #tpu.memory_space<vmem>>, vector<1x16xf32>,
      %get3A_895 = vector.shape_cast %get3A_894 : vector<1x16xf32> to vector<16xf32>
      %add3A_896 = arith.addf %get3A_891, %get3A_895 : vector<16xf32>
      %mul3A_897 = vector.broadcast %squeeze3A_867 : f32 to vector<16xf32>
      %mul3A_898 = arith.mulf %add3A_896, %mul3A_897 : vector<16xf32>
      %swap3A_899 = arith.index_cast %add3A_871 : i32 to index
      %swap3A_900 = arith.constant 16 : index
      %swap3A_901 = tpu.vector_load %arg6[%swap3A_899, %swap3A_900] {strides = array<i32>} : memref<320x128xf32, #tpu.memory_space<vmem>>, vector<1x16xf32>,
      %swap3A_902 = vector.shape_cast %swap3A_901 : vector<1x16xf32> to vector<16xf32>
      %swap3A_903 = vector.shape_cast %mul3A_898 : vector<16xf32> to vector<1x16xf32>
      tpu.vector_store %arg6[%swap3A_899, %swap3A_900], %swap3A_903 {strides = array<i32>} : memref<320x128xf32, #tpu.memory_space<vmem>>, vector<1x16xf32>,
      %get3A_904 = arith.index_cast %add3A_871 : i32 to index
      %get3A_905 = arith.constant 32 : index
      %get3A_906 = tpu.vector_load %arg6[%get3A_904, %get3A_905] {strides = array<i32>} : memref<320x128xf32, #tpu.memory_space<vmem>>, vector<1x16xf32>,
      %get3A_907 = vector.shape_cast %get3A_906 : vector<1x16xf32> to vector<16xf32>
      %get3A_908 = arith.index_cast %add3A_871 : i32 to index
      %get3A_909 = arith.constant 32 : index
      %get3A_910 = tpu.vector_load %arg7[%get3A_908, %get3A_909] {strides = array<i32>} : memref<320x128xf32, #tpu.memory_space<vmem>>, vector<1x16xf32>,
      %get3A_911 = vector.shape_cast %get3A_910 : vector<1x16xf32> to vector<16xf32>
      %add3A_912 = arith.addf %get3A_907, %get3A_911 : vector<16xf32>
      %mul3A_913 = vector.broadcast %squeeze3A_867 : f32 to vector<16xf32>
      %mul3A_914 = arith.mulf %add3A_912, %mul3A_913 : vector<16xf32>
      %swap3A_915 = arith.index_cast %add3A_871 : i32 to index
      %swap3A_916 = arith.constant 32 : index
      %swap3A_917 = tpu.vector_load %arg6[%swap3A_915, %swap3A_916] {strides = array<i32>} : memref<320x128xf32, #tpu.memory_space<vmem>>, vector<1x16xf32>,
      %swap3A_918 = vector.shape_cast %swap3A_917 : vector<1x16xf32> to vector<16xf32>
      %swap3A_919 = vector.shape_cast %mul3A_914 : vector<16xf32> to vector<1x16xf32>
      tpu.vector_store %arg6[%swap3A_915, %swap3A_916], %swap3A_919 {strides = array<i32>} : memref<320x128xf32, #tpu.memory_space<vmem>>, vector<1x16xf32>,
      %get3A_920 = arith.index_cast %add3A_871 : i32 to index
      %get3A_921 = arith.constant 48 : index
      %get3A_922 = tpu.vector_load %arg6[%get3A_920, %get3A_921] {strides = array<i32>} : memref<320x128xf32, #tpu.memory_space<vmem>>, vector<1x16xf32>,
      %get3A_923 = vector.shape_cast %get3A_922 : vector<1x16xf32> to vector<16xf32>
      %get3A_924 = arith.index_cast %add3A_871 : i32 to index
      %get3A_925 = arith.constant 48 : index
      %get3A_926 = tpu.vector_load %arg7[%get3A_924, %get3A_925] {strides = array<i32>} : memref<320x128xf32, #tpu.memory_space<vmem>>, vector<1x16xf32>,
      %get3A_927 = vector.shape_cast %get3A_926 : vector<1x16xf32> to vector<16xf32>
      %add3A_928 = arith.addf %get3A_923, %get3A_927 : vector<16xf32>
      %mul3A_929 = vector.broadcast %squeeze3A_867 : f32 to vector<16xf32>
      %mul3A_930 = arith.mulf %add3A_928, %mul3A_929 : vector<16xf32>
      %swap3A_931 = arith.index_cast %add3A_871 : i32 to index
      %swap3A_932 = arith.constant 48 : index
      %swap3A_933 = tpu.vector_load %arg6[%swap3A_931, %swap3A_932] {strides = array<i32>} : memref<320x128xf32, #tpu.memory_space<vmem>>, vector<1x16xf32>,
      %swap3A_934 = vector.shape_cast %swap3A_933 : vector<1x16xf32> to vector<16xf32>
      %swap3A_935 = vector.shape_cast %mul3A_930 : vector<16xf32> to vector<1x16xf32>
      tpu.vector_store %arg6[%swap3A_931, %swap3A_932], %swap3A_935 {strides = array<i32>} : memref<320x128xf32, #tpu.memory_space<vmem>>, vector<1x16xf32>,
      %get3A_936 = arith.index_cast %add3A_871 : i32 to index
      %get3A_937 = arith.constant 64 : index
      %get3A_938 = tpu.vector_load %arg6[%get3A_936, %get3A_937] {strides = array<i32>} : memref<320x128xf32, #tpu.memory_space<vmem>>, vector<1x16xf32>,
      %get3A_939 = vector.shape_cast %get3A_938 : vector<1x16xf32> to vector<16xf32>
      %get3A_940 = arith.index_cast %add3A_871 : i32 to index
      %get3A_941 = arith.constant 64 : index
      %get3A_942 = tpu.vector_load %arg7[%get3A_940, %get3A_941] {strides = array<i32>} : memref<320x128xf32, #tpu.memory_space<vmem>>, vector<1x16xf32>,
      %get3A_943 = vector.shape_cast %get3A_942 : vector<1x16xf32> to vector<16xf32>
      %add3A_944 = arith.addf %get3A_939, %get3A_943 : vector<16xf32>
      %mul3A_945 = vector.broadcast %squeeze3A_867 : f32 to vector<16xf32>
      %mul3A_946 = arith.mulf %add3A_944, %mul3A_945 : vector<16xf32>
      %swap3A_947 = arith.index_cast %add3A_871 : i32 to index
      %swap3A_948 = arith.constant 64 : index
      %swap3A_949 = tpu.vector_load %arg6[%swap3A_947, %swap3A_948] {strides = array<i32>} : memref<320x128xf32, #tpu.memory_space<vmem>>, vector<1x16xf32>,
      %swap3A_950 = vector.shape_cast %swap3A_949 : vector<1x16xf32> to vector<16xf32>
      %swap3A_951 = vector.shape_cast %mul3A_946 : vector<16xf32> to vector<1x16xf32>
      tpu.vector_store %arg6[%swap3A_947, %swap3A_948], %swap3A_951 {strides = array<i32>} : memref<320x128xf32, #tpu.memory_space<vmem>>, vector<1x16xf32>,
      %get3A_952 = arith.index_cast %add3A_871 : i32 to index
      %get3A_953 = arith.constant 80 : index
      %get3A_954 = tpu.vector_load %arg6[%get3A_952, %get3A_953] {strides = array<i32>} : memref<320x128xf32, #tpu.memory_space<vmem>>, vector<1x16xf32>,
      %get3A_955 = vector.shape_cast %get3A_954 : vector<1x16xf32> to vector<16xf32>
      %get3A_956 = arith.index_cast %add3A_871 : i32 to index
      %get3A_957 = arith.constant 80 : index
      %get3A_958 = tpu.vector_load %arg7[%get3A_956, %get3A_957] {strides = array<i32>} : memref<320x128xf32, #tpu.memory_space<vmem>>, vector<1x16xf32>,
      %get3A_959 = vector.shape_cast %get3A_958 : vector<1x16xf32> to vector<16xf32>
      %add3A_960 = arith.addf %get3A_955, %get3A_959 : vector<16xf32>
      %mul3A_961 = vector.broadcast %squeeze3A_867 : f32 to vector<16xf32>
      %mul3A_962 = arith.mulf %add3A_960, %mul3A_961 : vector<16xf32>
      %swap3A_963 = arith.index_cast %add3A_871 : i32 to index
      %swap3A_964 = arith.constant 80 : index
      %swap3A_965 = tpu.vector_load %arg6[%swap3A_963, %swap3A_964] {strides = array<i32>} : memref<320x128xf32, #tpu.memory_space<vmem>>, vector<1x16xf32>,
      %swap3A_966 = vector.shape_cast %swap3A_965 : vector<1x16xf32> to vector<16xf32>
      %swap3A_967 = vector.shape_cast %mul3A_962 : vector<16xf32> to vector<1x16xf32>
      tpu.vector_store %arg6[%swap3A_963, %swap3A_964], %swap3A_967 {strides = array<i32>} : memref<320x128xf32, #tpu.memory_space<vmem>>, vector<1x16xf32>,
      %get3A_968 = arith.index_cast %add3A_871 : i32 to index
      %get3A_969 = arith.constant 96 : index
      %get3A_970 = tpu.vector_load %arg6[%get3A_968, %get3A_969] {strides = array<i32>} : memref<320x128xf32, #tpu.memory_space<vmem>>, vector<1x16xf32>,
      %get3A_971 = vector.shape_cast %get3A_970 : vector<1x16xf32> to vector<16xf32>
      %get3A_972 = arith.index_cast %add3A_871 : i32 to index
      %get3A_973 = arith.constant 96 : index
      %get3A_974 = tpu.vector_load %arg7[%get3A_972, %get3A_973] {strides = array<i32>} : memref<320x128xf32, #tpu.memory_space<vmem>>, vector<1x16xf32>,
      %get3A_975 = vector.shape_cast %get3A_974 : vector<1x16xf32> to vector<16xf32>
      %add3A_976 = arith.addf %get3A_971, %get3A_975 : vector<16xf32>
      %mul3A_977 = vector.broadcast %squeeze3A_867 : f32 to vector<16xf32>
      %mul3A_978 = arith.mulf %add3A_976, %mul3A_977 : vector<16xf32>
      %swap3A_979 = arith.index_cast %add3A_871 : i32 to index
      %swap3A_980 = arith.constant 96 : index
      %swap3A_981 = tpu.vector_load %arg6[%swap3A_979, %swap3A_980] {strides = array<i32>} : memref<320x128xf32, #tpu.memory_space<vmem>>, vector<1x16xf32>,
      %swap3A_982 = vector.shape_cast %swap3A_981 : vector<1x16xf32> to vector<16xf32>
      %swap3A_983 = vector.shape_cast %mul3A_978 : vector<16xf32> to vector<1x16xf32>
      tpu.vector_store %arg6[%swap3A_979, %swap3A_980], %swap3A_983 {strides = array<i32>} : memref<320x128xf32, #tpu.memory_space<vmem>>, vector<1x16xf32>,
      %get3A_984 = arith.index_cast %add3A_871 : i32 to index
      %get3A_985 = arith.constant 112 : index
      %get3A_986 = tpu.vector_load %arg6[%get3A_984, %get3A_985] {strides = array<i32>} : memref<320x128xf32, #tpu.memory_space<vmem>>, vector<1x16xf32>,
      %get3A_987 = vector.shape_cast %get3A_986 : vector<1x16xf32> to vector<16xf32>
      %get3A_988 = arith.index_cast %add3A_871 : i32 to index
      %get3A_989 = arith.constant 112 : index
      %get3A_990 = tpu.vector_load %arg7[%get3A_988, %get3A_989] {strides = array<i32>} : memref<320x128xf32, #tpu.memory_space<vmem>>, vector<1x16xf32>,
      %get3A_991 = vector.shape_cast %get3A_990 : vector<1x16xf32> to vector<16xf32>
      %add3A_992 = arith.addf %get3A_987, %get3A_991 : vector<16xf32>
      %mul3A_993 = vector.broadcast %squeeze3A_867 : f32 to vector<16xf32>
      %mul3A_994 = arith.mulf %add3A_992, %mul3A_993 : vector<16xf32>
      %swap3A_995 = arith.index_cast %add3A_871 : i32 to index
      %swap3A_996 = arith.constant 112 : index
      %swap3A_997 = tpu.vector_load %arg6[%swap3A_995, %swap3A_996] {strides = array<i32>} : memref<320x128xf32, #tpu.memory_space<vmem>>, vector<1x16xf32>,
      %swap3A_998 = vector.shape_cast %swap3A_997 : vector<1x16xf32> to vector<16xf32>
      %swap3A_999 = vector.shape_cast %mul3A_994 : vector<16xf32> to vector<1x16xf32>
      tpu.vector_store %arg6[%swap3A_995, %swap3A_996], %swap3A_999 {strides = array<i32>} : memref<320x128xf32, #tpu.memory_space<vmem>>, vector<1x16xf32>,
      %slice3A_1000 = vector.extract_strided_slice %div3A_64 {offsets = [7], sizes = [1], strides = [1]} : vector<16xf32> to vector<1xf32>
      %squeeze3A_1001 = vector.extract %slice3A_1000[0] : f32 from vector<1xf32>
      %mul3A_1002 = arith.constant 16 : i32
      %mul3A_1003 = arith.muli %scan3A_50, %mul3A_1002 : i32
      %add3A_1004 = arith.constant 7 : i32
      %add3A_1005 = arith.addi %mul3A_1003, %add3A_1004 : i32
      %get3A_1006 = arith.index_cast %add3A_1005 : i32 to index
      %get3A_1007 = arith.constant 0 : index
      %get3A_1008 = tpu.vector_load %arg6[%get3A_1006, %get3A_1007] {strides = array<i32>} : memref<320x128xf32, #tpu.memory_space<vmem>>, vector<1x16xf32>,
      %get3A_1009 = vector.shape_cast %get3A_1008 : vector<1x16xf32> to vector<16xf32>
      %get3A_1010 = arith.index_cast %add3A_1005 : i32 to index
      %get3A_1011 = arith.constant 0 : index
      %get3A_1012 = tpu.vector_load %arg7[%get3A_1010, %get3A_1011] {strides = array<i32>} : memref<320x128xf32, #tpu.memory_space<vmem>>, vector<1x16xf32>,
      %get3A_1013 = vector.shape_cast %get3A_1012 : vector<1x16xf32> to vector<16xf32>
      %add3A_1014 = arith.addf %get3A_1009, %get3A_1013 : vector<16xf32>
      %mul3A_1015 = vector.broadcast %squeeze3A_1001 : f32 to vector<16xf32>
      %mul3A_1016 = arith.mulf %add3A_1014, %mul3A_1015 : vector<16xf32>
      %swap3A_1017 = arith.index_cast %add3A_1005 : i32 to index
      %swap3A_1018 = arith.constant 0 : index
      %swap3A_1019 = tpu.vector_load %arg6[%swap3A_1017, %swap3A_1018] {strides = array<i32>} : memref<320x128xf32, #tpu.memory_space<vmem>>, vector<1x16xf32>,
      %swap3A_1020 = vector.shape_cast %swap3A_1019 : vector<1x16xf32> to vector<16xf32>
      %swap3A_1021 = vector.shape_cast %mul3A_1016 : vector<16xf32> to vector<1x16xf32>
      tpu.vector_store %arg6[%swap3A_1017, %swap3A_1018], %swap3A_1021 {strides = array<i32>} : memref<320x128xf32, #tpu.memory_space<vmem>>, vector<1x16xf32>,
      %get3A_1022 = arith.index_cast %add3A_1005 : i32 to index
      %get3A_1023 = arith.constant 16 : index
      %get3A_1024 = tpu.vector_load %arg6[%get3A_1022, %get3A_1023] {strides = array<i32>} : memref<320x128xf32, #tpu.memory_space<vmem>>, vector<1x16xf32>,
      %get3A_1025 = vector.shape_cast %get3A_1024 : vector<1x16xf32> to vector<16xf32>
      %get3A_1026 = arith.index_cast %add3A_1005 : i32 to index
      %get3A_1027 = arith.constant 16 : index
      %get3A_1028 = tpu.vector_load %arg7[%get3A_1026, %get3A_1027] {strides = array<i32>} : memref<320x128xf32, #tpu.memory_space<vmem>>, vector<1x16xf32>,
      %get3A_1029 = vector.shape_cast %get3A_1028 : vector<1x16xf32> to vector<16xf32>
      %add3A_1030 = arith.addf %get3A_1025, %get3A_1029 : vector<16xf32>
      %mul3A_1031 = vector.broadcast %squeeze3A_1001 : f32 to vector<16xf32>
      %mul3A_1032 = arith.mulf %add3A_1030, %mul3A_1031 : vector<16xf32>
      %swap3A_1033 = arith.index_cast %add3A_1005 : i32 to index
      %swap3A_1034 = arith.constant 16 : index
      %swap3A_1035 = tpu.vector_load %arg6[%swap3A_1033, %swap3A_1034] {strides = array<i32>} : memref<320x128xf32, #tpu.memory_space<vmem>>, vector<1x16xf32>,
      %swap3A_1036 = vector.shape_cast %swap3A_1035 : vector<1x16xf32> to vector<16xf32>
      %swap3A_1037 = vector.shape_cast %mul3A_1032 : vector<16xf32> to vector<1x16xf32>
      tpu.vector_store %arg6[%swap3A_1033, %swap3A_1034], %swap3A_1037 {strides = array<i32>} : memref<320x128xf32, #tpu.memory_space<vmem>>, vector<1x16xf32>,
      %get3A_1038 = arith.index_cast %add3A_1005 : i32 to index
      %get3A_1039 = arith.constant 32 : index
      %get3A_1040 = tpu.vector_load %arg6[%get3A_1038, %get3A_1039] {strides = array<i32>} : memref<320x128xf32, #tpu.memory_space<vmem>>, vector<1x16xf32>,
      %get3A_1041 = vector.shape_cast %get3A_1040 : vector<1x16xf32> to vector<16xf32>
      %get3A_1042 = arith.index_cast %add3A_1005 : i32 to index
      %get3A_1043 = arith.constant 32 : index
      %get3A_1044 = tpu.vector_load %arg7[%get3A_1042, %get3A_1043] {strides = array<i32>} : memref<320x128xf32, #tpu.memory_space<vmem>>, vector<1x16xf32>,
      %get3A_1045 = vector.shape_cast %get3A_1044 : vector<1x16xf32> to vector<16xf32>
      %add3A_1046 = arith.addf %get3A_1041, %get3A_1045 : vector<16xf32>
      %mul3A_1047 = vector.broadcast %squeeze3A_1001 : f32 to vector<16xf32>
      %mul3A_1048 = arith.mulf %add3A_1046, %mul3A_1047 : vector<16xf32>
      %swap3A_1049 = arith.index_cast %add3A_1005 : i32 to index
      %swap3A_1050 = arith.constant 32 : index
      %swap3A_1051 = tpu.vector_load %arg6[%swap3A_1049, %swap3A_1050] {strides = array<i32>} : memref<320x128xf32, #tpu.memory_space<vmem>>, vector<1x16xf32>,
      %swap3A_1052 = vector.shape_cast %swap3A_1051 : vector<1x16xf32> to vector<16xf32>
      %swap3A_1053 = vector.shape_cast %mul3A_1048 : vector<16xf32> to vector<1x16xf32>
      tpu.vector_store %arg6[%swap3A_1049, %swap3A_1050], %swap3A_1053 {strides = array<i32>} : memref<320x128xf32, #tpu.memory_space<vmem>>, vector<1x16xf32>,
      %get3A_1054 = arith.index_cast %add3A_1005 : i32 to index
      %get3A_1055 = arith.constant 48 : index
      %get3A_1056 = tpu.vector_load %arg6[%get3A_1054, %get3A_1055] {strides = array<i32>} : memref<320x128xf32, #tpu.memory_space<vmem>>, vector<1x16xf32>,
      %get3A_1057 = vector.shape_cast %get3A_1056 : vector<1x16xf32> to vector<16xf32>
      %get3A_1058 = arith.index_cast %add3A_1005 : i32 to index
      %get3A_1059 = arith.constant 48 : index
      %get3A_1060 = tpu.vector_load %arg7[%get3A_1058, %get3A_1059] {strides = array<i32>} : memref<320x128xf32, #tpu.memory_space<vmem>>, vector<1x16xf32>,
      %get3A_1061 = vector.shape_cast %get3A_1060 : vector<1x16xf32> to vector<16xf32>
      %add3A_1062 = arith.addf %get3A_1057, %get3A_1061 : vector<16xf32>
      %mul3A_1063 = vector.broadcast %squeeze3A_1001 : f32 to vector<16xf32>
      %mul3A_1064 = arith.mulf %add3A_1062, %mul3A_1063 : vector<16xf32>
      %swap3A_1065 = arith.index_cast %add3A_1005 : i32 to index
      %swap3A_1066 = arith.constant 48 : index
      %swap3A_1067 = tpu.vector_load %arg6[%swap3A_1065, %swap3A_1066] {strides = array<i32>} : memref<320x128xf32, #tpu.memory_space<vmem>>, vector<1x16xf32>,
      %swap3A_1068 = vector.shape_cast %swap3A_1067 : vector<1x16xf32> to vector<16xf32>
      %swap3A_1069 = vector.shape_cast %mul3A_1064 : vector<16xf32> to vector<1x16xf32>
      tpu.vector_store %arg6[%swap3A_1065, %swap3A_1066], %swap3A_1069 {strides = array<i32>} : memref<320x128xf32, #tpu.memory_space<vmem>>, vector<1x16xf32>,
      %get3A_1070 = arith.index_cast %add3A_1005 : i32 to index
      %get3A_1071 = arith.constant 64 : index
      %get3A_1072 = tpu.vector_load %arg6[%get3A_1070, %get3A_1071] {strides = array<i32>} : memref<320x128xf32, #tpu.memory_space<vmem>>, vector<1x16xf32>,
      %get3A_1073 = vector.shape_cast %get3A_1072 : vector<1x16xf32> to vector<16xf32>
      %get3A_1074 = arith.index_cast %add3A_1005 : i32 to index
      %get3A_1075 = arith.constant 64 : index
      %get3A_1076 = tpu.vector_load %arg7[%get3A_1074, %get3A_1075] {strides = array<i32>} : memref<320x128xf32, #tpu.memory_space<vmem>>, vector<1x16xf32>,
      %get3A_1077 = vector.shape_cast %get3A_1076 : vector<1x16xf32> to vector<16xf32>
      %add3A_1078 = arith.addf %get3A_1073, %get3A_1077 : vector<16xf32>
      %mul3A_1079 = vector.broadcast %squeeze3A_1001 : f32 to vector<16xf32>
      %mul3A_1080 = arith.mulf %add3A_1078, %mul3A_1079 : vector<16xf32>
      %swap3A_1081 = arith.index_cast %add3A_1005 : i32 to index
      %swap3A_1082 = arith.constant 64 : index
      %swap3A_1083 = tpu.vector_load %arg6[%swap3A_1081, %swap3A_1082] {strides = array<i32>} : memref<320x128xf32, #tpu.memory_space<vmem>>, vector<1x16xf32>,
      %swap3A_1084 = vector.shape_cast %swap3A_1083 : vector<1x16xf32> to vector<16xf32>
      %swap3A_1085 = vector.shape_cast %mul3A_1080 : vector<16xf32> to vector<1x16xf32>
      tpu.vector_store %arg6[%swap3A_1081, %swap3A_1082], %swap3A_1085 {strides = array<i32>} : memref<320x128xf32, #tpu.memory_space<vmem>>, vector<1x16xf32>,
      %get3A_1086 = arith.index_cast %add3A_1005 : i32 to index
      %get3A_1087 = arith.constant 80 : index
      %get3A_1088 = tpu.vector_load %arg6[%get3A_1086, %get3A_1087] {strides = array<i32>} : memref<320x128xf32, #tpu.memory_space<vmem>>, vector<1x16xf32>,
      %get3A_1089 = vector.shape_cast %get3A_1088 : vector<1x16xf32> to vector<16xf32>
      %get3A_1090 = arith.index_cast %add3A_1005 : i32 to index
      %get3A_1091 = arith.constant 80 : index
      %get3A_1092 = tpu.vector_load %arg7[%get3A_1090, %get3A_1091] {strides = array<i32>} : memref<320x128xf32, #tpu.memory_space<vmem>>, vector<1x16xf32>,
      %get3A_1093 = vector.shape_cast %get3A_1092 : vector<1x16xf32> to vector<16xf32>
      %add3A_1094 = arith.addf %get3A_1089, %get3A_1093 : vector<16xf32>
      %mul3A_1095 = vector.broadcast %squeeze3A_1001 : f32 to vector<16xf32>
      %mul3A_1096 = arith.mulf %add3A_1094, %mul3A_1095 : vector<16xf32>
      %swap3A_1097 = arith.index_cast %add3A_1005 : i32 to index
      %swap3A_1098 = arith.constant 80 : index
      %swap3A_1099 = tpu.vector_load %arg6[%swap3A_1097, %swap3A_1098] {strides = array<i32>} : memref<320x128xf32, #tpu.memory_space<vmem>>, vector<1x16xf32>,
      %swap3A_1100 = vector.shape_cast %swap3A_1099 : vector<1x16xf32> to vector<16xf32>
      %swap3A_1101 = vector.shape_cast %mul3A_1096 : vector<16xf32> to vector<1x16xf32>
      tpu.vector_store %arg6[%swap3A_1097, %swap3A_1098], %swap3A_1101 {strides = array<i32>} : memref<320x128xf32, #tpu.memory_space<vmem>>, vector<1x16xf32>,
      %get3A_1102 = arith.index_cast %add3A_1005 : i32 to index
      %get3A_1103 = arith.constant 96 : index
      %get3A_1104 = tpu.vector_load %arg6[%get3A_1102, %get3A_1103] {strides = array<i32>} : memref<320x128xf32, #tpu.memory_space<vmem>>, vector<1x16xf32>,
      %get3A_1105 = vector.shape_cast %get3A_1104 : vector<1x16xf32> to vector<16xf32>
      %get3A_1106 = arith.index_cast %add3A_1005 : i32 to index
      %get3A_1107 = arith.constant 96 : index
      %get3A_1108 = tpu.vector_load %arg7[%get3A_1106, %get3A_1107] {strides = array<i32>} : memref<320x128xf32, #tpu.memory_space<vmem>>, vector<1x16xf32>,
      %get3A_1109 = vector.shape_cast %get3A_1108 : vector<1x16xf32> to vector<16xf32>
      %add3A_1110 = arith.addf %get3A_1105, %get3A_1109 : vector<16xf32>
      %mul3A_1111 = vector.broadcast %squeeze3A_1001 : f32 to vector<16xf32>
      %mul3A_1112 = arith.mulf %add3A_1110, %mul3A_1111 : vector<16xf32>
      %swap3A_1113 = arith.index_cast %add3A_1005 : i32 to index
      %swap3A_1114 = arith.constant 96 : index
      %swap3A_1115 = tpu.vector_load %arg6[%swap3A_1113, %swap3A_1114] {strides = array<i32>} : memref<320x128xf32, #tpu.memory_space<vmem>>, vector<1x16xf32>,
      %swap3A_1116 = vector.shape_cast %swap3A_1115 : vector<1x16xf32> to vector<16xf32>
      %swap3A_1117 = vector.shape_cast %mul3A_1112 : vector<16xf32> to vector<1x16xf32>
      tpu.vector_store %arg6[%swap3A_1113, %swap3A_1114], %swap3A_1117 {strides = array<i32>} : memref<320x128xf32, #tpu.memory_space<vmem>>, vector<1x16xf32>,
      %get3A_1118 = arith.index_cast %add3A_1005 : i32 to index
      %get3A_1119 = arith.constant 112 : index
      %get3A_1120 = tpu.vector_load %arg6[%get3A_1118, %get3A_1119] {strides = array<i32>} : memref<320x128xf32, #tpu.memory_space<vmem>>, vector<1x16xf32>,
      %get3A_1121 = vector.shape_cast %get3A_1120 : vector<1x16xf32> to vector<16xf32>
      %get3A_1122 = arith.index_cast %add3A_1005 : i32 to index
      %get3A_1123 = arith.constant 112 : index
      %get3A_1124 = tpu.vector_load %arg7[%get3A_1122, %get3A_1123] {strides = array<i32>} : memref<320x128xf32, #tpu.memory_space<vmem>>, vector<1x16xf32>,
      %get3A_1125 = vector.shape_cast %get3A_1124 : vector<1x16xf32> to vector<16xf32>
      %add3A_1126 = arith.addf %get3A_1121, %get3A_1125 : vector<16xf32>
      %mul3A_1127 = vector.broadcast %squeeze3A_1001 : f32 to vector<16xf32>
      %mul3A_1128 = arith.mulf %add3A_1126, %mul3A_1127 : vector<16xf32>
      %swap3A_1129 = arith.index_cast %add3A_1005 : i32 to index
      %swap3A_1130 = arith.constant 112 : index
      %swap3A_1131 = tpu.vector_load %arg6[%swap3A_1129, %swap3A_1130] {strides = array<i32>} : memref<320x128xf32, #tpu.memory_space<vmem>>, vector<1x16xf32>,
      %swap3A_1132 = vector.shape_cast %swap3A_1131 : vector<1x16xf32> to vector<16xf32>
      %swap3A_1133 = vector.shape_cast %mul3A_1128 : vector<16xf32> to vector<1x16xf32>
      tpu.vector_store %arg6[%swap3A_1129, %swap3A_1130], %swap3A_1133 {strides = array<i32>} : memref<320x128xf32, #tpu.memory_space<vmem>>, vector<1x16xf32>,
      %slice3A_1134 = vector.extract_strided_slice %div3A_64 {offsets = [8], sizes = [1], strides = [1]} : vector<16xf32> to vector<1xf32>
      %squeeze3A_1135 = vector.extract %slice3A_1134[0] : f32 from vector<1xf32>
      %mul3A_1136 = arith.constant 16 : i32
      %mul3A_1137 = arith.muli %scan3A_50, %mul3A_1136 : i32
      %add3A_1138 = arith.constant 8 : i32
      %add3A_1139 = arith.addi %mul3A_1137, %add3A_1138 : i32
      %get3A_1140 = arith.index_cast %add3A_1139 : i32 to index
      %get3A_1141 = arith.constant 0 : index
      %get3A_1142 = tpu.vector_load %arg6[%get3A_1140, %get3A_1141] {strides = array<i32>} : memref<320x128xf32, #tpu.memory_space<vmem>>, vector<1x16xf32>,
      %get3A_1143 = vector.shape_cast %get3A_1142 : vector<1x16xf32> to vector<16xf32>
      %get3A_1144 = arith.index_cast %add3A_1139 : i32 to index
      %get3A_1145 = arith.constant 0 : index
      %get3A_1146 = tpu.vector_load %arg7[%get3A_1144, %get3A_1145] {strides = array<i32>} : memref<320x128xf32, #tpu.memory_space<vmem>>, vector<1x16xf32>,
      %get3A_1147 = vector.shape_cast %get3A_1146 : vector<1x16xf32> to vector<16xf32>
      %add3A_1148 = arith.addf %get3A_1143, %get3A_1147 : vector<16xf32>
      %mul3A_1149 = vector.broadcast %squeeze3A_1135 : f32 to vector<16xf32>
      %mul3A_1150 = arith.mulf %add3A_1148, %mul3A_1149 : vector<16xf32>
      %swap3A_1151 = arith.index_cast %add3A_1139 : i32 to index
      %swap3A_1152 = arith.constant 0 : index
      %swap3A_1153 = tpu.vector_load %arg6[%swap3A_1151, %swap3A_1152] {strides = array<i32>} : memref<320x128xf32, #tpu.memory_space<vmem>>, vector<1x16xf32>,
      %swap3A_1154 = vector.shape_cast %swap3A_1153 : vector<1x16xf32> to vector<16xf32>
      %swap3A_1155 = vector.shape_cast %mul3A_1150 : vector<16xf32> to vector<1x16xf32>
      tpu.vector_store %arg6[%swap3A_1151, %swap3A_1152], %swap3A_1155 {strides = array<i32>} : memref<320x128xf32, #tpu.memory_space<vmem>>, vector<1x16xf32>,
      %get3A_1156 = arith.index_cast %add3A_1139 : i32 to index
      %get3A_1157 = arith.constant 16 : index
      %get3A_1158 = tpu.vector_load %arg6[%get3A_1156, %get3A_1157] {strides = array<i32>} : memref<320x128xf32, #tpu.memory_space<vmem>>, vector<1x16xf32>,
      %get3A_1159 = vector.shape_cast %get3A_1158 : vector<1x16xf32> to vector<16xf32>
      %get3A_1160 = arith.index_cast %add3A_1139 : i32 to index
      %get3A_1161 = arith.constant 16 : index
      %get3A_1162 = tpu.vector_load %arg7[%get3A_1160, %get3A_1161] {strides = array<i32>} : memref<320x128xf32, #tpu.memory_space<vmem>>, vector<1x16xf32>,
      %get3A_1163 = vector.shape_cast %get3A_1162 : vector<1x16xf32> to vector<16xf32>
      %add3A_1164 = arith.addf %get3A_1159, %get3A_1163 : vector<16xf32>
      %mul3A_1165 = vector.broadcast %squeeze3A_1135 : f32 to vector<16xf32>
      %mul3A_1166 = arith.mulf %add3A_1164, %mul3A_1165 : vector<16xf32>
      %swap3A_1167 = arith.index_cast %add3A_1139 : i32 to index
      %swap3A_1168 = arith.constant 16 : index
      %swap3A_1169 = tpu.vector_load %arg6[%swap3A_1167, %swap3A_1168] {strides = array<i32>} : memref<320x128xf32, #tpu.memory_space<vmem>>, vector<1x16xf32>,
      %swap3A_1170 = vector.shape_cast %swap3A_1169 : vector<1x16xf32> to vector<16xf32>
      %swap3A_1171 = vector.shape_cast %mul3A_1166 : vector<16xf32> to vector<1x16xf32>
      tpu.vector_store %arg6[%swap3A_1167, %swap3A_1168], %swap3A_1171 {strides = array<i32>} : memref<320x128xf32, #tpu.memory_space<vmem>>, vector<1x16xf32>,
      %get3A_1172 = arith.index_cast %add3A_1139 : i32 to index
      %get3A_1173 = arith.constant 32 : index
      %get3A_1174 = tpu.vector_load %arg6[%get3A_1172, %get3A_1173] {strides = array<i32>} : memref<320x128xf32, #tpu.memory_space<vmem>>, vector<1x16xf32>,
      %get3A_1175 = vector.shape_cast %get3A_1174 : vector<1x16xf32> to vector<16xf32>
      %get3A_1176 = arith.index_cast %add3A_1139 : i32 to index
      %get3A_1177 = arith.constant 32 : index
      %get3A_1178 = tpu.vector_load %arg7[%get3A_1176, %get3A_1177] {strides = array<i32>} : memref<320x128xf32, #tpu.memory_space<vmem>>, vector<1x16xf32>,
      %get3A_1179 = vector.shape_cast %get3A_1178 : vector<1x16xf32> to vector<16xf32>
      %add3A_1180 = arith.addf %get3A_1175, %get3A_1179 : vector<16xf32>
      %mul3A_1181 = vector.broadcast %squeeze3A_1135 : f32 to vector<16xf32>
      %mul3A_1182 = arith.mulf %add3A_1180, %mul3A_1181 : vector<16xf32>
      %swap3A_1183 = arith.index_cast %add3A_1139 : i32 to index
      %swap3A_1184 = arith.constant 32 : index
      %swap3A_1185 = tpu.vector_load %arg6[%swap3A_1183, %swap3A_1184] {strides = array<i32>} : memref<320x128xf32, #tpu.memory_space<vmem>>, vector<1x16xf32>,
      %swap3A_1186 = vector.shape_cast %swap3A_1185 : vector<1x16xf32> to vector<16xf32>
      %swap3A_1187 = vector.shape_cast %mul3A_1182 : vector<16xf32> to vector<1x16xf32>
      tpu.vector_store %arg6[%swap3A_1183, %swap3A_1184], %swap3A_1187 {strides = array<i32>} : memref<320x128xf32, #tpu.memory_space<vmem>>, vector<1x16xf32>,
      %get3A_1188 = arith.index_cast %add3A_1139 : i32 to index
      %get3A_1189 = arith.constant 48 : index
      %get3A_1190 = tpu.vector_load %arg6[%get3A_1188, %get3A_1189] {strides = array<i32>} : memref<320x128xf32, #tpu.memory_space<vmem>>, vector<1x16xf32>,
      %get3A_1191 = vector.shape_cast %get3A_1190 : vector<1x16xf32> to vector<16xf32>
      %get3A_1192 = arith.index_cast %add3A_1139 : i32 to index
      %get3A_1193 = arith.constant 48 : index
      %get3A_1194 = tpu.vector_load %arg7[%get3A_1192, %get3A_1193] {strides = array<i32>} : memref<320x128xf32, #tpu.memory_space<vmem>>, vector<1x16xf32>,
      %get3A_1195 = vector.shape_cast %get3A_1194 : vector<1x16xf32> to vector<16xf32>
      %add3A_1196 = arith.addf %get3A_1191, %get3A_1195 : vector<16xf32>
      %mul3A_1197 = vector.broadcast %squeeze3A_1135 : f32 to vector<16xf32>
      %mul3A_1198 = arith.mulf %add3A_1196, %mul3A_1197 : vector<16xf32>
      %swap3A_1199 = arith.index_cast %add3A_1139 : i32 to index
      %swap3A_1200 = arith.constant 48 : index
      %swap3A_1201 = tpu.vector_load %arg6[%swap3A_1199, %swap3A_1200] {strides = array<i32>} : memref<320x128xf32, #tpu.memory_space<vmem>>, vector<1x16xf32>,
      %swap3A_1202 = vector.shape_cast %swap3A_1201 : vector<1x16xf32> to vector<16xf32>
      %swap3A_1203 = vector.shape_cast %mul3A_1198 : vector<16xf32> to vector<1x16xf32>
      tpu.vector_store %arg6[%swap3A_1199, %swap3A_1200], %swap3A_1203 {strides = array<i32>} : memref<320x128xf32, #tpu.memory_space<vmem>>, vector<1x16xf32>,
      %get3A_1204 = arith.index_cast %add3A_1139 : i32 to index
      %get3A_1205 = arith.constant 64 : index
      %get3A_1206 = tpu.vector_load %arg6[%get3A_1204, %get3A_1205] {strides = array<i32>} : memref<320x128xf32, #tpu.memory_space<vmem>>, vector<1x16xf32>,
      %get3A_1207 = vector.shape_cast %get3A_1206 : vector<1x16xf32> to vector<16xf32>
      %get3A_1208 = arith.index_cast %add3A_1139 : i32 to index
      %get3A_1209 = arith.constant 64 : index
      %get3A_1210 = tpu.vector_load %arg7[%get3A_1208, %get3A_1209] {strides = array<i32>} : memref<320x128xf32, #tpu.memory_space<vmem>>, vector<1x16xf32>,
      %get3A_1211 = vector.shape_cast %get3A_1210 : vector<1x16xf32> to vector<16xf32>
      %add3A_1212 = arith.addf %get3A_1207, %get3A_1211 : vector<16xf32>
      %mul3A_1213 = vector.broadcast %squeeze3A_1135 : f32 to vector<16xf32>
      %mul3A_1214 = arith.mulf %add3A_1212, %mul3A_1213 : vector<16xf32>
      %swap3A_1215 = arith.index_cast %add3A_1139 : i32 to index
      %swap3A_1216 = arith.constant 64 : index
      %swap3A_1217 = tpu.vector_load %arg6[%swap3A_1215, %swap3A_1216] {strides = array<i32>} : memref<320x128xf32, #tpu.memory_space<vmem>>, vector<1x16xf32>,
      %swap3A_1218 = vector.shape_cast %swap3A_1217 : vector<1x16xf32> to vector<16xf32>
      %swap3A_1219 = vector.shape_cast %mul3A_1214 : vector<16xf32> to vector<1x16xf32>
      tpu.vector_store %arg6[%swap3A_1215, %swap3A_1216], %swap3A_1219 {strides = array<i32>} : memref<320x128xf32, #tpu.memory_space<vmem>>, vector<1x16xf32>,
      %get3A_1220 = arith.index_cast %add3A_1139 : i32 to index
      %get3A_1221 = arith.constant 80 : index
      %get3A_1222 = tpu.vector_load %arg6[%get3A_1220, %get3A_1221] {strides = array<i32>} : memref<320x128xf32, #tpu.memory_space<vmem>>, vector<1x16xf32>,
      %get3A_1223 = vector.shape_cast %get3A_1222 : vector<1x16xf32> to vector<16xf32>
      %get3A_1224 = arith.index_cast %add3A_1139 : i32 to index
      %get3A_1225 = arith.constant 80 : index
      %get3A_1226 = tpu.vector_load %arg7[%get3A_1224, %get3A_1225] {strides = array<i32>} : memref<320x128xf32, #tpu.memory_space<vmem>>, vector<1x16xf32>,
      %get3A_1227 = vector.shape_cast %get3A_1226 : vector<1x16xf32> to vector<16xf32>
      %add3A_1228 = arith.addf %get3A_1223, %get3A_1227 : vector<16xf32>
      %mul3A_1229 = vector.broadcast %squeeze3A_1135 : f32 to vector<16xf32>
      %mul3A_1230 = arith.mulf %add3A_1228, %mul3A_1229 : vector<16xf32>
      %swap3A_1231 = arith.index_cast %add3A_1139 : i32 to index
      %swap3A_1232 = arith.constant 80 : index
      %swap3A_1233 = tpu.vector_load %arg6[%swap3A_1231, %swap3A_1232] {strides = array<i32>} : memref<320x128xf32, #tpu.memory_space<vmem>>, vector<1x16xf32>,
      %swap3A_1234 = vector.shape_cast %swap3A_1233 : vector<1x16xf32> to vector<16xf32>
      %swap3A_1235 = vector.shape_cast %mul3A_1230 : vector<16xf32> to vector<1x16xf32>
      tpu.vector_store %arg6[%swap3A_1231, %swap3A_1232], %swap3A_1235 {strides = array<i32>} : memref<320x128xf32, #tpu.memory_space<vmem>>, vector<1x16xf32>,
      %get3A_1236 = arith.index_cast %add3A_1139 : i32 to index
      %get3A_1237 = arith.constant 96 : index
      %get3A_1238 = tpu.vector_load %arg6[%get3A_1236, %get3A_1237] {strides = array<i32>} : memref<320x128xf32, #tpu.memory_space<vmem>>, vector<1x16xf32>,
      %get3A_1239 = vector.shape_cast %get3A_1238 : vector<1x16xf32> to vector<16xf32>
      %get3A_1240 = arith.index_cast %add3A_1139 : i32 to index
      %get3A_1241 = arith.constant 96 : index
      %get3A_1242 = tpu.vector_load %arg7[%get3A_1240, %get3A_1241] {strides = array<i32>} : memref<320x128xf32, #tpu.memory_space<vmem>>, vector<1x16xf32>,
      %get3A_1243 = vector.shape_cast %get3A_1242 : vector<1x16xf32> to vector<16xf32>
      %add3A_1244 = arith.addf %get3A_1239, %get3A_1243 : vector<16xf32>
      %mul3A_1245 = vector.broadcast %squeeze3A_1135 : f32 to vector<16xf32>
      %mul3A_1246 = arith.mulf %add3A_1244, %mul3A_1245 : vector<16xf32>
      %swap3A_1247 = arith.index_cast %add3A_1139 : i32 to index
      %swap3A_1248 = arith.constant 96 : index
      %swap3A_1249 = tpu.vector_load %arg6[%swap3A_1247, %swap3A_1248] {strides = array<i32>} : memref<320x128xf32, #tpu.memory_space<vmem>>, vector<1x16xf32>,
      %swap3A_1250 = vector.shape_cast %swap3A_1249 : vector<1x16xf32> to vector<16xf32>
      %swap3A_1251 = vector.shape_cast %mul3A_1246 : vector<16xf32> to vector<1x16xf32>
      tpu.vector_store %arg6[%swap3A_1247, %swap3A_1248], %swap3A_1251 {strides = array<i32>} : memref<320x128xf32, #tpu.memory_space<vmem>>, vector<1x16xf32>,
      %get3A_1252 = arith.index_cast %add3A_1139 : i32 to index
      %get3A_1253 = arith.constant 112 : index
      %get3A_1254 = tpu.vector_load %arg6[%get3A_1252, %get3A_1253] {strides = array<i32>} : memref<320x128xf32, #tpu.memory_space<vmem>>, vector<1x16xf32>,
      %get3A_1255 = vector.shape_cast %get3A_1254 : vector<1x16xf32> to vector<16xf32>
      %get3A_1256 = arith.index_cast %add3A_1139 : i32 to index
      %get3A_1257 = arith.constant 112 : index
      %get3A_1258 = tpu.vector_load %arg7[%get3A_1256, %get3A_1257] {strides = array<i32>} : memref<320x128xf32, #tpu.memory_space<vmem>>, vector<1x16xf32>,
      %get3A_1259 = vector.shape_cast %get3A_1258 : vector<1x16xf32> to vector<16xf32>
      %add3A_1260 = arith.addf %get3A_1255, %get3A_1259 : vector<16xf32>
      %mul3A_1261 = vector.broadcast %squeeze3A_1135 : f32 to vector<16xf32>
      %mul3A_1262 = arith.mulf %add3A_1260, %mul3A_1261 : vector<16xf32>
      %swap3A_1263 = arith.index_cast %add3A_1139 : i32 to index
      %swap3A_1264 = arith.constant 112 : index
      %swap3A_1265 = tpu.vector_load %arg6[%swap3A_1263, %swap3A_1264] {strides = array<i32>} : memref<320x128xf32, #tpu.memory_space<vmem>>, vector<1x16xf32>,
      %swap3A_1266 = vector.shape_cast %swap3A_1265 : vector<1x16xf32> to vector<16xf32>
      %swap3A_1267 = vector.shape_cast %mul3A_1262 : vector<16xf32> to vector<1x16xf32>
      tpu.vector_store %arg6[%swap3A_1263, %swap3A_1264], %swap3A_1267 {strides = array<i32>} : memref<320x128xf32, #tpu.memory_space<vmem>>, vector<1x16xf32>,
      %slice3A_1268 = vector.extract_strided_slice %div3A_64 {offsets = [9], sizes = [1], strides = [1]} : vector<16xf32> to vector<1xf32>
      %squeeze3A_1269 = vector.extract %slice3A_1268[0] : f32 from vector<1xf32>
      %mul3A_1270 = arith.constant 16 : i32
      %mul3A_1271 = arith.muli %scan3A_50, %mul3A_1270 : i32
      %add3A_1272 = arith.constant 9 : i32
      %add3A_1273 = arith.addi %mul3A_1271, %add3A_1272 : i32
      %get3A_1274 = arith.index_cast %add3A_1273 : i32 to index
      %get3A_1275 = arith.constant 0 : index
      %get3A_1276 = tpu.vector_load %arg6[%get3A_1274, %get3A_1275] {strides = array<i32>} : memref<320x128xf32, #tpu.memory_space<vmem>>, vector<1x16xf32>,
      %get3A_1277 = vector.shape_cast %get3A_1276 : vector<1x16xf32> to vector<16xf32>
      %get3A_1278 = arith.index_cast %add3A_1273 : i32 to index
      %get3A_1279 = arith.constant 0 : index
      %get3A_1280 = tpu.vector_load %arg7[%get3A_1278, %get3A_1279] {strides = array<i32>} : memref<320x128xf32, #tpu.memory_space<vmem>>, vector<1x16xf32>,
      %get3A_1281 = vector.shape_cast %get3A_1280 : vector<1x16xf32> to vector<16xf32>
      %add3A_1282 = arith.addf %get3A_1277, %get3A_1281 : vector<16xf32>
      %mul3A_1283 = vector.broadcast %squeeze3A_1269 : f32 to vector<16xf32>
      %mul3A_1284 = arith.mulf %add3A_1282, %mul3A_1283 : vector<16xf32>
      %swap3A_1285 = arith.index_cast %add3A_1273 : i32 to index
      %swap3A_1286 = arith.constant 0 : index
      %swap3A_1287 = tpu.vector_load %arg6[%swap3A_1285, %swap3A_1286] {strides = array<i32>} : memref<320x128xf32, #tpu.memory_space<vmem>>, vector<1x16xf32>,
      %swap3A_1288 = vector.shape_cast %swap3A_1287 : vector<1x16xf32> to vector<16xf32>
      %swap3A_1289 = vector.shape_cast %mul3A_1284 : vector<16xf32> to vector<1x16xf32>
      tpu.vector_store %arg6[%swap3A_1285, %swap3A_1286], %swap3A_1289 {strides = array<i32>} : memref<320x128xf32, #tpu.memory_space<vmem>>, vector<1x16xf32>,
      %get3A_1290 = arith.index_cast %add3A_1273 : i32 to index
      %get3A_1291 = arith.constant 16 : index
      %get3A_1292 = tpu.vector_load %arg6[%get3A_1290, %get3A_1291] {strides = array<i32>} : memref<320x128xf32, #tpu.memory_space<vmem>>, vector<1x16xf32>,
      %get3A_1293 = vector.shape_cast %get3A_1292 : vector<1x16xf32> to vector<16xf32>
      %get3A_1294 = arith.index_cast %add3A_1273 : i32 to index
      %get3A_1295 = arith.constant 16 : index
      %get3A_1296 = tpu.vector_load %arg7[%get3A_1294, %get3A_1295] {strides = array<i32>} : memref<320x128xf32, #tpu.memory_space<vmem>>, vector<1x16xf32>,
      %get3A_1297 = vector.shape_cast %get3A_1296 : vector<1x16xf32> to vector<16xf32>
      %add3A_1298 = arith.addf %get3A_1293, %get3A_1297 : vector<16xf32>
      %mul3A_1299 = vector.broadcast %squeeze3A_1269 : f32 to vector<16xf32>
      %mul3A_1300 = arith.mulf %add3A_1298, %mul3A_1299 : vector<16xf32>
      %swap3A_1301 = arith.index_cast %add3A_1273 : i32 to index
      %swap3A_1302 = arith.constant 16 : index
      %swap3A_1303 = tpu.vector_load %arg6[%swap3A_1301, %swap3A_1302] {strides = array<i32>} : memref<320x128xf32, #tpu.memory_space<vmem>>, vector<1x16xf32>,
      %swap3A_1304 = vector.shape_cast %swap3A_1303 : vector<1x16xf32> to vector<16xf32>
      %swap3A_1305 = vector.shape_cast %mul3A_1300 : vector<16xf32> to vector<1x16xf32>
      tpu.vector_store %arg6[%swap3A_1301, %swap3A_1302], %swap3A_1305 {strides = array<i32>} : memref<320x128xf32, #tpu.memory_space<vmem>>, vector<1x16xf32>,
      %get3A_1306 = arith.index_cast %add3A_1273 : i32 to index
      %get3A_1307 = arith.constant 32 : index
      %get3A_1308 = tpu.vector_load %arg6[%get3A_1306, %get3A_1307] {strides = array<i32>} : memref<320x128xf32, #tpu.memory_space<vmem>>, vector<1x16xf32>,
      %get3A_1309 = vector.shape_cast %get3A_1308 : vector<1x16xf32> to vector<16xf32>
      %get3A_1310 = arith.index_cast %add3A_1273 : i32 to index
      %get3A_1311 = arith.constant 32 : index
      %get3A_1312 = tpu.vector_load %arg7[%get3A_1310, %get3A_1311] {strides = array<i32>} : memref<320x128xf32, #tpu.memory_space<vmem>>, vector<1x16xf32>,
      %get3A_1313 = vector.shape_cast %get3A_1312 : vector<1x16xf32> to vector<16xf32>
      %add3A_1314 = arith.addf %get3A_1309, %get3A_1313 : vector<16xf32>
      %mul3A_1315 = vector.broadcast %squeeze3A_1269 : f32 to vector<16xf32>
      %mul3A_1316 = arith.mulf %add3A_1314, %mul3A_1315 : vector<16xf32>
      %swap3A_1317 = arith.index_cast %add3A_1273 : i32 to index
      %swap3A_1318 = arith.constant 32 : index
      %swap3A_1319 = tpu.vector_load %arg6[%swap3A_1317, %swap3A_1318] {strides = array<i32>} : memref<320x128xf32, #tpu.memory_space<vmem>>, vector<1x16xf32>,
      %swap3A_1320 = vector.shape_cast %swap3A_1319 : vector<1x16xf32> to vector<16xf32>
      %swap3A_1321 = vector.shape_cast %mul3A_1316 : vector<16xf32> to vector<1x16xf32>
      tpu.vector_store %arg6[%swap3A_1317, %swap3A_1318], %swap3A_1321 {strides = array<i32>} : memref<320x128xf32, #tpu.memory_space<vmem>>, vector<1x16xf32>,
      %get3A_1322 = arith.index_cast %add3A_1273 : i32 to index
      %get3A_1323 = arith.constant 48 : index
      %get3A_1324 = tpu.vector_load %arg6[%get3A_1322, %get3A_1323] {strides = array<i32>} : memref<320x128xf32, #tpu.memory_space<vmem>>, vector<1x16xf32>,
      %get3A_1325 = vector.shape_cast %get3A_1324 : vector<1x16xf32> to vector<16xf32>
      %get3A_1326 = arith.index_cast %add3A_1273 : i32 to index
      %get3A_1327 = arith.constant 48 : index
      %get3A_1328 = tpu.vector_load %arg7[%get3A_1326, %get3A_1327] {strides = array<i32>} : memref<320x128xf32, #tpu.memory_space<vmem>>, vector<1x16xf32>,
      %get3A_1329 = vector.shape_cast %get3A_1328 : vector<1x16xf32> to vector<16xf32>
      %add3A_1330 = arith.addf %get3A_1325, %get3A_1329 : vector<16xf32>
      %mul3A_1331 = vector.broadcast %squeeze3A_1269 : f32 to vector<16xf32>
      %mul3A_1332 = arith.mulf %add3A_1330, %mul3A_1331 : vector<16xf32>
      %swap3A_1333 = arith.index_cast %add3A_1273 : i32 to index
      %swap3A_1334 = arith.constant 48 : index
      %swap3A_1335 = tpu.vector_load %arg6[%swap3A_1333, %swap3A_1334] {strides = array<i32>} : memref<320x128xf32, #tpu.memory_space<vmem>>, vector<1x16xf32>,
      %swap3A_1336 = vector.shape_cast %swap3A_1335 : vector<1x16xf32> to vector<16xf32>
      %swap3A_1337 = vector.shape_cast %mul3A_1332 : vector<16xf32> to vector<1x16xf32>
      tpu.vector_store %arg6[%swap3A_1333, %swap3A_1334], %swap3A_1337 {strides = array<i32>} : memref<320x128xf32, #tpu.memory_space<vmem>>, vector<1x16xf32>,
      %get3A_1338 = arith.index_cast %add3A_1273 : i32 to index
      %get3A_1339 = arith.constant 64 : index
      %get3A_1340 = tpu.vector_load %arg6[%get3A_1338, %get3A_1339] {strides = array<i32>} : memref<320x128xf32, #tpu.memory_space<vmem>>, vector<1x16xf32>,
      %get3A_1341 = vector.shape_cast %get3A_1340 : vector<1x16xf32> to vector<16xf32>
      %get3A_1342 = arith.index_cast %add3A_1273 : i32 to index
      %get3A_1343 = arith.constant 64 : index
      %get3A_1344 = tpu.vector_load %arg7[%get3A_1342, %get3A_1343] {strides = array<i32>} : memref<320x128xf32, #tpu.memory_space<vmem>>, vector<1x16xf32>,
      %get3A_1345 = vector.shape_cast %get3A_1344 : vector<1x16xf32> to vector<16xf32>
      %add3A_1346 = arith.addf %get3A_1341, %get3A_1345 : vector<16xf32>
      %mul3A_1347 = vector.broadcast %squeeze3A_1269 : f32 to vector<16xf32>
      %mul3A_1348 = arith.mulf %add3A_1346, %mul3A_1347 : vector<16xf32>
      %swap3A_1349 = arith.index_cast %add3A_1273 : i32 to index
      %swap3A_1350 = arith.constant 64 : index
      %swap3A_1351 = tpu.vector_load %arg6[%swap3A_1349, %swap3A_1350] {strides = array<i32>} : memref<320x128xf32, #tpu.memory_space<vmem>>, vector<1x16xf32>,
      %swap3A_1352 = vector.shape_cast %swap3A_1351 : vector<1x16xf32> to vector<16xf32>
      %swap3A_1353 = vector.shape_cast %mul3A_1348 : vector<16xf32> to vector<1x16xf32>
      tpu.vector_store %arg6[%swap3A_1349, %swap3A_1350], %swap3A_1353 {strides = array<i32>} : memref<320x128xf32, #tpu.memory_space<vmem>>, vector<1x16xf32>,
      %get3A_1354 = arith.index_cast %add3A_1273 : i32 to index
      %get3A_1355 = arith.constant 80 : index
      %get3A_1356 = tpu.vector_load %arg6[%get3A_1354, %get3A_1355] {strides = array<i32>} : memref<320x128xf32, #tpu.memory_space<vmem>>, vector<1x16xf32>,
      %get3A_1357 = vector.shape_cast %get3A_1356 : vector<1x16xf32> to vector<16xf32>
      %get3A_1358 = arith.index_cast %add3A_1273 : i32 to index
      %get3A_1359 = arith.constant 80 : index
      %get3A_1360 = tpu.vector_load %arg7[%get3A_1358, %get3A_1359] {strides = array<i32>} : memref<320x128xf32, #tpu.memory_space<vmem>>, vector<1x16xf32>,
      %get3A_1361 = vector.shape_cast %get3A_1360 : vector<1x16xf32> to vector<16xf32>
      %add3A_1362 = arith.addf %get3A_1357, %get3A_1361 : vector<16xf32>
      %mul3A_1363 = vector.broadcast %squeeze3A_1269 : f32 to vector<16xf32>
      %mul3A_1364 = arith.mulf %add3A_1362, %mul3A_1363 : vector<16xf32>
      %swap3A_1365 = arith.index_cast %add3A_1273 : i32 to index
      %swap3A_1366 = arith.constant 80 : index
      %swap3A_1367 = tpu.vector_load %arg6[%swap3A_1365, %swap3A_1366] {strides = array<i32>} : memref<320x128xf32, #tpu.memory_space<vmem>>, vector<1x16xf32>,
      %swap3A_1368 = vector.shape_cast %swap3A_1367 : vector<1x16xf32> to vector<16xf32>
      %swap3A_1369 = vector.shape_cast %mul3A_1364 : vector<16xf32> to vector<1x16xf32>
      tpu.vector_store %arg6[%swap3A_1365, %swap3A_1366], %swap3A_1369 {strides = array<i32>} : memref<320x128xf32, #tpu.memory_space<vmem>>, vector<1x16xf32>,
      %get3A_1370 = arith.index_cast %add3A_1273 : i32 to index
      %get3A_1371 = arith.constant 96 : index
      %get3A_1372 = tpu.vector_load %arg6[%get3A_1370, %get3A_1371] {strides = array<i32>} : memref<320x128xf32, #tpu.memory_space<vmem>>, vector<1x16xf32>,
      %get3A_1373 = vector.shape_cast %get3A_1372 : vector<1x16xf32> to vector<16xf32>
      %get3A_1374 = arith.index_cast %add3A_1273 : i32 to index
      %get3A_1375 = arith.constant 96 : index
      %get3A_1376 = tpu.vector_load %arg7[%get3A_1374, %get3A_1375] {strides = array<i32>} : memref<320x128xf32, #tpu.memory_space<vmem>>, vector<1x16xf32>,
      %get3A_1377 = vector.shape_cast %get3A_1376 : vector<1x16xf32> to vector<16xf32>
      %add3A_1378 = arith.addf %get3A_1373, %get3A_1377 : vector<16xf32>
      %mul3A_1379 = vector.broadcast %squeeze3A_1269 : f32 to vector<16xf32>
      %mul3A_1380 = arith.mulf %add3A_1378, %mul3A_1379 : vector<16xf32>
      %swap3A_1381 = arith.index_cast %add3A_1273 : i32 to index
      %swap3A_1382 = arith.constant 96 : index
      %swap3A_1383 = tpu.vector_load %arg6[%swap3A_1381, %swap3A_1382] {strides = array<i32>} : memref<320x128xf32, #tpu.memory_space<vmem>>, vector<1x16xf32>,
      %swap3A_1384 = vector.shape_cast %swap3A_1383 : vector<1x16xf32> to vector<16xf32>
      %swap3A_1385 = vector.shape_cast %mul3A_1380 : vector<16xf32> to vector<1x16xf32>
      tpu.vector_store %arg6[%swap3A_1381, %swap3A_1382], %swap3A_1385 {strides = array<i32>} : memref<320x128xf32, #tpu.memory_space<vmem>>, vector<1x16xf32>,
      %get3A_1386 = arith.index_cast %add3A_1273 : i32 to index
      %get3A_1387 = arith.constant 112 : index
      %get3A_1388 = tpu.vector_load %arg6[%get3A_1386, %get3A_1387] {strides = array<i32>} : memref<320x128xf32, #tpu.memory_space<vmem>>, vector<1x16xf32>,
      %get3A_1389 = vector.shape_cast %get3A_1388 : vector<1x16xf32> to vector<16xf32>
      %get3A_1390 = arith.index_cast %add3A_1273 : i32 to index
      %get3A_1391 = arith.constant 112 : index
      %get3A_1392 = tpu.vector_load %arg7[%get3A_1390, %get3A_1391] {strides = array<i32>} : memref<320x128xf32, #tpu.memory_space<vmem>>, vector<1x16xf32>,
      %get3A_1393 = vector.shape_cast %get3A_1392 : vector<1x16xf32> to vector<16xf32>
      %add3A_1394 = arith.addf %get3A_1389, %get3A_1393 : vector<16xf32>
      %mul3A_1395 = vector.broadcast %squeeze3A_1269 : f32 to vector<16xf32>
      %mul3A_1396 = arith.mulf %add3A_1394, %mul3A_1395 : vector<16xf32>
      %swap3A_1397 = arith.index_cast %add3A_1273 : i32 to index
      %swap3A_1398 = arith.constant 112 : index
      %swap3A_1399 = tpu.vector_load %arg6[%swap3A_1397, %swap3A_1398] {strides = array<i32>} : memref<320x128xf32, #tpu.memory_space<vmem>>, vector<1x16xf32>,
      %swap3A_1400 = vector.shape_cast %swap3A_1399 : vector<1x16xf32> to vector<16xf32>
      %swap3A_1401 = vector.shape_cast %mul3A_1396 : vector<16xf32> to vector<1x16xf32>
      tpu.vector_store %arg6[%swap3A_1397, %swap3A_1398], %swap3A_1401 {strides = array<i32>} : memref<320x128xf32, #tpu.memory_space<vmem>>, vector<1x16xf32>,
      %slice3A_1402 = vector.extract_strided_slice %div3A_64 {offsets = [10], sizes = [1], strides = [1]} : vector<16xf32> to vector<1xf32>
      %squeeze3A_1403 = vector.extract %slice3A_1402[0] : f32 from vector<1xf32>
      %mul3A_1404 = arith.constant 16 : i32
      %mul3A_1405 = arith.muli %scan3A_50, %mul3A_1404 : i32
      %add3A_1406 = arith.constant 10 : i32
      %add3A_1407 = arith.addi %mul3A_1405, %add3A_1406 : i32
      %get3A_1408 = arith.index_cast %add3A_1407 : i32 to index
      %get3A_1409 = arith.constant 0 : index
      %get3A_1410 = tpu.vector_load %arg6[%get3A_1408, %get3A_1409] {strides = array<i32>} : memref<320x128xf32, #tpu.memory_space<vmem>>, vector<1x16xf32>,
      %get3A_1411 = vector.shape_cast %get3A_1410 : vector<1x16xf32> to vector<16xf32>
      %get3A_1412 = arith.index_cast %add3A_1407 : i32 to index
      %get3A_1413 = arith.constant 0 : index
      %get3A_1414 = tpu.vector_load %arg7[%get3A_1412, %get3A_1413] {strides = array<i32>} : memref<320x128xf32, #tpu.memory_space<vmem>>, vector<1x16xf32>,
      %get3A_1415 = vector.shape_cast %get3A_1414 : vector<1x16xf32> to vector<16xf32>
      %add3A_1416 = arith.addf %get3A_1411, %get3A_1415 : vector<16xf32>
      %mul3A_1417 = vector.broadcast %squeeze3A_1403 : f32 to vector<16xf32>
      %mul3A_1418 = arith.mulf %add3A_1416, %mul3A_1417 : vector<16xf32>
      %swap3A_1419 = arith.index_cast %add3A_1407 : i32 to index
      %swap3A_1420 = arith.constant 0 : index
      %swap3A_1421 = tpu.vector_load %arg6[%swap3A_1419, %swap3A_1420] {strides = array<i32>} : memref<320x128xf32, #tpu.memory_space<vmem>>, vector<1x16xf32>,
      %swap3A_1422 = vector.shape_cast %swap3A_1421 : vector<1x16xf32> to vector<16xf32>
      %swap3A_1423 = vector.shape_cast %mul3A_1418 : vector<16xf32> to vector<1x16xf32>
      tpu.vector_store %arg6[%swap3A_1419, %swap3A_1420], %swap3A_1423 {strides = array<i32>} : memref<320x128xf32, #tpu.memory_space<vmem>>, vector<1x16xf32>,
      %get3A_1424 = arith.index_cast %add3A_1407 : i32 to index
      %get3A_1425 = arith.constant 16 : index
      %get3A_1426 = tpu.vector_load %arg6[%get3A_1424, %get3A_1425] {strides = array<i32>} : memref<320x128xf32, #tpu.memory_space<vmem>>, vector<1x16xf32>,
      %get3A_1427 = vector.shape_cast %get3A_1426 : vector<1x16xf32> to vector<16xf32>
      %get3A_1428 = arith.index_cast %add3A_1407 : i32 to index
      %get3A_1429 = arith.constant 16 : index
      %get3A_1430 = tpu.vector_load %arg7[%get3A_1428, %get3A_1429] {strides = array<i32>} : memref<320x128xf32, #tpu.memory_space<vmem>>, vector<1x16xf32>,
      %get3A_1431 = vector.shape_cast %get3A_1430 : vector<1x16xf32> to vector<16xf32>
      %add3A_1432 = arith.addf %get3A_1427, %get3A_1431 : vector<16xf32>
      %mul3A_1433 = vector.broadcast %squeeze3A_1403 : f32 to vector<16xf32>
      %mul3A_1434 = arith.mulf %add3A_1432, %mul3A_1433 : vector<16xf32>
      %swap3A_1435 = arith.index_cast %add3A_1407 : i32 to index
      %swap3A_1436 = arith.constant 16 : index
      %swap3A_1437 = tpu.vector_load %arg6[%swap3A_1435, %swap3A_1436] {strides = array<i32>} : memref<320x128xf32, #tpu.memory_space<vmem>>, vector<1x16xf32>,
      %swap3A_1438 = vector.shape_cast %swap3A_1437 : vector<1x16xf32> to vector<16xf32>
      %swap3A_1439 = vector.shape_cast %mul3A_1434 : vector<16xf32> to vector<1x16xf32>
      tpu.vector_store %arg6[%swap3A_1435, %swap3A_1436], %swap3A_1439 {strides = array<i32>} : memref<320x128xf32, #tpu.memory_space<vmem>>, vector<1x16xf32>,
      %get3A_1440 = arith.index_cast %add3A_1407 : i32 to index
      %get3A_1441 = arith.constant 32 : index
      %get3A_1442 = tpu.vector_load %arg6[%get3A_1440, %get3A_1441] {strides = array<i32>} : memref<320x128xf32, #tpu.memory_space<vmem>>, vector<1x16xf32>,
      %get3A_1443 = vector.shape_cast %get3A_1442 : vector<1x16xf32> to vector<16xf32>
      %get3A_1444 = arith.index_cast %add3A_1407 : i32 to index
      %get3A_1445 = arith.constant 32 : index
      %get3A_1446 = tpu.vector_load %arg7[%get3A_1444, %get3A_1445] {strides = array<i32>} : memref<320x128xf32, #tpu.memory_space<vmem>>, vector<1x16xf32>,
      %get3A_1447 = vector.shape_cast %get3A_1446 : vector<1x16xf32> to vector<16xf32>
      %add3A_1448 = arith.addf %get3A_1443, %get3A_1447 : vector<16xf32>
      %mul3A_1449 = vector.broadcast %squeeze3A_1403 : f32 to vector<16xf32>
      %mul3A_1450 = arith.mulf %add3A_1448, %mul3A_1449 : vector<16xf32>
      %swap3A_1451 = arith.index_cast %add3A_1407 : i32 to index
      %swap3A_1452 = arith.constant 32 : index
      %swap3A_1453 = tpu.vector_load %arg6[%swap3A_1451, %swap3A_1452] {strides = array<i32>} : memref<320x128xf32, #tpu.memory_space<vmem>>, vector<1x16xf32>,
      %swap3A_1454 = vector.shape_cast %swap3A_1453 : vector<1x16xf32> to vector<16xf32>
      %swap3A_1455 = vector.shape_cast %mul3A_1450 : vector<16xf32> to vector<1x16xf32>
      tpu.vector_store %arg6[%swap3A_1451, %swap3A_1452], %swap3A_1455 {strides = array<i32>} : memref<320x128xf32, #tpu.memory_space<vmem>>, vector<1x16xf32>,
      %get3A_1456 = arith.index_cast %add3A_1407 : i32 to index
      %get3A_1457 = arith.constant 48 : index
      %get3A_1458 = tpu.vector_load %arg6[%get3A_1456, %get3A_1457] {strides = array<i32>} : memref<320x128xf32, #tpu.memory_space<vmem>>, vector<1x16xf32>,
      %get3A_1459 = vector.shape_cast %get3A_1458 : vector<1x16xf32> to vector<16xf32>
      %get3A_1460 = arith.index_cast %add3A_1407 : i32 to index
      %get3A_1461 = arith.constant 48 : index
      %get3A_1462 = tpu.vector_load %arg7[%get3A_1460, %get3A_1461] {strides = array<i32>} : memref<320x128xf32, #tpu.memory_space<vmem>>, vector<1x16xf32>,
      %get3A_1463 = vector.shape_cast %get3A_1462 : vector<1x16xf32> to vector<16xf32>
      %add3A_1464 = arith.addf %get3A_1459, %get3A_1463 : vector<16xf32>
      %mul3A_1465 = vector.broadcast %squeeze3A_1403 : f32 to vector<16xf32>
      %mul3A_1466 = arith.mulf %add3A_1464, %mul3A_1465 : vector<16xf32>
      %swap3A_1467 = arith.index_cast %add3A_1407 : i32 to index
      %swap3A_1468 = arith.constant 48 : index
      %swap3A_1469 = tpu.vector_load %arg6[%swap3A_1467, %swap3A_1468] {strides = array<i32>} : memref<320x128xf32, #tpu.memory_space<vmem>>, vector<1x16xf32>,
      %swap3A_1470 = vector.shape_cast %swap3A_1469 : vector<1x16xf32> to vector<16xf32>
      %swap3A_1471 = vector.shape_cast %mul3A_1466 : vector<16xf32> to vector<1x16xf32>
      tpu.vector_store %arg6[%swap3A_1467, %swap3A_1468], %swap3A_1471 {strides = array<i32>} : memref<320x128xf32, #tpu.memory_space<vmem>>, vector<1x16xf32>,
      %get3A_1472 = arith.index_cast %add3A_1407 : i32 to index
      %get3A_1473 = arith.constant 64 : index
      %get3A_1474 = tpu.vector_load %arg6[%get3A_1472, %get3A_1473] {strides = array<i32>} : memref<320x128xf32, #tpu.memory_space<vmem>>, vector<1x16xf32>,
      %get3A_1475 = vector.shape_cast %get3A_1474 : vector<1x16xf32> to vector<16xf32>
      %get3A_1476 = arith.index_cast %add3A_1407 : i32 to index
      %get3A_1477 = arith.constant 64 : index
      %get3A_1478 = tpu.vector_load %arg7[%get3A_1476, %get3A_1477] {strides = array<i32>} : memref<320x128xf32, #tpu.memory_space<vmem>>, vector<1x16xf32>,
      %get3A_1479 = vector.shape_cast %get3A_1478 : vector<1x16xf32> to vector<16xf32>
      %add3A_1480 = arith.addf %get3A_1475, %get3A_1479 : vector<16xf32>
      %mul3A_1481 = vector.broadcast %squeeze3A_1403 : f32 to vector<16xf32>
      %mul3A_1482 = arith.mulf %add3A_1480, %mul3A_1481 : vector<16xf32>
      %swap3A_1483 = arith.index_cast %add3A_1407 : i32 to index
      %swap3A_1484 = arith.constant 64 : index
      %swap3A_1485 = tpu.vector_load %arg6[%swap3A_1483, %swap3A_1484] {strides = array<i32>} : memref<320x128xf32, #tpu.memory_space<vmem>>, vector<1x16xf32>,
      %swap3A_1486 = vector.shape_cast %swap3A_1485 : vector<1x16xf32> to vector<16xf32>
      %swap3A_1487 = vector.shape_cast %mul3A_1482 : vector<16xf32> to vector<1x16xf32>
      tpu.vector_store %arg6[%swap3A_1483, %swap3A_1484], %swap3A_1487 {strides = array<i32>} : memref<320x128xf32, #tpu.memory_space<vmem>>, vector<1x16xf32>,
      %get3A_1488 = arith.index_cast %add3A_1407 : i32 to index
      %get3A_1489 = arith.constant 80 : index
      %get3A_1490 = tpu.vector_load %arg6[%get3A_1488, %get3A_1489] {strides = array<i32>} : memref<320x128xf32, #tpu.memory_space<vmem>>, vector<1x16xf32>,
      %get3A_1491 = vector.shape_cast %get3A_1490 : vector<1x16xf32> to vector<16xf32>
      %get3A_1492 = arith.index_cast %add3A_1407 : i32 to index
      %get3A_1493 = arith.constant 80 : index
      %get3A_1494 = tpu.vector_load %arg7[%get3A_1492, %get3A_1493] {strides = array<i32>} : memref<320x128xf32, #tpu.memory_space<vmem>>, vector<1x16xf32>,
      %get3A_1495 = vector.shape_cast %get3A_1494 : vector<1x16xf32> to vector<16xf32>
      %add3A_1496 = arith.addf %get3A_1491, %get3A_1495 : vector<16xf32>
      %mul3A_1497 = vector.broadcast %squeeze3A_1403 : f32 to vector<16xf32>
      %mul3A_1498 = arith.mulf %add3A_1496, %mul3A_1497 : vector<16xf32>
      %swap3A_1499 = arith.index_cast %add3A_1407 : i32 to index
      %swap3A_1500 = arith.constant 80 : index
      %swap3A_1501 = tpu.vector_load %arg6[%swap3A_1499, %swap3A_1500] {strides = array<i32>} : memref<320x128xf32, #tpu.memory_space<vmem>>, vector<1x16xf32>,
      %swap3A_1502 = vector.shape_cast %swap3A_1501 : vector<1x16xf32> to vector<16xf32>
      %swap3A_1503 = vector.shape_cast %mul3A_1498 : vector<16xf32> to vector<1x16xf32>
      tpu.vector_store %arg6[%swap3A_1499, %swap3A_1500], %swap3A_1503 {strides = array<i32>} : memref<320x128xf32, #tpu.memory_space<vmem>>, vector<1x16xf32>,
      %get3A_1504 = arith.index_cast %add3A_1407 : i32 to index
      %get3A_1505 = arith.constant 96 : index
      %get3A_1506 = tpu.vector_load %arg6[%get3A_1504, %get3A_1505] {strides = array<i32>} : memref<320x128xf32, #tpu.memory_space<vmem>>, vector<1x16xf32>,
      %get3A_1507 = vector.shape_cast %get3A_1506 : vector<1x16xf32> to vector<16xf32>
      %get3A_1508 = arith.index_cast %add3A_1407 : i32 to index
      %get3A_1509 = arith.constant 96 : index
      %get3A_1510 = tpu.vector_load %arg7[%get3A_1508, %get3A_1509] {strides = array<i32>} : memref<320x128xf32, #tpu.memory_space<vmem>>, vector<1x16xf32>,
      %get3A_1511 = vector.shape_cast %get3A_1510 : vector<1x16xf32> to vector<16xf32>
      %add3A_1512 = arith.addf %get3A_1507, %get3A_1511 : vector<16xf32>
      %mul3A_1513 = vector.broadcast %squeeze3A_1403 : f32 to vector<16xf32>
      %mul3A_1514 = arith.mulf %add3A_1512, %mul3A_1513 : vector<16xf32>
      %swap3A_1515 = arith.index_cast %add3A_1407 : i32 to index
      %swap3A_1516 = arith.constant 96 : index
      %swap3A_1517 = tpu.vector_load %arg6[%swap3A_1515, %swap3A_1516] {strides = array<i32>} : memref<320x128xf32, #tpu.memory_space<vmem>>, vector<1x16xf32>,
      %swap3A_1518 = vector.shape_cast %swap3A_1517 : vector<1x16xf32> to vector<16xf32>
      %swap3A_1519 = vector.shape_cast %mul3A_1514 : vector<16xf32> to vector<1x16xf32>
      tpu.vector_store %arg6[%swap3A_1515, %swap3A_1516], %swap3A_1519 {strides = array<i32>} : memref<320x128xf32, #tpu.memory_space<vmem>>, vector<1x16xf32>,
      %get3A_1520 = arith.index_cast %add3A_1407 : i32 to index
      %get3A_1521 = arith.constant 112 : index
      %get3A_1522 = tpu.vector_load %arg6[%get3A_1520, %get3A_1521] {strides = array<i32>} : memref<320x128xf32, #tpu.memory_space<vmem>>, vector<1x16xf32>,
      %get3A_1523 = vector.shape_cast %get3A_1522 : vector<1x16xf32> to vector<16xf32>
      %get3A_1524 = arith.index_cast %add3A_1407 : i32 to index
      %get3A_1525 = arith.constant 112 : index
      %get3A_1526 = tpu.vector_load %arg7[%get3A_1524, %get3A_1525] {strides = array<i32>} : memref<320x128xf32, #tpu.memory_space<vmem>>, vector<1x16xf32>,
      %get3A_1527 = vector.shape_cast %get3A_1526 : vector<1x16xf32> to vector<16xf32>
      %add3A_1528 = arith.addf %get3A_1523, %get3A_1527 : vector<16xf32>
      %mul3A_1529 = vector.broadcast %squeeze3A_1403 : f32 to vector<16xf32>
      %mul3A_1530 = arith.mulf %add3A_1528, %mul3A_1529 : vector<16xf32>
      %swap3A_1531 = arith.index_cast %add3A_1407 : i32 to index
      %swap3A_1532 = arith.constant 112 : index
      %swap3A_1533 = tpu.vector_load %arg6[%swap3A_1531, %swap3A_1532] {strides = array<i32>} : memref<320x128xf32, #tpu.memory_space<vmem>>, vector<1x16xf32>,
      %swap3A_1534 = vector.shape_cast %swap3A_1533 : vector<1x16xf32> to vector<16xf32>
      %swap3A_1535 = vector.shape_cast %mul3A_1530 : vector<16xf32> to vector<1x16xf32>
      tpu.vector_store %arg6[%swap3A_1531, %swap3A_1532], %swap3A_1535 {strides = array<i32>} : memref<320x128xf32, #tpu.memory_space<vmem>>, vector<1x16xf32>,
      %slice3A_1536 = vector.extract_strided_slice %div3A_64 {offsets = [11], sizes = [1], strides = [1]} : vector<16xf32> to vector<1xf32>
      %squeeze3A_1537 = vector.extract %slice3A_1536[0] : f32 from vector<1xf32>
      %mul3A_1538 = arith.constant 16 : i32
      %mul3A_1539 = arith.muli %scan3A_50, %mul3A_1538 : i32
      %add3A_1540 = arith.constant 11 : i32
      %add3A_1541 = arith.addi %mul3A_1539, %add3A_1540 : i32
      %get3A_1542 = arith.index_cast %add3A_1541 : i32 to index
      %get3A_1543 = arith.constant 0 : index
      %get3A_1544 = tpu.vector_load %arg6[%get3A_1542, %get3A_1543] {strides = array<i32>} : memref<320x128xf32, #tpu.memory_space<vmem>>, vector<1x16xf32>,
      %get3A_1545 = vector.shape_cast %get3A_1544 : vector<1x16xf32> to vector<16xf32>
      %get3A_1546 = arith.index_cast %add3A_1541 : i32 to index
      %get3A_1547 = arith.constant 0 : index
      %get3A_1548 = tpu.vector_load %arg7[%get3A_1546, %get3A_1547] {strides = array<i32>} : memref<320x128xf32, #tpu.memory_space<vmem>>, vector<1x16xf32>,
      %get3A_1549 = vector.shape_cast %get3A_1548 : vector<1x16xf32> to vector<16xf32>
      %add3A_1550 = arith.addf %get3A_1545, %get3A_1549 : vector<16xf32>
      %mul3A_1551 = vector.broadcast %squeeze3A_1537 : f32 to vector<16xf32>
      %mul3A_1552 = arith.mulf %add3A_1550, %mul3A_1551 : vector<16xf32>
      %swap3A_1553 = arith.index_cast %add3A_1541 : i32 to index
      %swap3A_1554 = arith.constant 0 : index
      %swap3A_1555 = tpu.vector_load %arg6[%swap3A_1553, %swap3A_1554] {strides = array<i32>} : memref<320x128xf32, #tpu.memory_space<vmem>>, vector<1x16xf32>,
      %swap3A_1556 = vector.shape_cast %swap3A_1555 : vector<1x16xf32> to vector<16xf32>
      %swap3A_1557 = vector.shape_cast %mul3A_1552 : vector<16xf32> to vector<1x16xf32>
      tpu.vector_store %arg6[%swap3A_1553, %swap3A_1554], %swap3A_1557 {strides = array<i32>} : memref<320x128xf32, #tpu.memory_space<vmem>>, vector<1x16xf32>,
      %get3A_1558 = arith.index_cast %add3A_1541 : i32 to index
      %get3A_1559 = arith.constant 16 : index
      %get3A_1560 = tpu.vector_load %arg6[%get3A_1558, %get3A_1559] {strides = array<i32>} : memref<320x128xf32, #tpu.memory_space<vmem>>, vector<1x16xf32>,
      %get3A_1561 = vector.shape_cast %get3A_1560 : vector<1x16xf32> to vector<16xf32>
      %get3A_1562 = arith.index_cast %add3A_1541 : i32 to index
      %get3A_1563 = arith.constant 16 : index
      %get3A_1564 = tpu.vector_load %arg7[%get3A_1562, %get3A_1563] {strides = array<i32>} : memref<320x128xf32, #tpu.memory_space<vmem>>, vector<1x16xf32>,
      %get3A_1565 = vector.shape_cast %get3A_1564 : vector<1x16xf32> to vector<16xf32>
      %add3A_1566 = arith.addf %get3A_1561, %get3A_1565 : vector<16xf32>
      %mul3A_1567 = vector.broadcast %squeeze3A_1537 : f32 to vector<16xf32>
      %mul3A_1568 = arith.mulf %add3A_1566, %mul3A_1567 : vector<16xf32>
      %swap3A_1569 = arith.index_cast %add3A_1541 : i32 to index
      %swap3A_1570 = arith.constant 16 : index
      %swap3A_1571 = tpu.vector_load %arg6[%swap3A_1569, %swap3A_1570] {strides = array<i32>} : memref<320x128xf32, #tpu.memory_space<vmem>>, vector<1x16xf32>,
      %swap3A_1572 = vector.shape_cast %swap3A_1571 : vector<1x16xf32> to vector<16xf32>
      %swap3A_1573 = vector.shape_cast %mul3A_1568 : vector<16xf32> to vector<1x16xf32>
      tpu.vector_store %arg6[%swap3A_1569, %swap3A_1570], %swap3A_1573 {strides = array<i32>} : memref<320x128xf32, #tpu.memory_space<vmem>>, vector<1x16xf32>,
      %get3A_1574 = arith.index_cast %add3A_1541 : i32 to index
      %get3A_1575 = arith.constant 32 : index
      %get3A_1576 = tpu.vector_load %arg6[%get3A_1574, %get3A_1575] {strides = array<i32>} : memref<320x128xf32, #tpu.memory_space<vmem>>, vector<1x16xf32>,
      %get3A_1577 = vector.shape_cast %get3A_1576 : vector<1x16xf32> to vector<16xf32>
      %get3A_1578 = arith.index_cast %add3A_1541 : i32 to index
      %get3A_1579 = arith.constant 32 : index
      %get3A_1580 = tpu.vector_load %arg7[%get3A_1578, %get3A_1579] {strides = array<i32>} : memref<320x128xf32, #tpu.memory_space<vmem>>, vector<1x16xf32>,
      %get3A_1581 = vector.shape_cast %get3A_1580 : vector<1x16xf32> to vector<16xf32>
      %add3A_1582 = arith.addf %get3A_1577, %get3A_1581 : vector<16xf32>
      %mul3A_1583 = vector.broadcast %squeeze3A_1537 : f32 to vector<16xf32>
      %mul3A_1584 = arith.mulf %add3A_1582, %mul3A_1583 : vector<16xf32>
      %swap3A_1585 = arith.index_cast %add3A_1541 : i32 to index
      %swap3A_1586 = arith.constant 32 : index
      %swap3A_1587 = tpu.vector_load %arg6[%swap3A_1585, %swap3A_1586] {strides = array<i32>} : memref<320x128xf32, #tpu.memory_space<vmem>>, vector<1x16xf32>,
      %swap3A_1588 = vector.shape_cast %swap3A_1587 : vector<1x16xf32> to vector<16xf32>
      %swap3A_1589 = vector.shape_cast %mul3A_1584 : vector<16xf32> to vector<1x16xf32>
      tpu.vector_store %arg6[%swap3A_1585, %swap3A_1586], %swap3A_1589 {strides = array<i32>} : memref<320x128xf32, #tpu.memory_space<vmem>>, vector<1x16xf32>,
      %get3A_1590 = arith.index_cast %add3A_1541 : i32 to index
      %get3A_1591 = arith.constant 48 : index
      %get3A_1592 = tpu.vector_load %arg6[%get3A_1590, %get3A_1591] {strides = array<i32>} : memref<320x128xf32, #tpu.memory_space<vmem>>, vector<1x16xf32>,
      %get3A_1593 = vector.shape_cast %get3A_1592 : vector<1x16xf32> to vector<16xf32>
      %get3A_1594 = arith.index_cast %add3A_1541 : i32 to index
      %get3A_1595 = arith.constant 48 : index
      %get3A_1596 = tpu.vector_load %arg7[%get3A_1594, %get3A_1595] {strides = array<i32>} : memref<320x128xf32, #tpu.memory_space<vmem>>, vector<1x16xf32>,
      %get3A_1597 = vector.shape_cast %get3A_1596 : vector<1x16xf32> to vector<16xf32>
      %add3A_1598 = arith.addf %get3A_1593, %get3A_1597 : vector<16xf32>
      %mul3A_1599 = vector.broadcast %squeeze3A_1537 : f32 to vector<16xf32>
      %mul3A_1600 = arith.mulf %add3A_1598, %mul3A_1599 : vector<16xf32>
      %swap3A_1601 = arith.index_cast %add3A_1541 : i32 to index
      %swap3A_1602 = arith.constant 48 : index
      %swap3A_1603 = tpu.vector_load %arg6[%swap3A_1601, %swap3A_1602] {strides = array<i32>} : memref<320x128xf32, #tpu.memory_space<vmem>>, vector<1x16xf32>,
      %swap3A_1604 = vector.shape_cast %swap3A_1603 : vector<1x16xf32> to vector<16xf32>
      %swap3A_1605 = vector.shape_cast %mul3A_1600 : vector<16xf32> to vector<1x16xf32>
      tpu.vector_store %arg6[%swap3A_1601, %swap3A_1602], %swap3A_1605 {strides = array<i32>} : memref<320x128xf32, #tpu.memory_space<vmem>>, vector<1x16xf32>,
      %get3A_1606 = arith.index_cast %add3A_1541 : i32 to index
      %get3A_1607 = arith.constant 64 : index
      %get3A_1608 = tpu.vector_load %arg6[%get3A_1606, %get3A_1607] {strides = array<i32>} : memref<320x128xf32, #tpu.memory_space<vmem>>, vector<1x16xf32>,
      %get3A_1609 = vector.shape_cast %get3A_1608 : vector<1x16xf32> to vector<16xf32>
      %get3A_1610 = arith.index_cast %add3A_1541 : i32 to index
      %get3A_1611 = arith.constant 64 : index
      %get3A_1612 = tpu.vector_load %arg7[%get3A_1610, %get3A_1611] {strides = array<i32>} : memref<320x128xf32, #tpu.memory_space<vmem>>, vector<1x16xf32>,
      %get3A_1613 = vector.shape_cast %get3A_1612 : vector<1x16xf32> to vector<16xf32>
      %add3A_1614 = arith.addf %get3A_1609, %get3A_1613 : vector<16xf32>
      %mul3A_1615 = vector.broadcast %squeeze3A_1537 : f32 to vector<16xf32>
      %mul3A_1616 = arith.mulf %add3A_1614, %mul3A_1615 : vector<16xf32>
      %swap3A_1617 = arith.index_cast %add3A_1541 : i32 to index
      %swap3A_1618 = arith.constant 64 : index
      %swap3A_1619 = tpu.vector_load %arg6[%swap3A_1617, %swap3A_1618] {strides = array<i32>} : memref<320x128xf32, #tpu.memory_space<vmem>>, vector<1x16xf32>,
      %swap3A_1620 = vector.shape_cast %swap3A_1619 : vector<1x16xf32> to vector<16xf32>
      %swap3A_1621 = vector.shape_cast %mul3A_1616 : vector<16xf32> to vector<1x16xf32>
      tpu.vector_store %arg6[%swap3A_1617, %swap3A_1618], %swap3A_1621 {strides = array<i32>} : memref<320x128xf32, #tpu.memory_space<vmem>>, vector<1x16xf32>,
      %get3A_1622 = arith.index_cast %add3A_1541 : i32 to index
      %get3A_1623 = arith.constant 80 : index
      %get3A_1624 = tpu.vector_load %arg6[%get3A_1622, %get3A_1623] {strides = array<i32>} : memref<320x128xf32, #tpu.memory_space<vmem>>, vector<1x16xf32>,
      %get3A_1625 = vector.shape_cast %get3A_1624 : vector<1x16xf32> to vector<16xf32>
      %get3A_1626 = arith.index_cast %add3A_1541 : i32 to index
      %get3A_1627 = arith.constant 80 : index
      %get3A_1628 = tpu.vector_load %arg7[%get3A_1626, %get3A_1627] {strides = array<i32>} : memref<320x128xf32, #tpu.memory_space<vmem>>, vector<1x16xf32>,
      %get3A_1629 = vector.shape_cast %get3A_1628 : vector<1x16xf32> to vector<16xf32>
      %add3A_1630 = arith.addf %get3A_1625, %get3A_1629 : vector<16xf32>
      %mul3A_1631 = vector.broadcast %squeeze3A_1537 : f32 to vector<16xf32>
      %mul3A_1632 = arith.mulf %add3A_1630, %mul3A_1631 : vector<16xf32>
      %swap3A_1633 = arith.index_cast %add3A_1541 : i32 to index
      %swap3A_1634 = arith.constant 80 : index
      %swap3A_1635 = tpu.vector_load %arg6[%swap3A_1633, %swap3A_1634] {strides = array<i32>} : memref<320x128xf32, #tpu.memory_space<vmem>>, vector<1x16xf32>,
      %swap3A_1636 = vector.shape_cast %swap3A_1635 : vector<1x16xf32> to vector<16xf32>
      %swap3A_1637 = vector.shape_cast %mul3A_1632 : vector<16xf32> to vector<1x16xf32>
      tpu.vector_store %arg6[%swap3A_1633, %swap3A_1634], %swap3A_1637 {strides = array<i32>} : memref<320x128xf32, #tpu.memory_space<vmem>>, vector<1x16xf32>,
      %get3A_1638 = arith.index_cast %add3A_1541 : i32 to index
      %get3A_1639 = arith.constant 96 : index
      %get3A_1640 = tpu.vector_load %arg6[%get3A_1638, %get3A_1639] {strides = array<i32>} : memref<320x128xf32, #tpu.memory_space<vmem>>, vector<1x16xf32>,
      %get3A_1641 = vector.shape_cast %get3A_1640 : vector<1x16xf32> to vector<16xf32>
      %get3A_1642 = arith.index_cast %add3A_1541 : i32 to index
      %get3A_1643 = arith.constant 96 : index
      %get3A_1644 = tpu.vector_load %arg7[%get3A_1642, %get3A_1643] {strides = array<i32>} : memref<320x128xf32, #tpu.memory_space<vmem>>, vector<1x16xf32>,
      %get3A_1645 = vector.shape_cast %get3A_1644 : vector<1x16xf32> to vector<16xf32>
      %add3A_1646 = arith.addf %get3A_1641, %get3A_1645 : vector<16xf32>
      %mul3A_1647 = vector.broadcast %squeeze3A_1537 : f32 to vector<16xf32>
      %mul3A_1648 = arith.mulf %add3A_1646, %mul3A_1647 : vector<16xf32>
      %swap3A_1649 = arith.index_cast %add3A_1541 : i32 to index
      %swap3A_1650 = arith.constant 96 : index
      %swap3A_1651 = tpu.vector_load %arg6[%swap3A_1649, %swap3A_1650] {strides = array<i32>} : memref<320x128xf32, #tpu.memory_space<vmem>>, vector<1x16xf32>,
      %swap3A_1652 = vector.shape_cast %swap3A_1651 : vector<1x16xf32> to vector<16xf32>
      %swap3A_1653 = vector.shape_cast %mul3A_1648 : vector<16xf32> to vector<1x16xf32>
      tpu.vector_store %arg6[%swap3A_1649, %swap3A_1650], %swap3A_1653 {strides = array<i32>} : memref<320x128xf32, #tpu.memory_space<vmem>>, vector<1x16xf32>,
      %get3A_1654 = arith.index_cast %add3A_1541 : i32 to index
      %get3A_1655 = arith.constant 112 : index
      %get3A_1656 = tpu.vector_load %arg6[%get3A_1654, %get3A_1655] {strides = array<i32>} : memref<320x128xf32, #tpu.memory_space<vmem>>, vector<1x16xf32>,
      %get3A_1657 = vector.shape_cast %get3A_1656 : vector<1x16xf32> to vector<16xf32>
      %get3A_1658 = arith.index_cast %add3A_1541 : i32 to index
      %get3A_1659 = arith.constant 112 : index
      %get3A_1660 = tpu.vector_load %arg7[%get3A_1658, %get3A_1659] {strides = array<i32>} : memref<320x128xf32, #tpu.memory_space<vmem>>, vector<1x16xf32>,
      %get3A_1661 = vector.shape_cast %get3A_1660 : vector<1x16xf32> to vector<16xf32>
      %add3A_1662 = arith.addf %get3A_1657, %get3A_1661 : vector<16xf32>
      %mul3A_1663 = vector.broadcast %squeeze3A_1537 : f32 to vector<16xf32>
      %mul3A_1664 = arith.mulf %add3A_1662, %mul3A_1663 : vector<16xf32>
      %swap3A_1665 = arith.index_cast %add3A_1541 : i32 to index
      %swap3A_1666 = arith.constant 112 : index
      %swap3A_1667 = tpu.vector_load %arg6[%swap3A_1665, %swap3A_1666] {strides = array<i32>} : memref<320x128xf32, #tpu.memory_space<vmem>>, vector<1x16xf32>,
      %swap3A_1668 = vector.shape_cast %swap3A_1667 : vector<1x16xf32> to vector<16xf32>
      %swap3A_1669 = vector.shape_cast %mul3A_1664 : vector<16xf32> to vector<1x16xf32>
      tpu.vector_store %arg6[%swap3A_1665, %swap3A_1666], %swap3A_1669 {strides = array<i32>} : memref<320x128xf32, #tpu.memory_space<vmem>>, vector<1x16xf32>,
      %slice3A_1670 = vector.extract_strided_slice %div3A_64 {offsets = [12], sizes = [1], strides = [1]} : vector<16xf32> to vector<1xf32>
      %squeeze3A_1671 = vector.extract %slice3A_1670[0] : f32 from vector<1xf32>
      %mul3A_1672 = arith.constant 16 : i32
      %mul3A_1673 = arith.muli %scan3A_50, %mul3A_1672 : i32
      %add3A_1674 = arith.constant 12 : i32
      %add3A_1675 = arith.addi %mul3A_1673, %add3A_1674 : i32
      %get3A_1676 = arith.index_cast %add3A_1675 : i32 to index
      %get3A_1677 = arith.constant 0 : index
      %get3A_1678 = tpu.vector_load %arg6[%get3A_1676, %get3A_1677] {strides = array<i32>} : memref<320x128xf32, #tpu.memory_space<vmem>>, vector<1x16xf32>,
      %get3A_1679 = vector.shape_cast %get3A_1678 : vector<1x16xf32> to vector<16xf32>
      %get3A_1680 = arith.index_cast %add3A_1675 : i32 to index
      %get3A_1681 = arith.constant 0 : index
      %get3A_1682 = tpu.vector_load %arg7[%get3A_1680, %get3A_1681] {strides = array<i32>} : memref<320x128xf32, #tpu.memory_space<vmem>>, vector<1x16xf32>,
      %get3A_1683 = vector.shape_cast %get3A_1682 : vector<1x16xf32> to vector<16xf32>
      %add3A_1684 = arith.addf %get3A_1679, %get3A_1683 : vector<16xf32>
      %mul3A_1685 = vector.broadcast %squeeze3A_1671 : f32 to vector<16xf32>
      %mul3A_1686 = arith.mulf %add3A_1684, %mul3A_1685 : vector<16xf32>
      %swap3A_1687 = arith.index_cast %add3A_1675 : i32 to index
      %swap3A_1688 = arith.constant 0 : index
      %swap3A_1689 = tpu.vector_load %arg6[%swap3A_1687, %swap3A_1688] {strides = array<i32>} : memref<320x128xf32, #tpu.memory_space<vmem>>, vector<1x16xf32>,
      %swap3A_1690 = vector.shape_cast %swap3A_1689 : vector<1x16xf32> to vector<16xf32>
      %swap3A_1691 = vector.shape_cast %mul3A_1686 : vector<16xf32> to vector<1x16xf32>
      tpu.vector_store %arg6[%swap3A_1687, %swap3A_1688], %swap3A_1691 {strides = array<i32>} : memref<320x128xf32, #tpu.memory_space<vmem>>, vector<1x16xf32>,
      %get3A_1692 = arith.index_cast %add3A_1675 : i32 to index
      %get3A_1693 = arith.constant 16 : index
      %get3A_1694 = tpu.vector_load %arg6[%get3A_1692, %get3A_1693] {strides = array<i32>} : memref<320x128xf32, #tpu.memory_space<vmem>>, vector<1x16xf32>,
      %get3A_1695 = vector.shape_cast %get3A_1694 : vector<1x16xf32> to vector<16xf32>
      %get3A_1696 = arith.index_cast %add3A_1675 : i32 to index
      %get3A_1697 = arith.constant 16 : index
      %get3A_1698 = tpu.vector_load %arg7[%get3A_1696, %get3A_1697] {strides = array<i32>} : memref<320x128xf32, #tpu.memory_space<vmem>>, vector<1x16xf32>,
      %get3A_1699 = vector.shape_cast %get3A_1698 : vector<1x16xf32> to vector<16xf32>
      %add3A_1700 = arith.addf %get3A_1695, %get3A_1699 : vector<16xf32>
      %mul3A_1701 = vector.broadcast %squeeze3A_1671 : f32 to vector<16xf32>
      %mul3A_1702 = arith.mulf %add3A_1700, %mul3A_1701 : vector<16xf32>
      %swap3A_1703 = arith.index_cast %add3A_1675 : i32 to index
      %swap3A_1704 = arith.constant 16 : index
      %swap3A_1705 = tpu.vector_load %arg6[%swap3A_1703, %swap3A_1704] {strides = array<i32>} : memref<320x128xf32, #tpu.memory_space<vmem>>, vector<1x16xf32>,
      %swap3A_1706 = vector.shape_cast %swap3A_1705 : vector<1x16xf32> to vector<16xf32>
      %swap3A_1707 = vector.shape_cast %mul3A_1702 : vector<16xf32> to vector<1x16xf32>
      tpu.vector_store %arg6[%swap3A_1703, %swap3A_1704], %swap3A_1707 {strides = array<i32>} : memref<320x128xf32, #tpu.memory_space<vmem>>, vector<1x16xf32>,
      %get3A_1708 = arith.index_cast %add3A_1675 : i32 to index
      %get3A_1709 = arith.constant 32 : index
      %get3A_1710 = tpu.vector_load %arg6[%get3A_1708, %get3A_1709] {strides = array<i32>} : memref<320x128xf32, #tpu.memory_space<vmem>>, vector<1x16xf32>,
      %get3A_1711 = vector.shape_cast %get3A_1710 : vector<1x16xf32> to vector<16xf32>
      %get3A_1712 = arith.index_cast %add3A_1675 : i32 to index
      %get3A_1713 = arith.constant 32 : index
      %get3A_1714 = tpu.vector_load %arg7[%get3A_1712, %get3A_1713] {strides = array<i32>} : memref<320x128xf32, #tpu.memory_space<vmem>>, vector<1x16xf32>,
      %get3A_1715 = vector.shape_cast %get3A_1714 : vector<1x16xf32> to vector<16xf32>
      %add3A_1716 = arith.addf %get3A_1711, %get3A_1715 : vector<16xf32>
      %mul3A_1717 = vector.broadcast %squeeze3A_1671 : f32 to vector<16xf32>
      %mul3A_1718 = arith.mulf %add3A_1716, %mul3A_1717 : vector<16xf32>
      %swap3A_1719 = arith.index_cast %add3A_1675 : i32 to index
      %swap3A_1720 = arith.constant 32 : index
      %swap3A_1721 = tpu.vector_load %arg6[%swap3A_1719, %swap3A_1720] {strides = array<i32>} : memref<320x128xf32, #tpu.memory_space<vmem>>, vector<1x16xf32>,
      %swap3A_1722 = vector.shape_cast %swap3A_1721 : vector<1x16xf32> to vector<16xf32>
      %swap3A_1723 = vector.shape_cast %mul3A_1718 : vector<16xf32> to vector<1x16xf32>
      tpu.vector_store %arg6[%swap3A_1719, %swap3A_1720], %swap3A_1723 {strides = array<i32>} : memref<320x128xf32, #tpu.memory_space<vmem>>, vector<1x16xf32>,
      %get3A_1724 = arith.index_cast %add3A_1675 : i32 to index
      %get3A_1725 = arith.constant 48 : index
      %get3A_1726 = tpu.vector_load %arg6[%get3A_1724, %get3A_1725] {strides = array<i32>} : memref<320x128xf32, #tpu.memory_space<vmem>>, vector<1x16xf32>,
      %get3A_1727 = vector.shape_cast %get3A_1726 : vector<1x16xf32> to vector<16xf32>
      %get3A_1728 = arith.index_cast %add3A_1675 : i32 to index
      %get3A_1729 = arith.constant 48 : index
      %get3A_1730 = tpu.vector_load %arg7[%get3A_1728, %get3A_1729] {strides = array<i32>} : memref<320x128xf32, #tpu.memory_space<vmem>>, vector<1x16xf32>,
      %get3A_1731 = vector.shape_cast %get3A_1730 : vector<1x16xf32> to vector<16xf32>
      %add3A_1732 = arith.addf %get3A_1727, %get3A_1731 : vector<16xf32>
      %mul3A_1733 = vector.broadcast %squeeze3A_1671 : f32 to vector<16xf32>
      %mul3A_1734 = arith.mulf %add3A_1732, %mul3A_1733 : vector<16xf32>
      %swap3A_1735 = arith.index_cast %add3A_1675 : i32 to index
      %swap3A_1736 = arith.constant 48 : index
      %swap3A_1737 = tpu.vector_load %arg6[%swap3A_1735, %swap3A_1736] {strides = array<i32>} : memref<320x128xf32, #tpu.memory_space<vmem>>, vector<1x16xf32>,
      %swap3A_1738 = vector.shape_cast %swap3A_1737 : vector<1x16xf32> to vector<16xf32>
      %swap3A_1739 = vector.shape_cast %mul3A_1734 : vector<16xf32> to vector<1x16xf32>
      tpu.vector_store %arg6[%swap3A_1735, %swap3A_1736], %swap3A_1739 {strides = array<i32>} : memref<320x128xf32, #tpu.memory_space<vmem>>, vector<1x16xf32>,
      %get3A_1740 = arith.index_cast %add3A_1675 : i32 to index
      %get3A_1741 = arith.constant 64 : index
      %get3A_1742 = tpu.vector_load %arg6[%get3A_1740, %get3A_1741] {strides = array<i32>} : memref<320x128xf32, #tpu.memory_space<vmem>>, vector<1x16xf32>,
      %get3A_1743 = vector.shape_cast %get3A_1742 : vector<1x16xf32> to vector<16xf32>
      %get3A_1744 = arith.index_cast %add3A_1675 : i32 to index
      %get3A_1745 = arith.constant 64 : index
      %get3A_1746 = tpu.vector_load %arg7[%get3A_1744, %get3A_1745] {strides = array<i32>} : memref<320x128xf32, #tpu.memory_space<vmem>>, vector<1x16xf32>,
      %get3A_1747 = vector.shape_cast %get3A_1746 : vector<1x16xf32> to vector<16xf32>
      %add3A_1748 = arith.addf %get3A_1743, %get3A_1747 : vector<16xf32>
      %mul3A_1749 = vector.broadcast %squeeze3A_1671 : f32 to vector<16xf32>
      %mul3A_1750 = arith.mulf %add3A_1748, %mul3A_1749 : vector<16xf32>
      %swap3A_1751 = arith.index_cast %add3A_1675 : i32 to index
      %swap3A_1752 = arith.constant 64 : index
      %swap3A_1753 = tpu.vector_load %arg6[%swap3A_1751, %swap3A_1752] {strides = array<i32>} : memref<320x128xf32, #tpu.memory_space<vmem>>, vector<1x16xf32>,
      %swap3A_1754 = vector.shape_cast %swap3A_1753 : vector<1x16xf32> to vector<16xf32>
      %swap3A_1755 = vector.shape_cast %mul3A_1750 : vector<16xf32> to vector<1x16xf32>
      tpu.vector_store %arg6[%swap3A_1751, %swap3A_1752], %swap3A_1755 {strides = array<i32>} : memref<320x128xf32, #tpu.memory_space<vmem>>, vector<1x16xf32>,
      %get3A_1756 = arith.index_cast %add3A_1675 : i32 to index
      %get3A_1757 = arith.constant 80 : index
      %get3A_1758 = tpu.vector_load %arg6[%get3A_1756, %get3A_1757] {strides = array<i32>} : memref<320x128xf32, #tpu.memory_space<vmem>>, vector<1x16xf32>,
      %get3A_1759 = vector.shape_cast %get3A_1758 : vector<1x16xf32> to vector<16xf32>
      %get3A_1760 = arith.index_cast %add3A_1675 : i32 to index
      %get3A_1761 = arith.constant 80 : index
      %get3A_1762 = tpu.vector_load %arg7[%get3A_1760, %get3A_1761] {strides = array<i32>} : memref<320x128xf32, #tpu.memory_space<vmem>>, vector<1x16xf32>,
      %get3A_1763 = vector.shape_cast %get3A_1762 : vector<1x16xf32> to vector<16xf32>
      %add3A_1764 = arith.addf %get3A_1759, %get3A_1763 : vector<16xf32>
      %mul3A_1765 = vector.broadcast %squeeze3A_1671 : f32 to vector<16xf32>
      %mul3A_1766 = arith.mulf %add3A_1764, %mul3A_1765 : vector<16xf32>
      %swap3A_1767 = arith.index_cast %add3A_1675 : i32 to index
      %swap3A_1768 = arith.constant 80 : index
      %swap3A_1769 = tpu.vector_load %arg6[%swap3A_1767, %swap3A_1768] {strides = array<i32>} : memref<320x128xf32, #tpu.memory_space<vmem>>, vector<1x16xf32>,
      %swap3A_1770 = vector.shape_cast %swap3A_1769 : vector<1x16xf32> to vector<16xf32>
      %swap3A_1771 = vector.shape_cast %mul3A_1766 : vector<16xf32> to vector<1x16xf32>
      tpu.vector_store %arg6[%swap3A_1767, %swap3A_1768], %swap3A_1771 {strides = array<i32>} : memref<320x128xf32, #tpu.memory_space<vmem>>, vector<1x16xf32>,
      %get3A_1772 = arith.index_cast %add3A_1675 : i32 to index
      %get3A_1773 = arith.constant 96 : index
      %get3A_1774 = tpu.vector_load %arg6[%get3A_1772, %get3A_1773] {strides = array<i32>} : memref<320x128xf32, #tpu.memory_space<vmem>>, vector<1x16xf32>,
      %get3A_1775 = vector.shape_cast %get3A_1774 : vector<1x16xf32> to vector<16xf32>
      %get3A_1776 = arith.index_cast %add3A_1675 : i32 to index
      %get3A_1777 = arith.constant 96 : index
      %get3A_1778 = tpu.vector_load %arg7[%get3A_1776, %get3A_1777] {strides = array<i32>} : memref<320x128xf32, #tpu.memory_space<vmem>>, vector<1x16xf32>,
      %get3A_1779 = vector.shape_cast %get3A_1778 : vector<1x16xf32> to vector<16xf32>
      %add3A_1780 = arith.addf %get3A_1775, %get3A_1779 : vector<16xf32>
      %mul3A_1781 = vector.broadcast %squeeze3A_1671 : f32 to vector<16xf32>
      %mul3A_1782 = arith.mulf %add3A_1780, %mul3A_1781 : vector<16xf32>
      %swap3A_1783 = arith.index_cast %add3A_1675 : i32 to index
      %swap3A_1784 = arith.constant 96 : index
      %swap3A_1785 = tpu.vector_load %arg6[%swap3A_1783, %swap3A_1784] {strides = array<i32>} : memref<320x128xf32, #tpu.memory_space<vmem>>, vector<1x16xf32>,
      %swap3A_1786 = vector.shape_cast %swap3A_1785 : vector<1x16xf32> to vector<16xf32>
      %swap3A_1787 = vector.shape_cast %mul3A_1782 : vector<16xf32> to vector<1x16xf32>
      tpu.vector_store %arg6[%swap3A_1783, %swap3A_1784], %swap3A_1787 {strides = array<i32>} : memref<320x128xf32, #tpu.memory_space<vmem>>, vector<1x16xf32>,
      %get3A_1788 = arith.index_cast %add3A_1675 : i32 to index
      %get3A_1789 = arith.constant 112 : index
      %get3A_1790 = tpu.vector_load %arg6[%get3A_1788, %get3A_1789] {strides = array<i32>} : memref<320x128xf32, #tpu.memory_space<vmem>>, vector<1x16xf32>,
      %get3A_1791 = vector.shape_cast %get3A_1790 : vector<1x16xf32> to vector<16xf32>
      %get3A_1792 = arith.index_cast %add3A_1675 : i32 to index
      %get3A_1793 = arith.constant 112 : index
      %get3A_1794 = tpu.vector_load %arg7[%get3A_1792, %get3A_1793] {strides = array<i32>} : memref<320x128xf32, #tpu.memory_space<vmem>>, vector<1x16xf32>,
      %get3A_1795 = vector.shape_cast %get3A_1794 : vector<1x16xf32> to vector<16xf32>
      %add3A_1796 = arith.addf %get3A_1791, %get3A_1795 : vector<16xf32>
      %mul3A_1797 = vector.broadcast %squeeze3A_1671 : f32 to vector<16xf32>
      %mul3A_1798 = arith.mulf %add3A_1796, %mul3A_1797 : vector<16xf32>
      %swap3A_1799 = arith.index_cast %add3A_1675 : i32 to index
      %swap3A_1800 = arith.constant 112 : index
      %swap3A_1801 = tpu.vector_load %arg6[%swap3A_1799, %swap3A_1800] {strides = array<i32>} : memref<320x128xf32, #tpu.memory_space<vmem>>, vector<1x16xf32>,
      %swap3A_1802 = vector.shape_cast %swap3A_1801 : vector<1x16xf32> to vector<16xf32>
      %swap3A_1803 = vector.shape_cast %mul3A_1798 : vector<16xf32> to vector<1x16xf32>
      tpu.vector_store %arg6[%swap3A_1799, %swap3A_1800], %swap3A_1803 {strides = array<i32>} : memref<320x128xf32, #tpu.memory_space<vmem>>, vector<1x16xf32>,
      %slice3A_1804 = vector.extract_strided_slice %div3A_64 {offsets = [13], sizes = [1], strides = [1]} : vector<16xf32> to vector<1xf32>
      %squeeze3A_1805 = vector.extract %slice3A_1804[0] : f32 from vector<1xf32>
      %mul3A_1806 = arith.constant 16 : i32
      %mul3A_1807 = arith.muli %scan3A_50, %mul3A_1806 : i32
      %add3A_1808 = arith.constant 13 : i32
      %add3A_1809 = arith.addi %mul3A_1807, %add3A_1808 : i32
      %get3A_1810 = arith.index_cast %add3A_1809 : i32 to index
      %get3A_1811 = arith.constant 0 : index
      %get3A_1812 = tpu.vector_load %arg6[%get3A_1810, %get3A_1811] {strides = array<i32>} : memref<320x128xf32, #tpu.memory_space<vmem>>, vector<1x16xf32>,
      %get3A_1813 = vector.shape_cast %get3A_1812 : vector<1x16xf32> to vector<16xf32>
      %get3A_1814 = arith.index_cast %add3A_1809 : i32 to index
      %get3A_1815 = arith.constant 0 : index
      %get3A_1816 = tpu.vector_load %arg7[%get3A_1814, %get3A_1815] {strides = array<i32>} : memref<320x128xf32, #tpu.memory_space<vmem>>, vector<1x16xf32>,
      %get3A_1817 = vector.shape_cast %get3A_1816 : vector<1x16xf32> to vector<16xf32>
      %add3A_1818 = arith.addf %get3A_1813, %get3A_1817 : vector<16xf32>
      %mul3A_1819 = vector.broadcast %squeeze3A_1805 : f32 to vector<16xf32>
      %mul3A_1820 = arith.mulf %add3A_1818, %mul3A_1819 : vector<16xf32>
      %swap3A_1821 = arith.index_cast %add3A_1809 : i32 to index
      %swap3A_1822 = arith.constant 0 : index
      %swap3A_1823 = tpu.vector_load %arg6[%swap3A_1821, %swap3A_1822] {strides = array<i32>} : memref<320x128xf32, #tpu.memory_space<vmem>>, vector<1x16xf32>,
      %swap3A_1824 = vector.shape_cast %swap3A_1823 : vector<1x16xf32> to vector<16xf32>
      %swap3A_1825 = vector.shape_cast %mul3A_1820 : vector<16xf32> to vector<1x16xf32>
      tpu.vector_store %arg6[%swap3A_1821, %swap3A_1822], %swap3A_1825 {strides = array<i32>} : memref<320x128xf32, #tpu.memory_space<vmem>>, vector<1x16xf32>,
      %get3A_1826 = arith.index_cast %add3A_1809 : i32 to index
      %get3A_1827 = arith.constant 16 : index
      %get3A_1828 = tpu.vector_load %arg6[%get3A_1826, %get3A_1827] {strides = array<i32>} : memref<320x128xf32, #tpu.memory_space<vmem>>, vector<1x16xf32>,
      %get3A_1829 = vector.shape_cast %get3A_1828 : vector<1x16xf32> to vector<16xf32>
      %get3A_1830 = arith.index_cast %add3A_1809 : i32 to index
      %get3A_1831 = arith.constant 16 : index
      %get3A_1832 = tpu.vector_load %arg7[%get3A_1830, %get3A_1831] {strides = array<i32>} : memref<320x128xf32, #tpu.memory_space<vmem>>, vector<1x16xf32>,
      %get3A_1833 = vector.shape_cast %get3A_1832 : vector<1x16xf32> to vector<16xf32>
      %add3A_1834 = arith.addf %get3A_1829, %get3A_1833 : vector<16xf32>
      %mul3A_1835 = vector.broadcast %squeeze3A_1805 : f32 to vector<16xf32>
      %mul3A_1836 = arith.mulf %add3A_1834, %mul3A_1835 : vector<16xf32>
      %swap3A_1837 = arith.index_cast %add3A_1809 : i32 to index
      %swap3A_1838 = arith.constant 16 : index
      %swap3A_1839 = tpu.vector_load %arg6[%swap3A_1837, %swap3A_1838] {strides = array<i32>} : memref<320x128xf32, #tpu.memory_space<vmem>>, vector<1x16xf32>,
      %swap3A_1840 = vector.shape_cast %swap3A_1839 : vector<1x16xf32> to vector<16xf32>
      %swap3A_1841 = vector.shape_cast %mul3A_1836 : vector<16xf32> to vector<1x16xf32>
      tpu.vector_store %arg6[%swap3A_1837, %swap3A_1838], %swap3A_1841 {strides = array<i32>} : memref<320x128xf32, #tpu.memory_space<vmem>>, vector<1x16xf32>,
      %get3A_1842 = arith.index_cast %add3A_1809 : i32 to index
      %get3A_1843 = arith.constant 32 : index
      %get3A_1844 = tpu.vector_load %arg6[%get3A_1842, %get3A_1843] {strides = array<i32>} : memref<320x128xf32, #tpu.memory_space<vmem>>, vector<1x16xf32>,
      %get3A_1845 = vector.shape_cast %get3A_1844 : vector<1x16xf32> to vector<16xf32>
      %get3A_1846 = arith.index_cast %add3A_1809 : i32 to index
      %get3A_1847 = arith.constant 32 : index
      %get3A_1848 = tpu.vector_load %arg7[%get3A_1846, %get3A_1847] {strides = array<i32>} : memref<320x128xf32, #tpu.memory_space<vmem>>, vector<1x16xf32>,
      %get3A_1849 = vector.shape_cast %get3A_1848 : vector<1x16xf32> to vector<16xf32>
      %add3A_1850 = arith.addf %get3A_1845, %get3A_1849 : vector<16xf32>
      %mul3A_1851 = vector.broadcast %squeeze3A_1805 : f32 to vector<16xf32>
      %mul3A_1852 = arith.mulf %add3A_1850, %mul3A_1851 : vector<16xf32>
      %swap3A_1853 = arith.index_cast %add3A_1809 : i32 to index
      %swap3A_1854 = arith.constant 32 : index
      %swap3A_1855 = tpu.vector_load %arg6[%swap3A_1853, %swap3A_1854] {strides = array<i32>} : memref<320x128xf32, #tpu.memory_space<vmem>>, vector<1x16xf32>,
      %swap3A_1856 = vector.shape_cast %swap3A_1855 : vector<1x16xf32> to vector<16xf32>
      %swap3A_1857 = vector.shape_cast %mul3A_1852 : vector<16xf32> to vector<1x16xf32>
      tpu.vector_store %arg6[%swap3A_1853, %swap3A_1854], %swap3A_1857 {strides = array<i32>} : memref<320x128xf32, #tpu.memory_space<vmem>>, vector<1x16xf32>,
      %get3A_1858 = arith.index_cast %add3A_1809 : i32 to index
      %get3A_1859 = arith.constant 48 : index
      %get3A_1860 = tpu.vector_load %arg6[%get3A_1858, %get3A_1859] {strides = array<i32>} : memref<320x128xf32, #tpu.memory_space<vmem>>, vector<1x16xf32>,
      %get3A_1861 = vector.shape_cast %get3A_1860 : vector<1x16xf32> to vector<16xf32>
      %get3A_1862 = arith.index_cast %add3A_1809 : i32 to index
      %get3A_1863 = arith.constant 48 : index
      %get3A_1864 = tpu.vector_load %arg7[%get3A_1862, %get3A_1863] {strides = array<i32>} : memref<320x128xf32, #tpu.memory_space<vmem>>, vector<1x16xf32>,
      %get3A_1865 = vector.shape_cast %get3A_1864 : vector<1x16xf32> to vector<16xf32>
      %add3A_1866 = arith.addf %get3A_1861, %get3A_1865 : vector<16xf32>
      %mul3A_1867 = vector.broadcast %squeeze3A_1805 : f32 to vector<16xf32>
      %mul3A_1868 = arith.mulf %add3A_1866, %mul3A_1867 : vector<16xf32>
      %swap3A_1869 = arith.index_cast %add3A_1809 : i32 to index
      %swap3A_1870 = arith.constant 48 : index
      %swap3A_1871 = tpu.vector_load %arg6[%swap3A_1869, %swap3A_1870] {strides = array<i32>} : memref<320x128xf32, #tpu.memory_space<vmem>>, vector<1x16xf32>,
      %swap3A_1872 = vector.shape_cast %swap3A_1871 : vector<1x16xf32> to vector<16xf32>
      %swap3A_1873 = vector.shape_cast %mul3A_1868 : vector<16xf32> to vector<1x16xf32>
      tpu.vector_store %arg6[%swap3A_1869, %swap3A_1870], %swap3A_1873 {strides = array<i32>} : memref<320x128xf32, #tpu.memory_space<vmem>>, vector<1x16xf32>,
      %get3A_1874 = arith.index_cast %add3A_1809 : i32 to index
      %get3A_1875 = arith.constant 64 : index
      %get3A_1876 = tpu.vector_load %arg6[%get3A_1874, %get3A_1875] {strides = array<i32>} : memref<320x128xf32, #tpu.memory_space<vmem>>, vector<1x16xf32>,
      %get3A_1877 = vector.shape_cast %get3A_1876 : vector<1x16xf32> to vector<16xf32>
      %get3A_1878 = arith.index_cast %add3A_1809 : i32 to index
      %get3A_1879 = arith.constant 64 : index
      %get3A_1880 = tpu.vector_load %arg7[%get3A_1878, %get3A_1879] {strides = array<i32>} : memref<320x128xf32, #tpu.memory_space<vmem>>, vector<1x16xf32>,
      %get3A_1881 = vector.shape_cast %get3A_1880 : vector<1x16xf32> to vector<16xf32>
      %add3A_1882 = arith.addf %get3A_1877, %get3A_1881 : vector<16xf32>
      %mul3A_1883 = vector.broadcast %squeeze3A_1805 : f32 to vector<16xf32>
      %mul3A_1884 = arith.mulf %add3A_1882, %mul3A_1883 : vector<16xf32>
      %swap3A_1885 = arith.index_cast %add3A_1809 : i32 to index
      %swap3A_1886 = arith.constant 64 : index
      %swap3A_1887 = tpu.vector_load %arg6[%swap3A_1885, %swap3A_1886] {strides = array<i32>} : memref<320x128xf32, #tpu.memory_space<vmem>>, vector<1x16xf32>,
      %swap3A_1888 = vector.shape_cast %swap3A_1887 : vector<1x16xf32> to vector<16xf32>
      %swap3A_1889 = vector.shape_cast %mul3A_1884 : vector<16xf32> to vector<1x16xf32>
      tpu.vector_store %arg6[%swap3A_1885, %swap3A_1886], %swap3A_1889 {strides = array<i32>} : memref<320x128xf32, #tpu.memory_space<vmem>>, vector<1x16xf32>,
      %get3A_1890 = arith.index_cast %add3A_1809 : i32 to index
      %get3A_1891 = arith.constant 80 : index
      %get3A_1892 = tpu.vector_load %arg6[%get3A_1890, %get3A_1891] {strides = array<i32>} : memref<320x128xf32, #tpu.memory_space<vmem>>, vector<1x16xf32>,
      %get3A_1893 = vector.shape_cast %get3A_1892 : vector<1x16xf32> to vector<16xf32>
      %get3A_1894 = arith.index_cast %add3A_1809 : i32 to index
      %get3A_1895 = arith.constant 80 : index
      %get3A_1896 = tpu.vector_load %arg7[%get3A_1894, %get3A_1895] {strides = array<i32>} : memref<320x128xf32, #tpu.memory_space<vmem>>, vector<1x16xf32>,
      %get3A_1897 = vector.shape_cast %get3A_1896 : vector<1x16xf32> to vector<16xf32>
      %add3A_1898 = arith.addf %get3A_1893, %get3A_1897 : vector<16xf32>
      %mul3A_1899 = vector.broadcast %squeeze3A_1805 : f32 to vector<16xf32>
      %mul3A_1900 = arith.mulf %add3A_1898, %mul3A_1899 : vector<16xf32>
      %swap3A_1901 = arith.index_cast %add3A_1809 : i32 to index
      %swap3A_1902 = arith.constant 80 : index
      %swap3A_1903 = tpu.vector_load %arg6[%swap3A_1901, %swap3A_1902] {strides = array<i32>} : memref<320x128xf32, #tpu.memory_space<vmem>>, vector<1x16xf32>,
      %swap3A_1904 = vector.shape_cast %swap3A_1903 : vector<1x16xf32> to vector<16xf32>
      %swap3A_1905 = vector.shape_cast %mul3A_1900 : vector<16xf32> to vector<1x16xf32>
      tpu.vector_store %arg6[%swap3A_1901, %swap3A_1902], %swap3A_1905 {strides = array<i32>} : memref<320x128xf32, #tpu.memory_space<vmem>>, vector<1x16xf32>,
      %get3A_1906 = arith.index_cast %add3A_1809 : i32 to index
      %get3A_1907 = arith.constant 96 : index
      %get3A_1908 = tpu.vector_load %arg6[%get3A_1906, %get3A_1907] {strides = array<i32>} : memref<320x128xf32, #tpu.memory_space<vmem>>, vector<1x16xf32>,
      %get3A_1909 = vector.shape_cast %get3A_1908 : vector<1x16xf32> to vector<16xf32>
      %get3A_1910 = arith.index_cast %add3A_1809 : i32 to index
      %get3A_1911 = arith.constant 96 : index
      %get3A_1912 = tpu.vector_load %arg7[%get3A_1910, %get3A_1911] {strides = array<i32>} : memref<320x128xf32, #tpu.memory_space<vmem>>, vector<1x16xf32>,
      %get3A_1913 = vector.shape_cast %get3A_1912 : vector<1x16xf32> to vector<16xf32>
      %add3A_1914 = arith.addf %get3A_1909, %get3A_1913 : vector<16xf32>
      %mul3A_1915 = vector.broadcast %squeeze3A_1805 : f32 to vector<16xf32>
      %mul3A_1916 = arith.mulf %add3A_1914, %mul3A_1915 : vector<16xf32>
      %swap3A_1917 = arith.index_cast %add3A_1809 : i32 to index
      %swap3A_1918 = arith.constant 96 : index
      %swap3A_1919 = tpu.vector_load %arg6[%swap3A_1917, %swap3A_1918] {strides = array<i32>} : memref<320x128xf32, #tpu.memory_space<vmem>>, vector<1x16xf32>,
      %swap3A_1920 = vector.shape_cast %swap3A_1919 : vector<1x16xf32> to vector<16xf32>
      %swap3A_1921 = vector.shape_cast %mul3A_1916 : vector<16xf32> to vector<1x16xf32>
      tpu.vector_store %arg6[%swap3A_1917, %swap3A_1918], %swap3A_1921 {strides = array<i32>} : memref<320x128xf32, #tpu.memory_space<vmem>>, vector<1x16xf32>,
      %get3A_1922 = arith.index_cast %add3A_1809 : i32 to index
      %get3A_1923 = arith.constant 112 : index
      %get3A_1924 = tpu.vector_load %arg6[%get3A_1922, %get3A_1923] {strides = array<i32>} : memref<320x128xf32, #tpu.memory_space<vmem>>, vector<1x16xf32>,
      %get3A_1925 = vector.shape_cast %get3A_1924 : vector<1x16xf32> to vector<16xf32>
      %get3A_1926 = arith.index_cast %add3A_1809 : i32 to index
      %get3A_1927 = arith.constant 112 : index
      %get3A_1928 = tpu.vector_load %arg7[%get3A_1926, %get3A_1927] {strides = array<i32>} : memref<320x128xf32, #tpu.memory_space<vmem>>, vector<1x16xf32>,
      %get3A_1929 = vector.shape_cast %get3A_1928 : vector<1x16xf32> to vector<16xf32>
      %add3A_1930 = arith.addf %get3A_1925, %get3A_1929 : vector<16xf32>
      %mul3A_1931 = vector.broadcast %squeeze3A_1805 : f32 to vector<16xf32>
      %mul3A_1932 = arith.mulf %add3A_1930, %mul3A_1931 : vector<16xf32>
      %swap3A_1933 = arith.index_cast %add3A_1809 : i32 to index
      %swap3A_1934 = arith.constant 112 : index
      %swap3A_1935 = tpu.vector_load %arg6[%swap3A_1933, %swap3A_1934] {strides = array<i32>} : memref<320x128xf32, #tpu.memory_space<vmem>>, vector<1x16xf32>,
      %swap3A_1936 = vector.shape_cast %swap3A_1935 : vector<1x16xf32> to vector<16xf32>
      %swap3A_1937 = vector.shape_cast %mul3A_1932 : vector<16xf32> to vector<1x16xf32>
      tpu.vector_store %arg6[%swap3A_1933, %swap3A_1934], %swap3A_1937 {strides = array<i32>} : memref<320x128xf32, #tpu.memory_space<vmem>>, vector<1x16xf32>,
      %slice3A_1938 = vector.extract_strided_slice %div3A_64 {offsets = [14], sizes = [1], strides = [1]} : vector<16xf32> to vector<1xf32>
      %squeeze3A_1939 = vector.extract %slice3A_1938[0] : f32 from vector<1xf32>
      %mul3A_1940 = arith.constant 16 : i32
      %mul3A_1941 = arith.muli %scan3A_50, %mul3A_1940 : i32
      %add3A_1942 = arith.constant 14 : i32
      %add3A_1943 = arith.addi %mul3A_1941, %add3A_1942 : i32
      %get3A_1944 = arith.index_cast %add3A_1943 : i32 to index
      %get3A_1945 = arith.constant 0 : index
      %get3A_1946 = tpu.vector_load %arg6[%get3A_1944, %get3A_1945] {strides = array<i32>} : memref<320x128xf32, #tpu.memory_space<vmem>>, vector<1x16xf32>,
      %get3A_1947 = vector.shape_cast %get3A_1946 : vector<1x16xf32> to vector<16xf32>
      %get3A_1948 = arith.index_cast %add3A_1943 : i32 to index
      %get3A_1949 = arith.constant 0 : index
      %get3A_1950 = tpu.vector_load %arg7[%get3A_1948, %get3A_1949] {strides = array<i32>} : memref<320x128xf32, #tpu.memory_space<vmem>>, vector<1x16xf32>,
      %get3A_1951 = vector.shape_cast %get3A_1950 : vector<1x16xf32> to vector<16xf32>
      %add3A_1952 = arith.addf %get3A_1947, %get3A_1951 : vector<16xf32>
      %mul3A_1953 = vector.broadcast %squeeze3A_1939 : f32 to vector<16xf32>
      %mul3A_1954 = arith.mulf %add3A_1952, %mul3A_1953 : vector<16xf32>
      %swap3A_1955 = arith.index_cast %add3A_1943 : i32 to index
      %swap3A_1956 = arith.constant 0 : index
      %swap3A_1957 = tpu.vector_load %arg6[%swap3A_1955, %swap3A_1956] {strides = array<i32>} : memref<320x128xf32, #tpu.memory_space<vmem>>, vector<1x16xf32>,
      %swap3A_1958 = vector.shape_cast %swap3A_1957 : vector<1x16xf32> to vector<16xf32>
      %swap3A_1959 = vector.shape_cast %mul3A_1954 : vector<16xf32> to vector<1x16xf32>
      tpu.vector_store %arg6[%swap3A_1955, %swap3A_1956], %swap3A_1959 {strides = array<i32>} : memref<320x128xf32, #tpu.memory_space<vmem>>, vector<1x16xf32>,
      %get3A_1960 = arith.index_cast %add3A_1943 : i32 to index
      %get3A_1961 = arith.constant 16 : index
      %get3A_1962 = tpu.vector_load %arg6[%get3A_1960, %get3A_1961] {strides = array<i32>} : memref<320x128xf32, #tpu.memory_space<vmem>>, vector<1x16xf32>,
      %get3A_1963 = vector.shape_cast %get3A_1962 : vector<1x16xf32> to vector<16xf32>
      %get3A_1964 = arith.index_cast %add3A_1943 : i32 to index
      %get3A_1965 = arith.constant 16 : index
      %get3A_1966 = tpu.vector_load %arg7[%get3A_1964, %get3A_1965] {strides = array<i32>} : memref<320x128xf32, #tpu.memory_space<vmem>>, vector<1x16xf32>,
      %get3A_1967 = vector.shape_cast %get3A_1966 : vector<1x16xf32> to vector<16xf32>
      %add3A_1968 = arith.addf %get3A_1963, %get3A_1967 : vector<16xf32>
      %mul3A_1969 = vector.broadcast %squeeze3A_1939 : f32 to vector<16xf32>
      %mul3A_1970 = arith.mulf %add3A_1968, %mul3A_1969 : vector<16xf32>
      %swap3A_1971 = arith.index_cast %add3A_1943 : i32 to index
      %swap3A_1972 = arith.constant 16 : index
      %swap3A_1973 = tpu.vector_load %arg6[%swap3A_1971, %swap3A_1972] {strides = array<i32>} : memref<320x128xf32, #tpu.memory_space<vmem>>, vector<1x16xf32>,
      %swap3A_1974 = vector.shape_cast %swap3A_1973 : vector<1x16xf32> to vector<16xf32>
      %swap3A_1975 = vector.shape_cast %mul3A_1970 : vector<16xf32> to vector<1x16xf32>
      tpu.vector_store %arg6[%swap3A_1971, %swap3A_1972], %swap3A_1975 {strides = array<i32>} : memref<320x128xf32, #tpu.memory_space<vmem>>, vector<1x16xf32>,
      %get3A_1976 = arith.index_cast %add3A_1943 : i32 to index
      %get3A_1977 = arith.constant 32 : index
      %get3A_1978 = tpu.vector_load %arg6[%get3A_1976, %get3A_1977] {strides = array<i32>} : memref<320x128xf32, #tpu.memory_space<vmem>>, vector<1x16xf32>,
      %get3A_1979 = vector.shape_cast %get3A_1978 : vector<1x16xf32> to vector<16xf32>
      %get3A_1980 = arith.index_cast %add3A_1943 : i32 to index
      %get3A_1981 = arith.constant 32 : index
      %get3A_1982 = tpu.vector_load %arg7[%get3A_1980, %get3A_1981] {strides = array<i32>} : memref<320x128xf32, #tpu.memory_space<vmem>>, vector<1x16xf32>,
      %get3A_1983 = vector.shape_cast %get3A_1982 : vector<1x16xf32> to vector<16xf32>
      %add3A_1984 = arith.addf %get3A_1979, %get3A_1983 : vector<16xf32>
      %mul3A_1985 = vector.broadcast %squeeze3A_1939 : f32 to vector<16xf32>
      %mul3A_1986 = arith.mulf %add3A_1984, %mul3A_1985 : vector<16xf32>
      %swap3A_1987 = arith.index_cast %add3A_1943 : i32 to index
      %swap3A_1988 = arith.constant 32 : index
      %swap3A_1989 = tpu.vector_load %arg6[%swap3A_1987, %swap3A_1988] {strides = array<i32>} : memref<320x128xf32, #tpu.memory_space<vmem>>, vector<1x16xf32>,
      %swap3A_1990 = vector.shape_cast %swap3A_1989 : vector<1x16xf32> to vector<16xf32>
      %swap3A_1991 = vector.shape_cast %mul3A_1986 : vector<16xf32> to vector<1x16xf32>
      tpu.vector_store %arg6[%swap3A_1987, %swap3A_1988], %swap3A_1991 {strides = array<i32>} : memref<320x128xf32, #tpu.memory_space<vmem>>, vector<1x16xf32>,
      %get3A_1992 = arith.index_cast %add3A_1943 : i32 to index
      %get3A_1993 = arith.constant 48 : index
      %get3A_1994 = tpu.vector_load %arg6[%get3A_1992, %get3A_1993] {strides = array<i32>} : memref<320x128xf32, #tpu.memory_space<vmem>>, vector<1x16xf32>,
      %get3A_1995 = vector.shape_cast %get3A_1994 : vector<1x16xf32> to vector<16xf32>
      %get3A_1996 = arith.index_cast %add3A_1943 : i32 to index
      %get3A_1997 = arith.constant 48 : index
      %get3A_1998 = tpu.vector_load %arg7[%get3A_1996, %get3A_1997] {strides = array<i32>} : memref<320x128xf32, #tpu.memory_space<vmem>>, vector<1x16xf32>,
      %get3A_1999 = vector.shape_cast %get3A_1998 : vector<1x16xf32> to vector<16xf32>
      %add3A_2000 = arith.addf %get3A_1995, %get3A_1999 : vector<16xf32>
      %mul3A_2001 = vector.broadcast %squeeze3A_1939 : f32 to vector<16xf32>
      %mul3A_2002 = arith.mulf %add3A_2000, %mul3A_2001 : vector<16xf32>
      %swap3A_2003 = arith.index_cast %add3A_1943 : i32 to index
      %swap3A_2004 = arith.constant 48 : index
      %swap3A_2005 = tpu.vector_load %arg6[%swap3A_2003, %swap3A_2004] {strides = array<i32>} : memref<320x128xf32, #tpu.memory_space<vmem>>, vector<1x16xf32>,
      %swap3A_2006 = vector.shape_cast %swap3A_2005 : vector<1x16xf32> to vector<16xf32>
      %swap3A_2007 = vector.shape_cast %mul3A_2002 : vector<16xf32> to vector<1x16xf32>
      tpu.vector_store %arg6[%swap3A_2003, %swap3A_2004], %swap3A_2007 {strides = array<i32>} : memref<320x128xf32, #tpu.memory_space<vmem>>, vector<1x16xf32>,
      %get3A_2008 = arith.index_cast %add3A_1943 : i32 to index
      %get3A_2009 = arith.constant 64 : index
      %get3A_2010 = tpu.vector_load %arg6[%get3A_2008, %get3A_2009] {strides = array<i32>} : memref<320x128xf32, #tpu.memory_space<vmem>>, vector<1x16xf32>,
      %get3A_2011 = vector.shape_cast %get3A_2010 : vector<1x16xf32> to vector<16xf32>
      %get3A_2012 = arith.index_cast %add3A_1943 : i32 to index
      %get3A_2013 = arith.constant 64 : index
      %get3A_2014 = tpu.vector_load %arg7[%get3A_2012, %get3A_2013] {strides = array<i32>} : memref<320x128xf32, #tpu.memory_space<vmem>>, vector<1x16xf32>,
      %get3A_2015 = vector.shape_cast %get3A_2014 : vector<1x16xf32> to vector<16xf32>
      %add3A_2016 = arith.addf %get3A_2011, %get3A_2015 : vector<16xf32>
      %mul3A_2017 = vector.broadcast %squeeze3A_1939 : f32 to vector<16xf32>
      %mul3A_2018 = arith.mulf %add3A_2016, %mul3A_2017 : vector<16xf32>
      %swap3A_2019 = arith.index_cast %add3A_1943 : i32 to index
      %swap3A_2020 = arith.constant 64 : index
      %swap3A_2021 = tpu.vector_load %arg6[%swap3A_2019, %swap3A_2020] {strides = array<i32>} : memref<320x128xf32, #tpu.memory_space<vmem>>, vector<1x16xf32>,
      %swap3A_2022 = vector.shape_cast %swap3A_2021 : vector<1x16xf32> to vector<16xf32>
      %swap3A_2023 = vector.shape_cast %mul3A_2018 : vector<16xf32> to vector<1x16xf32>
      tpu.vector_store %arg6[%swap3A_2019, %swap3A_2020], %swap3A_2023 {strides = array<i32>} : memref<320x128xf32, #tpu.memory_space<vmem>>, vector<1x16xf32>,
      %get3A_2024 = arith.index_cast %add3A_1943 : i32 to index
      %get3A_2025 = arith.constant 80 : index
      %get3A_2026 = tpu.vector_load %arg6[%get3A_2024, %get3A_2025] {strides = array<i32>} : memref<320x128xf32, #tpu.memory_space<vmem>>, vector<1x16xf32>,
      %get3A_2027 = vector.shape_cast %get3A_2026 : vector<1x16xf32> to vector<16xf32>
      %get3A_2028 = arith.index_cast %add3A_1943 : i32 to index
      %get3A_2029 = arith.constant 80 : index
      %get3A_2030 = tpu.vector_load %arg7[%get3A_2028, %get3A_2029] {strides = array<i32>} : memref<320x128xf32, #tpu.memory_space<vmem>>, vector<1x16xf32>,
      %get3A_2031 = vector.shape_cast %get3A_2030 : vector<1x16xf32> to vector<16xf32>
      %add3A_2032 = arith.addf %get3A_2027, %get3A_2031 : vector<16xf32>
      %mul3A_2033 = vector.broadcast %squeeze3A_1939 : f32 to vector<16xf32>
      %mul3A_2034 = arith.mulf %add3A_2032, %mul3A_2033 : vector<16xf32>
      %swap3A_2035 = arith.index_cast %add3A_1943 : i32 to index
      %swap3A_2036 = arith.constant 80 : index
      %swap3A_2037 = tpu.vector_load %arg6[%swap3A_2035, %swap3A_2036] {strides = array<i32>} : memref<320x128xf32, #tpu.memory_space<vmem>>, vector<1x16xf32>,
      %swap3A_2038 = vector.shape_cast %swap3A_2037 : vector<1x16xf32> to vector<16xf32>
      %swap3A_2039 = vector.shape_cast %mul3A_2034 : vector<16xf32> to vector<1x16xf32>
      tpu.vector_store %arg6[%swap3A_2035, %swap3A_2036], %swap3A_2039 {strides = array<i32>} : memref<320x128xf32, #tpu.memory_space<vmem>>, vector<1x16xf32>,
      %get3A_2040 = arith.index_cast %add3A_1943 : i32 to index
      %get3A_2041 = arith.constant 96 : index
      %get3A_2042 = tpu.vector_load %arg6[%get3A_2040, %get3A_2041] {strides = array<i32>} : memref<320x128xf32, #tpu.memory_space<vmem>>, vector<1x16xf32>,
      %get3A_2043 = vector.shape_cast %get3A_2042 : vector<1x16xf32> to vector<16xf32>
      %get3A_2044 = arith.index_cast %add3A_1943 : i32 to index
      %get3A_2045 = arith.constant 96 : index
      %get3A_2046 = tpu.vector_load %arg7[%get3A_2044, %get3A_2045] {strides = array<i32>} : memref<320x128xf32, #tpu.memory_space<vmem>>, vector<1x16xf32>,
      %get3A_2047 = vector.shape_cast %get3A_2046 : vector<1x16xf32> to vector<16xf32>
      %add3A_2048 = arith.addf %get3A_2043, %get3A_2047 : vector<16xf32>
      %mul3A_2049 = vector.broadcast %squeeze3A_1939 : f32 to vector<16xf32>
      %mul3A_2050 = arith.mulf %add3A_2048, %mul3A_2049 : vector<16xf32>
      %swap3A_2051 = arith.index_cast %add3A_1943 : i32 to index
      %swap3A_2052 = arith.constant 96 : index
      %swap3A_2053 = tpu.vector_load %arg6[%swap3A_2051, %swap3A_2052] {strides = array<i32>} : memref<320x128xf32, #tpu.memory_space<vmem>>, vector<1x16xf32>,
      %swap3A_2054 = vector.shape_cast %swap3A_2053 : vector<1x16xf32> to vector<16xf32>
      %swap3A_2055 = vector.shape_cast %mul3A_2050 : vector<16xf32> to vector<1x16xf32>
      tpu.vector_store %arg6[%swap3A_2051, %swap3A_2052], %swap3A_2055 {strides = array<i32>} : memref<320x128xf32, #tpu.memory_space<vmem>>, vector<1x16xf32>,
      %get3A_2056 = arith.index_cast %add3A_1943 : i32 to index
      %get3A_2057 = arith.constant 112 : index
      %get3A_2058 = tpu.vector_load %arg6[%get3A_2056, %get3A_2057] {strides = array<i32>} : memref<320x128xf32, #tpu.memory_space<vmem>>, vector<1x16xf32>,
      %get3A_2059 = vector.shape_cast %get3A_2058 : vector<1x16xf32> to vector<16xf32>
      %get3A_2060 = arith.index_cast %add3A_1943 : i32 to index
      %get3A_2061 = arith.constant 112 : index
      %get3A_2062 = tpu.vector_load %arg7[%get3A_2060, %get3A_2061] {strides = array<i32>} : memref<320x128xf32, #tpu.memory_space<vmem>>, vector<1x16xf32>,
      %get3A_2063 = vector.shape_cast %get3A_2062 : vector<1x16xf32> to vector<16xf32>
      %add3A_2064 = arith.addf %get3A_2059, %get3A_2063 : vector<16xf32>
      %mul3A_2065 = vector.broadcast %squeeze3A_1939 : f32 to vector<16xf32>
      %mul3A_2066 = arith.mulf %add3A_2064, %mul3A_2065 : vector<16xf32>
      %swap3A_2067 = arith.index_cast %add3A_1943 : i32 to index
      %swap3A_2068 = arith.constant 112 : index
      %swap3A_2069 = tpu.vector_load %arg6[%swap3A_2067, %swap3A_2068] {strides = array<i32>} : memref<320x128xf32, #tpu.memory_space<vmem>>, vector<1x16xf32>,
      %swap3A_2070 = vector.shape_cast %swap3A_2069 : vector<1x16xf32> to vector<16xf32>
      %swap3A_2071 = vector.shape_cast %mul3A_2066 : vector<16xf32> to vector<1x16xf32>
      tpu.vector_store %arg6[%swap3A_2067, %swap3A_2068], %swap3A_2071 {strides = array<i32>} : memref<320x128xf32, #tpu.memory_space<vmem>>, vector<1x16xf32>,
      %slice3A_2072 = vector.extract_strided_slice %div3A_64 {offsets = [15], sizes = [1], strides = [1]} : vector<16xf32> to vector<1xf32>
      %squeeze3A_2073 = vector.extract %slice3A_2072[0] : f32 from vector<1xf32>
      %mul3A_2074 = arith.constant 16 : i32
      %mul3A_2075 = arith.muli %scan3A_50, %mul3A_2074 : i32
      %add3A_2076 = arith.constant 15 : i32
      %add3A_2077 = arith.addi %mul3A_2075, %add3A_2076 : i32
      %get3A_2078 = arith.index_cast %add3A_2077 : i32 to index
      %get3A_2079 = arith.constant 0 : index
      %get3A_2080 = tpu.vector_load %arg6[%get3A_2078, %get3A_2079] {strides = array<i32>} : memref<320x128xf32, #tpu.memory_space<vmem>>, vector<1x16xf32>,
      %get3A_2081 = vector.shape_cast %get3A_2080 : vector<1x16xf32> to vector<16xf32>
      %get3A_2082 = arith.index_cast %add3A_2077 : i32 to index
      %get3A_2083 = arith.constant 0 : index
      %get3A_2084 = tpu.vector_load %arg7[%get3A_2082, %get3A_2083] {strides = array<i32>} : memref<320x128xf32, #tpu.memory_space<vmem>>, vector<1x16xf32>,
      %get3A_2085 = vector.shape_cast %get3A_2084 : vector<1x16xf32> to vector<16xf32>
      %add3A_2086 = arith.addf %get3A_2081, %get3A_2085 : vector<16xf32>
      %mul3A_2087 = vector.broadcast %squeeze3A_2073 : f32 to vector<16xf32>
      %mul3A_2088 = arith.mulf %add3A_2086, %mul3A_2087 : vector<16xf32>
      %swap3A_2089 = arith.index_cast %add3A_2077 : i32 to index
      %swap3A_2090 = arith.constant 0 : index
      %swap3A_2091 = tpu.vector_load %arg6[%swap3A_2089, %swap3A_2090] {strides = array<i32>} : memref<320x128xf32, #tpu.memory_space<vmem>>, vector<1x16xf32>,
      %swap3A_2092 = vector.shape_cast %swap3A_2091 : vector<1x16xf32> to vector<16xf32>
      %swap3A_2093 = vector.shape_cast %mul3A_2088 : vector<16xf32> to vector<1x16xf32>
      tpu.vector_store %arg6[%swap3A_2089, %swap3A_2090], %swap3A_2093 {strides = array<i32>} : memref<320x128xf32, #tpu.memory_space<vmem>>, vector<1x16xf32>,
      %get3A_2094 = arith.index_cast %add3A_2077 : i32 to index
      %get3A_2095 = arith.constant 16 : index
      %get3A_2096 = tpu.vector_load %arg6[%get3A_2094, %get3A_2095] {strides = array<i32>} : memref<320x128xf32, #tpu.memory_space<vmem>>, vector<1x16xf32>,
      %get3A_2097 = vector.shape_cast %get3A_2096 : vector<1x16xf32> to vector<16xf32>
      %get3A_2098 = arith.index_cast %add3A_2077 : i32 to index
      %get3A_2099 = arith.constant 16 : index
      %get3A_2100 = tpu.vector_load %arg7[%get3A_2098, %get3A_2099] {strides = array<i32>} : memref<320x128xf32, #tpu.memory_space<vmem>>, vector<1x16xf32>,
      %get3A_2101 = vector.shape_cast %get3A_2100 : vector<1x16xf32> to vector<16xf32>
      %add3A_2102 = arith.addf %get3A_2097, %get3A_2101 : vector<16xf32>
      %mul3A_2103 = vector.broadcast %squeeze3A_2073 : f32 to vector<16xf32>
      %mul3A_2104 = arith.mulf %add3A_2102, %mul3A_2103 : vector<16xf32>
      %swap3A_2105 = arith.index_cast %add3A_2077 : i32 to index
      %swap3A_2106 = arith.constant 16 : index
      %swap3A_2107 = tpu.vector_load %arg6[%swap3A_2105, %swap3A_2106] {strides = array<i32>} : memref<320x128xf32, #tpu.memory_space<vmem>>, vector<1x16xf32>,
      %swap3A_2108 = vector.shape_cast %swap3A_2107 : vector<1x16xf32> to vector<16xf32>
      %swap3A_2109 = vector.shape_cast %mul3A_2104 : vector<16xf32> to vector<1x16xf32>
      tpu.vector_store %arg6[%swap3A_2105, %swap3A_2106], %swap3A_2109 {strides = array<i32>} : memref<320x128xf32, #tpu.memory_space<vmem>>, vector<1x16xf32>,
      %get3A_2110 = arith.index_cast %add3A_2077 : i32 to index
      %get3A_2111 = arith.constant 32 : index
      %get3A_2112 = tpu.vector_load %arg6[%get3A_2110, %get3A_2111] {strides = array<i32>} : memref<320x128xf32, #tpu.memory_space<vmem>>, vector<1x16xf32>,
      %get3A_2113 = vector.shape_cast %get3A_2112 : vector<1x16xf32> to vector<16xf32>
      %get3A_2114 = arith.index_cast %add3A_2077 : i32 to index
      %get3A_2115 = arith.constant 32 : index
      %get3A_2116 = tpu.vector_load %arg7[%get3A_2114, %get3A_2115] {strides = array<i32>} : memref<320x128xf32, #tpu.memory_space<vmem>>, vector<1x16xf32>,
      %get3A_2117 = vector.shape_cast %get3A_2116 : vector<1x16xf32> to vector<16xf32>
      %add3A_2118 = arith.addf %get3A_2113, %get3A_2117 : vector<16xf32>
      %mul3A_2119 = vector.broadcast %squeeze3A_2073 : f32 to vector<16xf32>
      %mul3A_2120 = arith.mulf %add3A_2118, %mul3A_2119 : vector<16xf32>
      %swap3A_2121 = arith.index_cast %add3A_2077 : i32 to index
      %swap3A_2122 = arith.constant 32 : index
      %swap3A_2123 = tpu.vector_load %arg6[%swap3A_2121, %swap3A_2122] {strides = array<i32>} : memref<320x128xf32, #tpu.memory_space<vmem>>, vector<1x16xf32>,
      %swap3A_2124 = vector.shape_cast %swap3A_2123 : vector<1x16xf32> to vector<16xf32>
      %swap3A_2125 = vector.shape_cast %mul3A_2120 : vector<16xf32> to vector<1x16xf32>
      tpu.vector_store %arg6[%swap3A_2121, %swap3A_2122], %swap3A_2125 {strides = array<i32>} : memref<320x128xf32, #tpu.memory_space<vmem>>, vector<1x16xf32>,
      %get3A_2126 = arith.index_cast %add3A_2077 : i32 to index
      %get3A_2127 = arith.constant 48 : index
      %get3A_2128 = tpu.vector_load %arg6[%get3A_2126, %get3A_2127] {strides = array<i32>} : memref<320x128xf32, #tpu.memory_space<vmem>>, vector<1x16xf32>,
      %get3A_2129 = vector.shape_cast %get3A_2128 : vector<1x16xf32> to vector<16xf32>
      %get3A_2130 = arith.index_cast %add3A_2077 : i32 to index
      %get3A_2131 = arith.constant 48 : index
      %get3A_2132 = tpu.vector_load %arg7[%get3A_2130, %get3A_2131] {strides = array<i32>} : memref<320x128xf32, #tpu.memory_space<vmem>>, vector<1x16xf32>,
      %get3A_2133 = vector.shape_cast %get3A_2132 : vector<1x16xf32> to vector<16xf32>
      %add3A_2134 = arith.addf %get3A_2129, %get3A_2133 : vector<16xf32>
      %mul3A_2135 = vector.broadcast %squeeze3A_2073 : f32 to vector<16xf32>
      %mul3A_2136 = arith.mulf %add3A_2134, %mul3A_2135 : vector<16xf32>
      %swap3A_2137 = arith.index_cast %add3A_2077 : i32 to index
      %swap3A_2138 = arith.constant 48 : index
      %swap3A_2139 = tpu.vector_load %arg6[%swap3A_2137, %swap3A_2138] {strides = array<i32>} : memref<320x128xf32, #tpu.memory_space<vmem>>, vector<1x16xf32>,
      %swap3A_2140 = vector.shape_cast %swap3A_2139 : vector<1x16xf32> to vector<16xf32>
      %swap3A_2141 = vector.shape_cast %mul3A_2136 : vector<16xf32> to vector<1x16xf32>
      tpu.vector_store %arg6[%swap3A_2137, %swap3A_2138], %swap3A_2141 {strides = array<i32>} : memref<320x128xf32, #tpu.memory_space<vmem>>, vector<1x16xf32>,
      %get3A_2142 = arith.index_cast %add3A_2077 : i32 to index
      %get3A_2143 = arith.constant 64 : index
      %get3A_2144 = tpu.vector_load %arg6[%get3A_2142, %get3A_2143] {strides = array<i32>} : memref<320x128xf32, #tpu.memory_space<vmem>>, vector<1x16xf32>,
      %get3A_2145 = vector.shape_cast %get3A_2144 : vector<1x16xf32> to vector<16xf32>
      %get3A_2146 = arith.index_cast %add3A_2077 : i32 to index
      %get3A_2147 = arith.constant 64 : index
      %get3A_2148 = tpu.vector_load %arg7[%get3A_2146, %get3A_2147] {strides = array<i32>} : memref<320x128xf32, #tpu.memory_space<vmem>>, vector<1x16xf32>,
      %get3A_2149 = vector.shape_cast %get3A_2148 : vector<1x16xf32> to vector<16xf32>
      %add3A_2150 = arith.addf %get3A_2145, %get3A_2149 : vector<16xf32>
      %mul3A_2151 = vector.broadcast %squeeze3A_2073 : f32 to vector<16xf32>
      %mul3A_2152 = arith.mulf %add3A_2150, %mul3A_2151 : vector<16xf32>
      %swap3A_2153 = arith.index_cast %add3A_2077 : i32 to index
      %swap3A_2154 = arith.constant 64 : index
      %swap3A_2155 = tpu.vector_load %arg6[%swap3A_2153, %swap3A_2154] {strides = array<i32>} : memref<320x128xf32, #tpu.memory_space<vmem>>, vector<1x16xf32>,
      %swap3A_2156 = vector.shape_cast %swap3A_2155 : vector<1x16xf32> to vector<16xf32>
      %swap3A_2157 = vector.shape_cast %mul3A_2152 : vector<16xf32> to vector<1x16xf32>
      tpu.vector_store %arg6[%swap3A_2153, %swap3A_2154], %swap3A_2157 {strides = array<i32>} : memref<320x128xf32, #tpu.memory_space<vmem>>, vector<1x16xf32>,
      %get3A_2158 = arith.index_cast %add3A_2077 : i32 to index
      %get3A_2159 = arith.constant 80 : index
      %get3A_2160 = tpu.vector_load %arg6[%get3A_2158, %get3A_2159] {strides = array<i32>} : memref<320x128xf32, #tpu.memory_space<vmem>>, vector<1x16xf32>,
      %get3A_2161 = vector.shape_cast %get3A_2160 : vector<1x16xf32> to vector<16xf32>
      %get3A_2162 = arith.index_cast %add3A_2077 : i32 to index
      %get3A_2163 = arith.constant 80 : index
      %get3A_2164 = tpu.vector_load %arg7[%get3A_2162, %get3A_2163] {strides = array<i32>} : memref<320x128xf32, #tpu.memory_space<vmem>>, vector<1x16xf32>,
      %get3A_2165 = vector.shape_cast %get3A_2164 : vector<1x16xf32> to vector<16xf32>
      %add3A_2166 = arith.addf %get3A_2161, %get3A_2165 : vector<16xf32>
      %mul3A_2167 = vector.broadcast %squeeze3A_2073 : f32 to vector<16xf32>
      %mul3A_2168 = arith.mulf %add3A_2166, %mul3A_2167 : vector<16xf32>
      %swap3A_2169 = arith.index_cast %add3A_2077 : i32 to index
      %swap3A_2170 = arith.constant 80 : index
      %swap3A_2171 = tpu.vector_load %arg6[%swap3A_2169, %swap3A_2170] {strides = array<i32>} : memref<320x128xf32, #tpu.memory_space<vmem>>, vector<1x16xf32>,
      %swap3A_2172 = vector.shape_cast %swap3A_2171 : vector<1x16xf32> to vector<16xf32>
      %swap3A_2173 = vector.shape_cast %mul3A_2168 : vector<16xf32> to vector<1x16xf32>
      tpu.vector_store %arg6[%swap3A_2169, %swap3A_2170], %swap3A_2173 {strides = array<i32>} : memref<320x128xf32, #tpu.memory_space<vmem>>, vector<1x16xf32>,
      %get3A_2174 = arith.index_cast %add3A_2077 : i32 to index
      %get3A_2175 = arith.constant 96 : index
      %get3A_2176 = tpu.vector_load %arg6[%get3A_2174, %get3A_2175] {strides = array<i32>} : memref<320x128xf32, #tpu.memory_space<vmem>>, vector<1x16xf32>,
      %get3A_2177 = vector.shape_cast %get3A_2176 : vector<1x16xf32> to vector<16xf32>
      %get3A_2178 = arith.index_cast %add3A_2077 : i32 to index
      %get3A_2179 = arith.constant 96 : index
      %get3A_2180 = tpu.vector_load %arg7[%get3A_2178, %get3A_2179] {strides = array<i32>} : memref<320x128xf32, #tpu.memory_space<vmem>>, vector<1x16xf32>,
      %get3A_2181 = vector.shape_cast %get3A_2180 : vector<1x16xf32> to vector<16xf32>
      %add3A_2182 = arith.addf %get3A_2177, %get3A_2181 : vector<16xf32>
      %mul3A_2183 = vector.broadcast %squeeze3A_2073 : f32 to vector<16xf32>
      %mul3A_2184 = arith.mulf %add3A_2182, %mul3A_2183 : vector<16xf32>
      %swap3A_2185 = arith.index_cast %add3A_2077 : i32 to index
      %swap3A_2186 = arith.constant 96 : index
      %swap3A_2187 = tpu.vector_load %arg6[%swap3A_2185, %swap3A_2186] {strides = array<i32>} : memref<320x128xf32, #tpu.memory_space<vmem>>, vector<1x16xf32>,
      %swap3A_2188 = vector.shape_cast %swap3A_2187 : vector<1x16xf32> to vector<16xf32>
      %swap3A_2189 = vector.shape_cast %mul3A_2184 : vector<16xf32> to vector<1x16xf32>
      tpu.vector_store %arg6[%swap3A_2185, %swap3A_2186], %swap3A_2189 {strides = array<i32>} : memref<320x128xf32, #tpu.memory_space<vmem>>, vector<1x16xf32>,
      %get3A_2190 = arith.index_cast %add3A_2077 : i32 to index
      %get3A_2191 = arith.constant 112 : index
      %get3A_2192 = tpu.vector_load %arg6[%get3A_2190, %get3A_2191] {strides = array<i32>} : memref<320x128xf32, #tpu.memory_space<vmem>>, vector<1x16xf32>,
      %get3A_2193 = vector.shape_cast %get3A_2192 : vector<1x16xf32> to vector<16xf32>
      %get3A_2194 = arith.index_cast %add3A_2077 : i32 to index
      %get3A_2195 = arith.constant 112 : index
      %get3A_2196 = tpu.vector_load %arg7[%get3A_2194, %get3A_2195] {strides = array<i32>} : memref<320x128xf32, #tpu.memory_space<vmem>>, vector<1x16xf32>,
      %get3A_2197 = vector.shape_cast %get3A_2196 : vector<1x16xf32> to vector<16xf32>
      %add3A_2198 = arith.addf %get3A_2193, %get3A_2197 : vector<16xf32>
      %mul3A_2199 = vector.broadcast %squeeze3A_2073 : f32 to vector<16xf32>
      %mul3A_2200 = arith.mulf %add3A_2198, %mul3A_2199 : vector<16xf32>
      %swap3A_2201 = arith.index_cast %add3A_2077 : i32 to index
      %swap3A_2202 = arith.constant 112 : index
      %swap3A_2203 = tpu.vector_load %arg6[%swap3A_2201, %swap3A_2202] {strides = array<i32>} : memref<320x128xf32, #tpu.memory_space<vmem>>, vector<1x16xf32>,
      %swap3A_2204 = vector.shape_cast %swap3A_2203 : vector<1x16xf32> to vector<16xf32>
      %swap3A_2205 = vector.shape_cast %mul3A_2200 : vector<16xf32> to vector<1x16xf32>
      tpu.vector_store %arg6[%swap3A_2201, %swap3A_2202], %swap3A_2205 {strides = array<i32>} : memref<320x128xf32, #tpu.memory_space<vmem>>, vector<1x16xf32>,
    }
    %scan3A_44 = arith.constant 20 : i32
    %not3A = arith.constant true
    %not3A_45 = arith.xori %eq3A_3, %not3A : i1
    %convert_element_type3A = arith.extui %not3A_45 : i1 to i32
    %cond3A = arith.constant 0 : i32
    %cond3A_46 = arith.cmpi ne, %convert_element_type3A, %cond3A : i32
    scf.if %cond3A_46 {
      "tpu.region"() ({
        %run_scoped3A = tpu.sem_alloc : memref<!tpu.dma_semaphore, #tpu.memory_space<semaphore_mem>>
        %dma_start3A_50 = arith.constant 0 : i32
        %dma_start3A_51 = arith.constant 0 : i32
        %dma_start3A_52 = tpu.memref_slice %arg6[%dma_start3A_50, %dma_start3A_51] : memref<320x128xf32, #tpu.memory_space<vmem>> -> memref<320x128xf32, #tpu.memory_space<vmem>>
        %dma_start3A_53 = arith.constant 0 : i32
        %dma_start3A_54 = tpu.memref_slice %arg5[%mul3A_2, %dma_start3A_53] : memref<10000x128xf32, #tpu.memory_space<hbm>> -> memref<320x128xf32, #tpu.memory_space<hbm>>
        %dma_start3A_55 = arith.constant 0 : i32
        %dma_start3A_56 = tpu.memref_slice %arg5[%mul3A_2, %dma_start3A_55] : memref<10000x128xf32, #tpu.memory_space<hbm>> -> memref<320x128xf32, #tpu.memory_space<hbm>>
        %dma_start3A_57 = arith.constant 0 : i32
        %dma_start3A_58 = arith.constant 0 : i32
        %dma_start3A_59 = tpu.memref_slice %arg6[%dma_start3A_57, %dma_start3A_58] : memref<320x128xf32, #tpu.memory_space<vmem>> -> memref<320x128xf32, #tpu.memory_space<vmem>>
        tpu.enqueue_dma source(%dma_start3A_59 : memref<320x128xf32, #tpu.memory_space<vmem>>) target(%dma_start3A_56 : memref<320x128xf32, #tpu.memory_space<hbm>>) target_semaphore(%run_scoped3A : memref<!tpu.dma_semaphore, #tpu.memory_space<semaphore_mem>>)
        %dma_wait3A_60 = arith.constant 0 : i32
        %dma_wait3A_61 = arith.constant 0 : i32
        %dma_wait3A_62 = tpu.memref_slice %arg6[%dma_wait3A_60, %dma_wait3A_61] : memref<320x128xf32, #tpu.memory_space<vmem>> -> memref<320x128xf32, #tpu.memory_space<vmem>>
        %dma_wait3A_63 = arith.constant 0 : i32
        %dma_wait3A_64 = tpu.memref_slice %arg5[%mul3A_2, %dma_wait3A_63] : memref<10000x128xf32, #tpu.memory_space<hbm>> -> memref<320x128xf32, #tpu.memory_space<hbm>>
        %dma_wait3A_65 = arith.constant 0 : i32
        %dma_wait3A_66 = tpu.memref_slice %arg5[%mul3A_2, %dma_wait3A_65] : memref<10000x128xf32, #tpu.memory_space<hbm>> -> memref<320x128xf32, #tpu.memory_space<hbm>>
        %dma_wait3A_67 = arith.constant 0 : i32
        %dma_wait3A_68 = arith.constant 0 : i32
        %dma_wait3A_69 = tpu.memref_slice %arg6[%dma_wait3A_67, %dma_wait3A_68] : memref<320x128xf32, #tpu.memory_space<vmem>> -> memref<320x128xf32, #tpu.memory_space<vmem>>
        tpu.wait_dma2 semaphore(%run_scoped3A : memref<!tpu.dma_semaphore, #tpu.memory_space<semaphore_mem>>) src(%dma_wait3A_69 : memref<320x128xf32, #tpu.memory_space<vmem>>) dst(%dma_wait3A_66 : memref<320x128xf32, #tpu.memory_space<hbm>>)
        tpu.yield
      }) : () -> ()
    } else {
    }
    %convert_element_type3A_47 = arith.extui %eq3A_3 : i1 to i32
    %cond3A_48 = arith.constant 0 : i32
    %cond3A_49 = arith.cmpi ne, %convert_element_type3A_47, %cond3A_48 : i32
    scf.if %cond3A_49 {
      "tpu.region"() ({
        %run_scoped3A = tpu.sem_alloc : memref<!tpu.dma_semaphore, #tpu.memory_space<semaphore_mem>>
        %dma_start3A_50 = arith.constant 240 : i32
        %dma_start3A_51 = arith.constant 0 : i32
        %dma_start3A_52 = tpu.memref_slice %arg6[%dma_start3A_50, %dma_start3A_51] : memref<320x128xf32, #tpu.memory_space<vmem>> -> memref<80x128xf32, #tpu.memory_space<vmem>>
        %dma_start3A_53 = arith.constant 0 : i32
        %dma_start3A_54 = tpu.memref_slice %arg5[%mul3A_2, %dma_start3A_53] : memref<10000x128xf32, #tpu.memory_space<hbm>> -> memref<80x128xf32, #tpu.memory_space<hbm>>
        %dma_start3A_55 = arith.constant 0 : i32
        %dma_start3A_56 = tpu.memref_slice %arg5[%mul3A_2, %dma_start3A_55] : memref<10000x128xf32, #tpu.memory_space<hbm>> -> memref<80x128xf32, #tpu.memory_space<hbm>>
        %dma_start3A_57 = arith.constant 240 : i32
        %dma_start3A_58 = arith.constant 0 : i32
        %dma_start3A_59 = tpu.memref_slice %arg6[%dma_start3A_57, %dma_start3A_58] : memref<320x128xf32, #tpu.memory_space<vmem>> -> memref<80x128xf32, #tpu.memory_space<vmem>>
        tpu.enqueue_dma source(%dma_start3A_59 : memref<80x128xf32, #tpu.memory_space<vmem>>) target(%dma_start3A_56 : memref<80x128xf32, #tpu.memory_space<hbm>>) target_semaphore(%run_scoped3A : memref<!tpu.dma_semaphore, #tpu.memory_space<semaphore_mem>>)
        %dma_wait3A_60 = arith.constant 240 : i32
        %dma_wait3A_61 = arith.constant 0 : i32
        %dma_wait3A_62 = tpu.memref_slice %arg6[%dma_wait3A_60, %dma_wait3A_61] : memref<320x128xf32, #tpu.memory_space<vmem>> -> memref<80x128xf32, #tpu.memory_space<vmem>>
        %dma_wait3A_63 = arith.constant 0 : i32
        %dma_wait3A_64 = tpu.memref_slice %arg5[%mul3A_2, %dma_wait3A_63] : memref<10000x128xf32, #tpu.memory_space<hbm>> -> memref<80x128xf32, #tpu.memory_space<hbm>>
        %dma_wait3A_65 = arith.constant 0 : i32
        %dma_wait3A_66 = tpu.memref_slice %arg5[%mul3A_2, %dma_wait3A_65] : memref<10000x128xf32, #tpu.memory_space<hbm>> -> memref<80x128xf32, #tpu.memory_space<hbm>>
        %dma_wait3A_67 = arith.constant 240 : i32
        %dma_wait3A_68 = arith.constant 0 : i32
        %dma_wait3A_69 = tpu.memref_slice %arg6[%dma_wait3A_67, %dma_wait3A_68] : memref<320x128xf32, #tpu.memory_space<vmem>> -> memref<80x128xf32, #tpu.memory_space<vmem>>
        tpu.wait_dma2 semaphore(%run_scoped3A : memref<!tpu.dma_semaphore, #tpu.memory_space<semaphore_mem>>) src(%dma_wait3A_69 : memref<80x128xf32, #tpu.memory_space<vmem>>) dst(%dma_wait3A_66 : memref<80x128xf32, #tpu.memory_space<hbm>>)
        tpu.yield
      }) : () -> ()
    } else {
    }
    return
  }
}

</mosaic_0001>

<sc_bundles>
// kernel: kernel.4.cloned.1.call-start
scs
__scs_entry_jumppad:
0x0: {  	(pc) =	sbr.rel $0x88, $3  }
0x1: {  	(tag) =	ssettag $0x0;
	lr =	simm.s32 $0x1  }
0x2: {  	[smem:$0x3F9F] =	sst lr;
	_ =	strace $0xD0000000  }
0x3: {  	_ = 	snop  }
0x4: {  	_ = 	snop  }
0x5: {  	_ = 	snop  }
0x6: {  	_ = 	snop  }
0x7: {  	_ = 	snop  }
__scs_overlays_trampoline_lowered:
0x8: {  	[smem:$0x3FAE] =	sst s0  }
0x9: {  	[smem:$0x3FAF] =	sst s1  }
0xa: {  	[smem:$0x3FB0] =	sst s2  }
0xb: {  	[smem:$0x3FB1] =	sst s3  }
0xc: {  	[smem:$0x3FB2] =	sst s4  }
0xd: {  	[smem:$0x3FB3] =	sst s5  }
0xe: {  	[smem:$0x3FB4] =	sst s6  }
0xf: {  	[smem:$0x3FB5] =	sst s7  }
0x10: {  	[smem:$0x3FB6] =	sst s8  }
0x11: {  	[smem:$0x3FB7] =	sst s9;
	s0 =	simm.s32 @!p0 $0x0  }
0x12: {  	s1 =	sld [smem:$0x3F9D];
	s0 =	simm.s32 @p0 $0x1  }
0x13: {  	[smem:$0x3FB8] =	sst s0;
	s0 =	simm.s32 @!p1 $0x0  }
0x14: {  	s2 =	sld [smem:$0x3F9C];
	s0 =	simm.s32 @p1 $0x1  }
0x15: {  	[smem:$0x3FB9] =	sst s0;
	s0 =	simm.s32 @!p2 $0x0  }
0x16: {  	s3 =	sld [smem:$0x3FDB];
	s0 =	simm.s32 @p2 $0x1  }
0x17: {  	s4 =	simm.s32 $0x1BF5;
	[smem:$0x3FBB] =	sst s0  }
0x18: {  	s0 =	sld [smem:$0x3F9E];
	_ =	swait.ge [sflag:s4], $0x0  }
0x19: {  	s7 =	sld [smem:$0x3F9F]  }
0x1a: {  	s8 =	sadd.s32 $0xFFFFE003, lr  }
0x1b: {  	s9 =	sadd.s32 $0xFFFFFEF7, lr;
	s5 =	simm.s32 $0xFFFFFFFF;
	p2 =	slt.u32 s8, $0xFFFFF086  }
0x1c: {  	p1 =	slt.u32 s9, $0xF7A;
	s5 =	simm.s32 @!p2 $0x0  }
0x1d: {  	s5 =	simm.s32 @p1 $0x1;
	p0 =	seq.s32 s7, s2  }
0x1e: {  	s7 =	smul.u32 @!p0 $0xF7A, s2;
	p2 =	seq.s32 @!p0 s5, $0x0  }
0x1f: {  	s9 =	smul.u32 $0xF7A, s1;
	s8 =	simm.s32 @!p0 $0x1BF5;
	p2 =	por !p2, p0  }
0x20: {  	[sflag:s8] =	ssyncset.s32 @!p0 $0xFFFFF086;
	s6 =	sadd.s32 @!p0 s3, s7;
	s7 =	simm.s32 @!p0 $0x108  }
0x21: {  	s3 =	sadd.s32 s3, s9;
	s6 =	sadd.s32 @!p0 $0x88, s6;
	s7 =	simm.s32 @p2 $0x1082  }
0x22: {  	[simem:s7], [sflag:s8] =	dma.local @!p0 [hbm:s6], $0xF7A  }
0x23: {  	s9 =	sor.u32 $0xD0000000, s2;
	s6 =	simm.s32 $0x108;
	_ =	swait.ge @!p0 [sflag:s8], $0x0  }
0x24: {  	s3 =	sadd.s32 $0x88, s3;
	s6 =	simm.s32 @!p1 $0x1082;
	[sflag:s4] =	ssyncset.s32 $0xFFFFF086  }
0x25: {  	[simem:s6], [sflag:s4] =	dma.local [hbm:s3], $0xF7A  }
0x26: {  	[smem:$0x3F9F] =	sst s1;
	(tag) =	ssettag s2;
	_ =	strace s9  }
0x27: {  	s1 =	sld [smem:$0x3FAF]  }
0x28: {  	s2 =	sld [smem:$0x3FB0]  }
0x29: {  	s4 =	sld [smem:$0x3FB2]  }
0x2a: {  	p0 =	seq.s32 s5, $0x0;
	s5 =	sld [smem:$0x3FB3]  }
0x2b: {  	s6 =	sld [smem:$0x3FB4]  }
0x2c: {  	s7 =	sld [smem:$0x3FB5]  }
0x2d: {  	s3 =	simm.s32 $0x108;
	s8 =	sld [smem:$0x3FB6]  }
0x2e: {  	s3 =	simm.s32 @!p0 $0x1082;
	s9 =	sld [smem:$0x3FB7]  }
0x2f: {  	lr =	sadd.s32 s0, s3;
	s0 =	sld [smem:$0x3FAE]  }
0x30: {  	s3 =	sld [smem:$0x3FB1]  }
0x31: {  	[smem:$0x3FBA] =	sst s10  }
0x32: {  	s10 =	sld [smem:$0x3FB8];
	_ =	sdelay $0x3  }
0x33: {  	p0 =	seq.s32 s10, $0x1;
	s10 =	sld [smem:$0x3FBA];
	_ =	sdelay $0x3  }
0x34: {  	[smem:$0x3FBA] =	sst s10  }
0x35: {  	s10 =	sld [smem:$0x3FB9];
	_ =	sdelay $0x3  }
0x36: {  	p1 =	seq.s32 s10, $0x1;
	s10 =	sld [smem:$0x3FBA];
	_ =	sdelay $0x3  }
0x37: {  	[smem:$0x3FBA] =	sst s10  }
0x38: {  	s10 =	sld [smem:$0x3FBB]  }
0x39: {  	_ = 	snop;
	(pc) =	sbr.ind lr, $3  }
0x3a: {  	_ = 	snop  }
0x3b: {  	_ = 	snop  }
0x3c: {  	p2 =	seq.s32 s10, $0x1;
	s10 =	sld [smem:$0x3FBA]  }
0x3d: {  	_ =	shalt  }
0x3e: {  	_ =	shalt  }
0x3f: {  	_ =	shalt  }
0x40: {  	_ =	shalt  }
0x41: {  	_ =	shalt  }
0x42: {  	_ =	shalt  }
0x43: {  	_ =	shalt  }
0x44: {  	_ =	shalt  }
0x45: {  	_ =	shalt  }
0x46: {  	_ =	shalt  }
0x47: {  	_ =	shalt  }
0x48: {  	_ =	shalt  }
0x49: {  	_ =	shalt  }
0x4a: {  	_ =	shalt  }
0x4b: {  	_ =	shalt  }
0x4c: {  	_ =	shalt  }
0x4d: {  	_ =	shalt  }
0x4e: {  	_ =	shalt  }
0x4f: {  	_ =	shalt  }
0x50: {  	_ =	shalt  }
0x51: {  	_ =	shalt  }
0x52: {  	_ =	shalt  }
0x53: {  	_ =	shalt  }
0x54: {  	_ =	shalt  }
0x55: {  	_ =	shalt  }
0x56: {  	_ =	shalt  }
0x57: {  	_ =	shalt  }
0x58: {  	_ =	shalt  }
0x59: {  	_ =	shalt  }
0x5a: {  	_ =	shalt  }
0x5b: {  	_ =	shalt  }
0x5c: {  	_ =	shalt  }
0x5d: {  	_ =	shalt  }
0x5e: {  	_ =	shalt  }
0x5f: {  	_ =	shalt  }
0x60: {  	_ =	shalt  }
0x61: {  	_ =	shalt  }
0x62: {  	_ =	shalt  }
0x63: {  	_ =	shalt  }
0x64: {  	_ =	shalt  }
0x65: {  	_ =	shalt  }
0x66: {  	_ =	shalt  }
0x67: {  	_ =	shalt  }
0x68: {  	_ =	shalt  }
0x69: {  	_ =	shalt  }
0x6a: {  	_ =	shalt  }
0x6b: {  	_ =	shalt  }
0x6c: {  	_ =	shalt  }
0x6d: {  	_ =	shalt  }
0x6e: {  	_ =	shalt  }
0x6f: {  	_ =	shalt  }
0x70: {  	_ =	shalt  }
0x71: {  	_ =	shalt  }
0x72: {  	_ =	shalt  }
0x73: {  	_ =	shalt  }
0x74: {  	_ =	shalt  }
0x75: {  	_ =	shalt  }
0x76: {  	_ =	shalt  }
0x77: {  	_ =	shalt  }
0x78: {  	_ =	shalt  }
0x79: {  	_ =	shalt  }
0x7a: {  	_ =	shalt  }
0x7b: {  	_ =	shalt  }
0x7c: {  	_ =	shalt  }
0x7d: {  	_ =	shalt  }
0x7e: {  	_ =	shalt  }
0x7f: {  	_ =	shalt  }
0x80: {  	_ =	shalt  }
0x81: {  	_ =	shalt  }
0x82: {  	_ =	shalt  }
0x83: {  	_ =	shalt  }
0x84: {  	_ =	shalt  }
0x85: {  	_ =	shalt  }
0x86: {  	_ =	shalt  }
0x87: {  	_ =	shalt  }
.Lfunc_end0:
.L_simem_size_0:
called_computation_lowered:
.L_overlay_start_0:
0x88: {  	s2 =	sld [smem:$0x3FD9]  }
0x89: {  	s3 =	sld [smem:$0x3FFE];
	_ =	sdelay $0x1  }
0x8a: {  	s1 =	srdreg.scid  }
0x8b: {  	s0 =	sand.u32 $0x1, s1  }
0x8c: {  	s17 =	sshll.u32 s0, $0xA;
	s2 =	sadd.s32 s3, s2  }
0x8d: {  	s2 =	sadd.s32 s2, s17  }
0x8e: {  	[smem:$0x3FC6] =	sst s2  }
0x8f: {  	_ = 	snop  }
0x90: {  	s2 =	sld [smem:$0x3FC9]  }
0x91: {  	s18 =	sld [smem:$0x3FC8];
	(tm) =	ssettm $0x1  }
0x92: {  	s4 =	sld [smem:$0x3FFB];
	_ =	sdelay $0x3  }
0x93: {  	_ =	strace s4  }
0x94: {  	s4 =	sld [smem:$0x3FFC];
	_ =	sdelay $0x3  }
0x95: {  	_ =	strace s4  }
0x96: {  	s4 =	sld [smem:$0x3FFD];
	_ =	sdelay $0x3  }
0x97: {  	_ =	strace s4  }
0x98: {  	_ =	strace $0x8FFFFFFF  }
0x99: {  	s19 =	sld [smem:$0x3FDB];
	_ =	sdelay $0x1  }
0x9a: {  	s5 =	simm.s32 $_scs_section_size  }
0x9b: {  	s6 =	simm.s32 $_size__tile_overlayer_lowered;
	s7 =	simm.s32 $_tile_overlayer_lowered  }
0x9c: {  	s22 =	simm.s32 $0x1BFF;
	s21 =	sshll.u32 s7, $0x1;
	s4 =	sadd.s32 s5, s19  }
0x9d: {  	s8 =	simm.s32 $0x0;
	s20 =	sshll.u32 s6, $0x1;
	s6 =	sadd.s32 s21, s4  }
0x9e: {  	[timem:s8], [sflag:s22] =	dma.local [hbm:s6], s20  }
0x9f: {  	_ =	swait.ge [sflag:s22], s20  }
0xa0: {  	s5 =	ssub.s32 $0x0, s20;
	[sflag:s22] =	ssyncset.done $0x0  }
0xa1: {  	[sflag:s22] =	ssyncadd.s32 s5;
	_ =	sdelay $0x1  }
0xa2: {  	s23 =	simm.s32 $0x1B8B  }
0xa3: {  	_ =	swait.ge [sflag:s23], $0x1  }
0xa4: {  	[sflag:s23] =	ssyncset.done $0x0  }
0xa5: {  	s25 =	simm.s32 $0x1B8E;
	s24 =	sld [smem:$0x3FFE];
	[sflag:s23] =	ssyncadd.s32 $0xFFFFFFFF  }
0xa6: {  	s26 =	simm.s32 $execute0_lowered;
	[smem:$0x3FD2] =	sst s25  }
0xa7: {  	s6 =	sshll.u32 s26, $0x1;
	_ =	strace $0x80000046;
	[dreg:$0x1] =	wrdreg $0xFFFFFFFF  }
0xa8: {  	s28 =	simm.s32 $_size_execute0_lowered;
	s4 =	sadd.s32 s4, s6;
	[dreg:$0x0] =	wrdreg $0x0  }
0xa9: {  	s6 =	sshll.u32 s28, $0x1;
	[dreg:$0x2] =	wrdreg s4  }
0xaa: {  	[dreg:$0x3] =	wrdreg s6  }
0xab: {  	[dreg:$0x4] =	wrdreg $0xC0  }
0xac: {  	_ =	task [dreg:s8], $0x5FFFF  }
0xad: {  	[dreg:$0x1] =	wrdreg $0xFFFFFFFF  }
0xae: {  	[dreg:$0x0] =	wrdreg $0x60  }
0xaf: {  	[dreg:$0x2] =	wrdreg s2  }
0xb0: {  	[dreg:$0x3] =	wrdreg s18  }
0xb1: {  	[dreg:$0x4] =	wrdreg s24  }
0xb2: {  	[dreg:$0x5] =	wrdreg $0xA4800  }
0xb3: {  	[dreg:$0x6] =	wrdreg $0x1DD000  }
0xb4: {  	[dreg:$0x7] =	wrdreg $0x9  }
0xb5: {  	_ =	task.clear_ibuf [dreg:s8], $0x8FFFF;
	_ =	strace $0x90000046  }
0xb6: {  	s29 =	simm.s32 $0x9;
	_ =	strace $0x80000048  }
0xb7: {  	_ =	swait.ge [sflag:s29], $0x1  }
0xb8: {  	[sflag:s29] =	ssyncadd.s32 $0xFFFFFFFF  }
0xb9: {  	_ =	strace $0x90000048  }
0xba: {  	_ =	sfence  }
0xbb: {  	s30 =	sld [smem:$0x0];
	_ =	sdelay $0x2  }
0xbc: {  	s31 =	sshll.u32 s1, $0xD;
	s1 =	sshrl.u32 s1, $0x2  }
0xbd: {  	s3 =	sand.u32 $0x4000, s31;
	s1 =	sadd.s32 s1, s30  }
0xbe: {  	s0 =	sor.u32 s3, s0;
	s1 =	sshll.u32 s1, $0x11  }
0xbf: {  	s0 =	sor.u32 s1, s0  }
0xc0: {  	s0 =	sadd.s32 $0x8F2B, s0  }
0xc1: {  	[sflag:s0] =	ssyncadd.remote.s32 $0x1  }
0xc2: {  	_ =	sfence.sel $0xFFFF  }
0xc3: {  	[dreg:$0x0] =	wrdreg $0xFFFFFFFF;
	(pc) =	sbr.abs _section_cstart, $3  }
0xc4: {  	[dreg:$0x1] =	wrdreg $0xFFFFFFFF  }
0xc5: {  	_ =	task.clear_ibuf [dreg:s8], $0x2FFFF;
	_ =	strace $0x9FFFFFFF  }
0xc6: {  	(tm) =	ssettm $0x7FFFFFFF  }
0xc7: {  	_ =	shalt  }
tec
execute0_lowered:
.L_overlay_start_1:
0x0: {  	(tag) =	ssettag $0x1  }
0x1: {  	s5 =	rddreg [dreg:$0x0]  }
0x2: {  	s0 =	rddreg [dreg:$0x1]  }
0x3: {  	s6 =	rddreg [dreg:$0x2]  }
0x4: {  	s1 =	rddreg [dreg:$0x3]  }
0x5: {  	s3 =	rddreg [dreg:$0x4];
	s7 =	srdreg.scid  }
0x6: {  	s2 =	stileid.u32;
	s4 =	simm.s32 $0x0;
	s30 =	simm.s32 $0x0  }
0x7: {  	s7 =	sand.u32 $0x1, s7;
	s8 =	sshll.u32 s2, $0x1;
	s21 =	smul.u32 $0x9E0, s2  }
0x8: {  	[smem:$0x7FF] =	sst s4;
	s11 =	sadd.s32 $0xC00, s6;
	s25 =	smul.u32 $0x13800, s2  }
0x9: {  	s13 =	sadd.s32 $0x4EE00, s6;
	s6 =	sadd.s32 $0x4F400, s6;
	s31 =	smul.u32 $0x4E000, s2  }
0xa: {  	p0 =	seq.s32 s2, $0x0;
	s16 =	smul.u32 $0xA000, s2;
	p3 =	seq.s32 s2, $0xF  }
0xb: {  	s8 =	sor.u32 s7, s8;
	_ =	strace $0x80000047;
	[dreg:$0x6] =	wrdreg s13  }
0xc: {  	s9 =	ssub.s32 $0x2, s7;
	[dreg:$0x7] =	wrdreg s6;
	s23 =	smul.u32 $0x138800, s7  }
0xd: {  	s13 =	sadd.s32 $0x2508, s3;
	p1 =	seq.s32 s7, $0x1;
	s10 =	smul.u32 $0x2710, s8  }
0xe: {  	s17 =	sor.u32 s7, s2;
	s12 =	sshrl.u32 s9, $0x1;
	s8 =	smul.u32 $0x27100, s8  }
0xf: {  	s26 =	sshrl.u32 s21, $0x2;
	[dreg:$0xd] =	wrdreg s13;
	s14 =	sshrl.u32 s31, $0x2  }
0x10: {  	p0 =	por !p0, !p1;
	s21 =	smul.u32 $0x4E20, s2;
	s19 =	ssub.s32 s9, s12  }
0x11: {  	s29 =	sadd.s32 s25, s23;
	p0 =	por !p0, !p0;
	s8 =	sadd.s32 s5, s8  }
0x12: {  	s20 =	sshrl.u32 s10, $0x3;
	s22 =	sadd.s32 $0x50, s10;
	s10 =	sshrl.u32 s23, $0x3  }
0x13: {  	s13 =	simm.s32 @!p0 $0x0;
	s6 =	smax.u32 s19, $0x1;
	s23 =	smul.u32 $0x4E200, s2  }
0x14: {  	[dreg:$0x8] =	wrdreg s8;
	s8 =	sadd.s32 s0, s20;
	s24 =	sshll.u32 s22, $0x4  }
0x15: {  	s15 =	sadd.s32 s11, s10;
	s13 =	simm.s32 @p0 $0x1;
	[dreg:$0x10] =	wrdreg s6  }
0x16: {  	s10 =	sshrl.u32 s16, $0x2;
	[dreg:$0x9] =	wrdreg s8;
	s8 =	sshrl.u32 s22, $0x3  }
0x17: {  	s12 =	sadd.s32 s5, s24;
	s9 =	sadd.s32 $0x24900, s15;
	s22 =	smul.u32 $0x2710, s7  }
0x18: {  	[smem:$0x7FB] =	sst s13;
	s16 =	sadd.s32 s10, s1;
	s7 =	smul.u32 $0x27100, s7  }
0x19: {  	s5 =	sadd.s32 s23, s5;
	[dreg:$0xa] =	wrdreg s12;
	s8 =	sadd.s32 s0, s8  }
0x1a: {  	[dreg:$0xf] =	wrdreg s9;
	s9 =	sadd.s32 $0x124800, s1;
	s25 =	sadd.s32 $0x28000, s16  }
0x1b: {  	s19 =	sadd.s32 $0x50000, s16;
	s20 =	sadd.s32 $0x78000, s16;
	s28 =	sadd.s32 $0xF0000, s16  }
0x1c: {  	s12 =	simm.s32 $0x4;
	[dreg:$0xb] =	wrdreg s8;
	s8 =	sadd.s32 s26, s3  }
0x1d: {  	s24 =	sadd.s32 s22, s21;
	[dreg:$0x11] =	wrdreg s25;
	s26 =	sor.u32 $0x70, s2  }
0x1e: {  	s5 =	sadd.s32 s7, s5;
	s21 =	sadd.s32 $0xA0000, s16;
	[dreg:$0xc] =	wrdreg s8  }
0x1f: {  	s8 =	sshrl.u32 s29, $0x3;
	s10 =	sadd.s32 $0xA0, s24;
	s29 =	smul.u32 $0xA000, s26  }
0x20: {  	p0 =	sgt.u32 s26, $0x7C;
	s22 =	sadd.s32 $0xA00, s5;
	s24 =	sshrl.u32 @p3 s9, $0x3  }
0x21: {  	s26 =	sadd.s32 $0xC8000, s16;
	s8 =	sadd.s32 s11, s8;
	s10 =	sshrl.u32 s10, $0x3  }
0x22: {  	[dreg:$0xe] =	wrdreg s8;
	s18 =	sadd.s32 s10, s0;
	s0 =	simm.s32 @!p0 $0x0  }
0x23: {  	s31 =	sshrl.u32 s29, $0x2;
	s0 =	simm.s32 @p0 $0x1;
	p0 =	sne.s32 s17, $0x0  }
0x24: {  	[smem:$0x7FC] =	sst s0;
	s6 =	simm.s32 @!p0 $0x0;
	s0 =	sadd.s32 s31, s1  }
0x25: {  	s8 =	sadd.s32 s14, s1;
	s6 =	simm.s32 @p0 $0x1;
	[dreg:$0x12] =	wrdreg s0  }
0x26: {  	v0 =	vimm.f32 $0.0e+00;
	v1 =	vimm.f32 $1.000000000e+00;
	s25 =	sshrl.u32 @!p3 s8, $0x3;
	s0 =	simm.s32 $0x7980;
	[smem:$0x7FD] =	sst s6  }
.LBB2_1:
0x27: {  	s5 =	rddreg [dreg:$0x8]  }
0x28: {  	s15 =	rddreg [dreg:$0x9]  }
0x29: {  	[tilespmem:s4], [sflag:$0x1] =	stream.linear.gather [hbm4b:s5+s4], $0x2800, $0x38;
	[tilespmem:$0x1DF78] =	vst v63  }
0x2a: {  	s6 =	simm.s32 $0x7800;
	s17 =	rddreg [dreg:$0xa]  }
0x2b: {  	[tilespmem:s6], [sflag:$0x1] =	stream.linear.gather [hbm4b:s15+s4], $0x50, $0x38;
	[tilespmem:$0x1DF78] =	vst v63  }
0x2c: {  	s23 =	simm.s32 $0x2800;
	s29 =	rddreg [dreg:$0xb]  }
0x2d: {  	[tilespmem:s23], [sflag:$0x2] =	stream.linear.gather [hbm4b:s17+s4], $0x2800, $0x38;
	[tilespmem:$0x1DF78] =	vst v63  }
0x2e: {  	s31 =	simm.s32 $0x7880;
	s5 =	simm.s32 $0x0;
	s6 =	simm.s32 $0x200  }
0x2f: {  	[tilespmem:s31], [sflag:$0x2] =	stream.linear.gather [hbm4b:s29+s4], $0x50, $0x38;
	[tilespmem:$0x1DF78] =	vst v63  }
.LBB2_2:
0x30: {  	p0 =	sne.s32 s6, $0x9E00;
	[tilespmem:s5+$0x79F0] =	vst v0  }
0x31: {  	[tilespmem:s5+$0x7980] =	vst v0  }
0x32: {  	[tilespmem:s5+$0x7990] =	vst v0  }
.Ltmp0:
0x33: {  	[tilespmem:s5+$0x79A0] =	vst v0;
	(pc) =	sbr.rel @p0 .LBB2_2-.Ltmp0, $4  }
0x34: {  	[tilespmem:s5+$0x79B0] =	vst v0  }
0x35: {  	[tilespmem:s5+$0x79C0] =	vst v0  }
0x36: {  	[tilespmem:s5+$0x79D0] =	vst v0  }
0x37: {  	[tilespmem:s5+$0x79E0] =	vst v0;
	s5 =	sshra.s32 s6, $0x2;
	s6 =	sadd.s32 $0x200, s6  }
0x38: {  	[tilespmem:s5+$0x79F0] =	vst v0  }
0x39: {  	[tilespmem:s5+$0x7980] =	vst v0  }
0x3a: {  	[tilespmem:s5+$0x7990] =	vst v0  }
0x3b: {  	[tilespmem:s5+$0x79A0] =	vst v0  }
0x3c: {  	[tilespmem:s5+$0x79B0] =	vst v0  }
0x3d: {  	[tilespmem:s5+$0x79C0] =	vst v0  }
0x3e: {  	[tilespmem:s5+$0x79D0] =	vst v0  }
0x3f: {  	[tilespmem:s5+$0x79E0] =	vst v0  }
0x40: {  	[tilespmem:$0xA180] =	vst v0  }
0x41: {  	[tilespmem:$0xA190] =	vst v0  }
0x42: {  	[tilespmem:$0xA1A0] =	vst v0  }
0x43: {  	[tilespmem:$0xA1B0] =	vst v0  }
0x44: {  	[tilespmem:$0xA1C0] =	vst v0  }
0x45: {  	[tilespmem:$0xA1D0] =	vst v0  }
0x46: {  	[tilespmem:$0xA1E0] =	vst v0  }
0x47: {  	[tilespmem:$0xA1F0] =	vst v0  }
0x48: {  	[tilespmem:$0xA200] =	vst v0  }
0x49: {  	[tilespmem:$0xA210] =	vst v0  }
0x4a: {  	[tilespmem:$0xA220] =	vst v0  }
0x4b: {  	[tilespmem:$0xA230] =	vst v0  }
0x4c: {  	[tilespmem:$0xA240] =	vst v0  }
0x4d: {  	[tilespmem:$0xA250] =	vst v0  }
0x4e: {  	[tilespmem:$0xA260] =	vst v0  }
0x4f: {  	[tilespmem:$0xA270] =	vst v0  }
0x50: {  	[tilespmem:$0xA280] =	vst v0  }
0x51: {  	[tilespmem:$0xA290] =	vst v0  }
0x52: {  	[tilespmem:$0xA2A0] =	vst v0  }
0x53: {  	[tilespmem:$0xA2B0] =	vst v0  }
0x54: {  	[tilespmem:$0xA2C0] =	vst v0  }
0x55: {  	[tilespmem:$0xA2D0] =	vst v0  }
0x56: {  	[tilespmem:$0xA2E0] =	vst v0  }
0x57: {  	[tilespmem:$0xA2F0] =	vst v0  }
0x58: {  	[tilespmem:$0xA300] =	vst v0  }
0x59: {  	[tilespmem:$0xA310] =	vst v0  }
0x5a: {  	[tilespmem:$0xA320] =	vst v0  }
0x5b: {  	[tilespmem:$0xA330] =	vst v0  }
0x5c: {  	[tilespmem:$0xA340] =	vst v0  }
0x5d: {  	[tilespmem:$0xA350] =	vst v0  }
0x5e: {  	[tilespmem:$0xA360] =	vst v0  }
0x5f: {  	[tilespmem:$0xA370] =	vst v0  }
0x60: {  	[tilespmem:$0xA380] =	vst v0  }
0x61: {  	[tilespmem:$0xA390] =	vst v0  }
0x62: {  	[tilespmem:$0xA3A0] =	vst v0  }
0x63: {  	[tilespmem:$0xA3B0] =	vst v0  }
0x64: {  	[tilespmem:$0xA3C0] =	vst v0  }
0x65: {  	[tilespmem:$0xA3D0] =	vst v0  }
0x66: {  	[tilespmem:$0xA3E0] =	vst v0  }
0x67: {  	[tilespmem:$0xA3F0] =	vst v0  }
0x68: {  	[tilespmem:$0xA400] =	vst v1  }
0x69: {  	[tilespmem:$0xA410] =	vst v1  }
0x6a: {  	[tilespmem:$0xA420] =	vst v1  }
0x6b: {  	[tilespmem:$0xA430] =	vst v1  }
0x6c: {  	[tilespmem:$0xA440] =	vst v1  }
0x6d: {  	[spmem:s16] =	stream.linear.scatter [tilespmem:s0], [sflag:$0x4], $0x2800, $0x38;
	[tilespmem:$0x1DF78] =	vst v63  }
0x6e: {  	_ =	swait.ge [sflag:s12], $0x2800  }
0x6f: {  	[sflag:s12] =	ssyncset.done $0x0  }
0x70: {  	s29 =	rddreg [dreg:$0x11];
	[sflag:s12] =	ssyncadd.s32 $0xFFFFD800  }
0x71: {  	[spmem:s29] =	stream.linear.scatter [tilespmem:s0], [sflag:$0x4], $0x2800, $0x38;
	[tilespmem:$0x1DF78] =	vst v63  }
0x72: {  	_ =	swait.ge [sflag:s12], $0x2800  }
0x73: {  	[sflag:s12] =	ssyncset.done $0x0  }
0x74: {  	[sflag:s12] =	ssyncadd.s32 $0xFFFFD800  }
0x75: {  	[spmem:s19] =	stream.linear.scatter [tilespmem:s0], [sflag:$0x4], $0x2800, $0x38;
	[tilespmem:$0x1DF78] =	vst v63  }
0x76: {  	_ =	swait.ge [sflag:s12], $0x2800  }
0x77: {  	[sflag:s12] =	ssyncset.done $0x0  }
0x78: {  	[sflag:s12] =	ssyncadd.s32 $0xFFFFD800  }
0x79: {  	[spmem:s20] =	stream.linear.scatter [tilespmem:s0], [sflag:$0x4], $0x2800, $0x38;
	[tilespmem:$0x1DF78] =	vst v63  }
0x7a: {  	_ =	swait.ge [sflag:s12], $0x2800  }
0x7b: {  	[sflag:s12] =	ssyncset.done $0x0  }
0x7c: {  	[sflag:s12] =	ssyncadd.s32 $0xFFFFD800  }
0x7d: {  	[spmem:s21] =	stream.linear.scatter [tilespmem:s0], [sflag:$0x4], $0x2800, $0x38;
	[tilespmem:$0x1DF78] =	vst v63  }
0x7e: {  	_ =	swait.ge [sflag:s12], $0x2800  }
0x7f: {  	[sflag:s12] =	ssyncset.done $0x0  }
0x80: {  	[sflag:s12] =	ssyncadd.s32 $0xFFFFD800  }
0x81: {  	[spmem:s26] =	stream.linear.scatter [tilespmem:s0], [sflag:$0x4], $0x2800, $0x38;
	[tilespmem:$0x1DF78] =	vst v63  }
0x82: {  	_ =	swait.ge [sflag:s12], $0x2800  }
0x83: {  	[sflag:s12] =	ssyncset.done $0x0  }
0x84: {  	[sflag:s12] =	ssyncadd.s32 $0xFFFFD800  }
0x85: {  	[spmem:s28] =	stream.linear.scatter [tilespmem:s0], [sflag:$0x4], $0x2800, $0x38;
	[tilespmem:$0x1DF78] =	vst v63  }
0x86: {  	_ =	swait.ge [sflag:s12], $0x2800  }
0x87: {  	s31 =	sld [smem:$0x7FC];
	_ =	sdelay $0x2  }
0x88: {  	p0 =	seq.s32 s31, $0x1  }
.Ltmp1:
0x89: {  	_ = 	snop;
	(pc) =	sbr.rel @p0 .LBB2_5-.Ltmp1, $3  }
0x8a: {  	_ =	sdelay $0x1  }
0x8b: {  	[sflag:s12] =	ssyncset.done $0x0  }
0x8c: {  	[sflag:s12] =	ssyncadd.s32 $0xFFFFD800  }
.Ltmp2:
0x8d: {  	s5 =	rddreg [dreg:$0x12];
	(pc) =	sbr.rel .LBB2_6-.Ltmp2, $4  }
0x8e: {  	[spmem:s5] =	stream.linear.scatter [tilespmem:s0], [sflag:$0x4], $0x2800, $0x38;
	[tilespmem:$0x1DF78] =	vst v63  }
0x8f: {  	_ =	swait.ge [sflag:s12], $0x2800  }
0x90: {  	[sflag:s12] =	ssyncset.done $0x0  }
0x91: {  	[sflag:s12] =	ssyncadd.s32 $0xFFFFD800  }
.LBB2_5:
.Ltmp3:
0x92: {  	(pc) =	sbr.rel @!p3 .LBB2_6-.Ltmp3, $1  }
0x93: {  	_ =	sdelay $0x3  }
.Ltmp4:
0x94: {  	s5 =	rddreg [dreg:$0xd];
	s6 =	simm.s32 $0xA180;
	(pc) =	sbr.rel .LBB2_8-.Ltmp4, $4  }
0x95: {  	[spmem:s5] =	stream.linear.scatter [tilespmem:s6], [sflag:$0x4], $0x208, $0x38;
	[tilespmem:$0x1DF78] =	vst v63  }
0x96: {  	_ =	swait.ge [sflag:s12], $0x208  }
0x97: {  	[sflag:s12] =	ssyncset.done $0x0  }
0x98: {  	[sflag:s12] =	ssyncadd.s32 $0xFFFFFDF8  }
.LBB2_6:
0x99: {  	s5 =	rddreg [dreg:$0xc];
	s6 =	simm.s32 $0xA180  }
0x9a: {  	[spmem:s5] =	stream.linear.scatter [tilespmem:s6], [sflag:$0x4], $0x278, $0x38;
	[tilespmem:$0x1DF78] =	vst v63  }
0x9b: {  	_ =	swait.ge [sflag:s12], $0x278  }
0x9c: {  	[sflag:s12] =	ssyncset.done $0x0  }
0x9d: {  	[sflag:s12] =	ssyncadd.s32 $0xFFFFFD88  }
.LBB2_8:
0x9e: {  	s5 =	simm.s32 $0x0  }
0x9f: {  	s5 =	smul.u32 $0xAB, s5;
	_ =	sdelay $0x1  }
0xa0: {  	s5 =	sshrl.u32 s5, $0x9  }
0xa1: {  	s5 =	sand.u32 $0x7F, s5  }
0xa2: {  	s5 =	smul.u32 $0x3, s5;
	_ =	sdelay $0x1  }
0xa3: {  	s5 =	ssub.s32 $0x0, s5  }
0xa4: {  	s5 =	sand.u32 $0xFF, s5  }
0xa5: {  	p4 =	seq.s32 s5, $0x1  }
0xa6: {  	[bflag:$0x0] =	sbarrier.arrive $0xFFFF;
	s6 =	simm.s32 @p4 $0x2  }
0xa7: {  	_ =	swait.ge @p4 [sflag:s6], $0x2800  }
0xa8: {  	[sflag:s6] =	ssyncset.done @p4 $0x0  }
0xa9: {  	[sflag:s6] =	ssyncadd.s32 @p4 $0xFFFFD800  }
0xaa: {  	p0 =	por @p4 $0x0, $0x0;
	_ =	swait.ge @p4 [sflag:s6], $0x50  }
0xab: {  	p0 =	por p0, !p4;
	[sflag:s6] =	ssyncset.done @p4 $0x0  }
0xac: {  	s7 =	simm.s32 @!p0 $0x0;
	[sflag:s6] =	ssyncadd.s32 @p4 $0xFFFFFFB0  }
0xad: {  	[tilespmem:s7], [sflag:$0x1] =	stream.linear.gather @!p0 [hbm4b:s22+s7], $0x2800, $0x38;
	[tilespmem:$0x1DF78] =	vst v63  }
0xae: {  	s8 =	simm.s32 @p4 $0x2800;
	s6 =	simm.s32 @!p0 $0x7800  }
0xaf: {  	[tilespmem:s6], [sflag:$0x1] =	stream.linear.gather @!p0 [hbm4b:s18+s7], $0x50, $0x38;
	[tilespmem:$0x1DF78] =	vst v63  }
0xb0: {  	s9 =	simm.s32 @p4 $0x7880;
	s6 =	simm.s32 @p4 $0x5;
	s7 =	simm.s32 @p4 $0x50  }
0xb1: {  	[spmem:s1] =	stream.indirect.scatter.add.f32 @p4 [tilespmem:s8], [sflag:$0x5], $0x80, s9, s7, $0xb8;
	[tilespmem:$0x1DF78] =	vst v63  }
0xb2: {  	p1 =	sne.s32 @!p4 s5, $0x0;
	_ =	swait.ge @p4 [sflag:s6], $0x2800  }
0xb3: {  	p0 =	por !p1, p4;
	[sflag:s6] =	ssyncset.done @p4 $0x0  }
0xb4: {  	s5 =	simm.s32 @!p0 $0x3;
	[sflag:s6] =	ssyncadd.s32 @p4 $0xFFFFD800;
	s6 =	simm.s32 @p4 $0xA400  }
0xb5: {  	[spmem:s3] =	stream.indirect.scatter.add.f32 @p4 [tilespmem:s6], [sflag:$0x5], $0x1, s9, s7, $0xb8;
	[tilespmem:$0x1DF78] =	vst v63  }
0xb6: {  	_ =	swait.ge @!p0 [sflag:s5], $0x2800  }
0xb7: {  	[sflag:s5] =	ssyncset.done @!p0 $0x0  }
0xb8: {  	p5 =	por @!p0 $0x0, $0x0;
	[sflag:s5] =	ssyncadd.s32 @!p0 $0xFFFFD800  }
0xb9: {  	p5 =	por @!p4 p5, !p1;
	_ =	swait.ge @!p0 [sflag:s5], $0x50  }
0xba: {  	p5 =	por p5, p4;
	[sflag:s5] =	ssyncset.done @!p0 $0x0  }
0xbb: {  	s6 =	simm.s32 @!p5 $0x0;
	s7 =	simm.s32 @!p5 $0x2800;
	[sflag:s5] =	ssyncadd.s32 @!p0 $0xFFFFFFB0  }
0xbc: {  	[tilespmem:s7], [sflag:$0x2] =	stream.linear.gather @!p5 [hbm4b:s22+s6], $0x2800, $0x38;
	[tilespmem:$0x1DF78] =	vst v63  }
0xbd: {  	s8 =	simm.s32 @!p0 $0x5000;
	s5 =	simm.s32 @!p5 $0x7880  }
0xbe: {  	[tilespmem:s5], [sflag:$0x2] =	stream.linear.gather @!p5 [hbm4b:s18+s6], $0x50, $0x38;
	[tilespmem:$0x1DF78] =	vst v63  }
0xbf: {  	s7 =	simm.s32 @!p0 $0x5;
	s5 =	simm.s32 @!p0 $0x50;
	s6 =	simm.s32 @!p0 $0x7900  }
0xc0: {  	[spmem:s1] =	stream.indirect.scatter.add.f32 @!p0 [tilespmem:s8], [sflag:$0x5], $0x80, s6, s5, $0xb8;
	[tilespmem:$0x1DF78] =	vst v63  }
0xc1: {  	_ =	swait.ge @!p0 [sflag:s7], $0x2800  }
0xc2: {  	s31 =	simm.s32 $0x1;
	p6 =	por p1, p4;
	[sflag:s7] =	ssyncset.done @!p0 $0x0  }
0xc3: {  	s9 =	simm.s32 @!p6 $0x1;
	s8 =	simm.s32 @!p0 $0xA400;
	[sflag:s7] =	ssyncadd.s32 @!p0 $0xFFFFD800  }
0xc4: {  	[spmem:s3] =	stream.indirect.scatter.add.f32 @!p0 [tilespmem:s8], [sflag:$0x4], $0x1, s6, s5, $0xb8;
	[tilespmem:$0x1DF78] =	vst v63  }
0xc5: {  	s11 =	simm.s32 $0x2;
	p5 =	por @!p6 $0x0, $0x0;
	_ =	swait.ge @!p6 [sflag:s9], $0x2800  }
0xc6: {  	s29 =	sadd.s32 $0xA, s18;
	p1 =	por @!p4 p5, p1;
	[sflag:s9] =	ssyncset.done @!p6 $0x0  }
0xc7: {  	s23 =	smul.u32 $0xAB, s31;
	p1 =	por p1, p4;
	[sflag:s9] =	ssyncadd.s32 @!p6 $0xFFFFD800  }
0xc8: {  	s10 =	simm.s32 @!p6 $0x0;
	s7 =	simm.s32 @!p1 $0x5000;
	_ =	swait.ge @!p6 [sflag:s9], $0x50  }
0xc9: {  	s5 =	simm.s32 @!p0 $0x4;
	s8 =	simm.s32 @!p1 $0x0;
	[sflag:s9] =	ssyncset.done @!p6 $0x0  }
0xca: {  	s6 =	sshrl.u32 s23, $0x9;
	s23 =	smov.u32 s22;
	[sflag:s9] =	ssyncadd.s32 @!p6 $0xFFFFFFB0  }
0xcb: {  	[tilespmem:s7], [sflag:$0x3] =	stream.linear.gather @!p1 [hbm4b:s22+s8], $0x2800, $0x38;
	[tilespmem:$0x1DF78] =	vst v63  }
0xcc: {  	s5 =	simm.s32 @p0 $0x5;
	s6 =	sand.u32 $0x7F, s6;
	s7 =	simm.s32 @!p1 $0x7900  }
0xcd: {  	[tilespmem:s7], [sflag:$0x3] =	stream.linear.gather @!p1 [hbm4b:s18+s8], $0x50, $0x38;
	[tilespmem:$0x1DF78] =	vst v63  }
0xce: {  	s13 =	smul.u32 $0x3, s6;
	s9 =	simm.s32 @!p6 $0x7800;
	s8 =	simm.s32 @!p6 $0x50  }
.LBB2_9:
0xcf: {  	s14 =	simm.s32 @!p6 $0x5;
	s23 =	sadd.s32 $0x500, s23  }
0xd0: {  	s7 =	smov.u32 s11;
	s11 =	sadd.s32 $0x1, s11;
	s6 =	smov.u32 s29  }
0xd1: {  	[spmem:s1] =	stream.indirect.scatter.add.f32 @!p6 [tilespmem:s10], [sflag:$0x5], $0x80, s9, s8, $0xb8;
	[tilespmem:$0x1DF78] =	vst v63  }
0xd2: {  	s5 =	simm.s32 @p4 $0x5;
	s10 =	ssub.s32 s31, s13;
	_ =	swait.ge @!p6 [sflag:s14], $0x2800  }
0xd3: {  	s13 =	simm.s32 @!p6 $0xA400;
	s10 =	sand.u32 $0xFF, s10;
	[sflag:s14] =	ssyncset.done @!p6 $0x0  }
0xd4: {  	p5 =	sne.s32 s11, $0x7D;
	p4 =	seq.s32 s10, $0x1;
	[sflag:s14] =	ssyncadd.s32 @!p6 $0xFFFFD800  }
0xd5: {  	[spmem:s3] =	stream.indirect.scatter.add.f32 @!p6 [tilespmem:s13], [sflag:$0x5], $0x1, s9, s8, $0xb8;
	[tilespmem:$0x1DF78] =	vst v63  }
0xd6: {  	p1 =	sne.s32 @!p4 s10, $0x0;
	_ =	swait.ge [sflag:s5], $0x50  }
0xd7: {  	[sflag:s5] =	ssyncset.done $0x0  }
0xd8: {  	s8 =	simm.s32 @p4 $0x2;
	[sflag:s5] =	ssyncadd.s32 $0xFFFFFFB0  }
0xd9: {  	p0 =	sgt.u32 @p4 s31, $0x7A;
	_ =	swait.ge @p4 [sflag:s8], $0x2800  }
0xda: {  	p0 =	por p0, !p4;
	[sflag:s8] =	ssyncset.done @p4 $0x0  }
0xdb: {  	s5 =	simm.s32 @!p0 $0x0;
	[sflag:s8] =	ssyncadd.s32 @p4 $0xFFFFD800  }
0xdc: {  	_ =	swait.ge @p4 [sflag:s8], $0x50  }
0xdd: {  	[sflag:s8] =	ssyncset.done @p4 $0x0  }
0xde: {  	[sflag:s8] =	ssyncadd.s32 @p4 $0xFFFFFFB0  }
0xdf: {  	[tilespmem:s5], [sflag:$0x1] =	stream.linear.gather @!p0 [hbm4b:s23+s5], $0x2800, $0x38;
	[tilespmem:$0x1DF78] =	vst v63  }
0xe0: {  	s10 =	simm.s32 @p4 $0x5;
	s9 =	simm.s32 @p4 $0x2800;
	s8 =	simm.s32 @!p0 $0x7800  }
0xe1: {  	[tilespmem:s8], [sflag:$0x1] =	stream.linear.gather @!p0 [hbm4b:s29+s5], $0x50, $0x38;
	[tilespmem:$0x1DF78] =	vst v63  }
0xe2: {  	s13 =	simm.s32 @p4 $0x7880;
	s8 =	simm.s32 @p4 $0x50;
	p0 =	por !p1, p4  }
0xe3: {  	[spmem:s1] =	stream.indirect.scatter.add.f32 @p4 [tilespmem:s9], [sflag:$0x5], $0x80, s13, s8, $0xb8;
	[tilespmem:$0x1DF78] =	vst v63  }
0xe4: {  	p6 =	sgt.u32 @!p0 s31, $0x7A;
	s9 =	simm.s32 @!p0 $0x3;
	_ =	swait.ge @p4 [sflag:s10], $0x2800  }
0xe5: {  	s5 =	simm.s32 @!p0 $0x4;
	p6 =	por @!p4 p6, !p1;
	[sflag:s10] =	ssyncset.done @p4 $0x0  }
0xe6: {  	s5 =	simm.s32 @p0 $0x5;
	[sflag:s10] =	ssyncadd.s32 @p4 $0xFFFFD800;
	s10 =	simm.s32 @p4 $0xA400  }
0xe7: {  	[spmem:s3] =	stream.indirect.scatter.add.f32 @p4 [tilespmem:s10], [sflag:$0x5], $0x1, s13, s8, $0xb8;
	[tilespmem:$0x1DF78] =	vst v63  }
0xe8: {  	_ =	swait.ge @!p0 [sflag:s9], $0x2800  }
0xe9: {  	[sflag:s9] =	ssyncset.done @!p0 $0x0  }
0xea: {  	p6 =	por p6, p4;
	[sflag:s9] =	ssyncadd.s32 @!p0 $0xFFFFD800  }
0xeb: {  	s8 =	simm.s32 @!p6 $0x0;
	s10 =	simm.s32 @!p6 $0x2800;
	_ =	swait.ge @!p0 [sflag:s9], $0x50  }
0xec: {  	[sflag:s9] =	ssyncset.done @!p0 $0x0  }
0xed: {  	[sflag:s9] =	ssyncadd.s32 @!p0 $0xFFFFFFB0  }
0xee: {  	[tilespmem:s10], [sflag:$0x2] =	stream.linear.gather @!p6 [hbm4b:s23+s8], $0x2800, $0x38;
	[tilespmem:$0x1DF78] =	vst v63  }
0xef: {  	s9 =	simm.s32 @!p6 $0x7880;
	s10 =	simm.s32 @!p0 $0x5  }
0xf0: {  	[tilespmem:s9], [sflag:$0x2] =	stream.linear.gather @!p6 [hbm4b:s29+s8], $0x50, $0x38;
	[tilespmem:$0x1DF78] =	vst v63  }
0xf1: {  	s14 =	simm.s32 @!p0 $0x7900;
	s13 =	simm.s32 @!p0 $0x50;
	s8 =	simm.s32 @!p0 $0x5000  }
0xf2: {  	[spmem:s1] =	stream.indirect.scatter.add.f32 @!p0 [tilespmem:s8], [sflag:$0x5], $0x80, s14, s13, $0xb8;
	[tilespmem:$0x1DF78] =	vst v63  }
0xf3: {  	s15 =	simm.s32 @!p0 $0xA400;
	p6 =	por p1, p4;
	_ =	swait.ge @!p0 [sflag:s10], $0x2800  }
0xf4: {  	p2 =	sgt.u32 @!p6 s31, $0x7A;
	s17 =	simm.s32 @!p6 $0x1;
	[sflag:s10] =	ssyncset.done @!p0 $0x0  }
0xf5: {  	s9 =	simm.s32 @!p6 $0x7800;
	s8 =	simm.s32 @!p6 $0x50;
	[sflag:s10] =	ssyncadd.s32 @!p0 $0xFFFFD800  }
0xf6: {  	s31 =	smov.u32 s7;
	p1 =	por @!p4 p2, p1;
	s10 =	simm.s32 @!p6 $0x0  }
0xf7: {  	[spmem:s3] =	stream.indirect.scatter.add.f32 @!p0 [tilespmem:s15], [sflag:$0x4], $0x1, s14, s13, $0xb8;
	[tilespmem:$0x1DF78] =	vst v63  }
0xf8: {  	s7 =	smul.u32 $0xAB, s31;
	_ =	swait.ge @!p6 [sflag:s17], $0x2800  }
0xf9: {  	p0 =	por p1, p4;
	[sflag:s17] =	ssyncset.done @!p6 $0x0  }
0xfa: {  	s7 =	sshrl.u32 s7, $0x9;
	s13 =	simm.s32 @!p0 $0x5000;
	[sflag:s17] =	ssyncadd.s32 @!p6 $0xFFFFD800  }
0xfb: {  	s14 =	simm.s32 @!p0 $0x0;
	s15 =	simm.s32 @!p0 $0x7900;
	_ =	swait.ge @!p6 [sflag:s17], $0x50  }
.Ltmp5:
0xfc: {  	[sflag:s17] =	ssyncset.done @!p6 $0x0;
	(pc) =	sbr.rel @p5 .LBB2_9-.Ltmp5, $4  }
0xfd: {  	s7 =	sand.u32 $0x7F, s7;
	[sflag:s17] =	ssyncadd.s32 @!p6 $0xFFFFFFB0  }
0xfe: {  	[tilespmem:s13], [sflag:$0x3] =	stream.linear.gather @!p0 [hbm4b:s23+s14], $0x2800, $0x38;
	[tilespmem:$0x1DF78] =	vst v63  }
0xff: {  	s29 =	sadd.s32 $0xA, s29;
	s13 =	smul.u32 $0x3, s7  }
0x100: {  	[tilespmem:s15], [sflag:$0x3] =	stream.linear.gather @!p0 [hbm4b:s6+s14], $0x50, $0x38;
	[tilespmem:$0x1DF78] =	vst v63  }
0x101: {  	s6 =	simm.s32 @!p6 $0x5  }
0x102: {  	[spmem:s1] =	stream.indirect.scatter.add.f32 @!p6 [tilespmem:s10], [sflag:$0x5], $0x80, s9, s8, $0xb8;
	[tilespmem:$0x1DF78] =	vst v63  }
0x103: {  	_ =	swait.ge @!p6 [sflag:s6], $0x2800  }
0x104: {  	s7 =	ssub.s32 s31, s13;
	[sflag:s6] =	ssyncset.done @!p6 $0x0  }
0x105: {  	s5 =	simm.s32 @p4 $0x5;
	s10 =	simm.s32 @!p6 $0xA400;
	[sflag:s6] =	ssyncadd.s32 @!p6 $0xFFFFD800  }
0x106: {  	[spmem:s3] =	stream.indirect.scatter.add.f32 @!p6 [tilespmem:s10], [sflag:$0x5], $0x1, s9, s8, $0xb8;
	[tilespmem:$0x1DF78] =	vst v63  }
0x107: {  	s6 =	sand.u32 $0xFF, s7;
	_ =	swait.ge [sflag:s5], $0x50  }
0x108: {  	p1 =	seq.s32 s6, $0x1;
	[sflag:s5] =	ssyncset.done $0x0  }
0x109: {  	s7 =	simm.s32 @p1 $0x2;
	[sflag:s5] =	ssyncadd.s32 $0xFFFFFFB0  }
0x10a: {  	_ =	swait.ge @p1 [sflag:s7], $0x2800  }
0x10b: {  	[sflag:s7] =	ssyncset.done @p1 $0x0  }
0x10c: {  	[sflag:s7] =	ssyncadd.s32 @p1 $0xFFFFD800  }
0x10d: {  	p0 =	sgt.u32 @p1 s31, $0x7A;
	_ =	swait.ge @p1 [sflag:s7], $0x50  }
0x10e: {  	p0 =	por p0, !p1;
	[sflag:s7] =	ssyncset.done @p1 $0x0  }
0x10f: {  	s5 =	sadd.s32 $0x500, s23;
	s8 =	simm.s32 @!p0 $0x0;
	[sflag:s7] =	ssyncadd.s32 @p1 $0xFFFFFFB0  }
0x110: {  	[tilespmem:s8], [sflag:$0x1] =	stream.linear.gather @!p0 [hbm4b:s5+s8], $0x2800, $0x38;
	[tilespmem:$0x1DF78] =	vst v63  }
0x111: {  	s9 =	simm.s32 @p1 $0x2800;
	s7 =	simm.s32 @!p0 $0x7800  }
0x112: {  	[tilespmem:s7], [sflag:$0x1] =	stream.linear.gather @!p0 [hbm4b:s29+s8], $0x50, $0x38;
	[tilespmem:$0x1DF78] =	vst v63  }
0x113: {  	s10 =	simm.s32 @p1 $0x7880;
	s7 =	simm.s32 @p1 $0x5;
	s8 =	simm.s32 @p1 $0x50  }
0x114: {  	[spmem:s1] =	stream.indirect.scatter.add.f32 @p1 [tilespmem:s9], [sflag:$0x5], $0x80, s10, s8, $0xb8;
	[tilespmem:$0x1DF78] =	vst v63  }
0x115: {  	p4 =	sne.s32 @!p1 s6, $0x0;
	_ =	swait.ge @p1 [sflag:s7], $0x2800  }
0x116: {  	p0 =	por !p4, p1;
	[sflag:s7] =	ssyncset.done @p1 $0x0  }
0x117: {  	s6 =	simm.s32 @!p0 $0x3;
	[sflag:s7] =	ssyncadd.s32 @p1 $0xFFFFD800;
	s7 =	simm.s32 @p1 $0xA400  }
0x118: {  	[spmem:s3] =	stream.indirect.scatter.add.f32 @p1 [tilespmem:s7], [sflag:$0x5], $0x1, s10, s8, $0xb8;
	[tilespmem:$0x1DF78] =	vst v63  }
0x119: {  	_ =	swait.ge @!p0 [sflag:s6], $0x2800  }
0x11a: {  	[sflag:s6] =	ssyncset.done @!p0 $0x0  }
0x11b: {  	p2 =	sgt.u32 @!p0 s31, $0x7A;
	[sflag:s6] =	ssyncadd.s32 @!p0 $0xFFFFD800  }
0x11c: {  	p2 =	por @!p1 p2, !p4;
	_ =	swait.ge @!p0 [sflag:s6], $0x50  }
0x11d: {  	p2 =	por p2, p1;
	[sflag:s6] =	ssyncset.done @!p0 $0x0  }
0x11e: {  	s7 =	simm.s32 @!p2 $0x0;
	s8 =	simm.s32 @!p2 $0x2800;
	[sflag:s6] =	ssyncadd.s32 @!p0 $0xFFFFFFB0  }
0x11f: {  	[tilespmem:s8], [sflag:$0x2] =	stream.linear.gather @!p2 [hbm4b:s5+s7], $0x2800, $0x38;
	[tilespmem:$0x1DF78] =	vst v63  }
0x120: {  	s9 =	simm.s32 @!p0 $0x5000;
	s6 =	simm.s32 @!p2 $0x7880  }
0x121: {  	[tilespmem:s6], [sflag:$0x2] =	stream.linear.gather @!p2 [hbm4b:s29+s7], $0x50, $0x38;
	[tilespmem:$0x1DF78] =	vst v63  }
0x122: {  	s8 =	simm.s32 @!p0 $0x5;
	s6 =	simm.s32 @!p0 $0x50;
	s7 =	simm.s32 @!p0 $0x7900  }
0x123: {  	[spmem:s1] =	stream.indirect.scatter.add.f32 @!p0 [tilespmem:s9], [sflag:$0x5], $0x80, s7, s6, $0xb8;
	[tilespmem:$0x1DF78] =	vst v63  }
0x124: {  	_ =	swait.ge @!p0 [sflag:s8], $0x2800  }
0x125: {  	p5 =	por p4, p1;
	[sflag:s8] =	ssyncset.done @!p0 $0x0  }
0x126: {  	s10 =	simm.s32 @!p5 $0x1;
	s9 =	simm.s32 @!p0 $0xA400;
	[sflag:s8] =	ssyncadd.s32 @!p0 $0xFFFFD800  }
0x127: {  	[spmem:s3] =	stream.indirect.scatter.add.f32 @!p0 [tilespmem:s9], [sflag:$0x4], $0x1, s7, s6, $0xb8;
	[tilespmem:$0x1DF78] =	vst v63  }
0x128: {  	_ =	swait.ge @!p5 [sflag:s10], $0x2800  }
0x129: {  	[sflag:s10] =	ssyncset.done @!p5 $0x0  }
0x12a: {  	p2 =	sgt.u32 @!p5 s31, $0x7A;
	[sflag:s10] =	ssyncadd.s32 @!p5 $0xFFFFD800  }
0x12b: {  	p2 =	por @!p1 p2, p4;
	_ =	swait.ge @!p5 [sflag:s10], $0x50  }
0x12c: {  	p2 =	por p2, p1;
	[sflag:s10] =	ssyncset.done @!p5 $0x0  }
0x12d: {  	s6 =	simm.s32 @!p2 $0x5000;
	s7 =	simm.s32 @!p2 $0x0;
	[sflag:s10] =	ssyncadd.s32 @!p5 $0xFFFFFFB0  }
0x12e: {  	[tilespmem:s6], [sflag:$0x3] =	stream.linear.gather @!p2 [hbm4b:s5+s7], $0x2800, $0x38;
	[tilespmem:$0x1DF78] =	vst v63  }
0x12f: {  	s8 =	simm.s32 @!p5 $0x5;
	s5 =	simm.s32 @!p2 $0x7900  }
0x130: {  	[tilespmem:s5], [sflag:$0x3] =	stream.linear.gather @!p2 [hbm4b:s29+s7], $0x50, $0x38;
	[tilespmem:$0x1DF78] =	vst v63  }
0x131: {  	s6 =	simm.s32 @!p5 $0x7800;
	s5 =	simm.s32 @!p5 $0x50;
	s7 =	simm.s32 @!p5 $0x0  }
0x132: {  	[spmem:s1] =	stream.indirect.scatter.add.f32 @!p5 [tilespmem:s7], [sflag:$0x5], $0x80, s6, s5, $0xb8;
	[tilespmem:$0x1DF78] =	vst v63  }
0x133: {  	s7 =	simm.s32 @!p0 $0x4;
	_ =	swait.ge @!p5 [sflag:s8], $0x2800  }
0x134: {  	s7 =	simm.s32 @p0 $0x5;
	[sflag:s8] =	ssyncset.done @!p5 $0x0  }
0x135: {  	s9 =	simm.s32 @!p5 $0xA400;
	s7 =	simm.s32 @p1 $0x5;
	[sflag:s8] =	ssyncadd.s32 @!p5 $0xFFFFD800  }
0x136: {  	[spmem:s3] =	stream.indirect.scatter.add.f32 @!p5 [tilespmem:s9], [sflag:$0x5], $0x1, s6, s5, $0xb8;
	[tilespmem:$0x1DF78] =	vst v63  }
0x137: {  	_ =	swait.ge [sflag:s7], $0x50  }
0x138: {  	[sflag:s7] =	ssyncset.done $0x0  }
0x139: {  	[sflag:s7] =	ssyncadd.s32 $0xFFFFFFB0  }
0x13a: {  	[bflag:$0x0] =	sbarrier.arrive $0xFFFF  }
0x13b: {  	s5 =	simm.s32 @p3 $0x1FC4;
	s6 =	rddreg [dreg:$0xf]  }
0x13c: {  	[hbm:s6], [sflag:s5] =	dma.local @p3 [spmem:s24], $0x2800  }
0x13d: {  	s5 =	simm.s32 @p3 $0x4  }
0x13e: {  	_ =	swait.ge @p3 [sflag:s5], $0x2800  }
0x13f: {  	s6 =	sshll.u32 @!p3 s2, $0x6;
	[sflag:s5] =	ssyncset.done @p3 $0x0  }
0x140: {  	[sflag:s5] =	ssyncadd.s32 @p3 $0xFFFFD800;
	s5 =	sor.u32 @!p3 $0x1C04, s6;
	s6 =	rddreg [dreg:$0xe]  }
0x141: {  	[hbm:s6], [sflag:s5] =	dma.local @!p3 [spmem:s25], $0x2700  }
0x142: {  	s5 =	simm.s32 @!p3 $0x4  }
0x143: {  	_ =	swait.ge @!p3 [sflag:s5], $0x2700  }
0x144: {  	s23 =	sld [smem:$0x7FD];
	_ =	sdelay $0x2  }
0x145: {  	p0 =	seq.s32 s23, $0x1  }
0x146: {  	[sflag:s5] =	ssyncset.done @!p3 $0x0;
	s7 =	rddreg [dreg:$0x6];
	s6 =	sshll.u32 @!p0 s2, $0x6  }
0x147: {  	[sflag:s5] =	ssyncadd.s32 @!p3 $0xFFFFD900;
	s5 =	sor.u32 @!p0 $0x1C04, s6;
	s6 =	sshrl.u32 @!p0 s3, $0x3  }
0x148: {  	[hbm:s7], [sflag:s5] =	dma.local @!p0 [spmem:s6], $0x4F0  }
0x149: {  	s5 =	simm.s32 @!p0 $0x4  }
0x14a: {  	_ =	swait.ge @!p0 [sflag:s5], $0x4F0  }
0x14b: {  	s29 =	sld [smem:$0x7FB];
	_ =	sdelay $0x2  }
0x14c: {  	[sflag:s5] =	ssyncset.done @!p0 $0x0;
	s7 =	rddreg [dreg:$0x7];
	p1 =	seq.s32 s29, $0x1  }
0x14d: {  	[sflag:s5] =	ssyncadd.s32 @!p0 $0xFFFFFB10;
	s5 =	sshrl.u32 @p1 s3, $0x3;
	s6 =	simm.s32 @p1 $0x1C04  }
0x14e: {  	[hbm:s7], [sflag:s6] =	dma.local @p1 [spmem:s5], $0x4F0  }
0x14f: {  	s5 =	simm.s32 @p1 $0x4  }
0x150: {  	_ =	swait.ge @p1 [sflag:s5], $0x4F0  }
0x151: {  	s30 =	sadd.s32 $0x1, s30;
	s31 =	rddreg [dreg:$0x10]  }
0x152: {  	p0 =	sne.s32 s30, s31  }
.Ltmp6:
0x153: {  	_ = 	snop;
	(pc) =	sbr.rel @p0 .LBB2_1-.Ltmp6, $3  }
0x154: {  	_ =	sdelay $0x1  }
0x155: {  	[sflag:s5] =	ssyncset.done @p1 $0x0  }
0x156: {  	[sflag:s5] =	ssyncadd.s32 @p1 $0xFFFFFB10  }
0x157: {  	_ =	sfence.sel $0x180000  }
0x158: {  	[bflag:$0x0] =	sbarrier.arrive $0xFFFF  }
0x159: {  	_ =	strace $0x90000047  }
0x15a: {  	[bflag:$0x2] =	sbarrier.arrive $0xFFFF  }
0x15b: {  	p0 =	sne.s32 s2, $0x0;
	s0 =	rddreg [dreg:$0x5]  }
0x15c: {  	s0 =	sadd.s32 @!p0 $0x100000, s0  }
0x15d: {  	[sflag:s0] =	ssyncadd.tile.s32 @!p0 $0x1;
	_ =	shalt  }
.Lfunc_end2:
_tile_overlayer_lowered:
.L_overlay_start_2:
0x15e: {  	(tag) =	ssettag $0x2  }
0x15f: {  	s0 =	rddreg [dreg:$0x0];
	s2 =	stileid.u32  }
0x160: {  	s1 =	rddreg [dreg:$0x1];
	p0 =	sne.s32 s2, $0x0  }
0x161: {  	s3 =	rddreg [dreg:$0x2];
	[bflag:$0x3] =	sbarrier.arrive $0xFFFF;
	s2 =	simm.s32 @!p0 $0x1C04  }
0x162: {  	[timem:s3], [sflag:s2] =	dma.local @!p0 [hbm:s0], s1  }
0x163: {  	s0 =	simm.s32 @!p0 $0x4  }
0x164: {  	_ =	swait.ge @!p0 [sflag:s0], s1  }
0x165: {  	s1 =	ssub.s32 @!p0 $0x0, s1;
	[sflag:s0] =	ssyncset.done @!p0 $0x0  }
0x166: {  	[sflag:s0] =	ssyncadd.s32 @!p0 s1  }
0x167: {  	[bflag:$0x3] =	sbarrier.arrive $0xFFFF  }
0x168: {  	_ =	shalt  }

// kernel: kernel.7.cloned.1.call-start
scs
__scs_entry_jumppad:
0x0: {  	(pc) =	sbr.rel $0x88, $3  }
0x1: {  	(tag) =	ssettag $0x0;
	lr =	simm.s32 $0x1  }
0x2: {  	[smem:$0x3F9F] =	sst lr;
	_ =	strace $0xD0000000  }
0x3: {  	_ = 	snop  }
0x4: {  	_ = 	snop  }
0x5: {  	_ = 	snop  }
0x6: {  	_ = 	snop  }
0x7: {  	_ = 	snop  }
__scs_overlays_trampoline_lowered:
0x8: {  	[smem:$0x3FAE] =	sst s0  }
0x9: {  	[smem:$0x3FAF] =	sst s1  }
0xa: {  	[smem:$0x3FB0] =	sst s2  }
0xb: {  	[smem:$0x3FB1] =	sst s3  }
0xc: {  	[smem:$0x3FB2] =	sst s4  }
0xd: {  	[smem:$0x3FB3] =	sst s5  }
0xe: {  	[smem:$0x3FB4] =	sst s6  }
0xf: {  	[smem:$0x3FB5] =	sst s7  }
0x10: {  	[smem:$0x3FB6] =	sst s8  }
0x11: {  	[smem:$0x3FB7] =	sst s9;
	s0 =	simm.s32 @!p0 $0x0  }
0x12: {  	s1 =	sld [smem:$0x3F9D];
	s0 =	simm.s32 @p0 $0x1  }
0x13: {  	[smem:$0x3FB8] =	sst s0;
	s0 =	simm.s32 @!p1 $0x0  }
0x14: {  	s2 =	sld [smem:$0x3F9C];
	s0 =	simm.s32 @p1 $0x1  }
0x15: {  	[smem:$0x3FB9] =	sst s0;
	s0 =	simm.s32 @!p2 $0x0  }
0x16: {  	s3 =	sld [smem:$0x3FDB];
	s0 =	simm.s32 @p2 $0x1  }
0x17: {  	s4 =	simm.s32 $0x1BF5;
	[smem:$0x3FBB] =	sst s0  }
0x18: {  	s0 =	sld [smem:$0x3F9E];
	_ =	swait.ge [sflag:s4], $0x0  }
0x19: {  	s7 =	sld [smem:$0x3F9F]  }
0x1a: {  	s8 =	sadd.s32 $0xFFFFE003, lr  }
0x1b: {  	s9 =	sadd.s32 $0xFFFFFEF7, lr;
	s5 =	simm.s32 $0xFFFFFFFF;
	p2 =	slt.u32 s8, $0xFFFFF086  }
0x1c: {  	p1 =	slt.u32 s9, $0xF7A;
	s5 =	simm.s32 @!p2 $0x0  }
0x1d: {  	s5 =	simm.s32 @p1 $0x1;
	p0 =	seq.s32 s7, s2  }
0x1e: {  	s7 =	smul.u32 @!p0 $0xF7A, s2;
	p2 =	seq.s32 @!p0 s5, $0x0  }
0x1f: {  	s9 =	smul.u32 $0xF7A, s1;
	s8 =	simm.s32 @!p0 $0x1BF5;
	p2 =	por !p2, p0  }
0x20: {  	[sflag:s8] =	ssyncset.s32 @!p0 $0xFFFFF086;
	s6 =	sadd.s32 @!p0 s3, s7;
	s7 =	simm.s32 @!p0 $0x108  }
0x21: {  	s3 =	sadd.s32 s3, s9;
	s6 =	sadd.s32 @!p0 $0x88, s6;
	s7 =	simm.s32 @p2 $0x1082  }
0x22: {  	[simem:s7], [sflag:s8] =	dma.local @!p0 [hbm:s6], $0xF7A  }
0x23: {  	s9 =	sor.u32 $0xD0000000, s2;
	s6 =	simm.s32 $0x108;
	_ =	swait.ge @!p0 [sflag:s8], $0x0  }
0x24: {  	s3 =	sadd.s32 $0x88, s3;
	s6 =	simm.s32 @!p1 $0x1082;
	[sflag:s4] =	ssyncset.s32 $0xFFFFF086  }
0x25: {  	[simem:s6], [sflag:s4] =	dma.local [hbm:s3], $0xF7A  }
0x26: {  	[smem:$0x3F9F] =	sst s1;
	(tag) =	ssettag s2;
	_ =	strace s9  }
0x27: {  	s1 =	sld [smem:$0x3FAF]  }
0x28: {  	s2 =	sld [smem:$0x3FB0]  }
0x29: {  	s4 =	sld [smem:$0x3FB2]  }
0x2a: {  	p0 =	seq.s32 s5, $0x0;
	s5 =	sld [smem:$0x3FB3]  }
0x2b: {  	s6 =	sld [smem:$0x3FB4]  }
0x2c: {  	s7 =	sld [smem:$0x3FB5]  }
0x2d: {  	s3 =	simm.s32 $0x108;
	s8 =	sld [smem:$0x3FB6]  }
0x2e: {  	s3 =	simm.s32 @!p0 $0x1082;
	s9 =	sld [smem:$0x3FB7]  }
0x2f: {  	lr =	sadd.s32 s0, s3;
	s0 =	sld [smem:$0x3FAE]  }
0x30: {  	s3 =	sld [smem:$0x3FB1]  }
0x31: {  	[smem:$0x3FBA] =	sst s10  }
0x32: {  	s10 =	sld [smem:$0x3FB8];
	_ =	sdelay $0x3  }
0x33: {  	p0 =	seq.s32 s10, $0x1;
	s10 =	sld [smem:$0x3FBA];
	_ =	sdelay $0x3  }
0x34: {  	[smem:$0x3FBA] =	sst s10  }
0x35: {  	s10 =	sld [smem:$0x3FB9];
	_ =	sdelay $0x3  }
0x36: {  	p1 =	seq.s32 s10, $0x1;
	s10 =	sld [smem:$0x3FBA];
	_ =	sdelay $0x3  }
0x37: {  	[smem:$0x3FBA] =	sst s10  }
0x38: {  	s10 =	sld [smem:$0x3FBB]  }
0x39: {  	_ = 	snop;
	(pc) =	sbr.ind lr, $3  }
0x3a: {  	_ = 	snop  }
0x3b: {  	_ = 	snop  }
0x3c: {  	p2 =	seq.s32 s10, $0x1;
	s10 =	sld [smem:$0x3FBA]  }
0x3d: {  	_ =	shalt  }
0x3e: {  	_ =	shalt  }
0x3f: {  	_ =	shalt  }
0x40: {  	_ =	shalt  }
0x41: {  	_ =	shalt  }
0x42: {  	_ =	shalt  }
0x43: {  	_ =	shalt  }
0x44: {  	_ =	shalt  }
0x45: {  	_ =	shalt  }
0x46: {  	_ =	shalt  }
0x47: {  	_ =	shalt  }
0x48: {  	_ =	shalt  }
0x49: {  	_ =	shalt  }
0x4a: {  	_ =	shalt  }
0x4b: {  	_ =	shalt  }
0x4c: {  	_ =	shalt  }
0x4d: {  	_ =	shalt  }
0x4e: {  	_ =	shalt  }
0x4f: {  	_ =	shalt  }
0x50: {  	_ =	shalt  }
0x51: {  	_ =	shalt  }
0x52: {  	_ =	shalt  }
0x53: {  	_ =	shalt  }
0x54: {  	_ =	shalt  }
0x55: {  	_ =	shalt  }
0x56: {  	_ =	shalt  }
0x57: {  	_ =	shalt  }
0x58: {  	_ =	shalt  }
0x59: {  	_ =	shalt  }
0x5a: {  	_ =	shalt  }
0x5b: {  	_ =	shalt  }
0x5c: {  	_ =	shalt  }
0x5d: {  	_ =	shalt  }
0x5e: {  	_ =	shalt  }
0x5f: {  	_ =	shalt  }
0x60: {  	_ =	shalt  }
0x61: {  	_ =	shalt  }
0x62: {  	_ =	shalt  }
0x63: {  	_ =	shalt  }
0x64: {  	_ =	shalt  }
0x65: {  	_ =	shalt  }
0x66: {  	_ =	shalt  }
0x67: {  	_ =	shalt  }
0x68: {  	_ =	shalt  }
0x69: {  	_ =	shalt  }
0x6a: {  	_ =	shalt  }
0x6b: {  	_ =	shalt  }
0x6c: {  	_ =	shalt  }
0x6d: {  	_ =	shalt  }
0x6e: {  	_ =	shalt  }
0x6f: {  	_ =	shalt  }
0x70: {  	_ =	shalt  }
0x71: {  	_ =	shalt  }
0x72: {  	_ =	shalt  }
0x73: {  	_ =	shalt  }
0x74: {  	_ =	shalt  }
0x75: {  	_ =	shalt  }
0x76: {  	_ =	shalt  }
0x77: {  	_ =	shalt  }
0x78: {  	_ =	shalt  }
0x79: {  	_ =	shalt  }
0x7a: {  	_ =	shalt  }
0x7b: {  	_ =	shalt  }
0x7c: {  	_ =	shalt  }
0x7d: {  	_ =	shalt  }
0x7e: {  	_ =	shalt  }
0x7f: {  	_ =	shalt  }
0x80: {  	_ =	shalt  }
0x81: {  	_ =	shalt  }
0x82: {  	_ =	shalt  }
0x83: {  	_ =	shalt  }
0x84: {  	_ =	shalt  }
0x85: {  	_ =	shalt  }
0x86: {  	_ =	shalt  }
0x87: {  	_ =	shalt  }
.Lfunc_end0:
.L_simem_size_0:
called_computation.1_lowered:
.L_overlay_start_0:
0x88: {  	s2 =	sld [smem:$0x3FD9]  }
0x89: {  	s3 =	sld [smem:$0x3FFE];
	_ =	sdelay $0x1  }
0x8a: {  	s1 =	srdreg.scid  }
0x8b: {  	s0 =	sand.u32 $0x1, s1  }
0x8c: {  	s17 =	sshll.u32 s0, $0xA;
	s2 =	sadd.s32 s3, s2  }
0x8d: {  	s2 =	sadd.s32 s2, s17  }
0x8e: {  	[smem:$0x3FC6] =	sst s2  }
0x8f: {  	_ = 	snop  }
0x90: {  	s2 =	sld [smem:$0x3FD0];
	(tm) =	ssettm $0x1  }
0x91: {  	s18 =	sld [smem:$0x3FFB];
	_ =	sdelay $0x3  }
0x92: {  	_ =	strace s18  }
0x93: {  	s3 =	sld [smem:$0x3FFC];
	_ =	sdelay $0x3  }
0x94: {  	_ =	strace s3  }
0x95: {  	s3 =	sld [smem:$0x3FFD];
	_ =	sdelay $0x3  }
0x96: {  	_ =	strace s3  }
0x97: {  	_ =	strace $0x8FFFFFFF  }
0x98: {  	s19 =	sld [smem:$0x3FDB];
	_ =	sdelay $0x1  }
0x99: {  	s4 =	simm.s32 $_scs_section_size  }
0x9a: {  	s5 =	simm.s32 $_size__tile_overlayer_lowered;
	s6 =	simm.s32 $_tile_overlayer_lowered  }
0x9b: {  	s22 =	simm.s32 $0x1BFF;
	s21 =	sshll.u32 s6, $0x1;
	s3 =	sadd.s32 s4, s19  }
0x9c: {  	s7 =	simm.s32 $0x0;
	s20 =	sshll.u32 s5, $0x1;
	s5 =	sadd.s32 s21, s3  }
0x9d: {  	[timem:s7], [sflag:s22] =	dma.local [hbm:s5], s20  }
0x9e: {  	_ =	swait.ge [sflag:s22], s20  }
0x9f: {  	s4 =	ssub.s32 $0x0, s20;
	[sflag:s22] =	ssyncset.done $0x0  }
0xa0: {  	[sflag:s22] =	ssyncadd.s32 s4;
	_ =	sdelay $0x1  }
0xa1: {  	s23 =	simm.s32 $0x1B8B  }
0xa2: {  	_ =	swait.ge [sflag:s23], $0x1  }
0xa3: {  	[sflag:s23] =	ssyncset.done $0x0  }
0xa4: {  	s25 =	simm.s32 $0x1B8E;
	s24 =	sld [smem:$0x3FFE];
	[sflag:s23] =	ssyncadd.s32 $0xFFFFFFFF  }
0xa5: {  	s26 =	simm.s32 $execute0_lowered;
	[smem:$0x3FD2] =	sst s25  }
0xa6: {  	s5 =	sshll.u32 s26, $0x1;
	_ =	strace $0x80000049;
	[dreg:$0x1] =	wrdreg $0xFFFFFFFF  }
0xa7: {  	s28 =	simm.s32 $_size_execute0_lowered;
	s3 =	sadd.s32 s3, s5;
	[dreg:$0x0] =	wrdreg $0x0  }
0xa8: {  	s5 =	sshll.u32 s28, $0x1;
	[dreg:$0x2] =	wrdreg s3  }
0xa9: {  	[dreg:$0x3] =	wrdreg s5  }
0xaa: {  	[dreg:$0x4] =	wrdreg $0xC0  }
0xab: {  	_ =	task [dreg:s7], $0x5FFFF  }
0xac: {  	[dreg:$0x1] =	wrdreg $0xFFFFFFFF  }
0xad: {  	[dreg:$0x0] =	wrdreg $0x60  }
0xae: {  	[dreg:$0x2] =	wrdreg s24  }
0xaf: {  	[dreg:$0x3] =	wrdreg s2  }
0xb0: {  	[dreg:$0x4] =	wrdreg $0x9  }
0xb1: {  	_ =	task.clear_ibuf [dreg:s7], $0x5FFFF;
	_ =	strace $0x90000049  }
0xb2: {  	s29 =	simm.s32 $0x9;
	_ =	strace $0x8000004B  }
0xb3: {  	_ =	swait.ge [sflag:s29], $0x1  }
0xb4: {  	[sflag:s29] =	ssyncadd.s32 $0xFFFFFFFF  }
0xb5: {  	_ =	strace $0x9000004B  }
0xb6: {  	_ =	sfence  }
0xb7: {  	s30 =	sld [smem:$0x0];
	_ =	sdelay $0x2  }
0xb8: {  	s31 =	sshll.u32 s1, $0xD;
	s1 =	sshrl.u32 s1, $0x2  }
0xb9: {  	s3 =	sand.u32 $0x4000, s31;
	s1 =	sadd.s32 s1, s30  }
0xba: {  	s0 =	sor.u32 s3, s0;
	s1 =	sshll.u32 s1, $0x11  }
0xbb: {  	s0 =	sor.u32 s1, s0  }
0xbc: {  	s0 =	sadd.s32 $0x8F2B, s0  }
0xbd: {  	[sflag:s0] =	ssyncadd.remote.s32 $0x1  }
0xbe: {  	_ =	sfence.sel $0xFFFF  }
0xbf: {  	[dreg:$0x0] =	wrdreg $0xFFFFFFFF;
	(pc) =	sbr.abs _section_cstart, $3  }
0xc0: {  	[dreg:$0x1] =	wrdreg $0xFFFFFFFF  }
0xc1: {  	_ =	task.clear_ibuf [dreg:s7], $0x2FFFF;
	_ =	strace $0x9FFFFFFF  }
0xc2: {  	(tm) =	ssettm $0x7FFFFFFF  }
0xc3: {  	_ =	shalt  }
tec
execute0_lowered:
.L_overlay_start_1:
0x0: {  	(tag) =	ssettag $0x1  }
0x1: {  	s1 =	srdreg.scid;
	s4 =	rddreg [dreg:$0x0]  }
0x2: {  	s0 =	stileid.u32;
	s8 =	rddreg [dreg:$0x1]  }
0x3: {  	s2 =	simm.s32 $0x0;
	s3 =	sand.u32 $0x1, s1;
	s31 =	sshll.u32 s0, $0x1  }
0x4: {  	s11 =	simm.s32 $0x14000;
	s12 =	simm.s32 $0x14180;
	s5 =	sor.u32 s3, s31  }
0x5: {  	s13 =	simm.s32 $0x1;
	s1 =	rddreg [dreg:$0x2];
	s6 =	smul.u32 $0x140, s5  }
0x6: {  	s14 =	simm.s32 $0x0;
	[smem:$0x7FF] =	sst s2;
	p0 =	seq.s32 s5, $0x1F  }
0x7: {  	_ =	strace $0x8000004A;
	s3 =	ssub.s32 $0x2, s3;
	s6 =	simm.s32 @p0 $0x25D0  }
0x8: {  	s9 =	sshrl.u32 s3, $0x1;
	s10 =	smul.u32 $0x1400, s5;
	s7 =	sshll.u32 s6, $0x4  }
0x9: {  	s9 =	ssub.s32 s3, s9;
	s6 =	sshrl.u32 s6, $0x3;
	s7 =	sadd.s32 s7, s4  }
0xa: {  	s9 =	smax.u32 s9, $0x1;
	s6 =	sadd.s32 s6, s4;
	s3 =	sadd.s32 $0xC00, s7  }
0xb: {  	s4 =	sadd.s32 $0x27D00, s7;
	s5 =	sadd.s32 $0x4EE00, s6;
	s6 =	sadd.s32 $0x4F400, s6  }
0xc: {  	s7 =	sadd.s32 s8, s10;
	s8 =	sadd.s32 $0x26C00, s8;
	s10 =	simm.s32 $0xA000  }
.LBB2_1:
0xd: {  	[tilespmem:s2], [sflag:$0x1] =	stream.linear.gather [hbm4b:s3+s2], $0xA000, $0x38;
	[tilespmem:$0x14300] =	vst v63  }
0xe: {  	_ = 	snop  }
0xf: {  	[tilespmem:s10], [sflag:$0x1] =	stream.linear.gather [hbm4b:s4+s2], $0xA000, $0x38;
	[tilespmem:$0x14300] =	vst v63  }
0x10: {  	_ = 	snop  }
0x11: {  	[tilespmem:s11], [sflag:$0x1] =	stream.linear.gather [hbm4b:s5+s2], $0x140, $0x38;
	[tilespmem:$0x14300] =	vst v63  }
0x12: {  	_ = 	snop  }
0x13: {  	[tilespmem:s12], [sflag:$0x1] =	stream.linear.gather [hbm4b:s6+s2], $0x140, $0x38;
	[tilespmem:$0x14300] =	vst v63  }
0x14: {  	_ =	swait.ge [sflag:s13], $0xA000  }
0x15: {  	[sflag:s13] =	ssyncset.done $0x0  }
0x16: {  	[sflag:s13] =	ssyncadd.s32 $0xFFFF6000  }
0x17: {  	_ =	swait.ge [sflag:s13], $0xA000  }
0x18: {  	[sflag:s13] =	ssyncset.done $0x0  }
0x19: {  	[sflag:s13] =	ssyncadd.s32 $0xFFFF6000  }
0x1a: {  	_ =	swait.ge [sflag:s13], $0x140  }
0x1b: {  	[sflag:s13] =	ssyncset.done $0x0  }
0x1c: {  	[sflag:s13] =	ssyncadd.s32 $0xFFFFFEC0  }
0x1d: {  	_ =	swait.ge [sflag:s13], $0x140  }
0x1e: {  	[sflag:s13] =	ssyncset.done $0x0  }
0x1f: {  	s15 =	simm.s32 $0x0;
	[sflag:s13] =	ssyncadd.s32 $0xFFFFFEC0  }
0x20: {  	v0 =	vld [tilespmem:s15+$0xA010];
	_ =	sdelay $0x4  }
0x21: {  	[tilespmem:$0x1F970] =	vst v0;
	v0 =	vld [tilespmem:s15+$0xA020];
	_ =	sdelay $0x4  }
0x22: {  	[tilespmem:$0x1F980] =	vst v0;
	v0 =	vld [tilespmem:s15+$0xA030];
	_ =	sdelay $0x4  }
0x23: {  	[tilespmem:$0x1F990] =	vst v0;
	v0 =	vld [tilespmem:s15+$0xA040];
	_ =	sdelay $0x4  }
0x24: {  	[tilespmem:$0x1F9A0] =	vst v0;
	v0 =	vld [tilespmem:s15+$0xA050];
	_ =	sdelay $0x4  }
0x25: {  	[tilespmem:$0x1F9B0] =	vst v0;
	v0 =	vld [tilespmem:s15+$0xA060];
	_ =	sdelay $0x4  }
0x26: {  	[tilespmem:$0x1F9C0] =	vst v0;
	v0 =	vld [tilespmem:s15+$0xA070];
	_ =	sdelay $0x4  }
0x27: {  	[tilespmem:$0x1F9D0] =	vst v0;
	v0 =	vld [tilespmem:s15+$0xA080];
	_ =	sdelay $0x4  }
0x28: {  	[tilespmem:$0x1F9E0] =	vst v0;
	v0 =	vld [tilespmem:s15+$0xA090];
	_ =	sdelay $0x4  }
0x29: {  	[tilespmem:$0x1F9F0] =	vst v0;
	v0 =	vld [tilespmem:s15+$0xA0A0];
	_ =	sdelay $0x4  }
0x2a: {  	[tilespmem:$0x1FA00] =	vst v0;
	v0 =	vld [tilespmem:s15+$0xA0B0];
	_ =	sdelay $0x4  }
0x2b: {  	[tilespmem:$0x1FA10] =	vst v0;
	v0 =	vld [tilespmem:s15+$0xA0C0];
	_ =	sdelay $0x4  }
0x2c: {  	[tilespmem:$0x1FA20] =	vst v0;
	v0 =	vld [tilespmem:s15+$0xA0D0];
	_ =	sdelay $0x4  }
0x2d: {  	[tilespmem:$0x1FA30] =	vst v0;
	v0 =	vld [tilespmem:s15+$0xA0E0];
	_ =	sdelay $0x4  }
0x2e: {  	[tilespmem:$0x1FA40] =	vst v0;
	v0 =	vld [tilespmem:s15+$0xA0F0];
	_ =	sdelay $0x4  }
0x2f: {  	[tilespmem:$0x1FA50] =	vst v0;
	v0 =	vld [tilespmem:s15+$0xA100];
	_ =	sdelay $0x4  }
0x30: {  	[tilespmem:$0x1FA60] =	vst v0;
	v0 =	vld [tilespmem:s15+$0xA110];
	_ =	sdelay $0x4  }
0x31: {  	[tilespmem:$0x1FA70] =	vst v0;
	v0 =	vld [tilespmem:s15+$0xA120];
	_ =	sdelay $0x4  }
0x32: {  	[tilespmem:$0x1FA80] =	vst v0;
	v0 =	vld [tilespmem:s15+$0xA130];
	_ =	sdelay $0x4  }
0x33: {  	[tilespmem:$0x1FA90] =	vst v0;
	v0 =	vld [tilespmem:s15+$0xA140];
	_ =	sdelay $0x4  }
0x34: {  	[tilespmem:$0x1FAA0] =	vst v0;
	v0 =	vld [tilespmem:s15+$0xA150];
	_ =	sdelay $0x4  }
0x35: {  	[tilespmem:$0x1FAB0] =	vst v0;
	v0 =	vld [tilespmem:s15+$0xA160];
	_ =	sdelay $0x4  }
0x36: {  	[tilespmem:$0x1FAC0] =	vst v0;
	v0 =	vld [tilespmem:s15+$0xA170];
	_ =	sdelay $0x4  }
0x37: {  	[tilespmem:$0x1FAD0] =	vst v0;
	v0 =	vld [tilespmem:s15+$0xA180];
	_ =	sdelay $0x4  }
0x38: {  	[tilespmem:$0x1FAE0] =	vst v0;
	v0 =	vld [tilespmem:s15+$0xA190];
	_ =	sdelay $0x4  }
0x39: {  	[tilespmem:$0x1FAF0] =	vst v0;
	v0 =	vld [tilespmem:s15+$0xA1A0];
	_ =	sdelay $0x4  }
0x3a: {  	[tilespmem:$0x1FB00] =	vst v0;
	v0 =	vld [tilespmem:s15+$0xA1B0];
	_ =	sdelay $0x4  }
0x3b: {  	[tilespmem:$0x1FB10] =	vst v0;
	v0 =	vld [tilespmem:s15+$0xA1C0];
	_ =	sdelay $0x4  }
0x3c: {  	[tilespmem:$0x1FB20] =	vst v0;
	v0 =	vld [tilespmem:s15+$0xA1D0];
	_ =	sdelay $0x4  }
0x3d: {  	[tilespmem:$0x1FB30] =	vst v0;
	v0 =	vld [tilespmem:s15+$0xA1E0];
	_ =	sdelay $0x4  }
0x3e: {  	[tilespmem:$0x1FB40] =	vst v0;
	v0 =	vld [tilespmem:s15+$0xA1F0];
	_ =	sdelay $0x4  }
0x3f: {  	[tilespmem:$0x1FB50] =	vst v0;
	v0 =	vld [tilespmem:s15+$0xA230];
	_ =	sdelay $0x4  }
0x40: {  	[tilespmem:$0x1FB60] =	vst v0;
	v0 =	vld [tilespmem:s15+$0xA250];
	_ =	sdelay $0x4  }
0x41: {  	[tilespmem:$0x1FB70] =	vst v0;
	v0 =	vld [tilespmem:s15+$0xA270];
	_ =	sdelay $0x4  }
0x42: {  	[tilespmem:$0x1FB80] =	vst v0;
	v0 =	vld [tilespmem:s15+$0xA290];
	_ =	sdelay $0x4  }
0x43: {  	[tilespmem:$0x1FB90] =	vst v0;
	v0 =	vld [tilespmem:s15+$0xA2A0];
	_ =	sdelay $0x4  }
0x44: {  	[tilespmem:$0x1FBA0] =	vst v0;
	v0 =	vld [tilespmem:s15+$0xA2B0];
	_ =	sdelay $0x4  }
0x45: {  	[tilespmem:$0x1FBB0] =	vst v0;
	v0 =	vld [tilespmem:s15+$0xA2C0];
	_ =	sdelay $0x4  }
0x46: {  	[tilespmem:$0x1FBC0] =	vst v0;
	v0 =	vld [tilespmem:s15+$0xA2D0];
	_ =	sdelay $0x4  }
0x47: {  	[tilespmem:$0x1FBD0] =	vst v0;
	v0 =	vld [tilespmem:s15+$0xA2E0];
	_ =	sdelay $0x4  }
0x48: {  	[tilespmem:$0x1FBE0] =	vst v0;
	v0 =	vld [tilespmem:s15+$0xA2F0];
	_ =	sdelay $0x4  }
0x49: {  	[tilespmem:$0x1FBF0] =	vst v0;
	v0 =	vld [tilespmem:s15+$0xA300];
	_ =	sdelay $0x4  }
0x4a: {  	[tilespmem:$0x1FC00] =	vst v0;
	v0 =	vld [tilespmem:s15+$0xA310];
	_ =	sdelay $0x4  }
0x4b: {  	[tilespmem:$0x1FC10] =	vst v0;
	v0 =	vld [tilespmem:s15+$0xA320];
	_ =	sdelay $0x4  }
0x4c: {  	[tilespmem:$0x1FC20] =	vst v0;
	v0 =	vld [tilespmem:s15+$0xA330];
	_ =	sdelay $0x4  }
0x4d: {  	[tilespmem:$0x1FC30] =	vst v0;
	v0 =	vld [tilespmem:s15+$0xA340];
	_ =	sdelay $0x4  }
0x4e: {  	[tilespmem:$0x1FC40] =	vst v0;
	v0 =	vld [tilespmem:s15+$0xA350];
	_ =	sdelay $0x4  }
0x4f: {  	[tilespmem:$0x1FC50] =	vst v0;
	v0 =	vld [tilespmem:s15+$0xA360];
	_ =	sdelay $0x4  }
0x50: {  	[tilespmem:$0x1FC60] =	vst v0;
	v0 =	vld [tilespmem:s15+$0xA370];
	_ =	sdelay $0x4  }
0x51: {  	[tilespmem:$0x1FC70] =	vst v0;
	v0 =	vld [tilespmem:s15+$0xA380];
	_ =	sdelay $0x4  }
0x52: {  	[tilespmem:$0x1FC80] =	vst v0;
	v0 =	vld [tilespmem:s15+$0xA390];
	_ =	sdelay $0x4  }
0x53: {  	[tilespmem:$0x1FC90] =	vst v0;
	v0 =	vld [tilespmem:s15+$0xA3A0];
	_ =	sdelay $0x4  }
0x54: {  	[tilespmem:$0x1FCA0] =	vst v0;
	v0 =	vld [tilespmem:s15+$0xA3B0];
	_ =	sdelay $0x4  }
0x55: {  	[tilespmem:$0x1FCB0] =	vst v0;
	v0 =	vld [tilespmem:s15+$0xA3C0];
	_ =	sdelay $0x4  }
0x56: {  	[tilespmem:$0x1FCC0] =	vst v0;
	v0 =	vld [tilespmem:s15+$0xA3D0];
	_ =	sdelay $0x4  }
0x57: {  	[tilespmem:$0x1FCD0] =	vst v0;
	v0 =	vld [tilespmem:s15+$0xA3E0];
	_ =	sdelay $0x4  }
0x58: {  	[tilespmem:$0x1FCE0] =	vst v0;
	v0 =	vld [tilespmem:s15+$0xA3F0];
	_ =	sdelay $0x4  }
0x59: {  	[tilespmem:$0x1FCF0] =	vst v0;
	v0 =	vld [tilespmem:s15+$0xA400];
	_ =	sdelay $0x4  }
0x5a: {  	[tilespmem:$0x1FD00] =	vst v0;
	v0 =	vld [tilespmem:s15+$0xA410];
	_ =	sdelay $0x4  }
0x5b: {  	[tilespmem:$0x1FD10] =	vst v0;
	v0 =	vld [tilespmem:s15+$0xA420];
	_ =	sdelay $0x4  }
0x5c: {  	[tilespmem:$0x1FD20] =	vst v0;
	v0 =	vld [tilespmem:s15+$0xA430];
	_ =	sdelay $0x4  }
0x5d: {  	[tilespmem:$0x1FD30] =	vst v0;
	v0 =	vld [tilespmem:s15+$0xA440];
	_ =	sdelay $0x4  }
0x5e: {  	[tilespmem:$0x1FD40] =	vst v0;
	v0 =	vld [tilespmem:s15+$0xA460];
	_ =	sdelay $0x4  }
0x5f: {  	[tilespmem:$0x1FD50] =	vst v0;
	v0 =	vld [tilespmem:s15+$0xA470];
	_ =	sdelay $0x4  }
0x60: {  	[tilespmem:$0x1FD60] =	vst v0;
	v0 =	vld [tilespmem:s15+$0xA480];
	_ =	sdelay $0x4  }
0x61: {  	[tilespmem:$0x1FD70] =	vst v0;
	v0 =	vld [tilespmem:s15+$0xA4A0];
	_ =	sdelay $0x4  }
0x62: {  	[tilespmem:$0x1FD80] =	vst v0;
	v0 =	vld [tilespmem:s15+$0xA4C0];
	_ =	sdelay $0x4  }
0x63: {  	[tilespmem:$0x1FD90] =	vst v0;
	v0 =	vld [tilespmem:s15+$0xA4E0];
	_ =	sdelay $0x4  }
0x64: {  	[tilespmem:$0x1FDA0] =	vst v0;
	v0 =	vld [tilespmem:s15+$0xA500];
	_ =	sdelay $0x4  }
0x65: {  	[tilespmem:$0x1FDB0] =	vst v0;
	v0 =	vld [tilespmem:s15+$0xA520];
	_ =	sdelay $0x4  }
0x66: {  	[tilespmem:$0x1FDC0] =	vst v0;
	v0 =	vld [tilespmem:s15+$0xA540];
	_ =	sdelay $0x4  }
0x67: {  	[tilespmem:$0x1FDD0] =	vst v0;
	v0 =	vld [tilespmem:s15+$0xA560];
	_ =	sdelay $0x4  }
0x68: {  	[tilespmem:$0x1FDE0] =	vst v0;
	v0 =	vld [tilespmem:s15+$0xA570];
	_ =	sdelay $0x4  }
0x69: {  	[tilespmem:$0x1FFB0] =	vst v0;
	v0 =	vld [tilespmem:s15+$0xA580];
	_ =	sdelay $0x4  }
0x6a: {  	[tilespmem:$0x1FDF0] =	vst v0;
	v0 =	vld [tilespmem:s15+$0xA590];
	_ =	sdelay $0x4  }
0x6b: {  	[tilespmem:$0x1FF70] =	vst v0;
	v0 =	vld [tilespmem:s15+$0xA5A0];
	_ =	sdelay $0x4  }
0x6c: {  	[tilespmem:$0x1FE00] =	vst v0;
	v0 =	vld [tilespmem:s15+$0xA5B0];
	_ =	sdelay $0x4  }
0x6d: {  	[tilespmem:$0x1FF90] =	vst v0;
	v0 =	vld [tilespmem:s15+$0xA5C0];
	_ =	sdelay $0x4  }
0x6e: {  	[tilespmem:$0x1FE10] =	vst v0;
	v0 =	vld [tilespmem:s15+$0xA5E0];
	_ =	sdelay $0x4  }
0x6f: {  	[tilespmem:$0x1FE20] =	vst v0;
	v0 =	vld [tilespmem:s15+$0xA5F0];
	_ =	sdelay $0x4  }
0x70: {  	[tilespmem:$0x1FF60] =	vst v0;
	v0 =	vld [tilespmem:s15+$0xA600];
	_ =	sdelay $0x4  }
0x71: {  	[tilespmem:$0x1FE30] =	vst v0;
	v0 =	vld [tilespmem:s15+$0xA610];
	_ =	sdelay $0x4  }
0x72: {  	[tilespmem:$0x1FE40] =	vst v0;
	v0 =	vld [tilespmem:s15+$0xA620];
	_ =	sdelay $0x4  }
0x73: {  	[tilespmem:$0x1FE50] =	vst v0;
	v0 =	vld [tilespmem:s15+$0xA630];
	_ =	sdelay $0x3  }
0x74: {  	v11 =	vld [tilespmem:s15+$0xA000]  }
0x75: {  	[tilespmem:$0x1FE60] =	vst v0;
	v0 =	vld [tilespmem:s15+$0xA640]  }
0x76: {  	v54 =	vld [tilespmem:s15+$0xA200]  }
0x77: {  	v57 =	vld [tilespmem:s15+$0xA210]  }
0x78: {  	v52 =	vld [tilespmem:s15+$0xA220]  }
0x79: {  	v53 =	vld [tilespmem:s15+$0xA240]  }
0x7a: {  	[tilespmem:$0x1FE70] =	vst v0;
	v0 =	vld [tilespmem:s15+$0xA660]  }
0x7b: {  	v55 =	vld [tilespmem:s15+$0xA260]  }
0x7c: {  	v56 =	vld [tilespmem:s15+$0xA280]  }
0x7d: {  	v59 =	vld [tilespmem:s15+$0xA450]  }
0x7e: {  	v61 =	vld [tilespmem:s15+$0xA490]  }
0x7f: {  	[tilespmem:$0x1FE80] =	vst v0;
	v0 =	vld [tilespmem:s15+$0xA680]  }
0x80: {  	v58 =	vld [tilespmem:s15+$0xA4B0]  }
0x81: {  	v62 =	vld [tilespmem:s15+$0xA4D0]  }
0x82: {  	v60 =	vld [tilespmem:s15+$0xA4F0]  }
0x83: {  	v31 =	vld [tilespmem:s15+$0xA510]  }
0x84: {  	[tilespmem:$0x1FE90] =	vst v0;
	v0 =	vld [tilespmem:s15+$0xA6A0]  }
0x85: {  	v33 =	vld [tilespmem:s15+$0xA530]  }
0x86: {  	v34 =	vld [tilespmem:s15+$0xA550]  }
0x87: {  	v50 =	vld [tilespmem:s15+$0xA5D0]  }
0x88: {  	v48 =	vld [tilespmem:s15+$0xA650]  }
0x89: {  	[tilespmem:$0x1FEA0] =	vst v0;
	v0 =	vld [tilespmem:s15+$0xA6C0]  }
0x8a: {  	v51 =	vld [tilespmem:s15+$0xA670]  }
0x8b: {  	v45 =	vld [tilespmem:s15+$0xA690]  }
0x8c: {  	v49 =	vld [tilespmem:s15+$0xA6B0]  }
0x8d: {  	v43 =	vld [tilespmem:s15+$0xA6D0]  }
0x8e: {  	[tilespmem:$0x1FEB0] =	vst v0;
	v0 =	vld [tilespmem:s15+$0xA6E0]  }
0x8f: {  	v46 =	vld [tilespmem:s15+$0xA6F0]  }
0x90: {  	v40 =	vld [tilespmem:s15+$0xA710]  }
0x91: {  	v44 =	vld [tilespmem:s15+$0xA730]  }
0x92: {  	v38 =	vld [tilespmem:s15+$0xA750]  }
0x93: {  	[tilespmem:$0x1FEC0] =	vst v0;
	v0 =	vld [tilespmem:s15+$0xA700]  }
0x94: {  	v41 =	vld [tilespmem:s15+$0xA770]  }
0x95: {  	v36 =	vld [tilespmem:s15+$0xA790]  }
0x96: {  	v39 =	vld [tilespmem:s15+$0xA7B0]  }
0x97: {  	v21 =	vld [tilespmem:s15+$0xA7D0]  }
0x98: {  	[tilespmem:$0x1FED0] =	vst v0;
	v0 =	vld [tilespmem:s15+$0xA720]  }
0x99: {  	v18 =	vld [tilespmem:s15+$0xA7F0]  }
0x9a: {  	v22 =	vld [tilespmem:s15+$0x0]  }
0x9b: {  	v14 =	vld [tilespmem:s15+$0x7F0]  }
0x9c: {  	v12 =	vld [tilespmem:s15+$0x7D0]  }
0x9d: {  	[tilespmem:$0x1FEE0] =	vst v0;
	v0 =	vld [tilespmem:s15+$0xA740]  }
0x9e: {  	v16 =	vld [tilespmem:s15+$0x7B0]  }
0x9f: {  	v13 =	vld [tilespmem:s15+$0x790]  }
0xa0: {  	v19 =	vld [tilespmem:s15+$0x770]  }
0xa1: {  	v15 =	vld [tilespmem:s15+$0x750]  }
0xa2: {  	[tilespmem:$0x1FEF0] =	vst v0;
	v0 =	vld [tilespmem:s15+$0xA760]  }
0xa3: {  	v23 =	vld [tilespmem:s15+$0x730]  }
0xa4: {  	v17 =	vld [tilespmem:s15+$0x710]  }
0xa5: {  	v25 =	vld [tilespmem:s15+$0x6F0]  }
0xa6: {  	v20 =	vld [tilespmem:s15+$0x6D0]  }
0xa7: {  	[tilespmem:$0x1FF00] =	vst v0;
	v0 =	vld [tilespmem:s15+$0xA780]  }
0xa8: {  	v27 =	vld [tilespmem:s15+$0x6B0]  }
0xa9: {  	v24 =	vld [tilespmem:s15+$0x690]  }
0xaa: {  	v29 =	vld [tilespmem:s15+$0x670]  }
0xab: {  	v26 =	vld [tilespmem:s15+$0x650]  }
0xac: {  	[tilespmem:$0x1FF10] =	vst v0;
	v0 =	vld [tilespmem:s15+$0xA7A0]  }
0xad: {  	v32 =	vld [tilespmem:s15+$0x5F0]  }
0xae: {  	v28 =	vld [tilespmem:s15+$0x5D0]  }
0xaf: {  	v47 =	vld [tilespmem:s15+$0x5B0];
	v37 =	vadd.f32 v36, v13;
	v36 =	vadd.f32 v39, v16  }
0xb0: {  	v39 =	vadd.f32 v38, v15;
	v38 =	vadd.f32 v41, v19;
	v19 =	vld [tilespmem:$0x1FF60]  }
0xb1: {  	v41 =	vadd.f32 v40, v17;
	v40 =	vadd.f32 v44, v23;
	[tilespmem:$0x1FF20] =	vst v0;
	v0 =	vld [tilespmem:s15+$0xA7C0]  }
0xb2: {  	v30 =	vld [tilespmem:s15+$0x590];
	v44 =	vadd.f32 v43, v20;
	v43 =	vadd.f32 v46, v25  }
0xb3: {  	v42 =	vld [tilespmem:s15+$0x550];
	v46 =	vadd.f32 v45, v24;
	v45 =	vadd.f32 v49, v27  }
0xb4: {  	v63 =	vld [tilespmem:s15+$0x4F0];
	v49 =	vadd.f32 v48, v26;
	v48 =	vadd.f32 v51, v29  }
0xb5: {  	v51 =	vadd.f32 v50, v28;
	v50 =	vadd.f32 v19, v32;
	v19 =	vld [tilespmem:$0x1FF70]  }
0xb6: {  	[tilespmem:$0x1FF30] =	vst v0;
	v0 =	vld [tilespmem:s15+$0xA7E0]  }
0xb7: {  	v1 =	vld [tilespmem:s15+$0x4B0]  }
0xb8: {  	v2 =	vld [tilespmem:s15+$0x490]  }
0xb9: {  	v3 =	vld [tilespmem:s15+$0x470]  }
0xba: {  	v4 =	vld [tilespmem:s15+$0x450];
	v19 =	vadd.f32 v19, v30  }
0xbb: {  	[tilespmem:$0x1FF40] =	vst v0;
	v0 =	vld [tilespmem:s15+$0x570]  }
0xbc: {  	[tilespmem:$0x1FF80] =	vst v19;
	v19 =	vld [tilespmem:$0x1FF90]  }
0xbd: {  	v5 =	vld [tilespmem:s15+$0x3F0]  }
0xbe: {  	v6 =	vld [tilespmem:s15+$0x3D0]  }
0xbf: {  	v7 =	vld [tilespmem:s15+$0x3B0]  }
0xc0: {  	[tilespmem:$0x1FFC0] =	vst v0;
	v0 =	vld [tilespmem:s15+$0x530]  }
0xc1: {  	v8 =	vld [tilespmem:s15+$0x390];
	v32 =	vadd.f32 v19, v47;
	v19 =	vadd.f32 v34, v42  }
0xc2: {  	v9 =	vld [tilespmem:s15+$0x370]  }
0xc3: {  	[tilespmem:$0x1FFA0] =	vst v19;
	v19 =	vld [tilespmem:$0x1FFB0]  }
0xc4: {  	v23 =	vld [tilespmem:$0x1FFC0]  }
0xc5: {  	[tilespmem:$0x1FFF0] =	vst v0;
	v0 =	vld [tilespmem:s15+$0x510]  }
0xc6: {  	v10 =	vld [tilespmem:s15+$0x350]  }
0xc7: {  	v22 =	vadd.f32 v11, v22;
	v11 =	vld [tilespmem:s15+$0x330]  }
0xc8: {  	v13 =	vld [tilespmem:s15+$0x2F0]  }
0xc9: {  	v35 =	vadd.f32 v18, v14;
	v14 =	vld [tilespmem:s15+$0x2D0];
	v19 =	vadd.f32 v19, v23  }
0xca: {  	v15 =	vld [tilespmem:s15+$0x2B0];
	[tilespmem:$0x1FFE0] =	vst v0  }
0xcb: {  	[tilespmem:$0x1FFD0] =	vst v19;
	v19 =	vld [tilespmem:$0x1FFE0]  }
0xcc: {  	v16 =	vld [tilespmem:s15+$0x290]  }
0xcd: {  	v17 =	vld [tilespmem:s15+$0x270]  }
0xce: {  	v18 =	vld [tilespmem:s15+$0x250]  }
0xcf: {  	v20 =	vld [tilespmem:s15+$0x1F0]  }
0xd0: {  	v47 =	vadd.f32 v31, v19;
	v19 =	vld [tilespmem:$0x1FFF0]  }
0xd1: {  	s17 =	simm.s32 $0x0;
	v12 =	vadd.f32 v21, v12;
	v21 =	vld [tilespmem:s15+$0x1D0]  }
0xd2: {  	v24 =	vld [tilespmem:s17+$0x14180]  }
0xd3: {  	[tilespmem:$0x1FF50] =	vst v12;
	v12 =	vld [tilespmem:s15+$0x310]  }
0xd4: {  	v23 =	vld [tilespmem:s15+$0x1B0]  }
0xd5: {  	s16 =	simm.s32 $0x1;
	v0 =	vld [tilespmem:s15+$0x4D0];
	v42 =	vadd.f32 v33, v19  }
.LBB2_2:
0xd6: {  	[tilespmem:$0x1F860] =	vst v44;
	v44 =	vld [tilespmem:$0x1FC10];
	_ =	sdelay $0x3  }
0xd7: {  	v26 =	vadd.f32 v61, v2;
	v2 =	vadd.f32 v58, v1;
	v1 =	vld [tilespmem:s15+$0x170]  }
0xd8: {  	v12 =	vadd.f32 v44, v12;
	v44 =	vld [tilespmem:$0x1FAD0];
	_ =	sdelay $0x3  }
0xd9: {  	v25 =	vld [tilespmem:s15+$0x190]  }
0xda: {  	[tilespmem:$0x1F8C0] =	vst v37;
	v37 =	vadd.f32 v44, v1;
	v1 =	vld [tilespmem:$0x1FAF0];
	_ =	sdelay $0x1  }
0xdb: {  	v27 =	vld [tilespmem:$0x1FD60]  }
0xdc: {  	v28 =	vld [tilespmem:$0x1FCD0]  }
0xdd: {  	[tilespmem:$0x1F8E0] =	vst v35;
	v35 =	vld [tilespmem:s15+$0x130]  }
0xde: {  	v25 =	vadd.f32 v1, v25;
	v1 =	vld [tilespmem:$0x1FA90];
	_ =	sdelay $0x2  }
0xdf: {  	v29 =	vld [tilespmem:$0x1FC90]  }
0xe0: {  	v3 =	vadd.f32 v27, v3;
	v27 =	vld [tilespmem:s15+$0x150]  }
0xe1: {  	v6 =	vadd.f32 v28, v6;
	v28 =	vadd.f32 v1, v35;
	v1 =	vld [tilespmem:$0x1FAB0];
	_ =	sdelay $0x2  }
0xe2: {  	v19 =	vld [tilespmem:s17+$0x14000]  }
0xe3: {  	v8 =	vadd.f32 v29, v8;
	v29 =	vld [tilespmem:s15+$0xF0]  }
0xe4: {  	v27 =	vadd.f32 v1, v27;
	v1 =	vld [tilespmem:$0x1FA50];
	_ =	sdelay $0x3  }
0xe5: {  	v19 =	vadd.f32 v24, v19;
	v24 =	vld [tilespmem:s15+$0x110]  }
0xe6: {  	v29 =	vadd.f32 v1, v29;
	v1 =	vld [tilespmem:$0x1FA70];
	_ =	sdelay $0x2  }
0xe7: {  	v30 =	vld [tilespmem:$0x1FC30]  }
0xe8: {  	[tilespmem:$0x1F840] =	vst v48;
	v48 =	vld [tilespmem:s15+$0xB0]  }
0xe9: {  	v24 =	vadd.f32 v1, v24;
	v1 =	vld [tilespmem:$0x1FA10];
	_ =	sdelay $0x1  }
0xea: {  	v34 =	vld [tilespmem:$0x1FCF0]  }
0xeb: {  	v11 =	vadd.f32 v30, v11;
	v30 =	vld [tilespmem:s15+$0xD0];
	v19 =	vmax.f32 v19, $1.000000000e+00  }
0xec: {  	(erf) = vrcp.f32 v19;
	v19 =	vld [tilespmem:$0x1FB80]  }
0xed: {  	v33 =	vadd.f32 v1, v48;
	v1 =	vld [tilespmem:$0x1FA30]  }
0xee: {  	v31 =	vld [tilespmem:$0x1FBF0]  }
0xef: {  	[tilespmem:$0x1F890] =	vst v40;
	v40 =	vld [tilespmem:$0x1FCB0]  }
0xf0: {  	[tilespmem:$0x1F830] =	vst v32;
	v32 =	vadd.f32 v62, v0;
	v0 =	vadd.f32 v60, v63;
	v60 =	vld [tilespmem:s15+$0x70]  }
0xf1: {  	v17 =	vadd.f32 v19, v17;
	v19 =	vld [tilespmem:$0x1FB90]  }
0xf2: {  	v30 =	vadd.f32 v1, v30;
	v1 =	vld [tilespmem:$0x1F9D0]  }
0xf3: {  	[tilespmem:$0x1F870] =	vst v43;
	v43 =	vld [tilespmem:$0x1FC50]  }
0xf4: {  	v58 =	vld [tilespmem:$0x1FBD0]  }
0xf5: {  	v4 =	vadd.f32 v59, v4;
	v59 =	vld [tilespmem:s15+$0x90]  }
0xf6: {  	v16 =	vadd.f32 v19, v16;
	v19 =	vld [tilespmem:$0x1FB50]  }
0xf7: {  	[tilespmem:$0x1F8A0] =	vst v39;
	v39 =	vadd.f32 v1, v60;
	v1 =	vld [tilespmem:$0x1F9F0]  }
0xf8: {  	v61 =	vld [tilespmem:$0x1FB10]  }
0xf9: {  	v63 =	vld [tilespmem:s15+$0x30]  }
0xfa: {  	v5 =	vadd.f32 v34, v5;
	v34 =	vld [tilespmem:s15+$0x20]  }
0xfb: {  	v19 =	vadd.f32 v19, v20;
	v20 =	vld [tilespmem:$0x1FB70]  }
0xfc: {  	v7 =	vadd.f32 v40, v7;
	v40 =	vadd.f32 v1, v59;
	v1 =	vld [tilespmem:$0x1F990]  }
0xfd: {  	v13 =	vadd.f32 v31, v13;
	v31 =	vld [tilespmem:s15+$0x40]  }
0xfe: {  	v14 =	vadd.f32 v58, v14;
	v58 =	vld [tilespmem:s15+$0x10]  }
0xff: {  	v60 =	vld [tilespmem:$0x1F980]  }
0x100: {  	v18 =	vadd.f32 v20, v18;
	v20 =	vld [tilespmem:s15+$0x50]  }
0x101: {  	[tilespmem:$0x1F8B0] =	vst v38;
	v38 =	vadd.f32 v1, v63;
	v1 =	vld [tilespmem:$0x1F9B0]  }
0x102: {  	v59 =	vld [tilespmem:$0x1F970]  }
0x103: {  	v35 =	vld [tilespmem:s15+$0x60]  }
0x104: {  	v34 =	vadd.f32 v60, v34;
	v60 =	vld [tilespmem:$0x1F9C0]  }
0x105: {  	v23 =	vadd.f32 v61, v23;
	v61 =	vld [tilespmem:$0x1F9A0]  }
0x106: {  	[tilespmem:$0x1F850] =	vst v45;
	v45 =	vld [tilespmem:$0x1FBB0];
	v20 =	vadd.f32 v1, v20;
	v1 =	vpop (erf)  }
0x107: {  	[tilespmem:$0x1F8D0] =	vst v36;
	v10 =	vadd.f32 v43, v10;
	v36 =	vadd.f32 v59, v58;
	v43 =	vbroadcast v1, $0x0;
	_ =	sdelay $0x1  }
0x108: {  	v35 =	vadd.f32 v60, v35;
	v22 =	vmul.f32 v43, v22;
	v36 =	vmul.f32 v36, v43  }
0x109: {  	v31 =	vadd.f32 v61, v31;
	v34 =	vmul.f32 v34, v43;
	v38 =	vmul.f32 v38, v43  }
0x10a: {  	v15 =	vadd.f32 v45, v15;
	v45 =	vld [tilespmem:s15+$0xA0];
	v20 =	vmul.f32 v20, v43;
	v35 =	vmul.f32 v35, v43;
	[tilespmem:s15+$0x0] =	vst v22  }
0x10b: {  	v22 =	vmul.f32 v31, v43;
	[tilespmem:s15+$0x10] =	vst v36;
	v36 =	vmul.f32 v39, v43;
	v43 =	vld [tilespmem:$0x1FA00]  }
0x10c: {  	[tilespmem:$0x1F880] =	vst v41;
	v41 =	vld [tilespmem:$0x1FC70];
	_ =	sdelay $0x1  }
0x10d: {  	v62 =	vld [tilespmem:$0x1FB30]  }
0x10e: {  	v63 =	vmov v46;
	v46 =	vld [tilespmem:s15+$0xC0]  }
0x10f: {  	v39 =	vadd.f32 v43, v45;
	v45 =	vld [tilespmem:$0x1FA20]  }
0x110: {  	v9 =	vadd.f32 v41, v9;
	v41 =	vld [tilespmem:s15+$0x80]  }
0x111: {  	v59 =	vld [tilespmem:$0x1F9E0]  }
0x112: {  	v61 =	vmov v50;
	v50 =	vld [tilespmem:s15+$0xE0];
	v44 =	vbroadcast v1, $0x1  }
0x113: {  	v60 =	vmov v51;
	v51 =	vld [tilespmem:s15+$0x100]  }
0x114: {  	[tilespmem:s15+$0x20] =	vst v34;
	v34 =	vmul.f32 v40, v44;
	v40 =	vadd.f32 v45, v46;
	v46 =	vld [tilespmem:$0x1FA40]  }
0x115: {  	v58 =	vld [tilespmem:$0x1FA60]  }
0x116: {  	v31 =	vadd.f32 v59, v41;
	v41 =	vld [tilespmem:s15+$0x120]  }
0x117: {  	v59 =	vld [tilespmem:$0x1FA80]  }
0x118: {  	v33 =	vmul.f32 v33, v44;
	v43 =	vld [tilespmem:s15+$0x140]  }
0x119: {  	v30 =	vmul.f32 v30, v44;
	[tilespmem:s15+$0x30] =	vst v38;
	v38 =	vmul.f32 v39, v44;
	v45 =	vld [tilespmem:s15+$0x160];
	v39 =	vadd.f32 v46, v50  }
0x11a: {  	v29 =	vmul.f32 v29, v44;
	[tilespmem:s15+$0x40] =	vst v22;
	v22 =	vmul.f32 v40, v44;
	v40 =	vadd.f32 v58, v51;
	v51 =	vld [tilespmem:$0x1FAC0]  }
0x11b: {  	[tilespmem:s15+$0x50] =	vst v20;
	v31 =	vmul.f32 v31, v44;
	v20 =	vmul.f32 v39, v44;
	v44 =	vld [tilespmem:$0x1FAA0]  }
0x11c: {  	[tilespmem:s15+$0xF0] =	vst v29;
	v29 =	vld [tilespmem:s15+$0x300]  }
0x11d: {  	v48 =	vbroadcast v1, $0x2;
	v58 =	vld [tilespmem:$0x1FAE0];
	v39 =	vadd.f32 v59, v41  }
0x11e: {  	v46 =	vld [tilespmem:s15+$0x180]  }
0x11f: {  	v24 =	vmul.f32 v24, v48;
	[tilespmem:s15+$0x70] =	vst v36;
	v50 =	vld [tilespmem:s15+$0x1A0];
	v36 =	vmul.f32 v39, v48;
	v39 =	vadd.f32 v51, v45  }
0x120: {  	v28 =	vmul.f32 v28, v48;
	[tilespmem:s15+$0x60] =	vst v35;
	v35 =	vmul.f32 v40, v48;
	v41 =	vld [tilespmem:s15+$0x1C0];
	v40 =	vadd.f32 v44, v43  }
0x121: {  	v27 =	vmul.f32 v27, v48;
	[tilespmem:s15+$0x90] =	vst v34;
	v59 =	vld [tilespmem:s15+$0x210];
	v34 =	vmul.f32 v39, v48  }
0x122: {  	[tilespmem:s15+$0x80] =	vst v31;
	v39 =	vmul.f32 v37, v48;
	v31 =	vmul.f32 v40, v48;
	v48 =	vld [tilespmem:$0x1FB00]  }
0x123: {  	v51 =	vld [tilespmem:$0x1FB40]  }
0x124: {  	v43 =	vld [tilespmem:s15+$0x1E0]  }
0x125: {  	v44 =	vld [tilespmem:s15+$0x230]  }
0x126: {  	v40 =	vadd.f32 v58, v46;
	v46 =	vld [tilespmem:s15+$0x200]  }
0x127: {  	v21 =	vadd.f32 v62, v21;
	v62 =	vmovc v49;
	v49 =	vbroadcast v1, $0x3;
	v37 =	vadd.f32 v48, v50;
	v50 =	vld [tilespmem:$0x1FB20]  }
0x128: {  	v58 =	vld [tilespmem:$0x1FB60]  }
0x129: {  	[tilespmem:s15+$0xB0] =	vst v33;
	v48 =	vmul.f32 v40, v49;
	v40 =	vld [tilespmem:s15+$0x220]  }
0x12a: {  	[tilespmem:s15+$0xD0] =	vst v30;
	v33 =	vmul.f32 v37, v49;
	v37 =	vadd.f32 v51, v43;
	v43 =	vld [tilespmem:s15+$0x260]  }
0x12b: {  	[tilespmem:s15+$0x110] =	vst v24;
	v59 =	vadd.f32 v57, v59;
	v57 =	vld [tilespmem:s15+$0x280]  }
0x12c: {  	v30 =	vld [tilespmem:s15+$0x320];
	[tilespmem:s15+$0xA0] =	vst v38;
	v38 =	vadd.f32 v50, v41  }
0x12d: {  	[tilespmem:s15+$0xE0] =	vst v20;
	v20 =	vadd.f32 v54, v46;
	v41 =	vld [tilespmem:s15+$0x240]  }
0x12e: {  	[tilespmem:s15+$0xC0] =	vst v22;
	v46 =	vld [tilespmem:s15+$0x2A0];
	v22 =	vmul.f32 v38, v49;
	v38 =	vadd.f32 v58, v44;
	v44 =	vbroadcast v1, $0x4  }
0x12f: {  	v25 =	vmul.f32 v25, v49;
	[tilespmem:s15+$0x130] =	vst v28;
	v58 =	vadd.f32 v52, v40;
	v40 =	vld [tilespmem:s15+$0x2C0];
	v24 =	vadd.f32 v55, v43  }
0x130: {  	[tilespmem:s15+$0x100] =	vst v35;
	v55 =	vmul.f32 v18, v44;
	v18 =	vadd.f32 v56, v57;
	v57 =	vmul.f32 v17, v44;
	v17 =	vld [tilespmem:$0x1FBA0]  }
0x131: {  	v45 =	vbroadcast v1, $0x5;
	[tilespmem:s15+$0x120] =	vst v36;
	v56 =	vmul.f32 v24, v44;
	v24 =	vld [tilespmem:s15+$0x340]  }
0x132: {  	v23 =	vmul.f32 v23, v49;
	v52 =	vmul.f32 v59, v44;
	v59 =	vadd.f32 v53, v41;
	v41 =	vld [tilespmem:s15+$0x2E0];
	[tilespmem:s15+$0x140] =	vst v31  }
0x133: {  	v50 =	vmul.f32 v37, v49;
	v37 =	vmul.f32 v15, v45;
	v15 =	vld [tilespmem:$0x1FBE0]  }
0x134: {  	v21 =	vmul.f32 v21, v49;
	v19 =	vmul.f32 v19, v49  }
0x135: {  	v53 =	vmul.f32 v58, v44;
	v58 =	vmul.f32 v16, v45;
	v16 =	vld [tilespmem:$0x1FBC0]  }
0x136: {  	v49 =	vbroadcast v1, $0x6;
	v31 =	vmul.f32 v18, v45;
	v18 =	vld [tilespmem:s15+$0x360]  }
0x137: {  	v28 =	vld [tilespmem:s15+$0x3C0];
	v17 =	vadd.f32 v17, v46  }
0x138: {  	v43 =	vmul.f32 v10, v49;
	v10 =	vld [tilespmem:$0x1FC80];
	v15 =	vadd.f32 v15, v41  }
0x139: {  	v36 =	vmul.f32 v59, v44;
	v59 =	vmul.f32 v17, v45;
	v17 =	vld [tilespmem:s15+$0x380]  }
0x13a: {  	v16 =	vadd.f32 v16, v40;
	v40 =	vmul.f32 v15, v45;
	v15 =	vld [tilespmem:$0x1FC20]  }
0x13b: {  	v13 =	vmul.f32 v13, v45;
	v35 =	vmul.f32 v9, v49;
	v9 =	vld [tilespmem:$0x1FCA0]  }
0x13c: {  	v54 =	vmul.f32 v38, v44;
	v38 =	vmul.f32 v16, v45;
	v16 =	vld [tilespmem:s15+$0x3A0]  }
0x13d: {  	v41 =	vmul.f32 v14, v45;
	v45 =	vmul.f32 v11, v49;
	v11 =	vld [tilespmem:$0x1FC60]  }
0x13e: {  	v51 =	vbroadcast v1, $0x7;
	v10 =	vadd.f32 v10, v17;
	v17 =	vld [tilespmem:s15+$0x410]  }
0x13f: {  	[tilespmem:s15+$0x150] =	vst v27;
	v27 =	vadd.f32 v15, v30;
	v15 =	vmul.f32 v12, v49;
	v12 =	vld [tilespmem:$0x1FC40]  }
0x140: {  	v30 =	vmul.f32 v8, v51;
	v8 =	vld [tilespmem:$0x1FCC0]  }
0x141: {  	v9 =	vadd.f32 v9, v16;
	v16 =	vmul.f32 v5, v51;
	v5 =	vld [tilespmem:$0x1FD10]  }
0x142: {  	v14 =	vld [tilespmem:$0x1FC00];
	_ =	sdelay $0x1  }
0x143: {  	v20 =	vmul.f32 v20, v44;
	v12 =	vadd.f32 v12, v24;
	v24 =	vld [tilespmem:s15+$0x3E0]  }
0x144: {  	v8 =	vadd.f32 v8, v28;
	v28 =	vmul.f32 v7, v51;
	v7 =	vld [tilespmem:$0x1FCE0]  }
0x145: {  	[tilespmem:s15+$0x200] =	vst v20;
	v20 =	vbroadcast v1, $0x8;
	v11 =	vadd.f32 v11, v18;
	v18 =	vld [tilespmem:s15+$0x430];
	v5 =	vadd.f32 v5, v17  }
0x146: {  	[tilespmem:s15+$0x180] =	vst v48;
	v14 =	vadd.f32 v14, v29;
	v29 =	vmul.f32 v9, v51;
	v9 =	vld [tilespmem:s15+$0x440]  }
0x147: {  	[tilespmem:s15+$0x190] =	vst v25;
	v48 =	vbroadcast v1, $0x9;
	v25 =	vmul.f32 v5, v20;
	v5 =	vld [tilespmem:$0x1FD40]  }
0x148: {  	[tilespmem:s15+$0x170] =	vst v39;
	v39 =	vmul.f32 v11, v49;
	v11 =	vld [tilespmem:s15+$0x400]  }
0x149: {  	v2 =	vmul.f32 v2, v48;
	v7 =	vadd.f32 v7, v24;
	v24 =	vmul.f32 v6, v51;
	v6 =	vld [tilespmem:$0x1FD30]  }
0x14a: {  	v17 =	vld [tilespmem:$0x1FD00]  }
0x14b: {  	[tilespmem:$0x1F8F0] =	vst v2;
	v2 =	vld [tilespmem:$0x1FDA0]  }
0x14c: {  	[tilespmem:s15+$0x1A0] =	vst v33;
	v33 =	vmul.f32 v10, v51;
	v10 =	vld [tilespmem:s15+$0x420];
	v5 =	vadd.f32 v5, v9  }
0x14d: {  	[tilespmem:s15+$0x1C0] =	vst v22;
	v22 =	vmul.f32 v7, v51;
	v7 =	vld [tilespmem:s15+$0x480]  }
0x14e: {  	v0 =	vmul.f32 v0, v48;
	v6 =	vadd.f32 v6, v18;
	v18 =	vmul.f32 v5, v20;
	v5 =	vld [tilespmem:$0x1FD70]  }
0x14f: {  	v11 =	vadd.f32 v17, v11;
	v17 =	vld [tilespmem:$0x1FD20]  }
0x150: {  	[tilespmem:$0x1F900] =	vst v0;
	v0 =	vld [tilespmem:$0x1FDC0]  }
0x151: {  	v9 =	vld [tilespmem:s15+$0x4E0]  }
0x152: {  	v44 =	vmul.f32 v12, v49;
	v12 =	vmul.f32 v8, v51;
	v8 =	vld [tilespmem:s15+$0x460]  }
0x153: {  	v5 =	vadd.f32 v5, v7;
	v7 =	vld [tilespmem:s15+$0x520]  }
0x154: {  	v10 =	vadd.f32 v17, v10;
	v17 =	vmul.f32 v6, v20;
	v6 =	vld [tilespmem:$0x1FD50];
	_ =	sdelay $0x1  }
0x155: {  	v9 =	vadd.f32 v2, v9  }
0x156: {  	[tilespmem:s15+$0x1B0] =	vst v23;
	v23 =	vmul.f32 v10, v20;
	v10 =	vld [tilespmem:s15+$0x540]  }
0x157: {  	[tilespmem:s15+$0x160] =	vst v34;
	v34 =	vmul.f32 v9, v48;
	v9 =	vadd.f32 v0, v7;
	v0 =	vld [tilespmem:$0x1FDD0]  }
0x158: {  	v6 =	vadd.f32 v6, v8  }
0x159: {  	[tilespmem:s15+$0x1D0] =	vst v21;
	v21 =	vld [tilespmem:s15+$0x4A0]  }
0x15a: {  	[tilespmem:s15+$0x1F0] =	vst v19;
	v19 =	vmul.f32 v6, v20;
	v6 =	vld [tilespmem:$0x1FD80]  }
0x15b: {  	[tilespmem:s15+$0x260] =	vst v56;
	v56 =	vld [tilespmem:s15+$0x560]  }
0x15c: {  	v10 =	vadd.f32 v0, v10;
	v0 =	vld [tilespmem:$0x1FDE0];
	_ =	sdelay $0x2  }
0x15d: {  	[tilespmem:s15+$0x210] =	vst v52;
	v52 =	vld [tilespmem:s15+$0x4C0];
	v6 =	vadd.f32 v6, v21  }
0x15e: {  	v46 =	vmul.f32 v27, v49;
	v27 =	vmul.f32 v11, v20;
	v11 =	vld [tilespmem:$0x1FD90]  }
0x15f: {  	v21 =	vmul.f32 v6, v48;
	v6 =	vmul.f32 v32, v48;
	v32 =	vadd.f32 v0, v56;
	v0 =	vld [tilespmem:$0x1FFA0];
	_ =	sdelay $0x2  }
0x160: {  	v14 =	vmul.f32 v14, v49;
	v49 =	vbroadcast v1, $0xA  }
0x161: {  	v11 =	vadd.f32 v11, v52;
	v52 =	vld [tilespmem:s15+$0x580]  }
0x162: {  	[tilespmem:s15+$0x2B0] =	vst v37;
	v37 =	vmul.f32 v9, v49;
	v9 =	vmul.f32 v0, v49;
	v0 =	vld [tilespmem:$0x1FDF0];
	_ =	sdelay $0x4  }
0x163: {  	v52 =	vadd.f32 v0, v52;
	v0 =	vld [tilespmem:$0x1FFD0];
	_ =	sdelay $0x3  }
0x164: {  	[tilespmem:s15+$0x280] =	vst v31;
	v31 =	vmul.f32 v11, v48;
	v11 =	vld [tilespmem:s15+$0x5A0]  }
0x165: {  	[tilespmem:s15+$0x2C0] =	vst v38;
	v38 =	vmul.f32 v10, v49;
	v10 =	vmul.f32 v0, v49;
	v0 =	vld [tilespmem:$0x1FE00];
	_ =	sdelay $0x4  }
0x166: {  	[tilespmem:s15+$0x290] =	vst v58;
	v58 =	vadd.f32 v0, v11;
	v0 =	vld [tilespmem:$0x1FF80];
	_ =	sdelay $0x2  }
0x167: {  	[tilespmem:s15+$0x1E0] =	vst v50;
	v50 =	vbroadcast v1, $0xB  }
0x168: {  	[tilespmem:s15+$0x270] =	vst v57;
	v57 =	vld [tilespmem:s15+$0x5C0]  }
0x169: {  	v11 =	vmul.f32 v0, v50;
	v0 =	vld [tilespmem:$0x1FE10];
	_ =	sdelay $0x4  }
0x16a: {  	v57 =	vadd.f32 v0, v57;
	v0 =	vld [tilespmem:$0x1F830];
	_ =	sdelay $0x3  }
0x16b: {  	v7 =	vmul.f32 v47, v49;
	v47 =	vld [tilespmem:s15+$0x5E0]  }
0x16c: {  	[tilespmem:s15+$0x2F0] =	vst v13;
	v13 =	vmul.f32 v0, v50;
	v0 =	vld [tilespmem:$0x1FE20];
	_ =	sdelay $0x3  }
0x16d: {  	v56 =	vld [tilespmem:s15+$0x630]  }
0x16e: {  	v47 =	vadd.f32 v0, v47;
	v0 =	vld [tilespmem:$0x1FE60]  }
0x16f: {  	v2 =	vld [tilespmem:$0x1FDB0]  }
0x170: {  	v8 =	vld [tilespmem:s15+$0x500];
	_ =	sdelay $0x1  }
0x171: {  	[tilespmem:s15+$0x220] =	vst v53;
	v53 =	vld [tilespmem:s15+$0x610]  }
0x172: {  	v51 =	vadd.f32 v0, v56;
	v0 =	vld [tilespmem:$0x1FE40];
	_ =	sdelay $0x1  }
0x173: {  	v8 =	vadd.f32 v2, v8  }
0x174: {  	[tilespmem:s15+$0x240] =	vst v36  }
0x175: {  	[tilespmem:s15+$0x2A0] =	vst v59;
	v59 =	vld [tilespmem:s15+$0x600];
	v36 =	vmul.f32 v8, v49  }
0x176: {  	v8 =	vmul.f32 v42, v49;
	v42 =	vmul.f32 v47, v50;
	v47 =	vadd.f32 v0, v53;
	v0 =	vld [tilespmem:$0x1FE30];
	_ =	sdelay $0x2  }
0x177: {  	v4 =	vmul.f32 v4, v20;
	v3 =	vmul.f32 v3, v20  }
0x178: {  	v20 =	vmul.f32 v5, v48;
	v5 =	vmul.f32 v26, v48;
	v48 =	vld [tilespmem:s15+$0x620]  }
0x179: {  	[tilespmem:s15+$0x320] =	vst v46;
	v46 =	vadd.f32 v0, v59;
	v0 =	vld [tilespmem:$0x1FE50];
	_ =	sdelay $0x1  }
0x17a: {  	[tilespmem:s15+$0x250] =	vst v55;
	v55 =	vbroadcast v1, $0xC  }
0x17b: {  	[tilespmem:s15+$0x300] =	vst v14;
	v14 =	vmul.f32 v60, v50;
	v60 =	vbroadcast v1, $0xE  }
0x17c: {  	[tilespmem:s15+$0x2E0] =	vst v40;
	v26 =	vmul.f32 v52, v50;
	v52 =	vld [tilespmem:s15+$0x640];
	v40 =	vmul.f32 v58, v50  }
0x17d: {  	v59 =	vbroadcast v1, $0xD;
	v58 =	vadd.f32 v0, v48;
	v0 =	vbroadcast v1, $0xF;
	v1 =	vld [tilespmem:$0x1FE70];
	_ =	sdelay $0x3  }
0x17e: {  	[tilespmem:s15+$0x230] =	vst v54;
	v54 =	vld [tilespmem:s15+$0x660]  }
0x17f: {  	[tilespmem:s15+$0x2D0] =	vst v41;
	v41 =	vmul.f32 v57, v50;
	v57 =	vadd.f32 v1, v52;
	v1 =	vld [tilespmem:$0x1FE80];
	_ =	sdelay $0x3  }
0x180: {  	[tilespmem:s15+$0x310] =	vst v15;
	v15 =	vmul.f32 v61, v50;
	v50 =	vld [tilespmem:s15+$0x680]  }
0x181: {  	v32 =	vmul.f32 v32, v49;
	v49 =	vmul.f32 v58, v55;
	v58 =	vadd.f32 v1, v54;
	v1 =	vld [tilespmem:$0x1FE90];
	_ =	sdelay $0x4  }
0x182: {  	v53 =	vmul.f32 v57, v55;
	v57 =	vadd.f32 v1, v50;
	v1 =	vld [tilespmem:$0x1F840];
	_ =	sdelay $0x3  }
0x183: {  	v56 =	vld [tilespmem:s15+$0x6A0]  }
0x184: {  	[tilespmem:s15+$0x340] =	vst v44;
	v44 =	vmul.f32 v46, v55;
	v46 =	vmul.f32 v1, v55;
	v1 =	vld [tilespmem:$0x1FEA0];
	_ =	sdelay $0x3  }
0x185: {  	v48 =	vld [tilespmem:s15+$0x6C0]  }
0x186: {  	v54 =	vmul.f32 v58, v55;
	v58 =	vadd.f32 v1, v56;
	v1 =	vld [tilespmem:$0x1FEB0];
	_ =	sdelay $0x4  }
0x187: {  	v2 =	vmul.f32 v47, v55;
	v47 =	vmul.f32 v63, v59;
	v63 =	vadd.f32 v1, v48;
	v1 =	vld [tilespmem:$0x1F850];
	_ =	sdelay $0x3  }
0x188: {  	v52 =	vld [tilespmem:s15+$0x6E0]  }
0x189: {  	v48 =	vmul.f32 v1, v59;
	v1 =	vld [tilespmem:$0x1FEC0];
	_ =	sdelay $0x4  }
0x18a: {  	v52 =	vadd.f32 v1, v52;
	v1 =	vld [tilespmem:$0x1F860];
	_ =	sdelay $0x3  }
0x18b: {  	[tilespmem:s15+$0x350] =	vst v43;
	v43 =	vmul.f32 v51, v55;
	v51 =	vld [tilespmem:s15+$0x700]  }
0x18c: {  	v50 =	vmul.f32 v1, v59;
	v1 =	vld [tilespmem:$0x1FED0];
	_ =	sdelay $0x3  }
0x18d: {  	[tilespmem:s15+$0x330] =	vst v45;
	v45 =	vmul.f32 v62, v55  }
0x18e: {  	v55 =	vmul.f32 v57, v59;
	v57 =	vmul.f32 v63, v59;
	v63 =	vadd.f32 v1, v51;
	v1 =	vld [tilespmem:$0x1F870];
	_ =	sdelay $0x3  }
0x18f: {  	v61 =	vld [tilespmem:s15+$0x720]  }
0x190: {  	v51 =	vmul.f32 v1, v59;
	v1 =	vld [tilespmem:$0x1FEE0];
	_ =	sdelay $0x4  }
0x191: {  	v56 =	vmul.f32 v58, v59;
	v58 =	vmul.f32 v52, v59;
	v59 =	vadd.f32 v1, v61;
	v1 =	vld [tilespmem:$0x1F880];
	_ =	sdelay $0x1  }
0x192: {  	[tilespmem:s15+$0x370] =	vst v35  }
0x193: {  	[tilespmem:s15+$0x380] =	vst v33  }
0x194: {  	v62 =	vld [tilespmem:s15+$0x740];
	[tilespmem:s15+$0x390] =	vst v30  }
0x195: {  	[tilespmem:s15+$0x360] =	vst v39;
	v52 =	vmul.f32 v1, v60;
	v1 =	vld [tilespmem:$0x1FEF0]  }
0x196: {  	[tilespmem:s15+$0x3A0] =	vst v29  }
0x197: {  	v39 =	vld [tilespmem:s15+$0x760];
	[tilespmem:s15+$0x3B0] =	vst v28  }
0x198: {  	s31 =	sshll.u32 s16, $0xB;
	[tilespmem:s15+$0x3C0] =	vst v12;
	v61 =	vld [tilespmem:$0x1FF00]  }
0x199: {  	v12 =	vld [tilespmem:s31+$0xA000];
	[tilespmem:s15+$0x3D0] =	vst v24  }
0x19a: {  	v29 =	vadd.f32 v1, v62;
	v62 =	vld [tilespmem:s31+$0xA010]  }
0x19b: {  	v35 =	vld [tilespmem:s15+$0x780]  }
0x19c: {  	v24 =	vmul.f32 v59, v60;
	v59 =	vld [tilespmem:$0x1F890]  }
0x19d: {  	v39 =	vadd.f32 v61, v39;
	v61 =	vld [tilespmem:$0x1FF10]  }
0x19e: {  	[tilespmem:s15+$0x3E0] =	vst v22;
	v22 =	vld [tilespmem:$0x1F8A0]  }
0x19f: {  	[tilespmem:$0x1F970] =	vst v62;
	v62 =	vld [tilespmem:s31+$0xA020]  }
0x1a0: {  	[tilespmem:s15+$0x3F0] =	vst v16;
	v16 =	vld [tilespmem:$0x1F8B0];
	_ =	sdelay $0x2  }
0x1a1: {  	v33 =	vld [tilespmem:s15+$0x7A0];
	v63 =	vmul.f32 v63, v60;
	v59 =	vmul.f32 v59, v60  }
0x1a2: {  	v35 =	vadd.f32 v61, v35;
	v28 =	vmul.f32 v29, v60;
	v29 =	vmul.f32 v39, v60;
	v61 =	vld [tilespmem:s31+$0xA030]  }
0x1a3: {  	v22 =	vmul.f32 v22, v60;
	v60 =	vmul.f32 v16, v60;
	v16 =	vld [tilespmem:$0x1FF20]  }
0x1a4: {  	[tilespmem:$0x1F980] =	vst v62;
	v62 =	vld [tilespmem:$0x1F8C0];
	_ =	sdelay $0x2  }
0x1a5: {  	v30 =	vld [tilespmem:s15+$0x7C0]  }
0x1a6: {  	v39 =	vld [tilespmem:$0x1FF30];
	[tilespmem:s15+$0x400] =	vst v27;
	v16 =	vadd.f32 v16, v33  }
0x1a7: {  	[tilespmem:$0x1F990] =	vst v61;
	v61 =	vmul.f32 v62, v0;
	v62 =	vld [tilespmem:s31+$0xA040]  }
0x1a8: {  	[tilespmem:s15+$0x410] =	vst v25;
	v25 =	vmul.f32 v16, v0;
	v16 =	vld [tilespmem:$0x1F8D0];
	_ =	sdelay $0x3  }
0x1a9: {  	v1 =	vld [tilespmem:s15+$0x7E0]  }
0x1aa: {  	v30 =	vadd.f32 v39, v30;
	v39 =	vmul.f32 v16, v0;
	v16 =	vld [tilespmem:$0x1FF40];
	_ =	sdelay $0x4  }
0x1ab: {  	v1 =	vadd.f32 v16, v1;
	v16 =	vld [tilespmem:s31+$0xA050];
	_ =	sdelay $0x4  }
0x1ac: {  	[tilespmem:$0x1F9B0] =	vst v16;
	v16 =	vld [tilespmem:$0x1FF50];
	_ =	sdelay $0x3  }
0x1ad: {  	[tilespmem:s15+$0x420] =	vst v23  }
0x1ae: {  	v23 =	vmul.f32 v16, v0;
	v16 =	vld [tilespmem:s31+$0xA060]  }
0x1af: {  	[tilespmem:s15+$0x430] =	vst v17;
	v17 =	vmul.f32 v1, v0;
	v1 =	vld [tilespmem:$0x1F8E0];
	_ =	sdelay $0x3  }
0x1b0: {  	v27 =	vmul.f32 v35, v0  }
0x1b1: {  	v30 =	vmul.f32 v30, v0;
	[tilespmem:$0x1F9C0] =	vst v16;
	v16 =	vmul.f32 v1, v0;
	v0 =	vld [tilespmem:s31+$0xA070];
	_ =	sdelay $0x3  }
0x1b2: {  	[tilespmem:s15+$0x440] =	vst v18  }
0x1b3: {  	[tilespmem:$0x1F9D0] =	vst v0;
	v0 =	vld [tilespmem:s31+$0xA080];
	_ =	sdelay $0x3  }
0x1b4: {  	[tilespmem:s15+$0x450] =	vst v4  }
0x1b5: {  	[tilespmem:$0x1F9E0] =	vst v0;
	v0 =	vld [tilespmem:s31+$0xA090];
	_ =	sdelay $0x3  }
0x1b6: {  	[tilespmem:s15+$0x460] =	vst v19  }
0x1b7: {  	[tilespmem:$0x1F9F0] =	vst v0;
	v0 =	vld [tilespmem:s31+$0xA0A0];
	_ =	sdelay $0x3  }
0x1b8: {  	[tilespmem:s15+$0x470] =	vst v3  }
0x1b9: {  	[tilespmem:$0x1FA00] =	vst v0;
	v0 =	vld [tilespmem:s31+$0xA0B0];
	_ =	sdelay $0x3  }
0x1ba: {  	[tilespmem:s15+$0x480] =	vst v20  }
0x1bb: {  	[tilespmem:$0x1FA10] =	vst v0;
	v0 =	vld [tilespmem:s31+$0xA0C0];
	_ =	sdelay $0x3  }
0x1bc: {  	[tilespmem:s15+$0x490] =	vst v5  }
0x1bd: {  	[tilespmem:$0x1FA20] =	vst v0;
	v0 =	vld [tilespmem:s31+$0xA0D0];
	_ =	sdelay $0x3  }
0x1be: {  	[tilespmem:s15+$0x4A0] =	vst v21  }
0x1bf: {  	[tilespmem:$0x1FA30] =	vst v0;
	v0 =	vld [tilespmem:s31+$0xA0E0];
	_ =	sdelay $0x4  }
0x1c0: {  	[tilespmem:$0x1FA40] =	vst v0;
	v0 =	vld [tilespmem:$0x1F8F0];
	_ =	sdelay $0x4  }
0x1c1: {  	[tilespmem:s15+$0x4B0] =	vst v0  }
0x1c2: {  	v0 =	vld [tilespmem:s31+$0xA0F0];
	_ =	sdelay $0x3  }
0x1c3: {  	[tilespmem:s15+$0x4C0] =	vst v31  }
0x1c4: {  	[tilespmem:$0x1FA50] =	vst v0;
	v0 =	vld [tilespmem:s31+$0xA100];
	_ =	sdelay $0x3  }
0x1c5: {  	[tilespmem:s15+$0x4D0] =	vst v6  }
0x1c6: {  	[tilespmem:$0x1FA60] =	vst v0;
	v0 =	vld [tilespmem:s31+$0xA110];
	_ =	sdelay $0x3  }
0x1c7: {  	[tilespmem:s15+$0x4E0] =	vst v34  }
0x1c8: {  	[tilespmem:$0x1FA70] =	vst v0;
	v0 =	vld [tilespmem:s31+$0xA120];
	_ =	sdelay $0x4  }
0x1c9: {  	[tilespmem:$0x1FA80] =	vst v0;
	v0 =	vld [tilespmem:$0x1F900];
	_ =	sdelay $0x4  }
0x1ca: {  	[tilespmem:s15+$0x4F0] =	vst v0  }
0x1cb: {  	v0 =	vld [tilespmem:s31+$0xA130];
	_ =	sdelay $0x3  }
0x1cc: {  	[tilespmem:s15+$0x500] =	vst v36  }
0x1cd: {  	[tilespmem:$0x1FA90] =	vst v0;
	v0 =	vld [tilespmem:s31+$0xA140];
	_ =	sdelay $0x3  }
0x1ce: {  	[tilespmem:s15+$0x510] =	vst v7  }
0x1cf: {  	[tilespmem:$0x1FAA0] =	vst v0;
	v0 =	vld [tilespmem:s31+$0xA150];
	_ =	sdelay $0x3  }
0x1d0: {  	[tilespmem:s15+$0x520] =	vst v37  }
0x1d1: {  	[tilespmem:$0x1FAB0] =	vst v0;
	v0 =	vld [tilespmem:s31+$0xA160];
	_ =	sdelay $0x3  }
0x1d2: {  	[tilespmem:s15+$0x530] =	vst v8  }
0x1d3: {  	[tilespmem:$0x1FAC0] =	vst v0;
	v0 =	vld [tilespmem:s31+$0xA170];
	_ =	sdelay $0x3  }
0x1d4: {  	[tilespmem:s15+$0x540] =	vst v38  }
0x1d5: {  	[tilespmem:$0x1FAD0] =	vst v0;
	v0 =	vld [tilespmem:s31+$0xA180];
	_ =	sdelay $0x3  }
0x1d6: {  	[tilespmem:s15+$0x550] =	vst v9  }
0x1d7: {  	[tilespmem:$0x1FAE0] =	vst v0;
	v0 =	vld [tilespmem:s31+$0xA190];
	_ =	sdelay $0x3  }
0x1d8: {  	[tilespmem:s15+$0x560] =	vst v32  }
0x1d9: {  	[tilespmem:$0x1FAF0] =	vst v0;
	v0 =	vld [tilespmem:s31+$0xA1A0];
	_ =	sdelay $0x3  }
0x1da: {  	[tilespmem:s15+$0x570] =	vst v10  }
0x1db: {  	[tilespmem:$0x1FB00] =	vst v0;
	v0 =	vld [tilespmem:s31+$0xA1B0];
	_ =	sdelay $0x3  }
0x1dc: {  	[tilespmem:s15+$0x580] =	vst v26  }
0x1dd: {  	[tilespmem:$0x1FB10] =	vst v0;
	v0 =	vld [tilespmem:s31+$0xA1C0];
	_ =	sdelay $0x3  }
0x1de: {  	[tilespmem:s15+$0x590] =	vst v11  }
0x1df: {  	[tilespmem:$0x1FB20] =	vst v0;
	v0 =	vld [tilespmem:s31+$0xA1D0];
	_ =	sdelay $0x3  }
0x1e0: {  	[tilespmem:s15+$0x5A0] =	vst v40  }
0x1e1: {  	[tilespmem:$0x1FB30] =	vst v0;
	v0 =	vld [tilespmem:s31+$0xA1E0];
	_ =	sdelay $0x3  }
0x1e2: {  	[tilespmem:s15+$0x5B0] =	vst v13  }
0x1e3: {  	[tilespmem:$0x1FB40] =	vst v0;
	v0 =	vld [tilespmem:s31+$0xA1F0];
	_ =	sdelay $0x3  }
0x1e4: {  	[tilespmem:s15+$0x5C0] =	vst v41  }
0x1e5: {  	[tilespmem:$0x1FB50] =	vst v0;
	v0 =	vld [tilespmem:s31+$0xA200];
	_ =	sdelay $0x3  }
0x1e6: {  	[tilespmem:s15+$0x5D0] =	vst v14  }
0x1e7: {  	[tilespmem:$0x1F940] =	vst v0;
	v0 =	vld [tilespmem:s31+$0xA210];
	_ =	sdelay $0x3  }
0x1e8: {  	[tilespmem:s15+$0x5E0] =	vst v42  }
0x1e9: {  	[tilespmem:$0x1F950] =	vst v0;
	v0 =	vld [tilespmem:s31+$0xA220];
	_ =	sdelay $0x3  }
0x1ea: {  	[tilespmem:s15+$0x5F0] =	vst v15  }
0x1eb: {  	[tilespmem:$0x1F920] =	vst v0;
	v0 =	vld [tilespmem:s31+$0xA230];
	_ =	sdelay $0x3  }
0x1ec: {  	[tilespmem:s15+$0x600] =	vst v44  }
0x1ed: {  	[tilespmem:$0x1FB60] =	vst v0;
	v0 =	vld [tilespmem:s31+$0xA240];
	_ =	sdelay $0x3  }
0x1ee: {  	[tilespmem:s15+$0x610] =	vst v2  }
0x1ef: {  	[tilespmem:$0x1F910] =	vst v0;
	v0 =	vld [tilespmem:s31+$0xA250];
	_ =	sdelay $0x3  }
0x1f0: {  	[tilespmem:s15+$0x620] =	vst v49  }
0x1f1: {  	[tilespmem:$0x1FB70] =	vst v0;
	v0 =	vld [tilespmem:s31+$0xA260];
	_ =	sdelay $0x3  }
0x1f2: {  	[tilespmem:s15+$0x630] =	vst v43  }
0x1f3: {  	[tilespmem:$0x1F930] =	vst v0;
	v0 =	vld [tilespmem:s31+$0xA270];
	_ =	sdelay $0x3  }
0x1f4: {  	[tilespmem:s15+$0x640] =	vst v53  }
0x1f5: {  	[tilespmem:$0x1FB80] =	vst v0;
	v0 =	vld [tilespmem:s31+$0xA280];
	_ =	sdelay $0x3  }
0x1f6: {  	[tilespmem:s15+$0x650] =	vst v45  }
0x1f7: {  	[tilespmem:$0x1F960] =	vst v0;
	v0 =	vld [tilespmem:s31+$0xA290];
	_ =	sdelay $0x3  }
0x1f8: {  	[tilespmem:s15+$0x660] =	vst v54  }
0x1f9: {  	[tilespmem:$0x1FB90] =	vst v0;
	v0 =	vld [tilespmem:s31+$0xA2A0];
	_ =	sdelay $0x3  }
0x1fa: {  	[tilespmem:s15+$0x670] =	vst v46  }
0x1fb: {  	[tilespmem:$0x1FBA0] =	vst v0;
	v0 =	vld [tilespmem:s31+$0xA2B0];
	_ =	sdelay $0x3  }
0x1fc: {  	[tilespmem:s15+$0x680] =	vst v55  }
0x1fd: {  	[tilespmem:$0x1FBB0] =	vst v0;
	v0 =	vld [tilespmem:s31+$0xA2C0];
	_ =	sdelay $0x3  }
0x1fe: {  	[tilespmem:s15+$0x690] =	vst v47  }
0x1ff: {  	[tilespmem:$0x1FBC0] =	vst v0;
	v0 =	vld [tilespmem:s31+$0xA2D0];
	_ =	sdelay $0x3  }
0x200: {  	[tilespmem:s15+$0x6A0] =	vst v56  }
0x201: {  	[tilespmem:$0x1FBD0] =	vst v0;
	v0 =	vld [tilespmem:s31+$0xA2E0];
	_ =	sdelay $0x3  }
0x202: {  	[tilespmem:s15+$0x6B0] =	vst v48  }
0x203: {  	[tilespmem:$0x1FBE0] =	vst v0;
	v0 =	vld [tilespmem:s31+$0xA2F0];
	_ =	sdelay $0x3  }
0x204: {  	[tilespmem:s15+$0x6C0] =	vst v57  }
0x205: {  	[tilespmem:$0x1FBF0] =	vst v0;
	v0 =	vld [tilespmem:s31+$0xA300];
	_ =	sdelay $0x3  }
0x206: {  	[tilespmem:s15+$0x6D0] =	vst v50  }
0x207: {  	[tilespmem:$0x1FC00] =	vst v0;
	v0 =	vld [tilespmem:s31+$0xA310];
	_ =	sdelay $0x3  }
0x208: {  	[tilespmem:s15+$0x6E0] =	vst v58  }
0x209: {  	[tilespmem:$0x1FC10] =	vst v0;
	v0 =	vld [tilespmem:s31+$0xA320];
	_ =	sdelay $0x3  }
0x20a: {  	[tilespmem:s15+$0x6F0] =	vst v51  }
0x20b: {  	[tilespmem:$0x1FC20] =	vst v0;
	v0 =	vld [tilespmem:s31+$0xA330];
	_ =	sdelay $0x3  }
0x20c: {  	[tilespmem:s15+$0x700] =	vst v63  }
0x20d: {  	[tilespmem:$0x1FC30] =	vst v0;
	v0 =	vld [tilespmem:s31+$0xA340];
	_ =	sdelay $0x3  }
0x20e: {  	[tilespmem:s15+$0x710] =	vst v52  }
0x20f: {  	[tilespmem:$0x1FC40] =	vst v0;
	v0 =	vld [tilespmem:s31+$0xA350];
	_ =	sdelay $0x3  }
0x210: {  	[tilespmem:s15+$0x720] =	vst v24  }
0x211: {  	[tilespmem:$0x1FC50] =	vst v0;
	v0 =	vld [tilespmem:s31+$0xA360];
	_ =	sdelay $0x3  }
0x212: {  	[tilespmem:s15+$0x730] =	vst v59  }
0x213: {  	[tilespmem:$0x1FC60] =	vst v0;
	v0 =	vld [tilespmem:s31+$0xA370];
	_ =	sdelay $0x3  }
0x214: {  	[tilespmem:s15+$0x740] =	vst v28  }
0x215: {  	[tilespmem:$0x1FC70] =	vst v0;
	v0 =	vld [tilespmem:s31+$0xA380];
	_ =	sdelay $0x3  }
0x216: {  	[tilespmem:s15+$0x750] =	vst v22  }
0x217: {  	[tilespmem:$0x1FC80] =	vst v0;
	v0 =	vld [tilespmem:s31+$0xA390];
	_ =	sdelay $0x3  }
0x218: {  	[tilespmem:s15+$0x760] =	vst v29  }
0x219: {  	[tilespmem:$0x1FC90] =	vst v0;
	v0 =	vld [tilespmem:s31+$0xA3A0];
	_ =	sdelay $0x3  }
0x21a: {  	[tilespmem:s15+$0x770] =	vst v60  }
0x21b: {  	[tilespmem:$0x1FCA0] =	vst v0;
	v0 =	vld [tilespmem:s31+$0xA3B0];
	_ =	sdelay $0x3  }
0x21c: {  	[tilespmem:s15+$0x780] =	vst v27  }
0x21d: {  	[tilespmem:$0x1FCB0] =	vst v0;
	v0 =	vld [tilespmem:s31+$0xA3C0];
	_ =	sdelay $0x3  }
0x21e: {  	[tilespmem:s15+$0x790] =	vst v61  }
0x21f: {  	[tilespmem:$0x1FCC0] =	vst v0;
	v0 =	vld [tilespmem:s31+$0xA3D0];
	_ =	sdelay $0x3  }
0x220: {  	[tilespmem:s15+$0x7A0] =	vst v25  }
0x221: {  	[tilespmem:$0x1FCD0] =	vst v0;
	v0 =	vld [tilespmem:s31+$0xA3E0];
	_ =	sdelay $0x3  }
0x222: {  	[tilespmem:s15+$0x7B0] =	vst v39  }
0x223: {  	[tilespmem:$0x1FCE0] =	vst v0;
	v0 =	vld [tilespmem:s31+$0xA3F0];
	_ =	sdelay $0x3  }
0x224: {  	[tilespmem:s15+$0x7C0] =	vst v30  }
0x225: {  	[tilespmem:$0x1FCF0] =	vst v0;
	v0 =	vld [tilespmem:s31+$0xA400];
	_ =	sdelay $0x3  }
0x226: {  	[tilespmem:s15+$0x7D0] =	vst v23  }
0x227: {  	[tilespmem:$0x1FD00] =	vst v0;
	v0 =	vld [tilespmem:s31+$0xA410];
	_ =	sdelay $0x3  }
0x228: {  	[tilespmem:s15+$0x7E0] =	vst v17  }
0x229: {  	[tilespmem:$0x1FD10] =	vst v0;
	v0 =	vld [tilespmem:s31+$0xA420];
	_ =	sdelay $0x3  }
0x22a: {  	[tilespmem:s15+$0x7F0] =	vst v16;
	s15 =	smov.u32 s31  }
0x22b: {  	[tilespmem:$0x1FD20] =	vst v0;
	v0 =	vld [tilespmem:s15+$0xA430];
	_ =	sdelay $0x4  }
0x22c: {  	[tilespmem:$0x1FD30] =	vst v0;
	v0 =	vld [tilespmem:s15+$0xA440];
	_ =	sdelay $0x4  }
0x22d: {  	[tilespmem:$0x1FD40] =	vst v0;
	v0 =	vld [tilespmem:s15+$0xA460];
	_ =	sdelay $0x4  }
0x22e: {  	[tilespmem:$0x1FD50] =	vst v0;
	v0 =	vld [tilespmem:s15+$0xA470];
	_ =	sdelay $0x4  }
0x22f: {  	[tilespmem:$0x1FD60] =	vst v0;
	v0 =	vld [tilespmem:s15+$0xA480];
	_ =	sdelay $0x4  }
0x230: {  	[tilespmem:$0x1FD70] =	vst v0;
	v0 =	vld [tilespmem:s15+$0xA4A0];
	_ =	sdelay $0x4  }
0x231: {  	[tilespmem:$0x1FD80] =	vst v0;
	v0 =	vld [tilespmem:s15+$0xA4C0];
	_ =	sdelay $0x4  }
0x232: {  	[tilespmem:$0x1FD90] =	vst v0;
	v0 =	vld [tilespmem:s15+$0xA4E0];
	_ =	sdelay $0x4  }
0x233: {  	[tilespmem:$0x1FDA0] =	vst v0;
	v0 =	vld [tilespmem:s15+$0xA500];
	_ =	sdelay $0x4  }
0x234: {  	[tilespmem:$0x1FDB0] =	vst v0;
	v0 =	vld [tilespmem:s15+$0xA520];
	_ =	sdelay $0x4  }
0x235: {  	[tilespmem:$0x1FDC0] =	vst v0;
	v0 =	vld [tilespmem:s15+$0xA540];
	_ =	sdelay $0x4  }
0x236: {  	[tilespmem:$0x1FDD0] =	vst v0;
	v0 =	vld [tilespmem:s15+$0xA560];
	_ =	sdelay $0x4  }
0x237: {  	[tilespmem:$0x1FDE0] =	vst v0;
	v0 =	vld [tilespmem:s15+$0xA580];
	_ =	sdelay $0x4  }
0x238: {  	[tilespmem:$0x1FDF0] =	vst v0;
	v0 =	vld [tilespmem:s15+$0xA5A0];
	_ =	sdelay $0x4  }
0x239: {  	[tilespmem:$0x1FE00] =	vst v0;
	v0 =	vld [tilespmem:s15+$0xA5C0];
	_ =	sdelay $0x1  }
0x23a: {  	v59 =	vld [tilespmem:s15+$0xA450]  }
0x23b: {  	v61 =	vld [tilespmem:s15+$0xA490]  }
0x23c: {  	v58 =	vld [tilespmem:s15+$0xA4B0]  }
0x23d: {  	[tilespmem:$0x1FE10] =	vst v0;
	v0 =	vld [tilespmem:s15+$0xA5E0]  }
0x23e: {  	[tilespmem:$0x1F9A0] =	vst v62;
	v62 =	vld [tilespmem:s15+$0xA4D0]  }
0x23f: {  	v60 =	vld [tilespmem:s15+$0xA4F0]  }
0x240: {  	v42 =	vld [tilespmem:s15+$0xA510]  }
0x241: {  	v19 =	vld [tilespmem:s15+$0xA530]  }
0x242: {  	[tilespmem:$0x1FE20] =	vst v0;
	v0 =	vld [tilespmem:s15+$0xA600]  }
0x243: {  	v26 =	vld [tilespmem:s15+$0xA550]  }
0x244: {  	v47 =	vld [tilespmem:s15+$0xA570]  }
0x245: {  	v32 =	vld [tilespmem:s15+$0xA590]  }
0x246: {  	v23 =	vld [tilespmem:s15+$0xA5B0]  }
0x247: {  	[tilespmem:$0x1FE30] =	vst v0;
	v0 =	vld [tilespmem:s15+$0xA610]  }
0x248: {  	v21 =	vld [tilespmem:s15+$0xA5D0]  }
0x249: {  	v24 =	vld [tilespmem:s15+$0xA5F0]  }
0x24a: {  	v20 =	vld [tilespmem:s15+$0xA650]  }
0x24b: {  	v25 =	vld [tilespmem:s15+$0xA670]  }
0x24c: {  	[tilespmem:$0x1FE40] =	vst v0;
	v0 =	vld [tilespmem:s15+$0xA620]  }
0x24d: {  	v18 =	vld [tilespmem:s15+$0xA690]  }
0x24e: {  	v27 =	vld [tilespmem:s15+$0xA6B0]  }
0x24f: {  	v17 =	vld [tilespmem:s15+$0xA6D0]  }
0x250: {  	v28 =	vld [tilespmem:s15+$0xA6F0]  }
0x251: {  	[tilespmem:$0x1FE50] =	vst v0;
	v0 =	vld [tilespmem:s15+$0xA630]  }
0x252: {  	v16 =	vld [tilespmem:s15+$0xA710]  }
0x253: {  	v29 =	vld [tilespmem:s15+$0xA730]  }
0x254: {  	v15 =	vld [tilespmem:s15+$0xA750]  }
0x255: {  	v30 =	vld [tilespmem:s15+$0xA770]  }
0x256: {  	[tilespmem:$0x1FE60] =	vst v0;
	v0 =	vld [tilespmem:s15+$0xA640]  }
0x257: {  	v14 =	vld [tilespmem:s15+$0xA790]  }
0x258: {  	v31 =	vld [tilespmem:s15+$0xA7B0]  }
0x259: {  	v13 =	vld [tilespmem:s15+$0xA7D0]  }
0x25a: {  	v33 =	vld [tilespmem:s15+$0xA7F0]  }
0x25b: {  	[tilespmem:$0x1FE70] =	vst v0;
	v0 =	vld [tilespmem:s15+$0xA660]  }
0x25c: {  	v11 =	vld [tilespmem:s15+$0x0]  }
0x25d: {  	v34 =	vld [tilespmem:s15+$0x7F0]  }
0x25e: {  	v35 =	vld [tilespmem:s15+$0x7D0]  }
0x25f: {  	v36 =	vld [tilespmem:s15+$0x7B0]  }
0x260: {  	[tilespmem:$0x1FE80] =	vst v0;
	v0 =	vld [tilespmem:s15+$0xA680]  }
0x261: {  	v37 =	vld [tilespmem:s15+$0x790]  }
0x262: {  	v38 =	vld [tilespmem:s15+$0x770]  }
0x263: {  	v39 =	vld [tilespmem:s15+$0x750]  }
0x264: {  	v40 =	vld [tilespmem:s15+$0x730]  }
0x265: {  	[tilespmem:$0x1FE90] =	vst v0;
	v0 =	vld [tilespmem:s15+$0xA6A0]  }
0x266: {  	v41 =	vld [tilespmem:s15+$0x710]  }
0x267: {  	v43 =	vld [tilespmem:s15+$0x6F0]  }
0x268: {  	v44 =	vld [tilespmem:s15+$0x6D0]  }
0x269: {  	v45 =	vld [tilespmem:s15+$0x6B0]  }
0x26a: {  	[tilespmem:$0x1FEA0] =	vst v0;
	v0 =	vld [tilespmem:s15+$0xA6C0]  }
0x26b: {  	v46 =	vld [tilespmem:s15+$0x690]  }
0x26c: {  	v48 =	vld [tilespmem:s15+$0x670]  }
0x26d: {  	v49 =	vld [tilespmem:s15+$0x650]  }
0x26e: {  	v50 =	vld [tilespmem:s15+$0x5F0]  }
0x26f: {  	[tilespmem:$0x1FEB0] =	vst v0;
	v0 =	vld [tilespmem:s15+$0xA6E0]  }
0x270: {  	v51 =	vld [tilespmem:s15+$0x5D0]  }
0x271: {  	v52 =	vld [tilespmem:s15+$0x5B0]  }
0x272: {  	v53 =	vld [tilespmem:s15+$0x590]  }
0x273: {  	v54 =	vld [tilespmem:s15+$0x570]  }
0x274: {  	[tilespmem:$0x1FEC0] =	vst v0;
	v0 =	vld [tilespmem:s15+$0xA700]  }
0x275: {  	v55 =	vld [tilespmem:s15+$0x550]  }
0x276: {  	v56 =	vld [tilespmem:s15+$0x530]  }
0x277: {  	v57 =	vld [tilespmem:s15+$0x510]  }
0x278: {  	v63 =	vld [tilespmem:s15+$0x4F0]  }
0x279: {  	[tilespmem:$0x1FED0] =	vst v0;
	v0 =	vld [tilespmem:s15+$0xA720]  }
0x27a: {  	v1 =	vld [tilespmem:s15+$0x4B0]  }
0x27b: {  	v2 =	vld [tilespmem:s15+$0x490]  }
0x27c: {  	v3 =	vld [tilespmem:s15+$0x470]  }
0x27d: {  	v4 =	vld [tilespmem:s15+$0x450]  }
0x27e: {  	[tilespmem:$0x1FEE0] =	vst v0;
	v0 =	vld [tilespmem:s15+$0xA740]  }
0x27f: {  	v5 =	vld [tilespmem:s15+$0x3F0]  }
0x280: {  	v6 =	vld [tilespmem:s15+$0x3D0]  }
0x281: {  	v7 =	vld [tilespmem:s15+$0x3B0]  }
0x282: {  	v8 =	vld [tilespmem:s15+$0x390]  }
0x283: {  	[tilespmem:$0x1FEF0] =	vst v0;
	v0 =	vld [tilespmem:s15+$0xA760]  }
0x284: {  	v9 =	vld [tilespmem:s15+$0x370]  }
0x285: {  	v10 =	vld [tilespmem:s15+$0x350]  }
0x286: {  	v22 =	vadd.f32 v12, v11;
	v11 =	vld [tilespmem:s15+$0x330]  }
0x287: {  	v12 =	vld [tilespmem:s15+$0x310]  }
0x288: {  	[tilespmem:$0x1FF00] =	vst v0;
	v0 =	vld [tilespmem:s15+$0xA780]  }
0x289: {  	v37 =	vadd.f32 v14, v37;
	v14 =	vld [tilespmem:s15+$0x2D0]  }
0x28a: {  	v39 =	vadd.f32 v15, v39;
	v15 =	vld [tilespmem:s15+$0x2B0]  }
0x28b: {  	v41 =	vadd.f32 v16, v41;
	v16 =	vld [tilespmem:s15+$0x290]  }
0x28c: {  	v44 =	vadd.f32 v17, v44;
	v17 =	vld [tilespmem:s15+$0x270]  }
0x28d: {  	[tilespmem:$0x1FF10] =	vst v0;
	v0 =	vld [tilespmem:s15+$0xA7A0]  }
0x28e: {  	v46 =	vadd.f32 v18, v46;
	v18 =	vld [tilespmem:s15+$0x250]  }
0x28f: {  	v49 =	vadd.f32 v20, v49;
	v20 =	vld [tilespmem:s15+$0x1F0]  }
0x290: {  	v51 =	vadd.f32 v21, v51;
	v21 =	vld [tilespmem:s15+$0x1D0]  }
0x291: {  	v50 =	vadd.f32 v24, v50;
	v24 =	vadd.f32 v32, v53;
	v53 =	vld [tilespmem:$0x1F910]  }
0x292: {  	[tilespmem:$0x1FF20] =	vst v0;
	v0 =	vld [tilespmem:s15+$0xA7C0]  }
0x293: {  	v13 =	vadd.f32 v13, v35;
	v32 =	vadd.f32 v23, v52;
	v52 =	vld [tilespmem:$0x1F920]  }
0x294: {  	v23 =	vld [tilespmem:s15+$0x1B0]  }
0x295: {  	[tilespmem:$0x1FF50] =	vst v13;
	v13 =	vld [tilespmem:s15+$0x2F0]  }
0x296: {  	[tilespmem:$0x1FF80] =	vst v24;
	v24 =	vadd.f32 v26, v55;
	v55 =	vld [tilespmem:$0x1F930]  }
0x297: {  	p1 =	sne.s32 s16, $0x13;
	[tilespmem:$0x1FF30] =	vst v0;
	v0 =	vld [tilespmem:s15+$0xA7E0]  }
.Ltmp0:
0x298: {  	v35 =	vadd.f32 v33, v34;
	[tilespmem:$0x1FFA0] =	vst v24;
	v24 =	vadd.f32 v47, v54;
	v54 =	vld [tilespmem:$0x1F940];
	(pc) =	sbr.rel @p1 .LBB2_2-.Ltmp0, $4  }
0x299: {  	v36 =	vadd.f32 v31, v36;
	v47 =	vadd.f32 v42, v57;
	v57 =	vld [tilespmem:$0x1F950]  }
0x29a: {  	s17 =	sshll.u32 s16, $0x4;
	v38 =	vadd.f32 v30, v38;
	v42 =	vadd.f32 v19, v56;
	v56 =	vld [tilespmem:$0x1F960]  }
0x29b: {  	v40 =	vadd.f32 v29, v40;
	v43 =	vadd.f32 v28, v43;
	[tilespmem:$0x1FFD0] =	vst v24;
	v24 =	vld [tilespmem:s17+$0x14180]  }
0x29c: {  	s16 =	sadd.s32 $0x1, s16;
	v45 =	vadd.f32 v27, v45;
	v48 =	vadd.f32 v25, v48;
	[tilespmem:$0x1FF40] =	vst v0;
	v0 =	vld [tilespmem:s15+$0x4D0]  }
0x29d: {  	v19 =	vld [tilespmem:s17+$0x14000];
	_ =	sdelay $0x4  }
0x29e: {  	v19 =	vadd.f32 v24, v19;
	_ =	sdelay $0x1  }
0x29f: {  	v26 =	vld [tilespmem:$0x1F970];
	v19 =	vmax.f32 v19, $1.000000000e+00  }
0x2a0: {  	(erf) = vrcp.f32 v19;
	v19 =	vld [tilespmem:s15+$0x10];
	_ =	sdelay $0x3  }
0x2a1: {  	v27 =	vld [tilespmem:s15+$0x40]  }
0x2a2: {  	v19 =	vadd.f32 v26, v19;
	v26 =	vld [tilespmem:$0x1F9A0];
	_ =	sdelay $0x1  }
0x2a3: {  	v28 =	vld [tilespmem:s15+$0x50]  }
0x2a4: {  	v31 =	vld [tilespmem:$0x1F980]  }
0x2a5: {  	v24 =	vld [tilespmem:s15+$0x20]  }
0x2a6: {  	v27 =	vadd.f32 v26, v27;
	v26 =	vld [tilespmem:$0x1F9B0];
	_ =	sdelay $0x1  }
0x2a7: {  	v34 =	vpop (erf)  }
0x2a8: {  	v25 =	vld [tilespmem:s15+$0x30];
	v29 =	vbroadcast v34, $0x0  }
0x2a9: {  	v30 =	vld [tilespmem:s15+$0x60]  }
0x2aa: {  	v24 =	vadd.f32 v31, v24;
	v22 =	vmul.f32 v29, v22;
	v28 =	vadd.f32 v26, v28;
	v26 =	vld [tilespmem:$0x1F9C0]  }
0x2ab: {  	v33 =	vld [tilespmem:$0x1F990]  }
0x2ac: {  	[tilespmem:s15+$0x0] =	vst v22;
	v22 =	vmul.f32 v24, v29;
	v24 =	vld [tilespmem:s15+$0x90];
	_ =	sdelay $0x1  }
0x2ad: {  	v31 =	vld [tilespmem:s15+$0x70]  }
0x2ae: {  	v30 =	vadd.f32 v26, v30;
	v26 =	vld [tilespmem:$0x1F9D0]  }
0x2af: {  	v25 =	vadd.f32 v33, v25;
	v33 =	vld [tilespmem:s15+$0x80];
	v19 =	vmul.f32 v19, v29  }
0x2b0: {  	[tilespmem:$0x1F7E0] =	vst v24;
	v24 =	vmul.f32 v28, v29;
	v28 =	vld [tilespmem:$0x1F9E0]  }
0x2b1: {  	[tilespmem:s15+$0x10] =	vst v19;
	v19 =	vmul.f32 v25, v29  }
0x2b2: {  	[tilespmem:$0x1F820] =	vst v34  }
0x2b3: {  	[tilespmem:s15+$0x20] =	vst v22;
	v22 =	vmul.f32 v27, v29;
	v31 =	vadd.f32 v26, v31;
	v26 =	vld [tilespmem:s15+$0xC0]  }
0x2b4: {  	[tilespmem:s15+$0x30] =	vst v19  }
0x2b5: {  	v27 =	vld [tilespmem:s15+$0xB0];
	[tilespmem:s15+$0x40] =	vst v22;
	v19 =	vmovc v34;
	v34 =	vbroadcast v34, $0x1;
	v22 =	vmul.f32 v30, v29;
	v33 =	vadd.f32 v28, v33  }
0x2b6: {  	v28 =	vld [tilespmem:$0x1F7E0]  }
0x2b7: {  	[tilespmem:s15+$0x60] =	vst v22;
	v22 =	vmul.f32 v33, v34;
	v33 =	vld [tilespmem:$0x1FA10]  }
0x2b8: {  	[tilespmem:$0x1F7F0] =	vst v26;
	v26 =	vld [tilespmem:$0x1F9F0];
	_ =	sdelay $0x3  }
0x2b9: {  	v27 =	vadd.f32 v33, v27;
	v33 =	vld [tilespmem:$0x1F7F0]  }
0x2ba: {  	v28 =	vadd.f32 v26, v28;
	v26 =	vld [tilespmem:$0x1FA20]  }
0x2bb: {  	v29 =	vmul.f32 v31, v29;
	v31 =	vld [tilespmem:s15+$0xE0];
	_ =	sdelay $0x1  }
0x2bc: {  	v25 =	vld [tilespmem:s15+$0xA0]  }
0x2bd: {  	v30 =	vld [tilespmem:s15+$0xD0]  }
0x2be: {  	[tilespmem:s15+$0x50] =	vst v24;
	v24 =	vmul.f32 v28, v34;
	v28 =	vadd.f32 v26, v33;
	v33 =	vld [tilespmem:$0x1FA30]  }
0x2bf: {  	[tilespmem:$0x1F800] =	vst v31;
	v31 =	vld [tilespmem:$0x1FA00];
	_ =	sdelay $0x2  }
0x2c0: {  	v26 =	vld [tilespmem:$0x1FA40]  }
0x2c1: {  	v30 =	vadd.f32 v33, v30;
	v33 =	vld [tilespmem:$0x1F800]  }
0x2c2: {  	v25 =	vadd.f32 v31, v25;
	_ =	sdelay $0x1  }
0x2c3: {  	[tilespmem:s15+$0x80] =	vst v22;
	v22 =	vmul.f32 v25, v34  }
0x2c4: {  	[tilespmem:s15+$0x70] =	vst v29;
	v29 =	vld [tilespmem:s15+$0x100]  }
0x2c5: {  	v31 =	vld [tilespmem:s15+$0xF0];
	[tilespmem:s15+$0xA0] =	vst v22;
	v22 =	vmul.f32 v28, v34;
	v33 =	vadd.f32 v26, v33  }
0x2c6: {  	v26 =	vld [tilespmem:$0x1FA50]  }
0x2c7: {  	[tilespmem:s15+$0xC0] =	vst v22;
	v22 =	vmul.f32 v33, v34;
	v33 =	vld [tilespmem:s15+$0x150]  }
0x2c8: {  	v25 =	vld [tilespmem:s15+$0x110]  }
0x2c9: {  	[tilespmem:s15+$0x90] =	vst v24;
	v24 =	vmul.f32 v27, v34;
	v27 =	vld [tilespmem:s15+$0x120]  }
0x2ca: {  	v28 =	vld [tilespmem:s15+$0x130]  }
0x2cb: {  	v31 =	vadd.f32 v26, v31;
	v26 =	vld [tilespmem:$0x1FA60]  }
0x2cc: {  	[tilespmem:$0x1F810] =	vst v33;
	v33 =	vbroadcast v19, $0x2;
	v19 =	vld [tilespmem:$0x1FA70]  }
0x2cd: {  	[tilespmem:s15+$0xB0] =	vst v24;
	v24 =	vmul.f32 v30, v34;
	v31 =	vmul.f32 v31, v34;
	v34 =	vld [tilespmem:$0x1FA90]  }
0x2ce: {  	v30 =	vld [tilespmem:s15+$0x140]  }
0x2cf: {  	[tilespmem:s15+$0xE0] =	vst v22;
	v22 =	vld [tilespmem:$0x1FAA0]  }
0x2d0: {  	v29 =	vadd.f32 v26, v29;
	v26 =	vld [tilespmem:$0x1FAB0]  }
0x2d1: {  	v25 =	vadd.f32 v19, v25;
	v19 =	vld [tilespmem:$0x1FA80]  }
0x2d2: {  	v28 =	vadd.f32 v34, v28;
	v34 =	vld [tilespmem:$0x1F810]  }
0x2d3: {  	v1 =	vadd.f32 v58, v1;
	v58 =	vld [tilespmem:$0x1FD90]  }
0x2d4: {  	v2 =	vadd.f32 v61, v2;
	v61 =	vld [tilespmem:s15+$0x520]  }
0x2d5: {  	[tilespmem:s15+$0xD0] =	vst v24;
	v24 =	vld [tilespmem:s15+$0x160]  }
0x2d6: {  	v27 =	vadd.f32 v19, v27;
	v19 =	vmul.f32 v29, v33;
	v29 =	vld [tilespmem:s15+$0x170]  }
0x2d7: {  	v30 =	vadd.f32 v22, v30;
	v22 =	vadd.f32 v26, v34;
	v26 =	vld [tilespmem:$0x1FAC0]  }
0x2d8: {  	v25 =	vmul.f32 v25, v33;
	v34 =	vld [tilespmem:$0x1FAD0]  }
0x2d9: {  	v0 =	vadd.f32 v62, v0;
	v62 =	vld [tilespmem:$0x1FDA0];
	[tilespmem:s15+$0xF0] =	vst v31  }
0x2da: {  	v31 =	vld [tilespmem:s15+$0x180];
	[tilespmem:s15+$0x110] =	vst v25;
	v25 =	vmul.f32 v28, v33  }
0x2db: {  	v28 =	vld [tilespmem:s15+$0x1A0];
	[tilespmem:s15+$0x100] =	vst v19;
	v19 =	vmul.f32 v27, v33  }
0x2dc: {  	[tilespmem:s15+$0x130] =	vst v25;
	v24 =	vadd.f32 v26, v24;
	v26 =	vld [tilespmem:$0x1FAE0]  }
0x2dd: {  	v25 =	vld [tilespmem:s15+$0x1C0];
	[tilespmem:s15+$0x120] =	vst v19;
	v19 =	vmul.f32 v30, v33;
	v29 =	vadd.f32 v34, v29  }
0x2de: {  	v22 =	vmul.f32 v22, v33;
	v34 =	vld [tilespmem:$0x1F820]  }
0x2df: {  	[tilespmem:s15+$0x140] =	vst v19;
	v19 =	vmul.f32 v24, v33;
	v29 =	vmul.f32 v29, v33;
	v33 =	vld [tilespmem:$0x1FB10]  }
0x2e0: {  	v27 =	vld [tilespmem:s15+$0x190]  }
0x2e1: {  	v30 =	vadd.f32 v26, v31;
	v26 =	vld [tilespmem:$0x1FB00]  }
0x2e2: {  	[tilespmem:s15+$0x150] =	vst v22;
	v22 =	vld [tilespmem:s15+$0x1E0]  }
0x2e3: {  	v31 =	vld [tilespmem:$0x1FAF0]  }
0x2e4: {  	[tilespmem:s15+$0x170] =	vst v29;
	v29 =	vld [tilespmem:s15+$0x200];
	v24 =	vbroadcast v34, $0x3;
	v23 =	vadd.f32 v33, v23  }
0x2e5: {  	v33 =	vld [tilespmem:$0x1FB30]  }
0x2e6: {  	v23 =	vmul.f32 v23, v24;
	v28 =	vadd.f32 v26, v28;
	v26 =	vld [tilespmem:$0x1FB20]  }
0x2e7: {  	[tilespmem:s15+$0x160] =	vst v19;
	v19 =	vmul.f32 v30, v24;
	v30 =	vld [tilespmem:s15+$0x2C0]  }
0x2e8: {  	v27 =	vadd.f32 v31, v27;
	[tilespmem:s15+$0x1B0] =	vst v23;
	v23 =	vld [tilespmem:s15+$0x240]  }
0x2e9: {  	v31 =	vld [tilespmem:$0x1FB50]  }
0x2ea: {  	[tilespmem:s15+$0x180] =	vst v19;
	v27 =	vmul.f32 v27, v24;
	v19 =	vmul.f32 v28, v24;
	v28 =	vld [tilespmem:s15+$0x210]  }
0x2eb: {  	v21 =	vadd.f32 v33, v21;
	v25 =	vadd.f32 v26, v25;
	v26 =	vld [tilespmem:$0x1FB40]  }
0x2ec: {  	[tilespmem:s15+$0x190] =	vst v27;
	v27 =	vld [tilespmem:s15+$0x220]  }
0x2ed: {  	v21 =	vmul.f32 v21, v24;
	v23 =	vadd.f32 v53, v23;
	v53 =	vld [tilespmem:$0x1FB70]  }
0x2ee: {  	[tilespmem:s15+$0x1A0] =	vst v19;
	v19 =	vld [tilespmem:$0x1FD00]  }
0x2ef: {  	[tilespmem:s15+$0x1D0] =	vst v21;
	v21 =	vld [tilespmem:s15+$0x260]  }
0x2f0: {  	v33 =	vmul.f32 v25, v24;
	v25 =	vld [tilespmem:s15+$0x230];
	v22 =	vadd.f32 v26, v22  }
0x2f1: {  	v20 =	vadd.f32 v31, v20;
	v26 =	vld [tilespmem:$0x1FB60]  }
0x2f2: {  	[tilespmem:s15+$0x1C0] =	vst v33;
	v18 =	vadd.f32 v53, v18;
	v53 =	vld [tilespmem:s15+$0x2E0];
	v33 =	vmul.f32 v22, v24  }
0x2f3: {  	v29 =	vadd.f32 v54, v29;
	v20 =	vmul.f32 v20, v24;
	v22 =	vbroadcast v34, $0x4;
	v24 =	vld [tilespmem:$0x1FBC0]  }
0x2f4: {  	v27 =	vadd.f32 v52, v27;
	[tilespmem:s15+$0x1E0] =	vst v33;
	v33 =	vld [tilespmem:s15+$0x280]  }
0x2f5: {  	v54 =	vadd.f32 v57, v28;
	v57 =	vmul.f32 v29, v22;
	v29 =	vld [tilespmem:$0x1FB80]  }
0x2f6: {  	v52 =	vmul.f32 v27, v22;
	v27 =	vld [tilespmem:s15+$0x320]  }
0x2f7: {  	v28 =	vmul.f32 v23, v22;
	v23 =	vld [tilespmem:s15+$0x3A0]  }
0x2f8: {  	v25 =	vadd.f32 v26, v25;
	v26 =	vld [tilespmem:$0x1FBD0]  }
0x2f9: {  	[tilespmem:s15+$0x200] =	vst v57;
	v57 =	vld [tilespmem:s15+$0x2A0]  }
0x2fa: {  	[tilespmem:s15+$0x220] =	vst v52;
	v52 =	vld [tilespmem:$0x1FB90]  }
0x2fb: {  	[tilespmem:s15+$0x240] =	vst v28;
	v28 =	vld [tilespmem:$0x1FBE0]  }
0x2fc: {  	[tilespmem:s15+$0x1F0] =	vst v20;
	v31 =	vmul.f32 v54, v22;
	v54 =	vmul.f32 v25, v22;
	v20 =	vadd.f32 v24, v30;
	v30 =	vld [tilespmem:$0x1FBF0]  }
0x2fd: {  	v21 =	vadd.f32 v55, v21;
	v24 =	vld [tilespmem:$0x1FC60]  }
0x2fe: {  	[tilespmem:s15+$0x230] =	vst v54;
	v54 =	vld [tilespmem:$0x1FBA0]  }
0x2ff: {  	[tilespmem:s15+$0x210] =	vst v31;
	v31 =	vadd.f32 v56, v33;
	v33 =	vmul.f32 v21, v22;
	v21 =	vbroadcast v34, $0x5;
	v56 =	vld [tilespmem:$0x1FBB0]  }
0x300: {  	v14 =	vadd.f32 v26, v14;
	v26 =	vld [tilespmem:s15+$0x3C0]  }
0x301: {  	v18 =	vmul.f32 v18, v22;
	v55 =	vmul.f32 v31, v21;
	v31 =	vld [tilespmem:s15+$0x340]  }
0x302: {  	[tilespmem:s15+$0x260] =	vst v33;
	v33 =	vld [tilespmem:$0x1FC00]  }
0x303: {  	[tilespmem:s15+$0x250] =	vst v18;
	v18 =	vadd.f32 v28, v53;
	v53 =	vld [tilespmem:$0x1FC10]  }
0x304: {  	v17 =	vadd.f32 v29, v17;
	v29 =	vmul.f32 v20, v21;
	v13 =	vadd.f32 v30, v13;
	v30 =	vld [tilespmem:s15+$0x3E0]  }
0x305: {  	[tilespmem:s15+$0x280] =	vst v55;
	v55 =	vld [tilespmem:$0x1FC20]  }
0x306: {  	[tilespmem:s15+$0x2C0] =	vst v29;
	v29 =	vld [tilespmem:$0x1FC90]  }
0x307: {  	v17 =	vmul.f32 v17, v22;
	v22 =	vadd.f32 v54, v57;
	v57 =	vld [tilespmem:s15+$0x300]  }
0x308: {  	v16 =	vadd.f32 v52, v16;
	v18 =	vmul.f32 v18, v21;
	v54 =	vld [tilespmem:s15+$0x360]  }
0x309: {  	v14 =	vmul.f32 v14, v21;
	v15 =	vadd.f32 v56, v15;
	v56 =	vld [tilespmem:$0x1FC30]  }
0x30a: {  	v16 =	vmul.f32 v16, v21;
	v13 =	vmul.f32 v13, v21;
	[tilespmem:s15+$0x2E0] =	vst v18;
	v18 =	vld [tilespmem:s15+$0x440]  }
0x30b: {  	v25 =	vmul.f32 v22, v21;
	v15 =	vmul.f32 v15, v21;
	v21 =	vld [tilespmem:$0x1FC40]  }
0x30c: {  	v22 =	vld [tilespmem:$0x1FC50]  }
0x30d: {  	v12 =	vadd.f32 v53, v12;
	v53 =	vld [tilespmem:$0x1FCC0]  }
0x30e: {  	[tilespmem:s15+$0x2A0] =	vst v25;
	v25 =	vld [tilespmem:$0x1FC70]  }
0x30f: {  	[tilespmem:s15+$0x290] =	vst v16;
	v16 =	vadd.f32 v55, v27;
	v27 =	vld [tilespmem:$0x1FC80]  }
0x310: {  	v55 =	vld [tilespmem:$0x1FCD0]  }
0x311: {  	v4 =	vadd.f32 v59, v4;
	v20 =	vbroadcast v34, $0x8;
	v8 =	vadd.f32 v29, v8;
	v29 =	vld [tilespmem:s15+$0x4A0]  }
0x312: {  	[tilespmem:s15+$0x270] =	vst v17;
	v17 =	vadd.f32 v33, v57;
	v57 =	vld [tilespmem:s15+$0x380]  }
0x313: {  	v4 =	vmul.f32 v4, v20;
	v33 =	vld [tilespmem:$0x1FCB0]  }
0x314: {  	v52 =	vbroadcast v34, $0x6;
	[tilespmem:s15+$0x2D0] =	vst v14;
	v14 =	vadd.f32 v24, v54;
	v54 =	vld [tilespmem:s15+$0x410]  }
0x315: {  	[tilespmem:s15+$0x450] =	vst v4;
	v11 =	vadd.f32 v56, v11;
	v56 =	vld [tilespmem:s15+$0x420]  }
0x316: {  	v28 =	vbroadcast v34, $0x7;
	[tilespmem:s15+$0x2F0] =	vst v13;
	v12 =	vmul.f32 v12, v52;
	v24 =	vld [tilespmem:$0x1FD30]  }
0x317: {  	[tilespmem:s15+$0x2B0] =	vst v15;
	v16 =	vmul.f32 v16, v52;
	v15 =	vadd.f32 v21, v31;
	v31 =	vld [tilespmem:$0x1FCA0]  }
0x318: {  	[tilespmem:s15+$0x310] =	vst v12;
	v8 =	vmul.f32 v8, v28;
	v21 =	vld [tilespmem:$0x1FD10]  }
0x319: {  	v17 =	vmul.f32 v17, v52;
	v10 =	vadd.f32 v22, v10;
	v22 =	vld [tilespmem:s15+$0x460];
	[tilespmem:s15+$0x320] =	vst v16  }
0x31a: {  	v11 =	vmul.f32 v11, v52;
	[tilespmem:s15+$0x390] =	vst v8;
	v16 =	vld [tilespmem:s15+$0x430]  }
0x31b: {  	v14 =	vmul.f32 v14, v52;
	[tilespmem:s15+$0x300] =	vst v17;
	v17 =	vld [tilespmem:$0x1FCF0]  }
0x31c: {  	v15 =	vmul.f32 v15, v52;
	v9 =	vadd.f32 v25, v9;
	[tilespmem:s15+$0x330] =	vst v11;
	v11 =	vadd.f32 v53, v26;
	v26 =	vld [tilespmem:s15+$0x480]  }
0x31d: {  	v10 =	vmul.f32 v10, v52;
	[tilespmem:s15+$0x360] =	vst v14;
	v6 =	vadd.f32 v55, v6;
	v55 =	vld [tilespmem:$0x1FD80]  }
0x31e: {  	v14 =	vld [tilespmem:$0x1FDB0];
	[tilespmem:s15+$0x340] =	vst v15;
	v9 =	vmul.f32 v9, v52  }
0x31f: {  	v53 =	vbroadcast v34, $0x9;
	v13 =	vadd.f32 v27, v57;
	v57 =	vld [tilespmem:$0x1FCE0];
	[tilespmem:s15+$0x350] =	vst v10;
	v11 =	vmul.f32 v11, v28  }
0x320: {  	v27 =	vld [tilespmem:$0x1FD40];
	v6 =	vmul.f32 v6, v28;
	[tilespmem:s15+$0x370] =	vst v9  }
0x321: {  	v7 =	vadd.f32 v33, v7;
	v33 =	vld [tilespmem:s15+$0x4C0];
	v2 =	vmul.f32 v2, v53;
	[tilespmem:s15+$0x3C0] =	vst v11  }
0x322: {  	v52 =	vld [tilespmem:s15+$0x400];
	v1 =	vmul.f32 v1, v53;
	[tilespmem:s15+$0x3D0] =	vst v6  }
0x323: {  	v0 =	vmul.f32 v0, v53;
	v12 =	vadd.f32 v31, v23;
	v23 =	vld [tilespmem:$0x1FD20];
	[tilespmem:s15+$0x490] =	vst v2  }
0x324: {  	v13 =	vmul.f32 v13, v28;
	v31 =	vld [tilespmem:$0x1FD60];
	[tilespmem:s15+$0x4B0] =	vst v1  }
0x325: {  	v7 =	vmul.f32 v7, v28;
	[tilespmem:s15+$0x4D0] =	vst v0;
	v11 =	vld [tilespmem:s15+$0x680];
	v5 =	vadd.f32 v17, v5  }
0x326: {  	[tilespmem:s15+$0x380] =	vst v13;
	v12 =	vmul.f32 v12, v28;
	v13 =	vadd.f32 v21, v54;
	v54 =	vld [tilespmem:s15+$0x4E0]  }
0x327: {  	v15 =	vbroadcast v34, $0xA;
	[tilespmem:s15+$0x3B0] =	vst v7;
	v17 =	vld [tilespmem:$0x1FDC0];
	v5 =	vmul.f32 v5, v28  }
0x328: {  	v21 =	vld [tilespmem:s15+$0x5A0];
	v10 =	vadd.f32 v57, v30;
	[tilespmem:s15+$0x3A0] =	vst v12;
	v25 =	vmul.f32 v13, v20  }
0x329: {  	v7 =	vadd.f32 v27, v18;
	v30 =	vld [tilespmem:$0x1FD50];
	v9 =	vadd.f32 v19, v52;
	v19 =	vmul.f32 v47, v15;
	[tilespmem:s15+$0x3F0] =	vst v5  }
0x32a: {  	v57 =	vld [tilespmem:s15+$0x500];
	v10 =	vmul.f32 v10, v28;
	[tilespmem:s15+$0x410] =	vst v25  }
0x32b: {  	v18 =	vld [tilespmem:s15+$0x580];
	v27 =	vbroadcast v34, $0xB;
	v7 =	vmul.f32 v7, v20;
	[tilespmem:s15+$0x510] =	vst v19  }
0x32c: {  	v52 =	vld [tilespmem:$0x1FD70];
	v8 =	vadd.f32 v23, v56;
	v9 =	vmul.f32 v9, v20;
	[tilespmem:s15+$0x3E0] =	vst v10  }
0x32d: {  	v13 =	vld [tilespmem:s15+$0x540];
	v3 =	vadd.f32 v31, v3;
	v5 =	vadd.f32 v58, v33;
	v58 =	vmul.f32 v51, v27;
	[tilespmem:s15+$0x440] =	vst v7  }
0x32e: {  	v47 =	vld [tilespmem:$0x1FE10];
	v8 =	vmul.f32 v8, v20;
	[tilespmem:s15+$0x400] =	vst v9  }
0x32f: {  	v12 =	vadd.f32 v60, v63;
	v63 =	vld [tilespmem:$0x1FE50];
	v3 =	vmul.f32 v3, v20;
	[tilespmem:s15+$0x5D0] =	vst v58  }
0x330: {  	v23 =	vld [tilespmem:$0x1FDE0];
	v4 =	vadd.f32 v62, v54;
	v54 =	vmul.f32 v32, v27;
	[tilespmem:s15+$0x420] =	vst v8  }
0x331: {  	v25 =	vld [tilespmem:$0x1FFA0];
	v10 =	vadd.f32 v24, v16;
	v5 =	vmul.f32 v5, v53;
	[tilespmem:s15+$0x470] =	vst v3  }
0x332: {  	v33 =	vld [tilespmem:s15+$0x600];
	v6 =	vadd.f32 v30, v22;
	v22 =	vmul.f32 v42, v15;
	[tilespmem:s15+$0x5B0] =	vst v54  }
0x333: {  	v19 =	vld [tilespmem:$0x1FE90];
	v2 =	vadd.f32 v17, v61;
	v28 =	vmul.f32 v10, v20;
	[tilespmem:s15+$0x4C0] =	vst v5  }
0x334: {  	v51 =	vld [tilespmem:s15+$0x7C0];
	v4 =	vmul.f32 v4, v53;
	[tilespmem:s15+$0x530] =	vst v22  }
0x335: {  	v16 =	vld [tilespmem:s15+$0x560];
	v9 =	vadd.f32 v55, v29;
	v2 =	vmul.f32 v2, v15;
	[tilespmem:s15+$0x430] =	vst v28  }
0x336: {  	v24 =	vld [tilespmem:s15+$0x5C0];
	v8 =	vadd.f32 v52, v26;
	v6 =	vmul.f32 v6, v20;
	[tilespmem:s15+$0x4E0] =	vst v4  }
0x337: {  	v61 =	vld [tilespmem:$0x1FE40];
	v59 =	vmul.f32 v9, v53;
	[tilespmem:s15+$0x520] =	vst v2  }
0x338: {  	v30 =	vld [tilespmem:$0x1FE00];
	v3 =	vadd.f32 v14, v57;
	v56 =	vmul.f32 v8, v53;
	[tilespmem:s15+$0x460] =	vst v6  }
0x339: {  	v26 =	vld [tilespmem:$0x1FDF0];
	[tilespmem:s15+$0x4A0] =	vst v59;
	v6 =	vmul.f32 v12, v53  }
0x33a: {  	v62 =	vld [tilespmem:s15+$0x660];
	v3 =	vmul.f32 v3, v15;
	v0 =	vadd.f32 v23, v16;
	[tilespmem:s15+$0x480] =	vst v56  }
0x33b: {  	v28 =	vld [tilespmem:$0x1FFD0];
	v2 =	vadd.f32 v47, v24;
	[tilespmem:s15+$0x4F0] =	vst v6;
	v6 =	vmul.f32 v25, v15  }
0x33c: {  	v60 =	vbroadcast v34, $0xC;
	v20 =	vld [tilespmem:$0x1FDD0];
	[tilespmem:s15+$0x500] =	vst v3;
	v0 =	vmul.f32 v0, v15  }
0x33d: {  	v29 =	vld [tilespmem:s15+$0x5E0];
	v3 =	vadd.f32 v30, v21;
	v2 =	vmul.f32 v2, v27;
	[tilespmem:s15+$0x550] =	vst v6  }
0x33e: {  	v42 =	vld [tilespmem:$0x1FF80];
	v4 =	vadd.f32 v26, v18;
	v18 =	vmul.f32 v49, v60;
	[tilespmem:s15+$0x560] =	vst v0  }
0x33f: {  	v55 =	vld [tilespmem:$0x1FE20];
	v3 =	vmul.f32 v3, v27;
	[tilespmem:s15+$0x5C0] =	vst v2  }
0x340: {  	v59 =	vld [tilespmem:$0x1FE30];
	v5 =	vmul.f32 v28, v15;
	[tilespmem:s15+$0x650] =	vst v18  }
0x341: {  	v52 =	vld [tilespmem:s15+$0x610];
	v1 =	vadd.f32 v20, v13;
	v31 =	vmul.f32 v4, v27;
	[tilespmem:s15+$0x5A0] =	vst v3  }
0x342: {  	v17 =	vld [tilespmem:s15+$0x6C0];
	v20 =	vbroadcast v34, $0xD;
	v2 =	vmul.f32 v48, v60;
	[tilespmem:s15+$0x570] =	vst v5  }
0x343: {  	v32 =	vld [tilespmem:$0x1FED0];
	v54 =	vbroadcast v34, $0xF;
	v1 =	vmul.f32 v1, v15;
	[tilespmem:s15+$0x580] =	vst v31  }
0x344: {  	v57 =	vld [tilespmem:s15+$0x640];
	v24 =	vmul.f32 v46, v20;
	[tilespmem:s15+$0x670] =	vst v2  }
0x345: {  	v10 =	vld [tilespmem:$0x1FE60];
	v6 =	vadd.f32 v55, v29;
	v4 =	vadd.f32 v59, v33;
	v59 =	vmul.f32 v36, v54;
	[tilespmem:s15+$0x540] =	vst v1  }
0x346: {  	v14 =	vld [tilespmem:s15+$0x6A0];
	v0 =	vadd.f32 v61, v52;
	v5 =	vmul.f32 v42, v27;
	[tilespmem:s15+$0x690] =	vst v24  }
0x347: {  	v22 =	vld [tilespmem:$0x1FEA0];
	v6 =	vmul.f32 v6, v27;
	[tilespmem:s15+$0x7B0] =	vst v59  }
0x348: {  	v53 =	vld [tilespmem:s15+$0x620];
	v0 =	vmul.f32 v0, v60;
	[tilespmem:s15+$0x590] =	vst v5  }
0x349: {  	v56 =	vld [tilespmem:s15+$0x630];
	v31 =	vmul.f32 v44, v20;
	[tilespmem:s15+$0x5E0] =	vst v6  }
0x34a: {  	v23 =	vld [tilespmem:s15+$0x700];
	v1 =	vmul.f32 v50, v27;
	[tilespmem:s15+$0x610] =	vst v0  }
0x34b: {  	v12 =	vld [tilespmem:$0x1FE70];
	v33 =	vbroadcast v34, $0xE;
	v4 =	vmul.f32 v4, v60;
	[tilespmem:s15+$0x6D0] =	vst v31  }
0x34c: {  	v47 =	vld [tilespmem:s15+$0x7A0];
	v27 =	vmul.f32 v45, v20;
	[tilespmem:s15+$0x5F0] =	vst v1  }
0x34d: {  	v21 =	vld [tilespmem:s15+$0x6E0];
	v45 =	vmul.f32 v41, v33;
	[tilespmem:s15+$0x600] =	vst v4  }
0x34e: {  	v30 =	vld [tilespmem:s15+$0x740];
	v3 =	vadd.f32 v10, v56;
	v48 =	vmul.f32 v40, v33;
	[tilespmem:s15+$0x6B0] =	vst v27  }
0x34f: {  	v25 =	vld [tilespmem:$0x1FEB0];
	v2 =	vadd.f32 v32, v23;
	v52 =	vmul.f32 v39, v33;
	[tilespmem:s15+$0x710] =	vst v45  }
0x350: {  	v26 =	vld [tilespmem:s15+$0x720];
	v3 =	vmul.f32 v3, v60;
	[tilespmem:s15+$0x730] =	vst v48  }
0x351: {  	v15 =	vld [tilespmem:$0x1FE80];
	v2 =	vmul.f32 v2, v33;
	[tilespmem:s15+$0x750] =	vst v52  }
0x352: {  	v49 =	vld [tilespmem:$0x1FF00];
	v5 =	vadd.f32 v63, v53;
	v6 =	vadd.f32 v12, v57;
	v57 =	vmul.f32 v37, v54;
	[tilespmem:s15+$0x630] =	vst v3  }
0x353: {  	v28 =	vld [tilespmem:$0x1FEC0];
	v4 =	vmul.f32 v43, v20;
	[tilespmem:s15+$0x700] =	vst v2  }
0x354: {  	v46 =	vld [tilespmem:$0x1FEF0];
	v0 =	vadd.f32 v22, v14;
	v13 =	vmul.f32 v5, v60;
	[tilespmem:s15+$0x790] =	vst v57  }
0x355: {  	v56 =	vld [tilespmem:$0x1FF20];
	v1 =	vadd.f32 v19, v11;
	v16 =	vmul.f32 v6, v60;
	[tilespmem:s15+$0x6F0] =	vst v4  }
0x356: {  	v44 =	vld [tilespmem:s15+$0x780];
	v5 =	vadd.f32 v15, v62;
	v0 =	vmul.f32 v0, v20;
	[tilespmem:s15+$0x620] =	vst v13  }
0x357: {  	v53 =	vld [tilespmem:$0x1FF10];
	v3 =	vadd.f32 v25, v17;
	v1 =	vmul.f32 v1, v20;
	[tilespmem:s15+$0x640] =	vst v16  }
0x358: {  	v42 =	vld [tilespmem:s15+$0x760];
	v6 =	vadd.f32 v28, v21;
	v5 =	vmul.f32 v5, v60;
	[tilespmem:s15+$0x6A0] =	vst v0  }
0x359: {  	v43 =	vld [tilespmem:$0x1FEE0];
	v29 =	vmul.f32 v3, v20;
	[tilespmem:s15+$0x680] =	vst v1  }
0x35a: {  	v62 =	vld [tilespmem:$0x1FF50];
	v2 =	vadd.f32 v56, v47;
	v6 =	vmul.f32 v6, v20;
	[tilespmem:s15+$0x660] =	vst v5  }
0x35b: {  	v58 =	vld [tilespmem:$0x1FF30];
	v3 =	vadd.f32 v46, v30;
	v0 =	vmul.f32 v38, v33;
	[tilespmem:s15+$0x6C0] =	vst v29  }
0x35c: {  	v55 =	vld [tilespmem:s15+$0x7E0];
	v4 =	vadd.f32 v53, v44;
	v2 =	vmul.f32 v2, v54;
	[tilespmem:s15+$0x6E0] =	vst v6  }
0x35d: {  	v60 =	vld [tilespmem:$0x1FF40];
	v50 =	vmul.f32 v3, v33;
	[tilespmem:s15+$0x770] =	vst v0  }
0x35e: {  	v1 =	vadd.f32 v43, v26;
	v4 =	vmul.f32 v4, v54;
	[tilespmem:s15+$0x7A0] =	vst v2  }
0x35f: {  	v5 =	vadd.f32 v49, v42;
	v0 =	vmul.f32 v62, v54;
	[tilespmem:s15+$0x740] =	vst v50  }
0x360: {  	v3 =	vadd.f32 v58, v51;
	v1 =	vmul.f32 v1, v33;
	[tilespmem:s15+$0x780] =	vst v4  }
0x361: {  	v5 =	vmul.f32 v5, v33;
	[tilespmem:s15+$0x7D0] =	vst v0  }
0x362: {  	v61 =	vmul.f32 v3, v54;
	v4 =	vadd.f32 v60, v55;
	[tilespmem:s15+$0x720] =	vst v1  }
0x363: {  	[tilespmem:s15+$0x760] =	vst v5;
	v1 =	vmul.f32 v35, v54  }
0x364: {  	[tilespmem:s15+$0x7C0] =	vst v61;
	v63 =	vmul.f32 v4, v54  }
0x365: {  	[tilespmem:s15+$0x7F0] =	vst v1  }
0x366: {  	s16 =	simm.s32 @p0 $0x7800;
	[tilespmem:s15+$0x7E0] =	vst v63;
	s15 =	simm.s32 @p0 $0x0  }
0x367: {  	[hbm4b:s8+s15] =	stream.linear.scatter @p0 [tilespmem:s16], [sflag:$0x2], $0x2800, $0x38;
	[tilespmem:$0x14300] =	vst v63  }
0x368: {  	s15 =	simm.s32 @p0 $0x2  }
0x369: {  	_ =	swait.ge @p0 [sflag:s15], $0x2800  }
0x36a: {  	s14 =	sadd.s32 $0x1, s14;
	[sflag:s15] =	ssyncset.done @p0 $0x0  }
0x36b: {  	p1 =	sne.s32 s14, s9;
	[sflag:s15] =	ssyncadd.s32 @p0 $0xFFFFD800;
	s15 =	simm.s32 @!p0 $0x0  }
0x36c: {  	[hbm4b:s7+s15] =	stream.linear.scatter @!p0 [tilespmem:s15], [sflag:$0x2], $0xA000, $0x38;
	[tilespmem:$0x14300] =	vst v63  }
.Ltmp1:
0x36d: {  	_ = 	snop;
	(pc) =	sbr.rel @p1 .LBB2_1-.Ltmp1, $4  }
0x36e: {  	s15 =	simm.s32 @!p0 $0x2  }
0x36f: {  	_ =	swait.ge @!p0 [sflag:s15], $0xA000  }
0x370: {  	[sflag:s15] =	ssyncset.done @!p0 $0x0  }
0x371: {  	[sflag:s15] =	ssyncadd.s32 @!p0 $0xFFFF6000  }
0x372: {  	_ =	sfence.sel $0x180000  }
0x373: {  	[bflag:$0x0] =	sbarrier.arrive $0xFFFF  }
0x374: {  	p0 =	sne.s32 s0, $0x0;
	_ =	strace $0x9000004A  }
0x375: {  	s0 =	sadd.s32 @!p0 $0x100000, s1;
	[bflag:$0x2] =	sbarrier.arrive $0xFFFF  }
0x376: {  	[sflag:s0] =	ssyncadd.tile.s32 @!p0 $0x1;
	_ =	shalt  }
.Lfunc_end2:
_tile_overlayer_lowered:
.L_overlay_start_2:
0x377: {  	(tag) =	ssettag $0x2  }
0x378: {  	s0 =	rddreg [dreg:$0x0];
	s2 =	stileid.u32  }
0x379: {  	s1 =	rddreg [dreg:$0x1];
	p0 =	sne.s32 s2, $0x0  }
0x37a: {  	s3 =	rddreg [dreg:$0x2];
	[bflag:$0x3] =	sbarrier.arrive $0xFFFF;
	s2 =	simm.s32 @!p0 $0x1C02  }
0x37b: {  	[timem:s3], [sflag:s2] =	dma.local @!p0 [hbm:s0], s1  }
0x37c: {  	s0 =	simm.s32 @!p0 $0x2  }
0x37d: {  	_ =	swait.ge @!p0 [sflag:s0], s1  }
0x37e: {  	s1 =	ssub.s32 @!p0 $0x0, s1;
	[sflag:s0] =	ssyncset.done @!p0 $0x0  }
0x37f: {  	[sflag:s0] =	ssyncadd.s32 @!p0 s1  }
0x380: {  	[bflag:$0x3] =	sbarrier.arrive $0xFFFF  }
0x381: {  	_ =	shalt  }

</sc_bundles>
